<compile_context>
chip_gen: v7x
topology: tpu7x:2x2x1
jax: 0.10.2.dev20260603
libtpu: 0.0.44.dev20260713+nightly
codegen_flags: <defaults>
</compile_context>

<pallas_src>
import dataclasses
import functools

import jax
import jax.numpy as jnp
from jax import lax
from jax.experimental import pallas as pl
from jax.experimental.pallas import tpu as pltpu
from jax.experimental.pallas import tpu_sc as plsc

N = 10000
E = 320000
D = 128
H = 128
C = 40
L = 3
NH = 3
EPS = 1e-5

NC = 2
NS = 16
NW = NC * NS
WIN = 128
WPW = 80
EPW = WIN * WPW
EP = NW * EPW
NPAD = 10240
NROW = NPAD // 128
RPT = NPAD // NS
ZR = 32
CH = 2
CW = WPW // CH
BR = 1024

_mesh = plsc.VectorSubcoreMesh(core_axis_name="c", subcore_axis_name="s")

_cp = pltpu.CompilerParams()
if "needs_layout_passes" in pltpu.CompilerParams.__dataclass_fields__:
    _cp = dataclasses.replace(_cp, needs_layout_passes=False)


@functools.partial(
    pl.kernel,
    out_type=jax.ShapeDtypeStruct((NC, NROW, 128), jnp.float32),
    mesh=_mesh,
    compiler_params=_cp,
    scratch_types=[
        pltpu.VMEM((WPW, WIN), jnp.int32),
        pltpu.VMEM((NROW, 128), jnp.float32),
        pltpu.VMEM((1, NROW), jnp.int32),
        pltpu.VMEM_SHARED((NROW, 128), jnp.float32),
    ],
)
def _deg_kernel(dst_hbm, row_hbm, out_hbm, dstv, degv, rowv, shared):
    cid = lax.axis_index("c")
    sid = lax.axis_index("s")
    wid = sid * NC + cid
    zero16 = jnp.zeros((16,), jnp.float32)
    one16 = jnp.ones((16,), jnp.float32)

    @pl.loop(0, NROW)
    def _(j):
        for k in range(8):
            degv[j, pl.ds(k * 16, 16)] = zero16

    @pl.when(sid == 0)
    def _():
        pltpu.sync_copy(degv, shared)

    pltpu.sync_copy(row_hbm, rowv)
    pltpu.sync_copy(dst_hbm.at[pl.ds(wid * WPW, WPW)], dstv)

    @pl.loop(0, WPW)
    def _(j):
        for k in range(8):
            idx = dstv[j, pl.ds(k * 16, 16)]
            r = lax.shift_right_logical(idx, 7)
            cc = jnp.bitwise_and(idx, 127)
            plsc.addupdate_scatter(degv, [r, cc], one16)

    plsc.subcore_barrier()
    pltpu.sync_copy(degv, shared.at[rowv.at[0]], add=True)
    plsc.subcore_barrier()

    @pl.when(sid < NROW // 8)
    def _():
        pltpu.sync_copy(shared.at[pl.ds(sid * 8, 8)],
                        out_hbm.at[cid, pl.ds(sid * 8, 8)])


@functools.partial(
    pl.kernel,
    out_type=[jax.ShapeDtypeStruct((NPAD, 128), jnp.float32),
              jax.ShapeDtypeStruct((NPAD, 128), jnp.float32)],
    mesh=_mesh,
    scratch_types=[
        pltpu.VMEM((CW, WIN), jnp.int32),
        pltpu.VMEM((CW, WIN), jnp.int32),
        pltpu.VMEM((WIN, 128), jnp.float32),
        pltpu.VMEM((WIN, 128), jnp.float32),
        pltpu.VMEM((ZR, 128), jnp.float32),
        pltpu.VMEM_SHARED((NPAD, 128), jnp.float32),
        pltpu.SemaphoreType.DMA,
        pltpu.SemaphoreType.DMA,
    ],
)
def _seg_kernel(hs_hbm, src_hbm, dst_hbm, out0_hbm, out1_hbm,
                srcv, dstv, buf0, buf1, zv, shared, gsem, ssem):
    cid = lax.axis_index("c")
    sid = lax.axis_index("s")
    wid = sid * NC + cid
    base = wid * WPW
    zero16 = jnp.zeros((16,), jnp.float32)

    @pl.loop(0, ZR)
    def _(j):
        for k in range(8):
            zv[j, pl.ds(k * 16, 16)] = zero16

    row0 = sid * RPT

    @pl.loop(0, RPT // ZR)
    def _(i):
        pltpu.sync_copy(zv, shared.at[pl.ds(row0 + i * ZR, ZR)])

    plsc.subcore_barrier()

    def _step(j, cur, nxt):
        pltpu.make_async_copy(hs_hbm.at[srcv.at[j]], cur, gsem).wait()
        pltpu.async_copy(cur, shared.at[dstv.at[j]], ssem, add=True)

        @pl.when(j >= 1)
        def _():
            pltpu.make_async_copy(nxt, shared.at[dstv.at[j]], ssem).wait()

        @pl.when(j + 1 < CW)
        def _():
            pltpu.async_copy(hs_hbm.at[srcv.at[j + 1]], nxt, gsem)

    for c in range(CH):
        pltpu.sync_copy(src_hbm.at[pl.ds(base + c * CW, CW)], srcv)
        pltpu.sync_copy(dst_hbm.at[pl.ds(base + c * CW, CW)], dstv)
        pltpu.async_copy(hs_hbm.at[srcv.at[0]], buf0, gsem)

        @pl.loop(0, CW)
        def _(j):
            @pl.when(j % 2 == 0)
            def _():
                _step(j, buf0, buf1)

            @pl.when(j % 2 == 1)
            def _():
                _step(j, buf1, buf0)

        pltpu.make_async_copy(buf0, shared.at[dstv.at[CW - 1]], ssem).wait()

    plsc.subcore_barrier()

    @pl.when(cid == 0)
    def _():
        pltpu.sync_copy(shared.at[pl.ds(row0, RPT)],
                        out0_hbm.at[pl.ds(row0, RPT)])

    @pl.when(cid == 1)
    def _():
        pltpu.sync_copy(shared.at[pl.ds(row0, RPT)],
                        out1_hbm.at[pl.ds(row0, RPT)])


def _row_mask(i):
    rows = i * BR + lax.broadcasted_iota(jnp.int32, (BR, 1), 0)
    return rows < N


def _scale_mm(xp, w, dinv):

    def body(x_ref, w_ref, dv_ref, o_ref):
        y = jnp.dot(x_ref[...].astype(jnp.bfloat16), w_ref[...],
                    preferred_element_type=jnp.float32)
        o_ref[...] = jnp.where(_row_mask(pl.program_id(0)), dv_ref[...] * y, 0.0)

    return pl.pallas_call(
        body,
        grid=(NPAD // BR,),
        in_specs=[
            pl.BlockSpec((BR, 128), lambda i: (i, 0)),
            pl.BlockSpec((128, 128), lambda i: (0, 0)),
            pl.BlockSpec((BR, 1), lambda i: (i, 0)),
        ],
        out_specs=pl.BlockSpec((BR, 128), lambda i: (i, 0)),
        out_shape=jax.ShapeDtypeStruct((NPAD, 128), jnp.float32),
    )(xp, w, dinv)


def _post_mm(p0, p1, hp, dinv, srow, brow, w):

    def body(p0_ref, p1_ref, hp_ref, dv_ref, s_ref, b_ref, w_ref, o_ref):
        agg = dv_ref[...] * (p0_ref[...] + p1_ref[...] + hp_ref[...])
        act = jnp.maximum(agg * s_ref[...] + b_ref[...], 0.0)
        y = jnp.dot(act.astype(jnp.bfloat16), w_ref[...],
                    preferred_element_type=jnp.float32)
        o_ref[...] = jnp.where(_row_mask(pl.program_id(0)), dv_ref[...] * y, 0.0)

    return pl.pallas_call(
        body,
        grid=(NPAD // BR,),
        in_specs=[
            pl.BlockSpec((BR, 128), lambda i: (i, 0)),
            pl.BlockSpec((BR, 128), lambda i: (i, 0)),
            pl.BlockSpec((BR, 128), lambda i: (i, 0)),
            pl.BlockSpec((BR, 1), lambda i: (i, 0)),
            pl.BlockSpec((1, 128), lambda i: (0, 0)),
            pl.BlockSpec((1, 128), lambda i: (0, 0)),
            pl.BlockSpec((128, 128), lambda i: (0, 0)),
        ],
        out_specs=pl.BlockSpec((BR, 128), lambda i: (i, 0)),
        out_shape=jax.ShapeDtypeStruct((NPAD, 128), jnp.float32),
    )(p0, p1, hp, dinv, srow, brow, w)


HBR = 1000


def _heads(p0, p1, hp, dinv, srow, brow, fg0, fgc, fl, ow, vecs, ob):

    def body(p0_ref, p1_ref, hp_ref, dv_ref, s_ref, b_ref,
             fg0_ref, fgc_ref, fl_ref, ow_ref, v_ref, ob_ref,
             og_ref, o0_ref, o1_ref, o2_ref):
        agg = dv_ref[...] * (p0_ref[...] + p1_ref[...] + hp_ref[...])
        a = jnp.maximum(agg * s_ref[...] + b_ref[...], 0.0)

        def lsm(z):
            m = jnp.max(z, axis=-1, keepdims=True)
            return z - m - jnp.log(jnp.sum(jnp.exp(z - m), axis=-1, keepdims=True))

        def mm(u, w):
            return jnp.dot(u.astype(jnp.bfloat16), w,
                           preferred_element_type=jnp.float32)

        xg1 = jnp.maximum(mm(a, fg0_ref[...]) * v_ref[0] + v_ref[3], 0.0)
        w1 = fgc_ref[0]
        xg2 = jnp.maximum(
            (mm(xg1, w1[:128]) + mm(a, w1[128:])) * v_ref[1] + v_ref[4], 0.0)
        w2 = fgc_ref[1]
        xg3 = jnp.maximum(
            (mm(xg2, w2[:128]) + mm(a, w2[128:])) * v_ref[2] + v_ref[5], 0.0)
        og_ref[...] = lsm(mm(xg3, ow_ref[0]) + ob_ref[0])[:, :C]

        outs = (o0_ref, o1_ref, o2_ref)
        xgs = (xg1, xg2, xg3)
        for i in range(NH):
            hl = jnp.maximum(mm(xgs[i], fl_ref[i]) * v_ref[6 + i] + v_ref[9 + i],
                             0.0)
            outs[i][...] = lsm(mm(hl, ow_ref[i + 1]) + ob_ref[i + 1])[:, :C]

    blk = pl.BlockSpec((HBR, 128), lambda i: (i, 0))
    oblk = pl.BlockSpec((HBR, C), lambda i: (i, 0))
    full = lambda shape: pl.BlockSpec(shape, lambda i: tuple(0 for _ in shape))
    return pl.pallas_call(
        body,
        grid=(N // HBR,),
        in_specs=[
            blk,
            blk,
            blk,
            pl.BlockSpec((HBR, 1), lambda i: (i, 0)),
            full((1, 128)),
            full((1, 128)),
            full((128, 128)),
            full((2, 256, 128)),
            full((NH, 128, 128)),
            full((NH + 1, 128, 128)),
            full((12, 128)),
            full((NH + 1, 128)),
        ],
        out_specs=[oblk, oblk, oblk, oblk],
        out_shape=[jax.ShapeDtypeStruct((N, C), jnp.float32)] * 4,
    )(p0, p1, hp, dinv, srow, brow, fg0, fgc, fl, ow, vecs, ob)


@jax.jit
def kernel(x, adj_t, params):
    src = adj_t[0]
    dst = adj_t[1]
    pad = (jnp.arange(EP - E, dtype=jnp.int32) % (NPAD - N)) + N
    srcp = jnp.concatenate([src, pad]).reshape(EP // WIN, WIN)
    dstp = jnp.concatenate([dst, pad]).reshape(EP // WIN, WIN)
    rowids = jnp.arange(NROW, dtype=jnp.int32).reshape(1, NROW)

    degp = _deg_kernel(dstp, rowids)
    deg = (degp[0] + degp[1]).reshape(NPAD)
    dinv = lax.rsqrt(deg + 1.0).reshape(NPAD, 1)

    isq = 1.0 / jnp.sqrt(1.0 + EPS)
    bf = lambda a: a.astype(jnp.bfloat16)
    xp = jnp.pad(x, ((0, NPAD - N), (0, 0)))
    hs = _scale_mm(xp, bf(params["conv_W"][0]), dinv)
    slast = blast = parts = None
    for l in range(L):
        parts = _seg_kernel(hs, srcp, dstp)
        s = (params["bn_g"][l] * isq).reshape(1, 128)
        b = (params["conv_b"][l] * params["bn_g"][l] * isq
             + params["bn_b"][l]).reshape(1, 128)
        if l < L - 1:
            hs = _post_mm(parts[0], parts[1], hs, dinv, s, b,
                          bf(params["conv_W"][l + 1]))
        else:
            slast, blast = s, b

    sg = [params["bng_g"][i] * isq for i in range(NH)]
    bg = [params["fcg_b"][i] * sg[i] + params["bng_b"][i] for i in range(NH)]
    sl = [params["bnl_g"][i] * isq for i in range(NH)]
    bl = [params["fcl_b"][i] * sl[i] + params["bnl_b"][i] for i in range(NH)]
    vecs = jnp.stack(sg + bg + sl + bl)

    ow = jnp.zeros((NH + 1, 128, 128), jnp.float32)
    ow = ow.at[0, :, :C].set(params["outg_W"])
    ob = jnp.full((NH + 1, 128), -1e30, jnp.float32)
    ob = ob.at[0, :C].set(params["outg_b"])
    for i in range(NH):
        ow = ow.at[i + 1, :, :C].set(params["outl_W"][i])
        ob = ob.at[i + 1, :C].set(params["outl_b"][i])
    fgc = jnp.stack([params["fcg_W"][1], params["fcg_W"][2]])
    fl = jnp.stack(params["fcl_W"])

    og, o0, o1, o2 = _heads(parts[0], parts[1], hs, dinv, slast, blast,
                            bf(params["fcg_W"][0]), bf(fgc), bf(fl), bf(ow),
                            vecs, ob)
    return (og, o0, o1, o2)

# --- scband reference (transcript-rebuilt; emitter-appended) ---
"""Pipeline reference for scband-hi-cfl-25786983645193 (READ-ONLY COPY).

The authoritative reference and input builder live on the scoring server;
editing this copy changes nothing except your own understanding.
"""

import jax, jax.numpy as jnp
import numpy as np

N = 10000
E = 320000
D = 128
H = 128
C = 40
L = 3
NH = 3
EPS = 1e-5


def _lin(key, fi, fo):
    return jax.random.normal(key, (fi, fo), jnp.float32) * (1.0 / np.sqrt(fi))


def setup_inputs(seed: int = 0):
    key = jax.random.key(seed)
    ks = jax.random.split(key, 3)
    x = jax.random.normal(ks[0], (N, D), jnp.float32)
    adj_t = jax.random.randint(ks[1], (2, E), 0, N, jnp.int32)
    pk = jax.random.split(ks[2], 16)
    params = {
        "conv_W": [_lin(pk[0], D, H), _lin(pk[1], H, H), _lin(pk[2], H, H)],
        "conv_b": [jnp.zeros((H,), jnp.float32) for _ in range(L)],
        "bn_g": [jnp.ones((H,), jnp.float32) for _ in range(L)],
        "bn_b": [jnp.zeros((H,), jnp.float32) for _ in range(L)],
        "fcg_W": [_lin(pk[3], H, H), _lin(pk[4], 2 * H, H), _lin(pk[5], 2 * H, H)],
        "fcg_b": [jnp.zeros((H,), jnp.float32) for _ in range(NH)],
        "bng_g": [jnp.ones((H,), jnp.float32) for _ in range(NH)],
        "bng_b": [jnp.zeros((H,), jnp.float32) for _ in range(NH)],
        "fcl_W": [_lin(pk[6 + i], H, H) for i in range(NH)],
        "fcl_b": [jnp.zeros((H,), jnp.float32) for _ in range(NH)],
        "bnl_g": [jnp.ones((H,), jnp.float32) for _ in range(NH)],
        "bnl_b": [jnp.zeros((H,), jnp.float32) for _ in range(NH)],
        "outg_W": _lin(pk[9], H, C),
        "outg_b": jnp.zeros((C,), jnp.float32),
        "outl_W": [_lin(pk[10 + i], H, C) for i in range(NH)],
        "outl_b": [jnp.zeros((C,), jnp.float32) for _ in range(NH)],
    }
    return {"x": x, "adj_t": adj_t, "params": params}


def _bn(h, g, b):
    # inference-mode BatchNorm1d (running_mean=0, running_var=1)
    return (h / jnp.sqrt(1.0 + EPS)) * g + b


def _forward(x, adj_t, params):
    src = adj_t[0]
    dst = adj_t[1]
    loop = jnp.arange(N, dtype=src.dtype)
    s = jnp.concatenate([src, loop])
    d = jnp.concatenate([dst, loop])
    deg = jnp.zeros((N,), jnp.float32).at[d].add(1.0)
    dinv = jnp.where(deg > 0, 1.0 / jnp.sqrt(deg), 0.0)
    norm = dinv[s] * dinv[d]
    h = x
    for i in range(L):
        h = h @ params["conv_W"][i]
        msg = h[s] * norm[:, None]
        h = jax.ops.segment_sum(msg, d, num_segments=N) + params["conv_b"][i]
        h = _bn(h, params["bn_g"][i], params["bn_b"][i])
        h = jax.nn.relu(h)
    hg = []
    xg = h @ params["fcg_W"][0] + params["fcg_b"][0]
    xg = jax.nn.relu(_bn(xg, params["bng_g"][0], params["bng_b"][0]))
    hg.append(xg)
    for i in range(1, NH):
        xg = jnp.concatenate([hg[i - 1], h], axis=-1) @ params["fcg_W"][i] + params["fcg_b"][i]
        xg = jax.nn.relu(_bn(xg, params["bng_g"][i], params["bng_b"][i]))
        hg.append(xg)
    og = hg[-1] @ params["outg_W"] + params["outg_b"]
    ol = []
    for i in range(NH):
        hl = hg[i] @ params["fcl_W"][i] + params["fcl_b"][i]
        hl = jax.nn.relu(_bn(hl, params["bnl_g"][i], params["bnl_b"][i]))
        ol.append(jax.nn.log_softmax(hl @ params["outl_W"][i] + params["outl_b"][i], axis=-1))
    return (jax.nn.log_softmax(og, axis=-1), ol[0], ol[1], ol[2])


def reference(x, adj_t, params):
    return _forward(x, adj_t, params)

if __name__ == "__main__":
    import jax
    _d = setup_inputs()
    print(jax.jit(kernel)(*tuple(_d.values())))

</pallas_src>

<mosaic_0001>
#map = affine_map<(d0, d1) -> (0, 0)>
module attributes {stable_mosaic.version = 14 : i64} {
  func.func @_seg_kernel(%arg0: i32, %arg1: i32, %arg2: memref<10240x128xf32, #tpu.memory_space<hbm>>, %arg3: memref<2560x128xi32, #tpu.memory_space<hbm>>, %arg4: memref<2560x128xi32, #tpu.memory_space<hbm>>, %arg5: memref<10240x128xf32, #tpu.memory_space<hbm>>, %arg6: memref<10240x128xf32, #tpu.memory_space<hbm>>, %arg7: memref<40x128xi32, #tpu.memory_space<vmem>>, %arg8: memref<40x128xi32, #tpu.memory_space<vmem>>, %arg9: memref<128x128xf32, #tpu.memory_space<vmem>>, %arg10: memref<128x128xf32, #tpu.memory_space<vmem>>, %arg11: memref<32x128xf32, #tpu.memory_space<vmem>>, %arg12: memref<10240x128xf32, #tpu.memory_space<vmem_shared>>, %arg13: memref<!tpu.dma_semaphore, #tpu.memory_space<semaphore_mem>>, %arg14: memref<!tpu.dma_semaphore, #tpu.memory_space<semaphore_mem>>) attributes {dimension_semantics = [#tpu.dimension_semantics<core_parallel>, #tpu.dimension_semantics<subcore_parallel>], iteration_bounds = array<i64: 2, 16>, scalar_prefetch = 0 : i64, scratch_operands = 8 : i64, tpu.core_type = #tpu.core_type<sc_vector_subcore>, window_params = [{transform_indices = #map}, {transform_indices = #map}, {transform_indices = #map}, {transform_indices = #map}, {transform_indices = #map}]} {
    %mul3A = arith.constant 2 : i32
    %mul3A_0 = arith.muli %arg1, %mul3A : i32
    %add3A = arith.addi %mul3A_0, %arg0 : i32
    %mul3A_1 = arith.constant 80 : i32
    %mul3A_2 = arith.muli %add3A, %mul3A_1 : i32
    %broadcast_in_dim3A = arith.constant 0.000000e+00 : f32
    %broadcast_in_dim3A_3 = vector.broadcast %broadcast_in_dim3A : f32 to vector<16xf32>
    %scan3A = arith.constant 0 : i32
    %scan3A_4 = arith.constant 32 : i32
    %scan3A_5 = arith.addi %scan3A, %scan3A_4 : i32
    %scan3A_6 = arith.constant 1 : i32
    scf.for %scan3A_67 = %scan3A to %scan3A_5 step %scan3A_6  : i32 {
      %mul3A_68 = arith.constant 1 : i32
      %mul3A_69 = arith.muli %scan3A_67, %mul3A_68 : i32
      %add3A_70 = arith.constant 0 : i32
      %add3A_71 = arith.addi %add3A_70, %mul3A_69 : i32
      %swap3A = arith.index_cast %add3A_71 : i32 to index
      %swap3A_72 = arith.constant 0 : index
      %swap3A_73 = tpu.vector_load %arg11[%swap3A, %swap3A_72] {strides = array<i32>} : memref<32x128xf32, #tpu.memory_space<vmem>>, vector<1x16xf32>,
      %swap3A_74 = vector.shape_cast %swap3A_73 : vector<1x16xf32> to vector<16xf32>
      %swap3A_75 = vector.shape_cast %broadcast_in_dim3A_3 : vector<16xf32> to vector<1x16xf32>
      tpu.vector_store %arg11[%swap3A, %swap3A_72], %swap3A_75 {strides = array<i32>} : memref<32x128xf32, #tpu.memory_space<vmem>>, vector<1x16xf32>,
      %swap3A_76 = arith.index_cast %add3A_71 : i32 to index
      %swap3A_77 = arith.constant 16 : index
      %swap3A_78 = tpu.vector_load %arg11[%swap3A_76, %swap3A_77] {strides = array<i32>} : memref<32x128xf32, #tpu.memory_space<vmem>>, vector<1x16xf32>,
      %swap3A_79 = vector.shape_cast %swap3A_78 : vector<1x16xf32> to vector<16xf32>
      %swap3A_80 = vector.shape_cast %broadcast_in_dim3A_3 : vector<16xf32> to vector<1x16xf32>
      tpu.vector_store %arg11[%swap3A_76, %swap3A_77], %swap3A_80 {strides = array<i32>} : memref<32x128xf32, #tpu.memory_space<vmem>>, vector<1x16xf32>,
      %swap3A_81 = arith.index_cast %add3A_71 : i32 to index
      %swap3A_82 = arith.constant 32 : index
      %swap3A_83 = tpu.vector_load %arg11[%swap3A_81, %swap3A_82] {strides = array<i32>} : memref<32x128xf32, #tpu.memory_space<vmem>>, vector<1x16xf32>,
      %swap3A_84 = vector.shape_cast %swap3A_83 : vector<1x16xf32> to vector<16xf32>
      %swap3A_85 = vector.shape_cast %broadcast_in_dim3A_3 : vector<16xf32> to vector<1x16xf32>
      tpu.vector_store %arg11[%swap3A_81, %swap3A_82], %swap3A_85 {strides = array<i32>} : memref<32x128xf32, #tpu.memory_space<vmem>>, vector<1x16xf32>,
      %swap3A_86 = arith.index_cast %add3A_71 : i32 to index
      %swap3A_87 = arith.constant 48 : index
      %swap3A_88 = tpu.vector_load %arg11[%swap3A_86, %swap3A_87] {strides = array<i32>} : memref<32x128xf32, #tpu.memory_space<vmem>>, vector<1x16xf32>,
      %swap3A_89 = vector.shape_cast %swap3A_88 : vector<1x16xf32> to vector<16xf32>
      %swap3A_90 = vector.shape_cast %broadcast_in_dim3A_3 : vector<16xf32> to vector<1x16xf32>
      tpu.vector_store %arg11[%swap3A_86, %swap3A_87], %swap3A_90 {strides = array<i32>} : memref<32x128xf32, #tpu.memory_space<vmem>>, vector<1x16xf32>,
      %swap3A_91 = arith.index_cast %add3A_71 : i32 to index
      %swap3A_92 = arith.constant 64 : index
      %swap3A_93 = tpu.vector_load %arg11[%swap3A_91, %swap3A_92] {strides = array<i32>} : memref<32x128xf32, #tpu.memory_space<vmem>>, vector<1x16xf32>,
      %swap3A_94 = vector.shape_cast %swap3A_93 : vector<1x16xf32> to vector<16xf32>
      %swap3A_95 = vector.shape_cast %broadcast_in_dim3A_3 : vector<16xf32> to vector<1x16xf32>
      tpu.vector_store %arg11[%swap3A_91, %swap3A_92], %swap3A_95 {strides = array<i32>} : memref<32x128xf32, #tpu.memory_space<vmem>>, vector<1x16xf32>,
      %swap3A_96 = arith.index_cast %add3A_71 : i32 to index
      %swap3A_97 = arith.constant 80 : index
      %swap3A_98 = tpu.vector_load %arg11[%swap3A_96, %swap3A_97] {strides = array<i32>} : memref<32x128xf32, #tpu.memory_space<vmem>>, vector<1x16xf32>,
      %swap3A_99 = vector.shape_cast %swap3A_98 : vector<1x16xf32> to vector<16xf32>
      %swap3A_100 = vector.shape_cast %broadcast_in_dim3A_3 : vector<16xf32> to vector<1x16xf32>
      tpu.vector_store %arg11[%swap3A_96, %swap3A_97], %swap3A_100 {strides = array<i32>} : memref<32x128xf32, #tpu.memory_space<vmem>>, vector<1x16xf32>,
      %swap3A_101 = arith.index_cast %add3A_71 : i32 to index
      %swap3A_102 = arith.constant 96 : index
      %swap3A_103 = tpu.vector_load %arg11[%swap3A_101, %swap3A_102] {strides = array<i32>} : memref<32x128xf32, #tpu.memory_space<vmem>>, vector<1x16xf32>,
      %swap3A_104 = vector.shape_cast %swap3A_103 : vector<1x16xf32> to vector<16xf32>
      %swap3A_105 = vector.shape_cast %broadcast_in_dim3A_3 : vector<16xf32> to vector<1x16xf32>
      tpu.vector_store %arg11[%swap3A_101, %swap3A_102], %swap3A_105 {strides = array<i32>} : memref<32x128xf32, #tpu.memory_space<vmem>>, vector<1x16xf32>,
      %swap3A_106 = arith.index_cast %add3A_71 : i32 to index
      %swap3A_107 = arith.constant 112 : index
      %swap3A_108 = tpu.vector_load %arg11[%swap3A_106, %swap3A_107] {strides = array<i32>} : memref<32x128xf32, #tpu.memory_space<vmem>>, vector<1x16xf32>,
      %swap3A_109 = vector.shape_cast %swap3A_108 : vector<1x16xf32> to vector<16xf32>
      %swap3A_110 = vector.shape_cast %broadcast_in_dim3A_3 : vector<16xf32> to vector<1x16xf32>
      tpu.vector_store %arg11[%swap3A_106, %swap3A_107], %swap3A_110 {strides = array<i32>} : memref<32x128xf32, #tpu.memory_space<vmem>>, vector<1x16xf32>,
    }
    %scan3A_7 = arith.constant 32 : i32
    %mul3A_8 = arith.constant 640 : i32
    %mul3A_9 = arith.muli %arg1, %mul3A_8 : i32
    %scan3A_10 = arith.constant 0 : i32
    %scan3A_11 = arith.constant 20 : i32
    %scan3A_12 = arith.addi %scan3A_10, %scan3A_11 : i32
    %scan3A_13 = arith.constant 1 : i32
    scf.for %scan3A_67 = %scan3A_10 to %scan3A_12 step %scan3A_13  : i32 {
      %mul3A_68 = arith.constant 1 : i32
      %mul3A_69 = arith.muli %scan3A_67, %mul3A_68 : i32
      %add3A_70 = arith.constant 0 : i32
      %add3A_71 = arith.addi %add3A_70, %mul3A_69 : i32
      %mul3A_72 = arith.constant 32 : i32
      %mul3A_73 = arith.muli %add3A_71, %mul3A_72 : i32
      %add3A_74 = arith.addi %mul3A_9, %mul3A_73 : i32
      "tpu.region"() ({
        %run_scoped3A = tpu.sem_alloc : memref<!tpu.dma_semaphore, #tpu.memory_space<semaphore_mem>>
        %dma_start3A_75 = arith.constant 0 : i32
        %dma_start3A_76 = tpu.memref_slice %arg12[%add3A_74, %dma_start3A_75] : memref<10240x128xf32, #tpu.memory_space<vmem_shared>> -> memref<32x128xf32, #tpu.memory_space<vmem_shared>>
        %dma_start3A_77 = arith.constant 0 : i32
        %dma_start3A_78 = tpu.memref_slice %arg12[%add3A_74, %dma_start3A_77] : memref<10240x128xf32, #tpu.memory_space<vmem_shared>> -> memref<32x128xf32, #tpu.memory_space<vmem_shared>>
        tpu.enqueue_dma source(%arg11 : memref<32x128xf32, #tpu.memory_space<vmem>>) target(%dma_start3A_78 : memref<32x128xf32, #tpu.memory_space<vmem_shared>>) target_semaphore(%run_scoped3A : memref<!tpu.dma_semaphore, #tpu.memory_space<semaphore_mem>>)
        %dma_wait3A_79 = arith.constant 0 : i32
        %dma_wait3A_80 = tpu.memref_slice %arg12[%add3A_74, %dma_wait3A_79] : memref<10240x128xf32, #tpu.memory_space<vmem_shared>> -> memref<32x128xf32, #tpu.memory_space<vmem_shared>>
        %dma_wait3A_81 = arith.constant 0 : i32
        %dma_wait3A_82 = tpu.memref_slice %arg12[%add3A_74, %dma_wait3A_81] : memref<10240x128xf32, #tpu.memory_space<vmem_shared>> -> memref<32x128xf32, #tpu.memory_space<vmem_shared>>
        tpu.wait_dma2 semaphore(%run_scoped3A : memref<!tpu.dma_semaphore, #tpu.memory_space<semaphore_mem>>) src(%arg11 : memref<32x128xf32, #tpu.memory_space<vmem>>) dst(%dma_wait3A_82 : memref<32x128xf32, #tpu.memory_space<vmem_shared>>)
        tpu.yield
      }) : () -> ()
    }
    %scan3A_14 = arith.constant 20 : i32
    %barrier3A = arith.constant 0 : index
    tpu.barrier barrier_id(%barrier3A)
    %add3A_15 = arith.constant 0 : i32
    %add3A_16 = arith.addi %mul3A_2, %add3A_15 : i32
    "tpu.region"() ({
      %run_scoped3A = tpu.sem_alloc : memref<!tpu.dma_semaphore, #tpu.memory_space<semaphore_mem>>
      %dma_start3A_67 = arith.constant 0 : i32
      %dma_start3A_68 = tpu.memref_slice %arg3[%add3A_16, %dma_start3A_67] : memref<2560x128xi32, #tpu.memory_space<hbm>> -> memref<40x128xi32, #tpu.memory_space<hbm>>
      %dma_start3A_69 = arith.constant 0 : i32
      %dma_start3A_70 = tpu.memref_slice %arg3[%add3A_16, %dma_start3A_69] : memref<2560x128xi32, #tpu.memory_space<hbm>> -> memref<40x128xi32, #tpu.memory_space<hbm>>
      tpu.enqueue_dma source(%dma_start3A_70 : memref<40x128xi32, #tpu.memory_space<hbm>>) target(%arg7 : memref<40x128xi32, #tpu.memory_space<vmem>>) target_semaphore(%run_scoped3A : memref<!tpu.dma_semaphore, #tpu.memory_space<semaphore_mem>>)
      %dma_wait3A_71 = arith.constant 0 : i32
      %dma_wait3A_72 = tpu.memref_slice %arg3[%add3A_16, %dma_wait3A_71] : memref<2560x128xi32, #tpu.memory_space<hbm>> -> memref<40x128xi32, #tpu.memory_space<hbm>>
      %dma_wait3A_73 = arith.constant 0 : i32
      %dma_wait3A_74 = tpu.memref_slice %arg3[%add3A_16, %dma_wait3A_73] : memref<2560x128xi32, #tpu.memory_space<hbm>> -> memref<40x128xi32, #tpu.memory_space<hbm>>
      tpu.wait_dma2 semaphore(%run_scoped3A : memref<!tpu.dma_semaphore, #tpu.memory_space<semaphore_mem>>) src(%dma_wait3A_74 : memref<40x128xi32, #tpu.memory_space<hbm>>) dst(%arg7 : memref<40x128xi32, #tpu.memory_space<vmem>>)
      tpu.yield
    }) : () -> ()
    %add3A_17 = arith.constant 0 : i32
    %add3A_18 = arith.addi %mul3A_2, %add3A_17 : i32
    "tpu.region"() ({
      %run_scoped3A = tpu.sem_alloc : memref<!tpu.dma_semaphore, #tpu.memory_space<semaphore_mem>>
      %dma_start3A_67 = arith.constant 0 : i32
      %dma_start3A_68 = tpu.memref_slice %arg4[%add3A_18, %dma_start3A_67] : memref<2560x128xi32, #tpu.memory_space<hbm>> -> memref<40x128xi32, #tpu.memory_space<hbm>>
      %dma_start3A_69 = arith.constant 0 : i32
      %dma_start3A_70 = tpu.memref_slice %arg4[%add3A_18, %dma_start3A_69] : memref<2560x128xi32, #tpu.memory_space<hbm>> -> memref<40x128xi32, #tpu.memory_space<hbm>>
      tpu.enqueue_dma source(%dma_start3A_70 : memref<40x128xi32, #tpu.memory_space<hbm>>) target(%arg8 : memref<40x128xi32, #tpu.memory_space<vmem>>) target_semaphore(%run_scoped3A : memref<!tpu.dma_semaphore, #tpu.memory_space<semaphore_mem>>)
      %dma_wait3A_71 = arith.constant 0 : i32
      %dma_wait3A_72 = tpu.memref_slice %arg4[%add3A_18, %dma_wait3A_71] : memref<2560x128xi32, #tpu.memory_space<hbm>> -> memref<40x128xi32, #tpu.memory_space<hbm>>
      %dma_wait3A_73 = arith.constant 0 : i32
      %dma_wait3A_74 = tpu.memref_slice %arg4[%add3A_18, %dma_wait3A_73] : memref<2560x128xi32, #tpu.memory_space<hbm>> -> memref<40x128xi32, #tpu.memory_space<hbm>>
      tpu.wait_dma2 semaphore(%run_scoped3A : memref<!tpu.dma_semaphore, #tpu.memory_space<semaphore_mem>>) src(%dma_wait3A_74 : memref<40x128xi32, #tpu.memory_space<hbm>>) dst(%arg8 : memref<40x128xi32, #tpu.memory_space<vmem>>)
      tpu.yield
    }) : () -> ()
    %dma_start3A = arith.constant 0 : i32
    %dma_start3A_19 = arith.constant 0 : i32
    %dma_start3A_20 = tpu.memref_slice %arg7[%dma_start3A, %dma_start3A_19] : memref<40x128xi32, #tpu.memory_space<vmem>> -> memref<1x128xi32, #tpu.memory_space<vmem>>
    %dma_start3A_21 = tpu.memref_squeeze %dma_start3A_20 : memref<1x128xi32, #tpu.memory_space<vmem>> -> memref<128xi32, #tpu.memory_space<vmem>>
    %dma_start3A_22 = arith.constant 0 : i32
    %dma_start3A_23 = arith.constant 0 : i32
    %dma_start3A_24 = tpu.memref_slice %arg2[%dma_start3A_22, %dma_start3A_23] : memref<10240x128xf32, #tpu.memory_space<hbm>> -> memref<10240x128xf32, #tpu.memory_space<hbm>>
    tpu.enqueue_indirect_dma source(%dma_start3A_24 : memref<10240x128xf32, #tpu.memory_space<hbm>>) target(%arg9 : memref<128x128xf32, #tpu.memory_space<vmem>>) offsets(%dma_start3A_21 : memref<128xi32, #tpu.memory_space<vmem>>) semaphore(%arg13 : memref<!tpu.dma_semaphore, #tpu.memory_space<semaphore_mem>>)
    %scan3A_25 = arith.constant 0 : i32
    %scan3A_26 = arith.constant 40 : i32
    %scan3A_27 = arith.addi %scan3A_25, %scan3A_26 : i32
    %scan3A_28 = arith.constant 1 : i32
    scf.for %scan3A_67 = %scan3A_25 to %scan3A_27 step %scan3A_28  : i32 {
      %mul3A_68 = arith.constant 1 : i32
      %mul3A_69 = arith.muli %scan3A_67, %mul3A_68 : i32
      %add3A_70 = arith.constant 0 : i32
      %add3A_71 = arith.addi %add3A_70, %mul3A_69 : i32
      %jit3A = arith.constant 2 : i32
      %eq3A_72 = arith.constant 0 : i32
      %eq3A_73 = arith.cmpi eq, %jit3A, %eq3A_72 : i32
      %jit3A_74 = arith.constant 1 : i32
      %select_n3A = arith.select %eq3A_73, %jit3A_74, %jit3A : i32
      %rem3A = arith.remsi %add3A_71, %select_n3A : i32
      %ne3A = arith.constant 0 : i32
      %ne3A_75 = arith.cmpi ne, %rem3A, %ne3A : i32
      %lt3A = arith.constant 0 : i32
      %lt3A_76 = arith.cmpi slt, %rem3A, %lt3A : i32
      %lt3A_77 = arith.constant 0 : i32
      %lt3A_78 = arith.cmpi slt, %select_n3A, %lt3A_77 : i32
      %ne3A_79 = arith.xori %lt3A_76, %lt3A_78 : i1
      %and3A = arith.andi %ne3A_79, %ne3A_75 : i1
      %add3A_80 = arith.addi %rem3A, %select_n3A : i32
      %select_n3A_81 = arith.select %and3A, %add3A_80, %rem3A : i32
      %eq3A_82 = arith.constant 0 : i32
      %eq3A_83 = arith.cmpi eq, %select_n3A_81, %eq3A_82 : i32
      %convert_element_type3A_84 = arith.extui %eq3A_83 : i1 to i32
      %cond3A_85 = arith.constant 0 : i32
      %cond3A_86 = arith.cmpi ne, %convert_element_type3A_84, %cond3A_85 : i32
      scf.if %cond3A_86 {
        %dma_wait3A_108 = arith.constant 0 : i32
        %dma_wait3A_109 = tpu.memref_slice %arg7[%add3A_71, %dma_wait3A_108] : memref<40x128xi32, #tpu.memory_space<vmem>> -> memref<1x128xi32, #tpu.memory_space<vmem>>
        %dma_wait3A_110 = tpu.memref_squeeze %dma_wait3A_109 : memref<1x128xi32, #tpu.memory_space<vmem>> -> memref<128xi32, #tpu.memory_space<vmem>>
        %dma_wait3A_111 = arith.constant 0 : i32
        %dma_wait3A_112 = arith.constant 0 : i32
        %dma_wait3A_113 = tpu.memref_slice %arg2[%dma_wait3A_111, %dma_wait3A_112] : memref<10240x128xf32, #tpu.memory_space<hbm>> -> memref<10240x128xf32, #tpu.memory_space<hbm>>
        tpu.wait_indirect_dma semaphore(%arg13 : memref<!tpu.dma_semaphore, #tpu.memory_space<semaphore_mem>>) src(%dma_wait3A_113 : memref<10240x128xf32, #tpu.memory_space<hbm>>) dst(%arg9 : memref<128x128xf32, #tpu.memory_space<vmem>>)
        %dma_start3A_114 = arith.constant 0 : i32
        %dma_start3A_115 = tpu.memref_slice %arg8[%add3A_71, %dma_start3A_114] : memref<40x128xi32, #tpu.memory_space<vmem>> -> memref<1x128xi32, #tpu.memory_space<vmem>>
        %dma_start3A_116 = tpu.memref_squeeze %dma_start3A_115 : memref<1x128xi32, #tpu.memory_space<vmem>> -> memref<128xi32, #tpu.memory_space<vmem>>
        %dma_start3A_117 = arith.constant 0 : i32
        %dma_start3A_118 = arith.constant 0 : i32
        %dma_start3A_119 = tpu.memref_slice %arg12[%dma_start3A_117, %dma_start3A_118] : memref<10240x128xf32, #tpu.memory_space<vmem_shared>> -> memref<10240x128xf32, #tpu.memory_space<vmem_shared>>
        tpu.enqueue_indirect_dma source(%arg9 : memref<128x128xf32, #tpu.memory_space<vmem>>) target(%dma_start3A_119 : memref<10240x128xf32, #tpu.memory_space<vmem_shared>>) offsets(%dma_start3A_116 : memref<128xi32, #tpu.memory_space<vmem>>) semaphore(%arg14 : memref<!tpu.dma_semaphore, #tpu.memory_space<semaphore_mem>>) {add = true}
        %ge3A = arith.constant 1 : i32
        %ge3A_120 = arith.cmpi sge, %add3A_71, %ge3A : i32
        %convert_element_type3A_121 = arith.extui %ge3A_120 : i1 to i32
        %cond3A_122 = arith.constant 0 : i32
        %cond3A_123 = arith.cmpi ne, %convert_element_type3A_121, %cond3A_122 : i32
        scf.if %cond3A_123 {
          %dma_wait3A_131 = arith.constant 0 : i32
          %dma_wait3A_132 = tpu.memref_slice %arg8[%add3A_71, %dma_wait3A_131] : memref<40x128xi32, #tpu.memory_space<vmem>> -> memref<1x128xi32, #tpu.memory_space<vmem>>
          %dma_wait3A_133 = tpu.memref_squeeze %dma_wait3A_132 : memref<1x128xi32, #tpu.memory_space<vmem>> -> memref<128xi32, #tpu.memory_space<vmem>>
          %dma_wait3A_134 = arith.constant 0 : i32
          %dma_wait3A_135 = arith.constant 0 : i32
          %dma_wait3A_136 = tpu.memref_slice %arg12[%dma_wait3A_134, %dma_wait3A_135] : memref<10240x128xf32, #tpu.memory_space<vmem_shared>> -> memref<10240x128xf32, #tpu.memory_space<vmem_shared>>
          tpu.wait_indirect_dma semaphore(%arg14 : memref<!tpu.dma_semaphore, #tpu.memory_space<semaphore_mem>>) src(%arg10 : memref<128x128xf32, #tpu.memory_space<vmem>>) dst(%dma_wait3A_136 : memref<10240x128xf32, #tpu.memory_space<vmem_shared>>)
        } else {
        }
        %add3A_124 = arith.constant 1 : i32
        %add3A_125 = arith.addi %add3A_71, %add3A_124 : i32
        %lt3A_126 = arith.constant 40 : i32
        %lt3A_127 = arith.cmpi slt, %add3A_125, %lt3A_126 : i32
        %convert_element_type3A_128 = arith.extui %lt3A_127 : i1 to i32
        %cond3A_129 = arith.constant 0 : i32
        %cond3A_130 = arith.cmpi ne, %convert_element_type3A_128, %cond3A_129 : i32
        scf.if %cond3A_130 {
          %add3A_131 = arith.constant 1 : i32
          %add3A_132 = arith.addi %add3A_71, %add3A_131 : i32
          %dma_start3A_133 = arith.constant 0 : i32
          %dma_start3A_134 = tpu.memref_slice %arg7[%add3A_132, %dma_start3A_133] : memref<40x128xi32, #tpu.memory_space<vmem>> -> memref<1x128xi32, #tpu.memory_space<vmem>>
          %dma_start3A_135 = tpu.memref_squeeze %dma_start3A_134 : memref<1x128xi32, #tpu.memory_space<vmem>> -> memref<128xi32, #tpu.memory_space<vmem>>
          %dma_start3A_136 = arith.constant 0 : i32
          %dma_start3A_137 = arith.constant 0 : i32
          %dma_start3A_138 = tpu.memref_slice %arg2[%dma_start3A_136, %dma_start3A_137] : memref<10240x128xf32, #tpu.memory_space<hbm>> -> memref<10240x128xf32, #tpu.memory_space<hbm>>
          tpu.enqueue_indirect_dma source(%dma_start3A_138 : memref<10240x128xf32, #tpu.memory_space<hbm>>) target(%arg10 : memref<128x128xf32, #tpu.memory_space<vmem>>) offsets(%dma_start3A_135 : memref<128xi32, #tpu.memory_space<vmem>>) semaphore(%arg13 : memref<!tpu.dma_semaphore, #tpu.memory_space<semaphore_mem>>)
        } else {
        }
      } else {
      }
      %jit3A_87 = arith.constant 2 : i32
      %eq3A_88 = arith.constant 0 : i32
      %eq3A_89 = arith.cmpi eq, %jit3A_87, %eq3A_88 : i32
      %jit3A_90 = arith.constant 1 : i32
      %select_n3A_91 = arith.select %eq3A_89, %jit3A_90, %jit3A_87 : i32
      %rem3A_92 = arith.remsi %add3A_71, %select_n3A_91 : i32
      %ne3A_93 = arith.constant 0 : i32
      %ne3A_94 = arith.cmpi ne, %rem3A_92, %ne3A_93 : i32
      %lt3A_95 = arith.constant 0 : i32
      %lt3A_96 = arith.cmpi slt, %rem3A_92, %lt3A_95 : i32
      %lt3A_97 = arith.constant 0 : i32
      %lt3A_98 = arith.cmpi slt, %select_n3A_91, %lt3A_97 : i32
      %ne3A_99 = arith.xori %lt3A_96, %lt3A_98 : i1
      %and3A_100 = arith.andi %ne3A_99, %ne3A_94 : i1
      %add3A_101 = arith.addi %rem3A_92, %select_n3A_91 : i32
      %select_n3A_102 = arith.select %and3A_100, %add3A_101, %rem3A_92 : i32
      %eq3A_103 = arith.constant 1 : i32
      %eq3A_104 = arith.cmpi eq, %select_n3A_102, %eq3A_103 : i32
      %convert_element_type3A_105 = arith.extui %eq3A_104 : i1 to i32
      %cond3A_106 = arith.constant 0 : i32
      %cond3A_107 = arith.cmpi ne, %convert_element_type3A_105, %cond3A_106 : i32
      scf.if %cond3A_107 {
        %dma_wait3A_108 = arith.constant 0 : i32
        %dma_wait3A_109 = tpu.memref_slice %arg7[%add3A_71, %dma_wait3A_108] : memref<40x128xi32, #tpu.memory_space<vmem>> -> memref<1x128xi32, #tpu.memory_space<vmem>>
        %dma_wait3A_110 = tpu.memref_squeeze %dma_wait3A_109 : memref<1x128xi32, #tpu.memory_space<vmem>> -> memref<128xi32, #tpu.memory_space<vmem>>
        %dma_wait3A_111 = arith.constant 0 : i32
        %dma_wait3A_112 = arith.constant 0 : i32
        %dma_wait3A_113 = tpu.memref_slice %arg2[%dma_wait3A_111, %dma_wait3A_112] : memref<10240x128xf32, #tpu.memory_space<hbm>> -> memref<10240x128xf32, #tpu.memory_space<hbm>>
        tpu.wait_indirect_dma semaphore(%arg13 : memref<!tpu.dma_semaphore, #tpu.memory_space<semaphore_mem>>) src(%dma_wait3A_113 : memref<10240x128xf32, #tpu.memory_space<hbm>>) dst(%arg10 : memref<128x128xf32, #tpu.memory_space<vmem>>)
        %dma_start3A_114 = arith.constant 0 : i32
        %dma_start3A_115 = tpu.memref_slice %arg8[%add3A_71, %dma_start3A_114] : memref<40x128xi32, #tpu.memory_space<vmem>> -> memref<1x128xi32, #tpu.memory_space<vmem>>
        %dma_start3A_116 = tpu.memref_squeeze %dma_start3A_115 : memref<1x128xi32, #tpu.memory_space<vmem>> -> memref<128xi32, #tpu.memory_space<vmem>>
        %dma_start3A_117 = arith.constant 0 : i32
        %dma_start3A_118 = arith.constant 0 : i32
        %dma_start3A_119 = tpu.memref_slice %arg12[%dma_start3A_117, %dma_start3A_118] : memref<10240x128xf32, #tpu.memory_space<vmem_shared>> -> memref<10240x128xf32, #tpu.memory_space<vmem_shared>>
        tpu.enqueue_indirect_dma source(%arg10 : memref<128x128xf32, #tpu.memory_space<vmem>>) target(%dma_start3A_119 : memref<10240x128xf32, #tpu.memory_space<vmem_shared>>) offsets(%dma_start3A_116 : memref<128xi32, #tpu.memory_space<vmem>>) semaphore(%arg14 : memref<!tpu.dma_semaphore, #tpu.memory_space<semaphore_mem>>) {add = true}
        %ge3A = arith.constant 1 : i32
        %ge3A_120 = arith.cmpi sge, %add3A_71, %ge3A : i32
        %convert_element_type3A_121 = arith.extui %ge3A_120 : i1 to i32
        %cond3A_122 = arith.constant 0 : i32
        %cond3A_123 = arith.cmpi ne, %convert_element_type3A_121, %cond3A_122 : i32
        scf.if %cond3A_123 {
          %dma_wait3A_131 = arith.constant 0 : i32
          %dma_wait3A_132 = tpu.memref_slice %arg8[%add3A_71, %dma_wait3A_131] : memref<40x128xi32, #tpu.memory_space<vmem>> -> memref<1x128xi32, #tpu.memory_space<vmem>>
          %dma_wait3A_133 = tpu.memref_squeeze %dma_wait3A_132 : memref<1x128xi32, #tpu.memory_space<vmem>> -> memref<128xi32, #tpu.memory_space<vmem>>
          %dma_wait3A_134 = arith.constant 0 : i32
          %dma_wait3A_135 = arith.constant 0 : i32
          %dma_wait3A_136 = tpu.memref_slice %arg12[%dma_wait3A_134, %dma_wait3A_135] : memref<10240x128xf32, #tpu.memory_space<vmem_shared>> -> memref<10240x128xf32, #tpu.memory_space<vmem_shared>>
          tpu.wait_indirect_dma semaphore(%arg14 : memref<!tpu.dma_semaphore, #tpu.memory_space<semaphore_mem>>) src(%arg9 : memref<128x128xf32, #tpu.memory_space<vmem>>) dst(%dma_wait3A_136 : memref<10240x128xf32, #tpu.memory_space<vmem_shared>>)
        } else {
        }
        %add3A_124 = arith.constant 1 : i32
        %add3A_125 = arith.addi %add3A_71, %add3A_124 : i32
        %lt3A_126 = arith.constant 40 : i32
        %lt3A_127 = arith.cmpi slt, %add3A_125, %lt3A_126 : i32
        %convert_element_type3A_128 = arith.extui %lt3A_127 : i1 to i32
        %cond3A_129 = arith.constant 0 : i32
        %cond3A_130 = arith.cmpi ne, %convert_element_type3A_128, %cond3A_129 : i32
        scf.if %cond3A_130 {
          %add3A_131 = arith.constant 1 : i32
          %add3A_132 = arith.addi %add3A_71, %add3A_131 : i32
          %dma_start3A_133 = arith.constant 0 : i32
          %dma_start3A_134 = tpu.memref_slice %arg7[%add3A_132, %dma_start3A_133] : memref<40x128xi32, #tpu.memory_space<vmem>> -> memref<1x128xi32, #tpu.memory_space<vmem>>
          %dma_start3A_135 = tpu.memref_squeeze %dma_start3A_134 : memref<1x128xi32, #tpu.memory_space<vmem>> -> memref<128xi32, #tpu.memory_space<vmem>>
          %dma_start3A_136 = arith.constant 0 : i32
          %dma_start3A_137 = arith.constant 0 : i32
          %dma_start3A_138 = tpu.memref_slice %arg2[%dma_start3A_136, %dma_start3A_137] : memref<10240x128xf32, #tpu.memory_space<hbm>> -> memref<10240x128xf32, #tpu.memory_space<hbm>>
          tpu.enqueue_indirect_dma source(%dma_start3A_138 : memref<10240x128xf32, #tpu.memory_space<hbm>>) target(%arg9 : memref<128x128xf32, #tpu.memory_space<vmem>>) offsets(%dma_start3A_135 : memref<128xi32, #tpu.memory_space<vmem>>) semaphore(%arg13 : memref<!tpu.dma_semaphore, #tpu.memory_space<semaphore_mem>>)
        } else {
        }
      } else {
      }
    }
    %scan3A_29 = arith.constant 40 : i32
    %dma_wait3A = arith.constant 39 : i32
    %dma_wait3A_30 = arith.constant 0 : i32
    %dma_wait3A_31 = tpu.memref_slice %arg8[%dma_wait3A, %dma_wait3A_30] : memref<40x128xi32, #tpu.memory_space<vmem>> -> memref<1x128xi32, #tpu.memory_space<vmem>>
    %dma_wait3A_32 = tpu.memref_squeeze %dma_wait3A_31 : memref<1x128xi32, #tpu.memory_space<vmem>> -> memref<128xi32, #tpu.memory_space<vmem>>
    %dma_wait3A_33 = arith.constant 0 : i32
    %dma_wait3A_34 = arith.constant 0 : i32
    %dma_wait3A_35 = tpu.memref_slice %arg12[%dma_wait3A_33, %dma_wait3A_34] : memref<10240x128xf32, #tpu.memory_space<vmem_shared>> -> memref<10240x128xf32, #tpu.memory_space<vmem_shared>>
    tpu.wait_indirect_dma semaphore(%arg14 : memref<!tpu.dma_semaphore, #tpu.memory_space<semaphore_mem>>) src(%arg9 : memref<128x128xf32, #tpu.memory_space<vmem>>) dst(%dma_wait3A_35 : memref<10240x128xf32, #tpu.memory_space<vmem_shared>>)
    %add3A_36 = arith.constant 40 : i32
    %add3A_37 = arith.addi %mul3A_2, %add3A_36 : i32
    "tpu.region"() ({
      %run_scoped3A = tpu.sem_alloc : memref<!tpu.dma_semaphore, #tpu.memory_space<semaphore_mem>>
      %dma_start3A_67 = arith.constant 0 : i32
      %dma_start3A_68 = tpu.memref_slice %arg3[%add3A_37, %dma_start3A_67] : memref<2560x128xi32, #tpu.memory_space<hbm>> -> memref<40x128xi32, #tpu.memory_space<hbm>>
      %dma_start3A_69 = arith.constant 0 : i32
      %dma_start3A_70 = tpu.memref_slice %arg3[%add3A_37, %dma_start3A_69] : memref<2560x128xi32, #tpu.memory_space<hbm>> -> memref<40x128xi32, #tpu.memory_space<hbm>>
      tpu.enqueue_dma source(%dma_start3A_70 : memref<40x128xi32, #tpu.memory_space<hbm>>) target(%arg7 : memref<40x128xi32, #tpu.memory_space<vmem>>) target_semaphore(%run_scoped3A : memref<!tpu.dma_semaphore, #tpu.memory_space<semaphore_mem>>)
      %dma_wait3A_71 = arith.constant 0 : i32
      %dma_wait3A_72 = tpu.memref_slice %arg3[%add3A_37, %dma_wait3A_71] : memref<2560x128xi32, #tpu.memory_space<hbm>> -> memref<40x128xi32, #tpu.memory_space<hbm>>
      %dma_wait3A_73 = arith.constant 0 : i32
      %dma_wait3A_74 = tpu.memref_slice %arg3[%add3A_37, %dma_wait3A_73] : memref<2560x128xi32, #tpu.memory_space<hbm>> -> memref<40x128xi32, #tpu.memory_space<hbm>>
      tpu.wait_dma2 semaphore(%run_scoped3A : memref<!tpu.dma_semaphore, #tpu.memory_space<semaphore_mem>>) src(%dma_wait3A_74 : memref<40x128xi32, #tpu.memory_space<hbm>>) dst(%arg7 : memref<40x128xi32, #tpu.memory_space<vmem>>)
      tpu.yield
    }) : () -> ()
    %add3A_38 = arith.constant 40 : i32
    %add3A_39 = arith.addi %mul3A_2, %add3A_38 : i32
    "tpu.region"() ({
      %run_scoped3A = tpu.sem_alloc : memref<!tpu.dma_semaphore, #tpu.memory_space<semaphore_mem>>
      %dma_start3A_67 = arith.constant 0 : i32
      %dma_start3A_68 = tpu.memref_slice %arg4[%add3A_39, %dma_start3A_67] : memref<2560x128xi32, #tpu.memory_space<hbm>> -> memref<40x128xi32, #tpu.memory_space<hbm>>
      %dma_start3A_69 = arith.constant 0 : i32
      %dma_start3A_70 = tpu.memref_slice %arg4[%add3A_39, %dma_start3A_69] : memref<2560x128xi32, #tpu.memory_space<hbm>> -> memref<40x128xi32, #tpu.memory_space<hbm>>
      tpu.enqueue_dma source(%dma_start3A_70 : memref<40x128xi32, #tpu.memory_space<hbm>>) target(%arg8 : memref<40x128xi32, #tpu.memory_space<vmem>>) target_semaphore(%run_scoped3A : memref<!tpu.dma_semaphore, #tpu.memory_space<semaphore_mem>>)
      %dma_wait3A_71 = arith.constant 0 : i32
      %dma_wait3A_72 = tpu.memref_slice %arg4[%add3A_39, %dma_wait3A_71] : memref<2560x128xi32, #tpu.memory_space<hbm>> -> memref<40x128xi32, #tpu.memory_space<hbm>>
      %dma_wait3A_73 = arith.constant 0 : i32
      %dma_wait3A_74 = tpu.memref_slice %arg4[%add3A_39, %dma_wait3A_73] : memref<2560x128xi32, #tpu.memory_space<hbm>> -> memref<40x128xi32, #tpu.memory_space<hbm>>
      tpu.wait_dma2 semaphore(%run_scoped3A : memref<!tpu.dma_semaphore, #tpu.memory_space<semaphore_mem>>) src(%dma_wait3A_74 : memref<40x128xi32, #tpu.memory_space<hbm>>) dst(%arg8 : memref<40x128xi32, #tpu.memory_space<vmem>>)
      tpu.yield
    }) : () -> ()
    %dma_start3A_40 = arith.constant 0 : i32
    %dma_start3A_41 = arith.constant 0 : i32
    %dma_start3A_42 = tpu.memref_slice %arg7[%dma_start3A_40, %dma_start3A_41] : memref<40x128xi32, #tpu.memory_space<vmem>> -> memref<1x128xi32, #tpu.memory_space<vmem>>
    %dma_start3A_43 = tpu.memref_squeeze %dma_start3A_42 : memref<1x128xi32, #tpu.memory_space<vmem>> -> memref<128xi32, #tpu.memory_space<vmem>>
    %dma_start3A_44 = arith.constant 0 : i32
    %dma_start3A_45 = arith.constant 0 : i32
    %dma_start3A_46 = tpu.memref_slice %arg2[%dma_start3A_44, %dma_start3A_45] : memref<10240x128xf32, #tpu.memory_space<hbm>> -> memref<10240x128xf32, #tpu.memory_space<hbm>>
    tpu.enqueue_indirect_dma source(%dma_start3A_46 : memref<10240x128xf32, #tpu.memory_space<hbm>>) target(%arg9 : memref<128x128xf32, #tpu.memory_space<vmem>>) offsets(%dma_start3A_43 : memref<128xi32, #tpu.memory_space<vmem>>) semaphore(%arg13 : memref<!tpu.dma_semaphore, #tpu.memory_space<semaphore_mem>>)
    %scan3A_47 = arith.constant 0 : i32
    %scan3A_48 = arith.constant 40 : i32
    %scan3A_49 = arith.addi %scan3A_47, %scan3A_48 : i32
    %scan3A_50 = arith.constant 1 : i32
    scf.for %scan3A_67 = %scan3A_47 to %scan3A_49 step %scan3A_50  : i32 {
      %mul3A_68 = arith.constant 1 : i32
      %mul3A_69 = arith.muli %scan3A_67, %mul3A_68 : i32
      %add3A_70 = arith.constant 0 : i32
      %add3A_71 = arith.addi %add3A_70, %mul3A_69 : i32
      %jit3A = arith.constant 2 : i32
      %eq3A_72 = arith.constant 0 : i32
      %eq3A_73 = arith.cmpi eq, %jit3A, %eq3A_72 : i32
      %jit3A_74 = arith.constant 1 : i32
      %select_n3A = arith.select %eq3A_73, %jit3A_74, %jit3A : i32
      %rem3A = arith.remsi %add3A_71, %select_n3A : i32
      %ne3A = arith.constant 0 : i32
      %ne3A_75 = arith.cmpi ne, %rem3A, %ne3A : i32
      %lt3A = arith.constant 0 : i32
      %lt3A_76 = arith.cmpi slt, %rem3A, %lt3A : i32
      %lt3A_77 = arith.constant 0 : i32
      %lt3A_78 = arith.cmpi slt, %select_n3A, %lt3A_77 : i32
      %ne3A_79 = arith.xori %lt3A_76, %lt3A_78 : i1
      %and3A = arith.andi %ne3A_79, %ne3A_75 : i1
      %add3A_80 = arith.addi %rem3A, %select_n3A : i32
      %select_n3A_81 = arith.select %and3A, %add3A_80, %rem3A : i32
      %eq3A_82 = arith.constant 0 : i32
      %eq3A_83 = arith.cmpi eq, %select_n3A_81, %eq3A_82 : i32
      %convert_element_type3A_84 = arith.extui %eq3A_83 : i1 to i32
      %cond3A_85 = arith.constant 0 : i32
      %cond3A_86 = arith.cmpi ne, %convert_element_type3A_84, %cond3A_85 : i32
      scf.if %cond3A_86 {
        %dma_wait3A_108 = arith.constant 0 : i32
        %dma_wait3A_109 = tpu.memref_slice %arg7[%add3A_71, %dma_wait3A_108] : memref<40x128xi32, #tpu.memory_space<vmem>> -> memref<1x128xi32, #tpu.memory_space<vmem>>
        %dma_wait3A_110 = tpu.memref_squeeze %dma_wait3A_109 : memref<1x128xi32, #tpu.memory_space<vmem>> -> memref<128xi32, #tpu.memory_space<vmem>>
        %dma_wait3A_111 = arith.constant 0 : i32
        %dma_wait3A_112 = arith.constant 0 : i32
        %dma_wait3A_113 = tpu.memref_slice %arg2[%dma_wait3A_111, %dma_wait3A_112] : memref<10240x128xf32, #tpu.memory_space<hbm>> -> memref<10240x128xf32, #tpu.memory_space<hbm>>
        tpu.wait_indirect_dma semaphore(%arg13 : memref<!tpu.dma_semaphore, #tpu.memory_space<semaphore_mem>>) src(%dma_wait3A_113 : memref<10240x128xf32, #tpu.memory_space<hbm>>) dst(%arg9 : memref<128x128xf32, #tpu.memory_space<vmem>>)
        %dma_start3A_114 = arith.constant 0 : i32
        %dma_start3A_115 = tpu.memref_slice %arg8[%add3A_71, %dma_start3A_114] : memref<40x128xi32, #tpu.memory_space<vmem>> -> memref<1x128xi32, #tpu.memory_space<vmem>>
        %dma_start3A_116 = tpu.memref_squeeze %dma_start3A_115 : memref<1x128xi32, #tpu.memory_space<vmem>> -> memref<128xi32, #tpu.memory_space<vmem>>
        %dma_start3A_117 = arith.constant 0 : i32
        %dma_start3A_118 = arith.constant 0 : i32
        %dma_start3A_119 = tpu.memref_slice %arg12[%dma_start3A_117, %dma_start3A_118] : memref<10240x128xf32, #tpu.memory_space<vmem_shared>> -> memref<10240x128xf32, #tpu.memory_space<vmem_shared>>
        tpu.enqueue_indirect_dma source(%arg9 : memref<128x128xf32, #tpu.memory_space<vmem>>) target(%dma_start3A_119 : memref<10240x128xf32, #tpu.memory_space<vmem_shared>>) offsets(%dma_start3A_116 : memref<128xi32, #tpu.memory_space<vmem>>) semaphore(%arg14 : memref<!tpu.dma_semaphore, #tpu.memory_space<semaphore_mem>>) {add = true}
        %ge3A = arith.constant 1 : i32
        %ge3A_120 = arith.cmpi sge, %add3A_71, %ge3A : i32
        %convert_element_type3A_121 = arith.extui %ge3A_120 : i1 to i32
        %cond3A_122 = arith.constant 0 : i32
        %cond3A_123 = arith.cmpi ne, %convert_element_type3A_121, %cond3A_122 : i32
        scf.if %cond3A_123 {
          %dma_wait3A_131 = arith.constant 0 : i32
          %dma_wait3A_132 = tpu.memref_slice %arg8[%add3A_71, %dma_wait3A_131] : memref<40x128xi32, #tpu.memory_space<vmem>> -> memref<1x128xi32, #tpu.memory_space<vmem>>
          %dma_wait3A_133 = tpu.memref_squeeze %dma_wait3A_132 : memref<1x128xi32, #tpu.memory_space<vmem>> -> memref<128xi32, #tpu.memory_space<vmem>>
          %dma_wait3A_134 = arith.constant 0 : i32
          %dma_wait3A_135 = arith.constant 0 : i32
          %dma_wait3A_136 = tpu.memref_slice %arg12[%dma_wait3A_134, %dma_wait3A_135] : memref<10240x128xf32, #tpu.memory_space<vmem_shared>> -> memref<10240x128xf32, #tpu.memory_space<vmem_shared>>
          tpu.wait_indirect_dma semaphore(%arg14 : memref<!tpu.dma_semaphore, #tpu.memory_space<semaphore_mem>>) src(%arg10 : memref<128x128xf32, #tpu.memory_space<vmem>>) dst(%dma_wait3A_136 : memref<10240x128xf32, #tpu.memory_space<vmem_shared>>)
        } else {
        }
        %add3A_124 = arith.constant 1 : i32
        %add3A_125 = arith.addi %add3A_71, %add3A_124 : i32
        %lt3A_126 = arith.constant 40 : i32
        %lt3A_127 = arith.cmpi slt, %add3A_125, %lt3A_126 : i32
        %convert_element_type3A_128 = arith.extui %lt3A_127 : i1 to i32
        %cond3A_129 = arith.constant 0 : i32
        %cond3A_130 = arith.cmpi ne, %convert_element_type3A_128, %cond3A_129 : i32
        scf.if %cond3A_130 {
          %add3A_131 = arith.constant 1 : i32
          %add3A_132 = arith.addi %add3A_71, %add3A_131 : i32
          %dma_start3A_133 = arith.constant 0 : i32
          %dma_start3A_134 = tpu.memref_slice %arg7[%add3A_132, %dma_start3A_133] : memref<40x128xi32, #tpu.memory_space<vmem>> -> memref<1x128xi32, #tpu.memory_space<vmem>>
          %dma_start3A_135 = tpu.memref_squeeze %dma_start3A_134 : memref<1x128xi32, #tpu.memory_space<vmem>> -> memref<128xi32, #tpu.memory_space<vmem>>
          %dma_start3A_136 = arith.constant 0 : i32
          %dma_start3A_137 = arith.constant 0 : i32
          %dma_start3A_138 = tpu.memref_slice %arg2[%dma_start3A_136, %dma_start3A_137] : memref<10240x128xf32, #tpu.memory_space<hbm>> -> memref<10240x128xf32, #tpu.memory_space<hbm>>
          tpu.enqueue_indirect_dma source(%dma_start3A_138 : memref<10240x128xf32, #tpu.memory_space<hbm>>) target(%arg10 : memref<128x128xf32, #tpu.memory_space<vmem>>) offsets(%dma_start3A_135 : memref<128xi32, #tpu.memory_space<vmem>>) semaphore(%arg13 : memref<!tpu.dma_semaphore, #tpu.memory_space<semaphore_mem>>)
        } else {
        }
      } else {
      }
      %jit3A_87 = arith.constant 2 : i32
      %eq3A_88 = arith.constant 0 : i32
      %eq3A_89 = arith.cmpi eq, %jit3A_87, %eq3A_88 : i32
      %jit3A_90 = arith.constant 1 : i32
      %select_n3A_91 = arith.select %eq3A_89, %jit3A_90, %jit3A_87 : i32
      %rem3A_92 = arith.remsi %add3A_71, %select_n3A_91 : i32
      %ne3A_93 = arith.constant 0 : i32
      %ne3A_94 = arith.cmpi ne, %rem3A_92, %ne3A_93 : i32
      %lt3A_95 = arith.constant 0 : i32
      %lt3A_96 = arith.cmpi slt, %rem3A_92, %lt3A_95 : i32
      %lt3A_97 = arith.constant 0 : i32
      %lt3A_98 = arith.cmpi slt, %select_n3A_91, %lt3A_97 : i32
      %ne3A_99 = arith.xori %lt3A_96, %lt3A_98 : i1
      %and3A_100 = arith.andi %ne3A_99, %ne3A_94 : i1
      %add3A_101 = arith.addi %rem3A_92, %select_n3A_91 : i32
      %select_n3A_102 = arith.select %and3A_100, %add3A_101, %rem3A_92 : i32
      %eq3A_103 = arith.constant 1 : i32
      %eq3A_104 = arith.cmpi eq, %select_n3A_102, %eq3A_103 : i32
      %convert_element_type3A_105 = arith.extui %eq3A_104 : i1 to i32
      %cond3A_106 = arith.constant 0 : i32
      %cond3A_107 = arith.cmpi ne, %convert_element_type3A_105, %cond3A_106 : i32
      scf.if %cond3A_107 {
        %dma_wait3A_108 = arith.constant 0 : i32
        %dma_wait3A_109 = tpu.memref_slice %arg7[%add3A_71, %dma_wait3A_108] : memref<40x128xi32, #tpu.memory_space<vmem>> -> memref<1x128xi32, #tpu.memory_space<vmem>>
        %dma_wait3A_110 = tpu.memref_squeeze %dma_wait3A_109 : memref<1x128xi32, #tpu.memory_space<vmem>> -> memref<128xi32, #tpu.memory_space<vmem>>
        %dma_wait3A_111 = arith.constant 0 : i32
        %dma_wait3A_112 = arith.constant 0 : i32
        %dma_wait3A_113 = tpu.memref_slice %arg2[%dma_wait3A_111, %dma_wait3A_112] : memref<10240x128xf32, #tpu.memory_space<hbm>> -> memref<10240x128xf32, #tpu.memory_space<hbm>>
        tpu.wait_indirect_dma semaphore(%arg13 : memref<!tpu.dma_semaphore, #tpu.memory_space<semaphore_mem>>) src(%dma_wait3A_113 : memref<10240x128xf32, #tpu.memory_space<hbm>>) dst(%arg10 : memref<128x128xf32, #tpu.memory_space<vmem>>)
        %dma_start3A_114 = arith.constant 0 : i32
        %dma_start3A_115 = tpu.memref_slice %arg8[%add3A_71, %dma_start3A_114] : memref<40x128xi32, #tpu.memory_space<vmem>> -> memref<1x128xi32, #tpu.memory_space<vmem>>
        %dma_start3A_116 = tpu.memref_squeeze %dma_start3A_115 : memref<1x128xi32, #tpu.memory_space<vmem>> -> memref<128xi32, #tpu.memory_space<vmem>>
        %dma_start3A_117 = arith.constant 0 : i32
        %dma_start3A_118 = arith.constant 0 : i32
        %dma_start3A_119 = tpu.memref_slice %arg12[%dma_start3A_117, %dma_start3A_118] : memref<10240x128xf32, #tpu.memory_space<vmem_shared>> -> memref<10240x128xf32, #tpu.memory_space<vmem_shared>>
        tpu.enqueue_indirect_dma source(%arg10 : memref<128x128xf32, #tpu.memory_space<vmem>>) target(%dma_start3A_119 : memref<10240x128xf32, #tpu.memory_space<vmem_shared>>) offsets(%dma_start3A_116 : memref<128xi32, #tpu.memory_space<vmem>>) semaphore(%arg14 : memref<!tpu.dma_semaphore, #tpu.memory_space<semaphore_mem>>) {add = true}
        %ge3A = arith.constant 1 : i32
        %ge3A_120 = arith.cmpi sge, %add3A_71, %ge3A : i32
        %convert_element_type3A_121 = arith.extui %ge3A_120 : i1 to i32
        %cond3A_122 = arith.constant 0 : i32
        %cond3A_123 = arith.cmpi ne, %convert_element_type3A_121, %cond3A_122 : i32
        scf.if %cond3A_123 {
          %dma_wait3A_131 = arith.constant 0 : i32
          %dma_wait3A_132 = tpu.memref_slice %arg8[%add3A_71, %dma_wait3A_131] : memref<40x128xi32, #tpu.memory_space<vmem>> -> memref<1x128xi32, #tpu.memory_space<vmem>>
          %dma_wait3A_133 = tpu.memref_squeeze %dma_wait3A_132 : memref<1x128xi32, #tpu.memory_space<vmem>> -> memref<128xi32, #tpu.memory_space<vmem>>
          %dma_wait3A_134 = arith.constant 0 : i32
          %dma_wait3A_135 = arith.constant 0 : i32
          %dma_wait3A_136 = tpu.memref_slice %arg12[%dma_wait3A_134, %dma_wait3A_135] : memref<10240x128xf32, #tpu.memory_space<vmem_shared>> -> memref<10240x128xf32, #tpu.memory_space<vmem_shared>>
          tpu.wait_indirect_dma semaphore(%arg14 : memref<!tpu.dma_semaphore, #tpu.memory_space<semaphore_mem>>) src(%arg9 : memref<128x128xf32, #tpu.memory_space<vmem>>) dst(%dma_wait3A_136 : memref<10240x128xf32, #tpu.memory_space<vmem_shared>>)
        } else {
        }
        %add3A_124 = arith.constant 1 : i32
        %add3A_125 = arith.addi %add3A_71, %add3A_124 : i32
        %lt3A_126 = arith.constant 40 : i32
        %lt3A_127 = arith.cmpi slt, %add3A_125, %lt3A_126 : i32
        %convert_element_type3A_128 = arith.extui %lt3A_127 : i1 to i32
        %cond3A_129 = arith.constant 0 : i32
        %cond3A_130 = arith.cmpi ne, %convert_element_type3A_128, %cond3A_129 : i32
        scf.if %cond3A_130 {
          %add3A_131 = arith.constant 1 : i32
          %add3A_132 = arith.addi %add3A_71, %add3A_131 : i32
          %dma_start3A_133 = arith.constant 0 : i32
          %dma_start3A_134 = tpu.memref_slice %arg7[%add3A_132, %dma_start3A_133] : memref<40x128xi32, #tpu.memory_space<vmem>> -> memref<1x128xi32, #tpu.memory_space<vmem>>
          %dma_start3A_135 = tpu.memref_squeeze %dma_start3A_134 : memref<1x128xi32, #tpu.memory_space<vmem>> -> memref<128xi32, #tpu.memory_space<vmem>>
          %dma_start3A_136 = arith.constant 0 : i32
          %dma_start3A_137 = arith.constant 0 : i32
          %dma_start3A_138 = tpu.memref_slice %arg2[%dma_start3A_136, %dma_start3A_137] : memref<10240x128xf32, #tpu.memory_space<hbm>> -> memref<10240x128xf32, #tpu.memory_space<hbm>>
          tpu.enqueue_indirect_dma source(%dma_start3A_138 : memref<10240x128xf32, #tpu.memory_space<hbm>>) target(%arg9 : memref<128x128xf32, #tpu.memory_space<vmem>>) offsets(%dma_start3A_135 : memref<128xi32, #tpu.memory_space<vmem>>) semaphore(%arg13 : memref<!tpu.dma_semaphore, #tpu.memory_space<semaphore_mem>>)
        } else {
        }
      } else {
      }
    }
    %scan3A_51 = arith.constant 40 : i32
    %dma_wait3A_52 = arith.constant 39 : i32
    %dma_wait3A_53 = arith.constant 0 : i32
    %dma_wait3A_54 = tpu.memref_slice %arg8[%dma_wait3A_52, %dma_wait3A_53] : memref<40x128xi32, #tpu.memory_space<vmem>> -> memref<1x128xi32, #tpu.memory_space<vmem>>
    %dma_wait3A_55 = tpu.memref_squeeze %dma_wait3A_54 : memref<1x128xi32, #tpu.memory_space<vmem>> -> memref<128xi32, #tpu.memory_space<vmem>>
    %dma_wait3A_56 = arith.constant 0 : i32
    %dma_wait3A_57 = arith.constant 0 : i32
    %dma_wait3A_58 = tpu.memref_slice %arg12[%dma_wait3A_56, %dma_wait3A_57] : memref<10240x128xf32, #tpu.memory_space<vmem_shared>> -> memref<10240x128xf32, #tpu.memory_space<vmem_shared>>
    tpu.wait_indirect_dma semaphore(%arg14 : memref<!tpu.dma_semaphore, #tpu.memory_space<semaphore_mem>>) src(%arg9 : memref<128x128xf32, #tpu.memory_space<vmem>>) dst(%dma_wait3A_58 : memref<10240x128xf32, #tpu.memory_space<vmem_shared>>)
    %barrier3A_59 = arith.constant 0 : index
    tpu.barrier barrier_id(%barrier3A_59)
    %eq3A = arith.constant 0 : i32
    %eq3A_60 = arith.cmpi eq, %arg0, %eq3A : i32
    %convert_element_type3A = arith.extui %eq3A_60 : i1 to i32
    %cond3A = arith.constant 0 : i32
    %cond3A_61 = arith.cmpi ne, %convert_element_type3A, %cond3A : i32
    scf.if %cond3A_61 {
      "tpu.region"() ({
        %run_scoped3A = tpu.sem_alloc : memref<!tpu.dma_semaphore, #tpu.memory_space<semaphore_mem>>
        %dma_start3A_67 = arith.constant 0 : i32
        %dma_start3A_68 = tpu.memref_slice %arg5[%mul3A_9, %dma_start3A_67] : memref<10240x128xf32, #tpu.memory_space<hbm>> -> memref<640x128xf32, #tpu.memory_space<hbm>>
        %dma_start3A_69 = arith.constant 0 : i32
        %dma_start3A_70 = tpu.memref_slice %arg12[%mul3A_9, %dma_start3A_69] : memref<10240x128xf32, #tpu.memory_space<vmem_shared>> -> memref<640x128xf32, #tpu.memory_space<vmem_shared>>
        tpu.enqueue_dma source(%dma_start3A_70 : memref<640x128xf32, #tpu.memory_space<vmem_shared>>) target(%dma_start3A_68 : memref<640x128xf32, #tpu.memory_space<hbm>>) target_semaphore(%run_scoped3A : memref<!tpu.dma_semaphore, #tpu.memory_space<semaphore_mem>>)
        %dma_wait3A_71 = arith.constant 0 : i32
        %dma_wait3A_72 = tpu.memref_slice %arg5[%mul3A_9, %dma_wait3A_71] : memref<10240x128xf32, #tpu.memory_space<hbm>> -> memref<640x128xf32, #tpu.memory_space<hbm>>
        %dma_wait3A_73 = arith.constant 0 : i32
        %dma_wait3A_74 = tpu.memref_slice %arg12[%mul3A_9, %dma_wait3A_73] : memref<10240x128xf32, #tpu.memory_space<vmem_shared>> -> memref<640x128xf32, #tpu.memory_space<vmem_shared>>
        tpu.wait_dma2 semaphore(%run_scoped3A : memref<!tpu.dma_semaphore, #tpu.memory_space<semaphore_mem>>) src(%dma_wait3A_74 : memref<640x128xf32, #tpu.memory_space<vmem_shared>>) dst(%dma_wait3A_72 : memref<640x128xf32, #tpu.memory_space<hbm>>)
        tpu.yield
      }) : () -> ()
    } else {
    }
    %eq3A_62 = arith.constant 1 : i32
    %eq3A_63 = arith.cmpi eq, %arg0, %eq3A_62 : i32
    %convert_element_type3A_64 = arith.extui %eq3A_63 : i1 to i32
    %cond3A_65 = arith.constant 0 : i32
    %cond3A_66 = arith.cmpi ne, %convert_element_type3A_64, %cond3A_65 : i32
    scf.if %cond3A_66 {
      "tpu.region"() ({
        %run_scoped3A = tpu.sem_alloc : memref<!tpu.dma_semaphore, #tpu.memory_space<semaphore_mem>>
        %dma_start3A_67 = arith.constant 0 : i32
        %dma_start3A_68 = tpu.memref_slice %arg6[%mul3A_9, %dma_start3A_67] : memref<10240x128xf32, #tpu.memory_space<hbm>> -> memref<640x128xf32, #tpu.memory_space<hbm>>
        %dma_start3A_69 = arith.constant 0 : i32
        %dma_start3A_70 = tpu.memref_slice %arg12[%mul3A_9, %dma_start3A_69] : memref<10240x128xf32, #tpu.memory_space<vmem_shared>> -> memref<640x128xf32, #tpu.memory_space<vmem_shared>>
        tpu.enqueue_dma source(%dma_start3A_70 : memref<640x128xf32, #tpu.memory_space<vmem_shared>>) target(%dma_start3A_68 : memref<640x128xf32, #tpu.memory_space<hbm>>) target_semaphore(%run_scoped3A : memref<!tpu.dma_semaphore, #tpu.memory_space<semaphore_mem>>)
        %dma_wait3A_71 = arith.constant 0 : i32
        %dma_wait3A_72 = tpu.memref_slice %arg6[%mul3A_9, %dma_wait3A_71] : memref<10240x128xf32, #tpu.memory_space<hbm>> -> memref<640x128xf32, #tpu.memory_space<hbm>>
        %dma_wait3A_73 = arith.constant 0 : i32
        %dma_wait3A_74 = tpu.memref_slice %arg12[%mul3A_9, %dma_wait3A_73] : memref<10240x128xf32, #tpu.memory_space<vmem_shared>> -> memref<640x128xf32, #tpu.memory_space<vmem_shared>>
        tpu.wait_dma2 semaphore(%run_scoped3A : memref<!tpu.dma_semaphore, #tpu.memory_space<semaphore_mem>>) src(%dma_wait3A_74 : memref<640x128xf32, #tpu.memory_space<vmem_shared>>) dst(%dma_wait3A_72 : memref<640x128xf32, #tpu.memory_space<hbm>>)
        tpu.yield
      }) : () -> ()
    } else {
    }
    return
  }
}

#map = affine_map<(d0, d1) -> (0, 0)>
module attributes {stable_mosaic.version = 14 : i64} {
  func.func @_seg_kernel(%arg0: i32, %arg1: i32, %arg2: memref<10240x128xf32, #tpu.memory_space<hbm>>, %arg3: memref<2560x128xi32, #tpu.memory_space<hbm>>, %arg4: memref<2560x128xi32, #tpu.memory_space<hbm>>, %arg5: memref<10240x128xf32, #tpu.memory_space<hbm>>, %arg6: memref<10240x128xf32, #tpu.memory_space<hbm>>, %arg7: memref<40x128xi32, #tpu.memory_space<vmem>>, %arg8: memref<40x128xi32, #tpu.memory_space<vmem>>, %arg9: memref<128x128xf32, #tpu.memory_space<vmem>>, %arg10: memref<128x128xf32, #tpu.memory_space<vmem>>, %arg11: memref<32x128xf32, #tpu.memory_space<vmem>>, %arg12: memref<10240x128xf32, #tpu.memory_space<vmem_shared>>, %arg13: memref<!tpu.dma_semaphore, #tpu.memory_space<semaphore_mem>>, %arg14: memref<!tpu.dma_semaphore, #tpu.memory_space<semaphore_mem>>) attributes {dimension_semantics = [#tpu.dimension_semantics<core_parallel>, #tpu.dimension_semantics<subcore_parallel>], iteration_bounds = array<i64: 2, 16>, scalar_prefetch = 0 : i64, scratch_operands = 8 : i64, tpu.core_type = #tpu.core_type<sc_vector_subcore>, window_params = [{transform_indices = #map}, {transform_indices = #map}, {transform_indices = #map}, {transform_indices = #map}, {transform_indices = #map}]} {
    %mul3A = arith.constant 2 : i32
    %mul3A_0 = arith.muli %arg1, %mul3A : i32
    %add3A = arith.addi %mul3A_0, %arg0 : i32
    %mul3A_1 = arith.constant 80 : i32
    %mul3A_2 = arith.muli %add3A, %mul3A_1 : i32
    %broadcast_in_dim3A = arith.constant 0.000000e+00 : f32
    %broadcast_in_dim3A_3 = vector.broadcast %broadcast_in_dim3A : f32 to vector<16xf32>
    %scan3A = arith.constant 0 : i32
    %scan3A_4 = arith.constant 32 : i32
    %scan3A_5 = arith.addi %scan3A, %scan3A_4 : i32
    %scan3A_6 = arith.constant 1 : i32
    scf.for %scan3A_67 = %scan3A to %scan3A_5 step %scan3A_6  : i32 {
      %mul3A_68 = arith.constant 1 : i32
      %mul3A_69 = arith.muli %scan3A_67, %mul3A_68 : i32
      %add3A_70 = arith.constant 0 : i32
      %add3A_71 = arith.addi %add3A_70, %mul3A_69 : i32
      %swap3A = arith.index_cast %add3A_71 : i32 to index
      %swap3A_72 = arith.constant 0 : index
      %swap3A_73 = tpu.vector_load %arg11[%swap3A, %swap3A_72] {strides = array<i32>} : memref<32x128xf32, #tpu.memory_space<vmem>>, vector<1x16xf32>,
      %swap3A_74 = vector.shape_cast %swap3A_73 : vector<1x16xf32> to vector<16xf32>
      %swap3A_75 = vector.shape_cast %broadcast_in_dim3A_3 : vector<16xf32> to vector<1x16xf32>
      tpu.vector_store %arg11[%swap3A, %swap3A_72], %swap3A_75 {strides = array<i32>} : memref<32x128xf32, #tpu.memory_space<vmem>>, vector<1x16xf32>,
      %swap3A_76 = arith.index_cast %add3A_71 : i32 to index
      %swap3A_77 = arith.constant 16 : index
      %swap3A_78 = tpu.vector_load %arg11[%swap3A_76, %swap3A_77] {strides = array<i32>} : memref<32x128xf32, #tpu.memory_space<vmem>>, vector<1x16xf32>,
      %swap3A_79 = vector.shape_cast %swap3A_78 : vector<1x16xf32> to vector<16xf32>
      %swap3A_80 = vector.shape_cast %broadcast_in_dim3A_3 : vector<16xf32> to vector<1x16xf32>
      tpu.vector_store %arg11[%swap3A_76, %swap3A_77], %swap3A_80 {strides = array<i32>} : memref<32x128xf32, #tpu.memory_space<vmem>>, vector<1x16xf32>,
      %swap3A_81 = arith.index_cast %add3A_71 : i32 to index
      %swap3A_82 = arith.constant 32 : index
      %swap3A_83 = tpu.vector_load %arg11[%swap3A_81, %swap3A_82] {strides = array<i32>} : memref<32x128xf32, #tpu.memory_space<vmem>>, vector<1x16xf32>,
      %swap3A_84 = vector.shape_cast %swap3A_83 : vector<1x16xf32> to vector<16xf32>
      %swap3A_85 = vector.shape_cast %broadcast_in_dim3A_3 : vector<16xf32> to vector<1x16xf32>
      tpu.vector_store %arg11[%swap3A_81, %swap3A_82], %swap3A_85 {strides = array<i32>} : memref<32x128xf32, #tpu.memory_space<vmem>>, vector<1x16xf32>,
      %swap3A_86 = arith.index_cast %add3A_71 : i32 to index
      %swap3A_87 = arith.constant 48 : index
      %swap3A_88 = tpu.vector_load %arg11[%swap3A_86, %swap3A_87] {strides = array<i32>} : memref<32x128xf32, #tpu.memory_space<vmem>>, vector<1x16xf32>,
      %swap3A_89 = vector.shape_cast %swap3A_88 : vector<1x16xf32> to vector<16xf32>
      %swap3A_90 = vector.shape_cast %broadcast_in_dim3A_3 : vector<16xf32> to vector<1x16xf32>
      tpu.vector_store %arg11[%swap3A_86, %swap3A_87], %swap3A_90 {strides = array<i32>} : memref<32x128xf32, #tpu.memory_space<vmem>>, vector<1x16xf32>,
      %swap3A_91 = arith.index_cast %add3A_71 : i32 to index
      %swap3A_92 = arith.constant 64 : index
      %swap3A_93 = tpu.vector_load %arg11[%swap3A_91, %swap3A_92] {strides = array<i32>} : memref<32x128xf32, #tpu.memory_space<vmem>>, vector<1x16xf32>,
      %swap3A_94 = vector.shape_cast %swap3A_93 : vector<1x16xf32> to vector<16xf32>
      %swap3A_95 = vector.shape_cast %broadcast_in_dim3A_3 : vector<16xf32> to vector<1x16xf32>
      tpu.vector_store %arg11[%swap3A_91, %swap3A_92], %swap3A_95 {strides = array<i32>} : memref<32x128xf32, #tpu.memory_space<vmem>>, vector<1x16xf32>,
      %swap3A_96 = arith.index_cast %add3A_71 : i32 to index
      %swap3A_97 = arith.constant 80 : index
      %swap3A_98 = tpu.vector_load %arg11[%swap3A_96, %swap3A_97] {strides = array<i32>} : memref<32x128xf32, #tpu.memory_space<vmem>>, vector<1x16xf32>,
      %swap3A_99 = vector.shape_cast %swap3A_98 : vector<1x16xf32> to vector<16xf32>
      %swap3A_100 = vector.shape_cast %broadcast_in_dim3A_3 : vector<16xf32> to vector<1x16xf32>
      tpu.vector_store %arg11[%swap3A_96, %swap3A_97], %swap3A_100 {strides = array<i32>} : memref<32x128xf32, #tpu.memory_space<vmem>>, vector<1x16xf32>,
      %swap3A_101 = arith.index_cast %add3A_71 : i32 to index
      %swap3A_102 = arith.constant 96 : index
      %swap3A_103 = tpu.vector_load %arg11[%swap3A_101, %swap3A_102] {strides = array<i32>} : memref<32x128xf32, #tpu.memory_space<vmem>>, vector<1x16xf32>,
      %swap3A_104 = vector.shape_cast %swap3A_103 : vector<1x16xf32> to vector<16xf32>
      %swap3A_105 = vector.shape_cast %broadcast_in_dim3A_3 : vector<16xf32> to vector<1x16xf32>
      tpu.vector_store %arg11[%swap3A_101, %swap3A_102], %swap3A_105 {strides = array<i32>} : memref<32x128xf32, #tpu.memory_space<vmem>>, vector<1x16xf32>,
      %swap3A_106 = arith.index_cast %add3A_71 : i32 to index
      %swap3A_107 = arith.constant 112 : index
      %swap3A_108 = tpu.vector_load %arg11[%swap3A_106, %swap3A_107] {strides = array<i32>} : memref<32x128xf32, #tpu.memory_space<vmem>>, vector<1x16xf32>,
      %swap3A_109 = vector.shape_cast %swap3A_108 : vector<1x16xf32> to vector<16xf32>
      %swap3A_110 = vector.shape_cast %broadcast_in_dim3A_3 : vector<16xf32> to vector<1x16xf32>
      tpu.vector_store %arg11[%swap3A_106, %swap3A_107], %swap3A_110 {strides = array<i32>} : memref<32x128xf32, #tpu.memory_space<vmem>>, vector<1x16xf32>,
    }
    %scan3A_7 = arith.constant 32 : i32
    %mul3A_8 = arith.constant 640 : i32
    %mul3A_9 = arith.muli %arg1, %mul3A_8 : i32
    %scan3A_10 = arith.constant 0 : i32
    %scan3A_11 = arith.constant 20 : i32
    %scan3A_12 = arith.addi %scan3A_10, %scan3A_11 : i32
    %scan3A_13 = arith.constant 1 : i32
    scf.for %scan3A_67 = %scan3A_10 to %scan3A_12 step %scan3A_13  : i32 {
      %mul3A_68 = arith.constant 1 : i32
      %mul3A_69 = arith.muli %scan3A_67, %mul3A_68 : i32
      %add3A_70 = arith.constant 0 : i32
      %add3A_71 = arith.addi %add3A_70, %mul3A_69 : i32
      %mul3A_72 = arith.constant 32 : i32
      %mul3A_73 = arith.muli %add3A_71, %mul3A_72 : i32
      %add3A_74 = arith.addi %mul3A_9, %mul3A_73 : i32
      "tpu.region"() ({
        %run_scoped3A = tpu.sem_alloc : memref<!tpu.dma_semaphore, #tpu.memory_space<semaphore_mem>>
        %dma_start3A_75 = arith.constant 0 : i32
        %dma_start3A_76 = tpu.memref_slice %arg12[%add3A_74, %dma_start3A_75] : memref<10240x128xf32, #tpu.memory_space<vmem_shared>> -> memref<32x128xf32, #tpu.memory_space<vmem_shared>>
        %dma_start3A_77 = arith.constant 0 : i32
        %dma_start3A_78 = tpu.memref_slice %arg12[%add3A_74, %dma_start3A_77] : memref<10240x128xf32, #tpu.memory_space<vmem_shared>> -> memref<32x128xf32, #tpu.memory_space<vmem_shared>>
        tpu.enqueue_dma source(%arg11 : memref<32x128xf32, #tpu.memory_space<vmem>>) target(%dma_start3A_78 : memref<32x128xf32, #tpu.memory_space<vmem_shared>>) target_semaphore(%run_scoped3A : memref<!tpu.dma_semaphore, #tpu.memory_space<semaphore_mem>>)
        %dma_wait3A_79 = arith.constant 0 : i32
        %dma_wait3A_80 = tpu.memref_slice %arg12[%add3A_74, %dma_wait3A_79] : memref<10240x128xf32, #tpu.memory_space<vmem_shared>> -> memref<32x128xf32, #tpu.memory_space<vmem_shared>>
        %dma_wait3A_81 = arith.constant 0 : i32
        %dma_wait3A_82 = tpu.memref_slice %arg12[%add3A_74, %dma_wait3A_81] : memref<10240x128xf32, #tpu.memory_space<vmem_shared>> -> memref<32x128xf32, #tpu.memory_space<vmem_shared>>
        tpu.wait_dma2 semaphore(%run_scoped3A : memref<!tpu.dma_semaphore, #tpu.memory_space<semaphore_mem>>) src(%arg11 : memref<32x128xf32, #tpu.memory_space<vmem>>) dst(%dma_wait3A_82 : memref<32x128xf32, #tpu.memory_space<vmem_shared>>)
        tpu.yield
      }) : () -> ()
    }
    %scan3A_14 = arith.constant 20 : i32
    %barrier3A = arith.constant 0 : index
    tpu.barrier barrier_id(%barrier3A)
    %add3A_15 = arith.constant 0 : i32
    %add3A_16 = arith.addi %mul3A_2, %add3A_15 : i32
    "tpu.region"() ({
      %run_scoped3A = tpu.sem_alloc : memref<!tpu.dma_semaphore, #tpu.memory_space<semaphore_mem>>
      %dma_start3A_67 = arith.constant 0 : i32
      %dma_start3A_68 = tpu.memref_slice %arg3[%add3A_16, %dma_start3A_67] : memref<2560x128xi32, #tpu.memory_space<hbm>> -> memref<40x128xi32, #tpu.memory_space<hbm>>
      %dma_start3A_69 = arith.constant 0 : i32
      %dma_start3A_70 = tpu.memref_slice %arg3[%add3A_16, %dma_start3A_69] : memref<2560x128xi32, #tpu.memory_space<hbm>> -> memref<40x128xi32, #tpu.memory_space<hbm>>
      tpu.enqueue_dma source(%dma_start3A_70 : memref<40x128xi32, #tpu.memory_space<hbm>>) target(%arg7 : memref<40x128xi32, #tpu.memory_space<vmem>>) target_semaphore(%run_scoped3A : memref<!tpu.dma_semaphore, #tpu.memory_space<semaphore_mem>>)
      %dma_wait3A_71 = arith.constant 0 : i32
      %dma_wait3A_72 = tpu.memref_slice %arg3[%add3A_16, %dma_wait3A_71] : memref<2560x128xi32, #tpu.memory_space<hbm>> -> memref<40x128xi32, #tpu.memory_space<hbm>>
      %dma_wait3A_73 = arith.constant 0 : i32
      %dma_wait3A_74 = tpu.memref_slice %arg3[%add3A_16, %dma_wait3A_73] : memref<2560x128xi32, #tpu.memory_space<hbm>> -> memref<40x128xi32, #tpu.memory_space<hbm>>
      tpu.wait_dma2 semaphore(%run_scoped3A : memref<!tpu.dma_semaphore, #tpu.memory_space<semaphore_mem>>) src(%dma_wait3A_74 : memref<40x128xi32, #tpu.memory_space<hbm>>) dst(%arg7 : memref<40x128xi32, #tpu.memory_space<vmem>>)
      tpu.yield
    }) : () -> ()
    %add3A_17 = arith.constant 0 : i32
    %add3A_18 = arith.addi %mul3A_2, %add3A_17 : i32
    "tpu.region"() ({
      %run_scoped3A = tpu.sem_alloc : memref<!tpu.dma_semaphore, #tpu.memory_space<semaphore_mem>>
      %dma_start3A_67 = arith.constant 0 : i32
      %dma_start3A_68 = tpu.memref_slice %arg4[%add3A_18, %dma_start3A_67] : memref<2560x128xi32, #tpu.memory_space<hbm>> -> memref<40x128xi32, #tpu.memory_space<hbm>>
      %dma_start3A_69 = arith.constant 0 : i32
      %dma_start3A_70 = tpu.memref_slice %arg4[%add3A_18, %dma_start3A_69] : memref<2560x128xi32, #tpu.memory_space<hbm>> -> memref<40x128xi32, #tpu.memory_space<hbm>>
      tpu.enqueue_dma source(%dma_start3A_70 : memref<40x128xi32, #tpu.memory_space<hbm>>) target(%arg8 : memref<40x128xi32, #tpu.memory_space<vmem>>) target_semaphore(%run_scoped3A : memref<!tpu.dma_semaphore, #tpu.memory_space<semaphore_mem>>)
      %dma_wait3A_71 = arith.constant 0 : i32
      %dma_wait3A_72 = tpu.memref_slice %arg4[%add3A_18, %dma_wait3A_71] : memref<2560x128xi32, #tpu.memory_space<hbm>> -> memref<40x128xi32, #tpu.memory_space<hbm>>
      %dma_wait3A_73 = arith.constant 0 : i32
      %dma_wait3A_74 = tpu.memref_slice %arg4[%add3A_18, %dma_wait3A_73] : memref<2560x128xi32, #tpu.memory_space<hbm>> -> memref<40x128xi32, #tpu.memory_space<hbm>>
      tpu.wait_dma2 semaphore(%run_scoped3A : memref<!tpu.dma_semaphore, #tpu.memory_space<semaphore_mem>>) src(%dma_wait3A_74 : memref<40x128xi32, #tpu.memory_space<hbm>>) dst(%arg8 : memref<40x128xi32, #tpu.memory_space<vmem>>)
      tpu.yield
    }) : () -> ()
    %dma_start3A = arith.constant 0 : i32
    %dma_start3A_19 = arith.constant 0 : i32
    %dma_start3A_20 = tpu.memref_slice %arg7[%dma_start3A, %dma_start3A_19] : memref<40x128xi32, #tpu.memory_space<vmem>> -> memref<1x128xi32, #tpu.memory_space<vmem>>
    %dma_start3A_21 = tpu.memref_squeeze %dma_start3A_20 : memref<1x128xi32, #tpu.memory_space<vmem>> -> memref<128xi32, #tpu.memory_space<vmem>>
    %dma_start3A_22 = arith.constant 0 : i32
    %dma_start3A_23 = arith.constant 0 : i32
    %dma_start3A_24 = tpu.memref_slice %arg2[%dma_start3A_22, %dma_start3A_23] : memref<10240x128xf32, #tpu.memory_space<hbm>> -> memref<10240x128xf32, #tpu.memory_space<hbm>>
    tpu.enqueue_indirect_dma source(%dma_start3A_24 : memref<10240x128xf32, #tpu.memory_space<hbm>>) target(%arg9 : memref<128x128xf32, #tpu.memory_space<vmem>>) offsets(%dma_start3A_21 : memref<128xi32, #tpu.memory_space<vmem>>) semaphore(%arg13 : memref<!tpu.dma_semaphore, #tpu.memory_space<semaphore_mem>>)
    %scan3A_25 = arith.constant 0 : i32
    %scan3A_26 = arith.constant 40 : i32
    %scan3A_27 = arith.addi %scan3A_25, %scan3A_26 : i32
    %scan3A_28 = arith.constant 1 : i32
    scf.for %scan3A_67 = %scan3A_25 to %scan3A_27 step %scan3A_28  : i32 {
      %mul3A_68 = arith.constant 1 : i32
      %mul3A_69 = arith.muli %scan3A_67, %mul3A_68 : i32
      %add3A_70 = arith.constant 0 : i32
      %add3A_71 = arith.addi %add3A_70, %mul3A_69 : i32
      %jit3A = arith.constant 2 : i32
      %eq3A_72 = arith.constant 0 : i32
      %eq3A_73 = arith.cmpi eq, %jit3A, %eq3A_72 : i32
      %jit3A_74 = arith.constant 1 : i32
      %select_n3A = arith.select %eq3A_73, %jit3A_74, %jit3A : i32
      %rem3A = arith.remsi %add3A_71, %select_n3A : i32
      %ne3A = arith.constant 0 : i32
      %ne3A_75 = arith.cmpi ne, %rem3A, %ne3A : i32
      %lt3A = arith.constant 0 : i32
      %lt3A_76 = arith.cmpi slt, %rem3A, %lt3A : i32
      %lt3A_77 = arith.constant 0 : i32
      %lt3A_78 = arith.cmpi slt, %select_n3A, %lt3A_77 : i32
      %ne3A_79 = arith.xori %lt3A_76, %lt3A_78 : i1
      %and3A = arith.andi %ne3A_79, %ne3A_75 : i1
      %add3A_80 = arith.addi %rem3A, %select_n3A : i32
      %select_n3A_81 = arith.select %and3A, %add3A_80, %rem3A : i32
      %eq3A_82 = arith.constant 0 : i32
      %eq3A_83 = arith.cmpi eq, %select_n3A_81, %eq3A_82 : i32
      %convert_element_type3A_84 = arith.extui %eq3A_83 : i1 to i32
      %cond3A_85 = arith.constant 0 : i32
      %cond3A_86 = arith.cmpi ne, %convert_element_type3A_84, %cond3A_85 : i32
      scf.if %cond3A_86 {
        %dma_wait3A_108 = arith.constant 0 : i32
        %dma_wait3A_109 = tpu.memref_slice %arg7[%add3A_71, %dma_wait3A_108] : memref<40x128xi32, #tpu.memory_space<vmem>> -> memref<1x128xi32, #tpu.memory_space<vmem>>
        %dma_wait3A_110 = tpu.memref_squeeze %dma_wait3A_109 : memref<1x128xi32, #tpu.memory_space<vmem>> -> memref<128xi32, #tpu.memory_space<vmem>>
        %dma_wait3A_111 = arith.constant 0 : i32
        %dma_wait3A_112 = arith.constant 0 : i32
        %dma_wait3A_113 = tpu.memref_slice %arg2[%dma_wait3A_111, %dma_wait3A_112] : memref<10240x128xf32, #tpu.memory_space<hbm>> -> memref<10240x128xf32, #tpu.memory_space<hbm>>
        tpu.wait_indirect_dma semaphore(%arg13 : memref<!tpu.dma_semaphore, #tpu.memory_space<semaphore_mem>>) src(%dma_wait3A_113 : memref<10240x128xf32, #tpu.memory_space<hbm>>) dst(%arg9 : memref<128x128xf32, #tpu.memory_space<vmem>>)
        %dma_start3A_114 = arith.constant 0 : i32
        %dma_start3A_115 = tpu.memref_slice %arg8[%add3A_71, %dma_start3A_114] : memref<40x128xi32, #tpu.memory_space<vmem>> -> memref<1x128xi32, #tpu.memory_space<vmem>>
        %dma_start3A_116 = tpu.memref_squeeze %dma_start3A_115 : memref<1x128xi32, #tpu.memory_space<vmem>> -> memref<128xi32, #tpu.memory_space<vmem>>
        %dma_start3A_117 = arith.constant 0 : i32
        %dma_start3A_118 = arith.constant 0 : i32
        %dma_start3A_119 = tpu.memref_slice %arg12[%dma_start3A_117, %dma_start3A_118] : memref<10240x128xf32, #tpu.memory_space<vmem_shared>> -> memref<10240x128xf32, #tpu.memory_space<vmem_shared>>
        tpu.enqueue_indirect_dma source(%arg9 : memref<128x128xf32, #tpu.memory_space<vmem>>) target(%dma_start3A_119 : memref<10240x128xf32, #tpu.memory_space<vmem_shared>>) offsets(%dma_start3A_116 : memref<128xi32, #tpu.memory_space<vmem>>) semaphore(%arg14 : memref<!tpu.dma_semaphore, #tpu.memory_space<semaphore_mem>>) {add = true}
        %ge3A = arith.constant 1 : i32
        %ge3A_120 = arith.cmpi sge, %add3A_71, %ge3A : i32
        %convert_element_type3A_121 = arith.extui %ge3A_120 : i1 to i32
        %cond3A_122 = arith.constant 0 : i32
        %cond3A_123 = arith.cmpi ne, %convert_element_type3A_121, %cond3A_122 : i32
        scf.if %cond3A_123 {
          %dma_wait3A_131 = arith.constant 0 : i32
          %dma_wait3A_132 = tpu.memref_slice %arg8[%add3A_71, %dma_wait3A_131] : memref<40x128xi32, #tpu.memory_space<vmem>> -> memref<1x128xi32, #tpu.memory_space<vmem>>
          %dma_wait3A_133 = tpu.memref_squeeze %dma_wait3A_132 : memref<1x128xi32, #tpu.memory_space<vmem>> -> memref<128xi32, #tpu.memory_space<vmem>>
          %dma_wait3A_134 = arith.constant 0 : i32
          %dma_wait3A_135 = arith.constant 0 : i32
          %dma_wait3A_136 = tpu.memref_slice %arg12[%dma_wait3A_134, %dma_wait3A_135] : memref<10240x128xf32, #tpu.memory_space<vmem_shared>> -> memref<10240x128xf32, #tpu.memory_space<vmem_shared>>
          tpu.wait_indirect_dma semaphore(%arg14 : memref<!tpu.dma_semaphore, #tpu.memory_space<semaphore_mem>>) src(%arg10 : memref<128x128xf32, #tpu.memory_space<vmem>>) dst(%dma_wait3A_136 : memref<10240x128xf32, #tpu.memory_space<vmem_shared>>)
        } else {
        }
        %add3A_124 = arith.constant 1 : i32
        %add3A_125 = arith.addi %add3A_71, %add3A_124 : i32
        %lt3A_126 = arith.constant 40 : i32
        %lt3A_127 = arith.cmpi slt, %add3A_125, %lt3A_126 : i32
        %convert_element_type3A_128 = arith.extui %lt3A_127 : i1 to i32
        %cond3A_129 = arith.constant 0 : i32
        %cond3A_130 = arith.cmpi ne, %convert_element_type3A_128, %cond3A_129 : i32
        scf.if %cond3A_130 {
          %add3A_131 = arith.constant 1 : i32
          %add3A_132 = arith.addi %add3A_71, %add3A_131 : i32
          %dma_start3A_133 = arith.constant 0 : i32
          %dma_start3A_134 = tpu.memref_slice %arg7[%add3A_132, %dma_start3A_133] : memref<40x128xi32, #tpu.memory_space<vmem>> -> memref<1x128xi32, #tpu.memory_space<vmem>>
          %dma_start3A_135 = tpu.memref_squeeze %dma_start3A_134 : memref<1x128xi32, #tpu.memory_space<vmem>> -> memref<128xi32, #tpu.memory_space<vmem>>
          %dma_start3A_136 = arith.constant 0 : i32
          %dma_start3A_137 = arith.constant 0 : i32
          %dma_start3A_138 = tpu.memref_slice %arg2[%dma_start3A_136, %dma_start3A_137] : memref<10240x128xf32, #tpu.memory_space<hbm>> -> memref<10240x128xf32, #tpu.memory_space<hbm>>
          tpu.enqueue_indirect_dma source(%dma_start3A_138 : memref<10240x128xf32, #tpu.memory_space<hbm>>) target(%arg10 : memref<128x128xf32, #tpu.memory_space<vmem>>) offsets(%dma_start3A_135 : memref<128xi32, #tpu.memory_space<vmem>>) semaphore(%arg13 : memref<!tpu.dma_semaphore, #tpu.memory_space<semaphore_mem>>)
        } else {
        }
      } else {
      }
      %jit3A_87 = arith.constant 2 : i32
      %eq3A_88 = arith.constant 0 : i32
      %eq3A_89 = arith.cmpi eq, %jit3A_87, %eq3A_88 : i32
      %jit3A_90 = arith.constant 1 : i32
      %select_n3A_91 = arith.select %eq3A_89, %jit3A_90, %jit3A_87 : i32
      %rem3A_92 = arith.remsi %add3A_71, %select_n3A_91 : i32
      %ne3A_93 = arith.constant 0 : i32
      %ne3A_94 = arith.cmpi ne, %rem3A_92, %ne3A_93 : i32
      %lt3A_95 = arith.constant 0 : i32
      %lt3A_96 = arith.cmpi slt, %rem3A_92, %lt3A_95 : i32
      %lt3A_97 = arith.constant 0 : i32
      %lt3A_98 = arith.cmpi slt, %select_n3A_91, %lt3A_97 : i32
      %ne3A_99 = arith.xori %lt3A_96, %lt3A_98 : i1
      %and3A_100 = arith.andi %ne3A_99, %ne3A_94 : i1
      %add3A_101 = arith.addi %rem3A_92, %select_n3A_91 : i32
      %select_n3A_102 = arith.select %and3A_100, %add3A_101, %rem3A_92 : i32
      %eq3A_103 = arith.constant 1 : i32
      %eq3A_104 = arith.cmpi eq, %select_n3A_102, %eq3A_103 : i32
      %convert_element_type3A_105 = arith.extui %eq3A_104 : i1 to i32
      %cond3A_106 = arith.constant 0 : i32
      %cond3A_107 = arith.cmpi ne, %convert_element_type3A_105, %cond3A_106 : i32
      scf.if %cond3A_107 {
        %dma_wait3A_108 = arith.constant 0 : i32
        %dma_wait3A_109 = tpu.memref_slice %arg7[%add3A_71, %dma_wait3A_108] : memref<40x128xi32, #tpu.memory_space<vmem>> -> memref<1x128xi32, #tpu.memory_space<vmem>>
        %dma_wait3A_110 = tpu.memref_squeeze %dma_wait3A_109 : memref<1x128xi32, #tpu.memory_space<vmem>> -> memref<128xi32, #tpu.memory_space<vmem>>
        %dma_wait3A_111 = arith.constant 0 : i32
        %dma_wait3A_112 = arith.constant 0 : i32
        %dma_wait3A_113 = tpu.memref_slice %arg2[%dma_wait3A_111, %dma_wait3A_112] : memref<10240x128xf32, #tpu.memory_space<hbm>> -> memref<10240x128xf32, #tpu.memory_space<hbm>>
        tpu.wait_indirect_dma semaphore(%arg13 : memref<!tpu.dma_semaphore, #tpu.memory_space<semaphore_mem>>) src(%dma_wait3A_113 : memref<10240x128xf32, #tpu.memory_space<hbm>>) dst(%arg10 : memref<128x128xf32, #tpu.memory_space<vmem>>)
        %dma_start3A_114 = arith.constant 0 : i32
        %dma_start3A_115 = tpu.memref_slice %arg8[%add3A_71, %dma_start3A_114] : memref<40x128xi32, #tpu.memory_space<vmem>> -> memref<1x128xi32, #tpu.memory_space<vmem>>
        %dma_start3A_116 = tpu.memref_squeeze %dma_start3A_115 : memref<1x128xi32, #tpu.memory_space<vmem>> -> memref<128xi32, #tpu.memory_space<vmem>>
        %dma_start3A_117 = arith.constant 0 : i32
        %dma_start3A_118 = arith.constant 0 : i32
        %dma_start3A_119 = tpu.memref_slice %arg12[%dma_start3A_117, %dma_start3A_118] : memref<10240x128xf32, #tpu.memory_space<vmem_shared>> -> memref<10240x128xf32, #tpu.memory_space<vmem_shared>>
        tpu.enqueue_indirect_dma source(%arg10 : memref<128x128xf32, #tpu.memory_space<vmem>>) target(%dma_start3A_119 : memref<10240x128xf32, #tpu.memory_space<vmem_shared>>) offsets(%dma_start3A_116 : memref<128xi32, #tpu.memory_space<vmem>>) semaphore(%arg14 : memref<!tpu.dma_semaphore, #tpu.memory_space<semaphore_mem>>) {add = true}
        %ge3A = arith.constant 1 : i32
        %ge3A_120 = arith.cmpi sge, %add3A_71, %ge3A : i32
        %convert_element_type3A_121 = arith.extui %ge3A_120 : i1 to i32
        %cond3A_122 = arith.constant 0 : i32
        %cond3A_123 = arith.cmpi ne, %convert_element_type3A_121, %cond3A_122 : i32
        scf.if %cond3A_123 {
          %dma_wait3A_131 = arith.constant 0 : i32
          %dma_wait3A_132 = tpu.memref_slice %arg8[%add3A_71, %dma_wait3A_131] : memref<40x128xi32, #tpu.memory_space<vmem>> -> memref<1x128xi32, #tpu.memory_space<vmem>>
          %dma_wait3A_133 = tpu.memref_squeeze %dma_wait3A_132 : memref<1x128xi32, #tpu.memory_space<vmem>> -> memref<128xi32, #tpu.memory_space<vmem>>
          %dma_wait3A_134 = arith.constant 0 : i32
          %dma_wait3A_135 = arith.constant 0 : i32
          %dma_wait3A_136 = tpu.memref_slice %arg12[%dma_wait3A_134, %dma_wait3A_135] : memref<10240x128xf32, #tpu.memory_space<vmem_shared>> -> memref<10240x128xf32, #tpu.memory_space<vmem_shared>>
          tpu.wait_indirect_dma semaphore(%arg14 : memref<!tpu.dma_semaphore, #tpu.memory_space<semaphore_mem>>) src(%arg9 : memref<128x128xf32, #tpu.memory_space<vmem>>) dst(%dma_wait3A_136 : memref<10240x128xf32, #tpu.memory_space<vmem_shared>>)
        } else {
        }
        %add3A_124 = arith.constant 1 : i32
        %add3A_125 = arith.addi %add3A_71, %add3A_124 : i32
        %lt3A_126 = arith.constant 40 : i32
        %lt3A_127 = arith.cmpi slt, %add3A_125, %lt3A_126 : i32
        %convert_element_type3A_128 = arith.extui %lt3A_127 : i1 to i32
        %cond3A_129 = arith.constant 0 : i32
        %cond3A_130 = arith.cmpi ne, %convert_element_type3A_128, %cond3A_129 : i32
        scf.if %cond3A_130 {
          %add3A_131 = arith.constant 1 : i32
          %add3A_132 = arith.addi %add3A_71, %add3A_131 : i32
          %dma_start3A_133 = arith.constant 0 : i32
          %dma_start3A_134 = tpu.memref_slice %arg7[%add3A_132, %dma_start3A_133] : memref<40x128xi32, #tpu.memory_space<vmem>> -> memref<1x128xi32, #tpu.memory_space<vmem>>
          %dma_start3A_135 = tpu.memref_squeeze %dma_start3A_134 : memref<1x128xi32, #tpu.memory_space<vmem>> -> memref<128xi32, #tpu.memory_space<vmem>>
          %dma_start3A_136 = arith.constant 0 : i32
          %dma_start3A_137 = arith.constant 0 : i32
          %dma_start3A_138 = tpu.memref_slice %arg2[%dma_start3A_136, %dma_start3A_137] : memref<10240x128xf32, #tpu.memory_space<hbm>> -> memref<10240x128xf32, #tpu.memory_space<hbm>>
          tpu.enqueue_indirect_dma source(%dma_start3A_138 : memref<10240x128xf32, #tpu.memory_space<hbm>>) target(%arg9 : memref<128x128xf32, #tpu.memory_space<vmem>>) offsets(%dma_start3A_135 : memref<128xi32, #tpu.memory_space<vmem>>) semaphore(%arg13 : memref<!tpu.dma_semaphore, #tpu.memory_space<semaphore_mem>>)
        } else {
        }
      } else {
      }
    }
    %scan3A_29 = arith.constant 40 : i32
    %dma_wait3A = arith.constant 39 : i32
    %dma_wait3A_30 = arith.constant 0 : i32
    %dma_wait3A_31 = tpu.memref_slice %arg8[%dma_wait3A, %dma_wait3A_30] : memref<40x128xi32, #tpu.memory_space<vmem>> -> memref<1x128xi32, #tpu.memory_space<vmem>>
    %dma_wait3A_32 = tpu.memref_squeeze %dma_wait3A_31 : memref<1x128xi32, #tpu.memory_space<vmem>> -> memref<128xi32, #tpu.memory_space<vmem>>
    %dma_wait3A_33 = arith.constant 0 : i32
    %dma_wait3A_34 = arith.constant 0 : i32
    %dma_wait3A_35 = tpu.memref_slice %arg12[%dma_wait3A_33, %dma_wait3A_34] : memref<10240x128xf32, #tpu.memory_space<vmem_shared>> -> memref<10240x128xf32, #tpu.memory_space<vmem_shared>>
    tpu.wait_indirect_dma semaphore(%arg14 : memref<!tpu.dma_semaphore, #tpu.memory_space<semaphore_mem>>) src(%arg9 : memref<128x128xf32, #tpu.memory_space<vmem>>) dst(%dma_wait3A_35 : memref<10240x128xf32, #tpu.memory_space<vmem_shared>>)
    %add3A_36 = arith.constant 40 : i32
    %add3A_37 = arith.addi %mul3A_2, %add3A_36 : i32
    "tpu.region"() ({
      %run_scoped3A = tpu.sem_alloc : memref<!tpu.dma_semaphore, #tpu.memory_space<semaphore_mem>>
      %dma_start3A_67 = arith.constant 0 : i32
      %dma_start3A_68 = tpu.memref_slice %arg3[%add3A_37, %dma_start3A_67] : memref<2560x128xi32, #tpu.memory_space<hbm>> -> memref<40x128xi32, #tpu.memory_space<hbm>>
      %dma_start3A_69 = arith.constant 0 : i32
      %dma_start3A_70 = tpu.memref_slice %arg3[%add3A_37, %dma_start3A_69] : memref<2560x128xi32, #tpu.memory_space<hbm>> -> memref<40x128xi32, #tpu.memory_space<hbm>>
      tpu.enqueue_dma source(%dma_start3A_70 : memref<40x128xi32, #tpu.memory_space<hbm>>) target(%arg7 : memref<40x128xi32, #tpu.memory_space<vmem>>) target_semaphore(%run_scoped3A : memref<!tpu.dma_semaphore, #tpu.memory_space<semaphore_mem>>)
      %dma_wait3A_71 = arith.constant 0 : i32
      %dma_wait3A_72 = tpu.memref_slice %arg3[%add3A_37, %dma_wait3A_71] : memref<2560x128xi32, #tpu.memory_space<hbm>> -> memref<40x128xi32, #tpu.memory_space<hbm>>
      %dma_wait3A_73 = arith.constant 0 : i32
      %dma_wait3A_74 = tpu.memref_slice %arg3[%add3A_37, %dma_wait3A_73] : memref<2560x128xi32, #tpu.memory_space<hbm>> -> memref<40x128xi32, #tpu.memory_space<hbm>>
      tpu.wait_dma2 semaphore(%run_scoped3A : memref<!tpu.dma_semaphore, #tpu.memory_space<semaphore_mem>>) src(%dma_wait3A_74 : memref<40x128xi32, #tpu.memory_space<hbm>>) dst(%arg7 : memref<40x128xi32, #tpu.memory_space<vmem>>)
      tpu.yield
    }) : () -> ()
    %add3A_38 = arith.constant 40 : i32
    %add3A_39 = arith.addi %mul3A_2, %add3A_38 : i32
    "tpu.region"() ({
      %run_scoped3A = tpu.sem_alloc : memref<!tpu.dma_semaphore, #tpu.memory_space<semaphore_mem>>
      %dma_start3A_67 = arith.constant 0 : i32
      %dma_start3A_68 = tpu.memref_slice %arg4[%add3A_39, %dma_start3A_67] : memref<2560x128xi32, #tpu.memory_space<hbm>> -> memref<40x128xi32, #tpu.memory_space<hbm>>
      %dma_start3A_69 = arith.constant 0 : i32
      %dma_start3A_70 = tpu.memref_slice %arg4[%add3A_39, %dma_start3A_69] : memref<2560x128xi32, #tpu.memory_space<hbm>> -> memref<40x128xi32, #tpu.memory_space<hbm>>
      tpu.enqueue_dma source(%dma_start3A_70 : memref<40x128xi32, #tpu.memory_space<hbm>>) target(%arg8 : memref<40x128xi32, #tpu.memory_space<vmem>>) target_semaphore(%run_scoped3A : memref<!tpu.dma_semaphore, #tpu.memory_space<semaphore_mem>>)
      %dma_wait3A_71 = arith.constant 0 : i32
      %dma_wait3A_72 = tpu.memref_slice %arg4[%add3A_39, %dma_wait3A_71] : memref<2560x128xi32, #tpu.memory_space<hbm>> -> memref<40x128xi32, #tpu.memory_space<hbm>>
      %dma_wait3A_73 = arith.constant 0 : i32
      %dma_wait3A_74 = tpu.memref_slice %arg4[%add3A_39, %dma_wait3A_73] : memref<2560x128xi32, #tpu.memory_space<hbm>> -> memref<40x128xi32, #tpu.memory_space<hbm>>
      tpu.wait_dma2 semaphore(%run_scoped3A : memref<!tpu.dma_semaphore, #tpu.memory_space<semaphore_mem>>) src(%dma_wait3A_74 : memref<40x128xi32, #tpu.memory_space<hbm>>) dst(%arg8 : memref<40x128xi32, #tpu.memory_space<vmem>>)
      tpu.yield
    }) : () -> ()
    %dma_start3A_40 = arith.constant 0 : i32
    %dma_start3A_41 = arith.constant 0 : i32
    %dma_start3A_42 = tpu.memref_slice %arg7[%dma_start3A_40, %dma_start3A_41] : memref<40x128xi32, #tpu.memory_space<vmem>> -> memref<1x128xi32, #tpu.memory_space<vmem>>
    %dma_start3A_43 = tpu.memref_squeeze %dma_start3A_42 : memref<1x128xi32, #tpu.memory_space<vmem>> -> memref<128xi32, #tpu.memory_space<vmem>>
    %dma_start3A_44 = arith.constant 0 : i32
    %dma_start3A_45 = arith.constant 0 : i32
    %dma_start3A_46 = tpu.memref_slice %arg2[%dma_start3A_44, %dma_start3A_45] : memref<10240x128xf32, #tpu.memory_space<hbm>> -> memref<10240x128xf32, #tpu.memory_space<hbm>>
    tpu.enqueue_indirect_dma source(%dma_start3A_46 : memref<10240x128xf32, #tpu.memory_space<hbm>>) target(%arg9 : memref<128x128xf32, #tpu.memory_space<vmem>>) offsets(%dma_start3A_43 : memref<128xi32, #tpu.memory_space<vmem>>) semaphore(%arg13 : memref<!tpu.dma_semaphore, #tpu.memory_space<semaphore_mem>>)
    %scan3A_47 = arith.constant 0 : i32
    %scan3A_48 = arith.constant 40 : i32
    %scan3A_49 = arith.addi %scan3A_47, %scan3A_48 : i32
    %scan3A_50 = arith.constant 1 : i32
    scf.for %scan3A_67 = %scan3A_47 to %scan3A_49 step %scan3A_50  : i32 {
      %mul3A_68 = arith.constant 1 : i32
      %mul3A_69 = arith.muli %scan3A_67, %mul3A_68 : i32
      %add3A_70 = arith.constant 0 : i32
      %add3A_71 = arith.addi %add3A_70, %mul3A_69 : i32
      %jit3A = arith.constant 2 : i32
      %eq3A_72 = arith.constant 0 : i32
      %eq3A_73 = arith.cmpi eq, %jit3A, %eq3A_72 : i32
      %jit3A_74 = arith.constant 1 : i32
      %select_n3A = arith.select %eq3A_73, %jit3A_74, %jit3A : i32
      %rem3A = arith.remsi %add3A_71, %select_n3A : i32
      %ne3A = arith.constant 0 : i32
      %ne3A_75 = arith.cmpi ne, %rem3A, %ne3A : i32
      %lt3A = arith.constant 0 : i32
      %lt3A_76 = arith.cmpi slt, %rem3A, %lt3A : i32
      %lt3A_77 = arith.constant 0 : i32
      %lt3A_78 = arith.cmpi slt, %select_n3A, %lt3A_77 : i32
      %ne3A_79 = arith.xori %lt3A_76, %lt3A_78 : i1
      %and3A = arith.andi %ne3A_79, %ne3A_75 : i1
      %add3A_80 = arith.addi %rem3A, %select_n3A : i32
      %select_n3A_81 = arith.select %and3A, %add3A_80, %rem3A : i32
      %eq3A_82 = arith.constant 0 : i32
      %eq3A_83 = arith.cmpi eq, %select_n3A_81, %eq3A_82 : i32
      %convert_element_type3A_84 = arith.extui %eq3A_83 : i1 to i32
      %cond3A_85 = arith.constant 0 : i32
      %cond3A_86 = arith.cmpi ne, %convert_element_type3A_84, %cond3A_85 : i32
      scf.if %cond3A_86 {
        %dma_wait3A_108 = arith.constant 0 : i32
        %dma_wait3A_109 = tpu.memref_slice %arg7[%add3A_71, %dma_wait3A_108] : memref<40x128xi32, #tpu.memory_space<vmem>> -> memref<1x128xi32, #tpu.memory_space<vmem>>
        %dma_wait3A_110 = tpu.memref_squeeze %dma_wait3A_109 : memref<1x128xi32, #tpu.memory_space<vmem>> -> memref<128xi32, #tpu.memory_space<vmem>>
        %dma_wait3A_111 = arith.constant 0 : i32
        %dma_wait3A_112 = arith.constant 0 : i32
        %dma_wait3A_113 = tpu.memref_slice %arg2[%dma_wait3A_111, %dma_wait3A_112] : memref<10240x128xf32, #tpu.memory_space<hbm>> -> memref<10240x128xf32, #tpu.memory_space<hbm>>
        tpu.wait_indirect_dma semaphore(%arg13 : memref<!tpu.dma_semaphore, #tpu.memory_space<semaphore_mem>>) src(%dma_wait3A_113 : memref<10240x128xf32, #tpu.memory_space<hbm>>) dst(%arg9 : memref<128x128xf32, #tpu.memory_space<vmem>>)
        %dma_start3A_114 = arith.constant 0 : i32
        %dma_start3A_115 = tpu.memref_slice %arg8[%add3A_71, %dma_start3A_114] : memref<40x128xi32, #tpu.memory_space<vmem>> -> memref<1x128xi32, #tpu.memory_space<vmem>>
        %dma_start3A_116 = tpu.memref_squeeze %dma_start3A_115 : memref<1x128xi32, #tpu.memory_space<vmem>> -> memref<128xi32, #tpu.memory_space<vmem>>
        %dma_start3A_117 = arith.constant 0 : i32
        %dma_start3A_118 = arith.constant 0 : i32
        %dma_start3A_119 = tpu.memref_slice %arg12[%dma_start3A_117, %dma_start3A_118] : memref<10240x128xf32, #tpu.memory_space<vmem_shared>> -> memref<10240x128xf32, #tpu.memory_space<vmem_shared>>
        tpu.enqueue_indirect_dma source(%arg9 : memref<128x128xf32, #tpu.memory_space<vmem>>) target(%dma_start3A_119 : memref<10240x128xf32, #tpu.memory_space<vmem_shared>>) offsets(%dma_start3A_116 : memref<128xi32, #tpu.memory_space<vmem>>) semaphore(%arg14 : memref<!tpu.dma_semaphore, #tpu.memory_space<semaphore_mem>>) {add = true}
        %ge3A = arith.constant 1 : i32
        %ge3A_120 = arith.cmpi sge, %add3A_71, %ge3A : i32
        %convert_element_type3A_121 = arith.extui %ge3A_120 : i1 to i32
        %cond3A_122 = arith.constant 0 : i32
        %cond3A_123 = arith.cmpi ne, %convert_element_type3A_121, %cond3A_122 : i32
        scf.if %cond3A_123 {
          %dma_wait3A_131 = arith.constant 0 : i32
          %dma_wait3A_132 = tpu.memref_slice %arg8[%add3A_71, %dma_wait3A_131] : memref<40x128xi32, #tpu.memory_space<vmem>> -> memref<1x128xi32, #tpu.memory_space<vmem>>
          %dma_wait3A_133 = tpu.memref_squeeze %dma_wait3A_132 : memref<1x128xi32, #tpu.memory_space<vmem>> -> memref<128xi32, #tpu.memory_space<vmem>>
          %dma_wait3A_134 = arith.constant 0 : i32
          %dma_wait3A_135 = arith.constant 0 : i32
          %dma_wait3A_136 = tpu.memref_slice %arg12[%dma_wait3A_134, %dma_wait3A_135] : memref<10240x128xf32, #tpu.memory_space<vmem_shared>> -> memref<10240x128xf32, #tpu.memory_space<vmem_shared>>
          tpu.wait_indirect_dma semaphore(%arg14 : memref<!tpu.dma_semaphore, #tpu.memory_space<semaphore_mem>>) src(%arg10 : memref<128x128xf32, #tpu.memory_space<vmem>>) dst(%dma_wait3A_136 : memref<10240x128xf32, #tpu.memory_space<vmem_shared>>)
        } else {
        }
        %add3A_124 = arith.constant 1 : i32
        %add3A_125 = arith.addi %add3A_71, %add3A_124 : i32
        %lt3A_126 = arith.constant 40 : i32
        %lt3A_127 = arith.cmpi slt, %add3A_125, %lt3A_126 : i32
        %convert_element_type3A_128 = arith.extui %lt3A_127 : i1 to i32
        %cond3A_129 = arith.constant 0 : i32
        %cond3A_130 = arith.cmpi ne, %convert_element_type3A_128, %cond3A_129 : i32
        scf.if %cond3A_130 {
          %add3A_131 = arith.constant 1 : i32
          %add3A_132 = arith.addi %add3A_71, %add3A_131 : i32
          %dma_start3A_133 = arith.constant 0 : i32
          %dma_start3A_134 = tpu.memref_slice %arg7[%add3A_132, %dma_start3A_133] : memref<40x128xi32, #tpu.memory_space<vmem>> -> memref<1x128xi32, #tpu.memory_space<vmem>>
          %dma_start3A_135 = tpu.memref_squeeze %dma_start3A_134 : memref<1x128xi32, #tpu.memory_space<vmem>> -> memref<128xi32, #tpu.memory_space<vmem>>
          %dma_start3A_136 = arith.constant 0 : i32
          %dma_start3A_137 = arith.constant 0 : i32
          %dma_start3A_138 = tpu.memref_slice %arg2[%dma_start3A_136, %dma_start3A_137] : memref<10240x128xf32, #tpu.memory_space<hbm>> -> memref<10240x128xf32, #tpu.memory_space<hbm>>
          tpu.enqueue_indirect_dma source(%dma_start3A_138 : memref<10240x128xf32, #tpu.memory_space<hbm>>) target(%arg10 : memref<128x128xf32, #tpu.memory_space<vmem>>) offsets(%dma_start3A_135 : memref<128xi32, #tpu.memory_space<vmem>>) semaphore(%arg13 : memref<!tpu.dma_semaphore, #tpu.memory_space<semaphore_mem>>)
        } else {
        }
      } else {
      }
      %jit3A_87 = arith.constant 2 : i32
      %eq3A_88 = arith.constant 0 : i32
      %eq3A_89 = arith.cmpi eq, %jit3A_87, %eq3A_88 : i32
      %jit3A_90 = arith.constant 1 : i32
      %select_n3A_91 = arith.select %eq3A_89, %jit3A_90, %jit3A_87 : i32
      %rem3A_92 = arith.remsi %add3A_71, %select_n3A_91 : i32
      %ne3A_93 = arith.constant 0 : i32
      %ne3A_94 = arith.cmpi ne, %rem3A_92, %ne3A_93 : i32
      %lt3A_95 = arith.constant 0 : i32
      %lt3A_96 = arith.cmpi slt, %rem3A_92, %lt3A_95 : i32
      %lt3A_97 = arith.constant 0 : i32
      %lt3A_98 = arith.cmpi slt, %select_n3A_91, %lt3A_97 : i32
      %ne3A_99 = arith.xori %lt3A_96, %lt3A_98 : i1
      %and3A_100 = arith.andi %ne3A_99, %ne3A_94 : i1
      %add3A_101 = arith.addi %rem3A_92, %select_n3A_91 : i32
      %select_n3A_102 = arith.select %and3A_100, %add3A_101, %rem3A_92 : i32
      %eq3A_103 = arith.constant 1 : i32
      %eq3A_104 = arith.cmpi eq, %select_n3A_102, %eq3A_103 : i32
      %convert_element_type3A_105 = arith.extui %eq3A_104 : i1 to i32
      %cond3A_106 = arith.constant 0 : i32
      %cond3A_107 = arith.cmpi ne, %convert_element_type3A_105, %cond3A_106 : i32
      scf.if %cond3A_107 {
        %dma_wait3A_108 = arith.constant 0 : i32
        %dma_wait3A_109 = tpu.memref_slice %arg7[%add3A_71, %dma_wait3A_108] : memref<40x128xi32, #tpu.memory_space<vmem>> -> memref<1x128xi32, #tpu.memory_space<vmem>>
        %dma_wait3A_110 = tpu.memref_squeeze %dma_wait3A_109 : memref<1x128xi32, #tpu.memory_space<vmem>> -> memref<128xi32, #tpu.memory_space<vmem>>
        %dma_wait3A_111 = arith.constant 0 : i32
        %dma_wait3A_112 = arith.constant 0 : i32
        %dma_wait3A_113 = tpu.memref_slice %arg2[%dma_wait3A_111, %dma_wait3A_112] : memref<10240x128xf32, #tpu.memory_space<hbm>> -> memref<10240x128xf32, #tpu.memory_space<hbm>>
        tpu.wait_indirect_dma semaphore(%arg13 : memref<!tpu.dma_semaphore, #tpu.memory_space<semaphore_mem>>) src(%dma_wait3A_113 : memref<10240x128xf32, #tpu.memory_space<hbm>>) dst(%arg10 : memref<128x128xf32, #tpu.memory_space<vmem>>)
        %dma_start3A_114 = arith.constant 0 : i32
        %dma_start3A_115 = tpu.memref_slice %arg8[%add3A_71, %dma_start3A_114] : memref<40x128xi32, #tpu.memory_space<vmem>> -> memref<1x128xi32, #tpu.memory_space<vmem>>
        %dma_start3A_116 = tpu.memref_squeeze %dma_start3A_115 : memref<1x128xi32, #tpu.memory_space<vmem>> -> memref<128xi32, #tpu.memory_space<vmem>>
        %dma_start3A_117 = arith.constant 0 : i32
        %dma_start3A_118 = arith.constant 0 : i32
        %dma_start3A_119 = tpu.memref_slice %arg12[%dma_start3A_117, %dma_start3A_118] : memref<10240x128xf32, #tpu.memory_space<vmem_shared>> -> memref<10240x128xf32, #tpu.memory_space<vmem_shared>>
        tpu.enqueue_indirect_dma source(%arg10 : memref<128x128xf32, #tpu.memory_space<vmem>>) target(%dma_start3A_119 : memref<10240x128xf32, #tpu.memory_space<vmem_shared>>) offsets(%dma_start3A_116 : memref<128xi32, #tpu.memory_space<vmem>>) semaphore(%arg14 : memref<!tpu.dma_semaphore, #tpu.memory_space<semaphore_mem>>) {add = true}
        %ge3A = arith.constant 1 : i32
        %ge3A_120 = arith.cmpi sge, %add3A_71, %ge3A : i32
        %convert_element_type3A_121 = arith.extui %ge3A_120 : i1 to i32
        %cond3A_122 = arith.constant 0 : i32
        %cond3A_123 = arith.cmpi ne, %convert_element_type3A_121, %cond3A_122 : i32
        scf.if %cond3A_123 {
          %dma_wait3A_131 = arith.constant 0 : i32
          %dma_wait3A_132 = tpu.memref_slice %arg8[%add3A_71, %dma_wait3A_131] : memref<40x128xi32, #tpu.memory_space<vmem>> -> memref<1x128xi32, #tpu.memory_space<vmem>>
          %dma_wait3A_133 = tpu.memref_squeeze %dma_wait3A_132 : memref<1x128xi32, #tpu.memory_space<vmem>> -> memref<128xi32, #tpu.memory_space<vmem>>
          %dma_wait3A_134 = arith.constant 0 : i32
          %dma_wait3A_135 = arith.constant 0 : i32
          %dma_wait3A_136 = tpu.memref_slice %arg12[%dma_wait3A_134, %dma_wait3A_135] : memref<10240x128xf32, #tpu.memory_space<vmem_shared>> -> memref<10240x128xf32, #tpu.memory_space<vmem_shared>>
          tpu.wait_indirect_dma semaphore(%arg14 : memref<!tpu.dma_semaphore, #tpu.memory_space<semaphore_mem>>) src(%arg9 : memref<128x128xf32, #tpu.memory_space<vmem>>) dst(%dma_wait3A_136 : memref<10240x128xf32, #tpu.memory_space<vmem_shared>>)
        } else {
        }
        %add3A_124 = arith.constant 1 : i32
        %add3A_125 = arith.addi %add3A_71, %add3A_124 : i32
        %lt3A_126 = arith.constant 40 : i32
        %lt3A_127 = arith.cmpi slt, %add3A_125, %lt3A_126 : i32
        %convert_element_type3A_128 = arith.extui %lt3A_127 : i1 to i32
        %cond3A_129 = arith.constant 0 : i32
        %cond3A_130 = arith.cmpi ne, %convert_element_type3A_128, %cond3A_129 : i32
        scf.if %cond3A_130 {
          %add3A_131 = arith.constant 1 : i32
          %add3A_132 = arith.addi %add3A_71, %add3A_131 : i32
          %dma_start3A_133 = arith.constant 0 : i32
          %dma_start3A_134 = tpu.memref_slice %arg7[%add3A_132, %dma_start3A_133] : memref<40x128xi32, #tpu.memory_space<vmem>> -> memref<1x128xi32, #tpu.memory_space<vmem>>
          %dma_start3A_135 = tpu.memref_squeeze %dma_start3A_134 : memref<1x128xi32, #tpu.memory_space<vmem>> -> memref<128xi32, #tpu.memory_space<vmem>>
          %dma_start3A_136 = arith.constant 0 : i32
          %dma_start3A_137 = arith.constant 0 : i32
          %dma_start3A_138 = tpu.memref_slice %arg2[%dma_start3A_136, %dma_start3A_137] : memref<10240x128xf32, #tpu.memory_space<hbm>> -> memref<10240x128xf32, #tpu.memory_space<hbm>>
          tpu.enqueue_indirect_dma source(%dma_start3A_138 : memref<10240x128xf32, #tpu.memory_space<hbm>>) target(%arg9 : memref<128x128xf32, #tpu.memory_space<vmem>>) offsets(%dma_start3A_135 : memref<128xi32, #tpu.memory_space<vmem>>) semaphore(%arg13 : memref<!tpu.dma_semaphore, #tpu.memory_space<semaphore_mem>>)
        } else {
        }
      } else {
      }
    }
    %scan3A_51 = arith.constant 40 : i32
    %dma_wait3A_52 = arith.constant 39 : i32
    %dma_wait3A_53 = arith.constant 0 : i32
    %dma_wait3A_54 = tpu.memref_slice %arg8[%dma_wait3A_52, %dma_wait3A_53] : memref<40x128xi32, #tpu.memory_space<vmem>> -> memref<1x128xi32, #tpu.memory_space<vmem>>
    %dma_wait3A_55 = tpu.memref_squeeze %dma_wait3A_54 : memref<1x128xi32, #tpu.memory_space<vmem>> -> memref<128xi32, #tpu.memory_space<vmem>>
    %dma_wait3A_56 = arith.constant 0 : i32
    %dma_wait3A_57 = arith.constant 0 : i32
    %dma_wait3A_58 = tpu.memref_slice %arg12[%dma_wait3A_56, %dma_wait3A_57] : memref<10240x128xf32, #tpu.memory_space<vmem_shared>> -> memref<10240x128xf32, #tpu.memory_space<vmem_shared>>
    tpu.wait_indirect_dma semaphore(%arg14 : memref<!tpu.dma_semaphore, #tpu.memory_space<semaphore_mem>>) src(%arg9 : memref<128x128xf32, #tpu.memory_space<vmem>>) dst(%dma_wait3A_58 : memref<10240x128xf32, #tpu.memory_space<vmem_shared>>)
    %barrier3A_59 = arith.constant 0 : index
    tpu.barrier barrier_id(%barrier3A_59)
    %eq3A = arith.constant 0 : i32
    %eq3A_60 = arith.cmpi eq, %arg0, %eq3A : i32
    %convert_element_type3A = arith.extui %eq3A_60 : i1 to i32
    %cond3A = arith.constant 0 : i32
    %cond3A_61 = arith.cmpi ne, %convert_element_type3A, %cond3A : i32
    scf.if %cond3A_61 {
      "tpu.region"() ({
        %run_scoped3A = tpu.sem_alloc : memref<!tpu.dma_semaphore, #tpu.memory_space<semaphore_mem>>
        %dma_start3A_67 = arith.constant 0 : i32
        %dma_start3A_68 = tpu.memref_slice %arg5[%mul3A_9, %dma_start3A_67] : memref<10240x128xf32, #tpu.memory_space<hbm>> -> memref<640x128xf32, #tpu.memory_space<hbm>>
        %dma_start3A_69 = arith.constant 0 : i32
        %dma_start3A_70 = tpu.memref_slice %arg12[%mul3A_9, %dma_start3A_69] : memref<10240x128xf32, #tpu.memory_space<vmem_shared>> -> memref<640x128xf32, #tpu.memory_space<vmem_shared>>
        tpu.enqueue_dma source(%dma_start3A_70 : memref<640x128xf32, #tpu.memory_space<vmem_shared>>) target(%dma_start3A_68 : memref<640x128xf32, #tpu.memory_space<hbm>>) target_semaphore(%run_scoped3A : memref<!tpu.dma_semaphore, #tpu.memory_space<semaphore_mem>>)
        %dma_wait3A_71 = arith.constant 0 : i32
        %dma_wait3A_72 = tpu.memref_slice %arg5[%mul3A_9, %dma_wait3A_71] : memref<10240x128xf32, #tpu.memory_space<hbm>> -> memref<640x128xf32, #tpu.memory_space<hbm>>
        %dma_wait3A_73 = arith.constant 0 : i32
        %dma_wait3A_74 = tpu.memref_slice %arg12[%mul3A_9, %dma_wait3A_73] : memref<10240x128xf32, #tpu.memory_space<vmem_shared>> -> memref<640x128xf32, #tpu.memory_space<vmem_shared>>
        tpu.wait_dma2 semaphore(%run_scoped3A : memref<!tpu.dma_semaphore, #tpu.memory_space<semaphore_mem>>) src(%dma_wait3A_74 : memref<640x128xf32, #tpu.memory_space<vmem_shared>>) dst(%dma_wait3A_72 : memref<640x128xf32, #tpu.memory_space<hbm>>)
        tpu.yield
      }) : () -> ()
    } else {
    }
    %eq3A_62 = arith.constant 1 : i32
    %eq3A_63 = arith.cmpi eq, %arg0, %eq3A_62 : i32
    %convert_element_type3A_64 = arith.extui %eq3A_63 : i1 to i32
    %cond3A_65 = arith.constant 0 : i32
    %cond3A_66 = arith.cmpi ne, %convert_element_type3A_64, %cond3A_65 : i32
    scf.if %cond3A_66 {
      "tpu.region"() ({
        %run_scoped3A = tpu.sem_alloc : memref<!tpu.dma_semaphore, #tpu.memory_space<semaphore_mem>>
        %dma_start3A_67 = arith.constant 0 : i32
        %dma_start3A_68 = tpu.memref_slice %arg6[%mul3A_9, %dma_start3A_67] : memref<10240x128xf32, #tpu.memory_space<hbm>> -> memref<640x128xf32, #tpu.memory_space<hbm>>
        %dma_start3A_69 = arith.constant 0 : i32
        %dma_start3A_70 = tpu.memref_slice %arg12[%mul3A_9, %dma_start3A_69] : memref<10240x128xf32, #tpu.memory_space<vmem_shared>> -> memref<640x128xf32, #tpu.memory_space<vmem_shared>>
        tpu.enqueue_dma source(%dma_start3A_70 : memref<640x128xf32, #tpu.memory_space<vmem_shared>>) target(%dma_start3A_68 : memref<640x128xf32, #tpu.memory_space<hbm>>) target_semaphore(%run_scoped3A : memref<!tpu.dma_semaphore, #tpu.memory_space<semaphore_mem>>)
        %dma_wait3A_71 = arith.constant 0 : i32
        %dma_wait3A_72 = tpu.memref_slice %arg6[%mul3A_9, %dma_wait3A_71] : memref<10240x128xf32, #tpu.memory_space<hbm>> -> memref<640x128xf32, #tpu.memory_space<hbm>>
        %dma_wait3A_73 = arith.constant 0 : i32
        %dma_wait3A_74 = tpu.memref_slice %arg12[%mul3A_9, %dma_wait3A_73] : memref<10240x128xf32, #tpu.memory_space<vmem_shared>> -> memref<640x128xf32, #tpu.memory_space<vmem_shared>>
        tpu.wait_dma2 semaphore(%run_scoped3A : memref<!tpu.dma_semaphore, #tpu.memory_space<semaphore_mem>>) src(%dma_wait3A_74 : memref<640x128xf32, #tpu.memory_space<vmem_shared>>) dst(%dma_wait3A_72 : memref<640x128xf32, #tpu.memory_space<hbm>>)
        tpu.yield
      }) : () -> ()
    } else {
    }
    return
  }
}

#map = affine_map<(d0, d1) -> (0, 0)>
module attributes {stable_mosaic.version = 14 : i64} {
  func.func @_seg_kernel(%arg0: i32, %arg1: i32, %arg2: memref<10240x128xf32, #tpu.memory_space<hbm>>, %arg3: memref<2560x128xi32, #tpu.memory_space<hbm>>, %arg4: memref<2560x128xi32, #tpu.memory_space<hbm>>, %arg5: memref<10240x128xf32, #tpu.memory_space<hbm>>, %arg6: memref<10240x128xf32, #tpu.memory_space<hbm>>, %arg7: memref<40x128xi32, #tpu.memory_space<vmem>>, %arg8: memref<40x128xi32, #tpu.memory_space<vmem>>, %arg9: memref<128x128xf32, #tpu.memory_space<vmem>>, %arg10: memref<128x128xf32, #tpu.memory_space<vmem>>, %arg11: memref<32x128xf32, #tpu.memory_space<vmem>>, %arg12: memref<10240x128xf32, #tpu.memory_space<vmem_shared>>, %arg13: memref<!tpu.dma_semaphore, #tpu.memory_space<semaphore_mem>>, %arg14: memref<!tpu.dma_semaphore, #tpu.memory_space<semaphore_mem>>) attributes {dimension_semantics = [#tpu.dimension_semantics<core_parallel>, #tpu.dimension_semantics<subcore_parallel>], iteration_bounds = array<i64: 2, 16>, scalar_prefetch = 0 : i64, scratch_operands = 8 : i64, tpu.core_type = #tpu.core_type<sc_vector_subcore>, window_params = [{transform_indices = #map}, {transform_indices = #map}, {transform_indices = #map}, {transform_indices = #map}, {transform_indices = #map}]} {
    %mul3A = arith.constant 2 : i32
    %mul3A_0 = arith.muli %arg1, %mul3A : i32
    %add3A = arith.addi %mul3A_0, %arg0 : i32
    %mul3A_1 = arith.constant 80 : i32
    %mul3A_2 = arith.muli %add3A, %mul3A_1 : i32
    %broadcast_in_dim3A = arith.constant 0.000000e+00 : f32
    %broadcast_in_dim3A_3 = vector.broadcast %broadcast_in_dim3A : f32 to vector<16xf32>
    %scan3A = arith.constant 0 : i32
    %scan3A_4 = arith.constant 32 : i32
    %scan3A_5 = arith.addi %scan3A, %scan3A_4 : i32
    %scan3A_6 = arith.constant 1 : i32
    scf.for %scan3A_67 = %scan3A to %scan3A_5 step %scan3A_6  : i32 {
      %mul3A_68 = arith.constant 1 : i32
      %mul3A_69 = arith.muli %scan3A_67, %mul3A_68 : i32
      %add3A_70 = arith.constant 0 : i32
      %add3A_71 = arith.addi %add3A_70, %mul3A_69 : i32
      %swap3A = arith.index_cast %add3A_71 : i32 to index
      %swap3A_72 = arith.constant 0 : index
      %swap3A_73 = tpu.vector_load %arg11[%swap3A, %swap3A_72] {strides = array<i32>} : memref<32x128xf32, #tpu.memory_space<vmem>>, vector<1x16xf32>,
      %swap3A_74 = vector.shape_cast %swap3A_73 : vector<1x16xf32> to vector<16xf32>
      %swap3A_75 = vector.shape_cast %broadcast_in_dim3A_3 : vector<16xf32> to vector<1x16xf32>
      tpu.vector_store %arg11[%swap3A, %swap3A_72], %swap3A_75 {strides = array<i32>} : memref<32x128xf32, #tpu.memory_space<vmem>>, vector<1x16xf32>,
      %swap3A_76 = arith.index_cast %add3A_71 : i32 to index
      %swap3A_77 = arith.constant 16 : index
      %swap3A_78 = tpu.vector_load %arg11[%swap3A_76, %swap3A_77] {strides = array<i32>} : memref<32x128xf32, #tpu.memory_space<vmem>>, vector<1x16xf32>,
      %swap3A_79 = vector.shape_cast %swap3A_78 : vector<1x16xf32> to vector<16xf32>
      %swap3A_80 = vector.shape_cast %broadcast_in_dim3A_3 : vector<16xf32> to vector<1x16xf32>
      tpu.vector_store %arg11[%swap3A_76, %swap3A_77], %swap3A_80 {strides = array<i32>} : memref<32x128xf32, #tpu.memory_space<vmem>>, vector<1x16xf32>,
      %swap3A_81 = arith.index_cast %add3A_71 : i32 to index
      %swap3A_82 = arith.constant 32 : index
      %swap3A_83 = tpu.vector_load %arg11[%swap3A_81, %swap3A_82] {strides = array<i32>} : memref<32x128xf32, #tpu.memory_space<vmem>>, vector<1x16xf32>,
      %swap3A_84 = vector.shape_cast %swap3A_83 : vector<1x16xf32> to vector<16xf32>
      %swap3A_85 = vector.shape_cast %broadcast_in_dim3A_3 : vector<16xf32> to vector<1x16xf32>
      tpu.vector_store %arg11[%swap3A_81, %swap3A_82], %swap3A_85 {strides = array<i32>} : memref<32x128xf32, #tpu.memory_space<vmem>>, vector<1x16xf32>,
      %swap3A_86 = arith.index_cast %add3A_71 : i32 to index
      %swap3A_87 = arith.constant 48 : index
      %swap3A_88 = tpu.vector_load %arg11[%swap3A_86, %swap3A_87] {strides = array<i32>} : memref<32x128xf32, #tpu.memory_space<vmem>>, vector<1x16xf32>,
      %swap3A_89 = vector.shape_cast %swap3A_88 : vector<1x16xf32> to vector<16xf32>
      %swap3A_90 = vector.shape_cast %broadcast_in_dim3A_3 : vector<16xf32> to vector<1x16xf32>
      tpu.vector_store %arg11[%swap3A_86, %swap3A_87], %swap3A_90 {strides = array<i32>} : memref<32x128xf32, #tpu.memory_space<vmem>>, vector<1x16xf32>,
      %swap3A_91 = arith.index_cast %add3A_71 : i32 to index
      %swap3A_92 = arith.constant 64 : index
      %swap3A_93 = tpu.vector_load %arg11[%swap3A_91, %swap3A_92] {strides = array<i32>} : memref<32x128xf32, #tpu.memory_space<vmem>>, vector<1x16xf32>,
      %swap3A_94 = vector.shape_cast %swap3A_93 : vector<1x16xf32> to vector<16xf32>
      %swap3A_95 = vector.shape_cast %broadcast_in_dim3A_3 : vector<16xf32> to vector<1x16xf32>
      tpu.vector_store %arg11[%swap3A_91, %swap3A_92], %swap3A_95 {strides = array<i32>} : memref<32x128xf32, #tpu.memory_space<vmem>>, vector<1x16xf32>,
      %swap3A_96 = arith.index_cast %add3A_71 : i32 to index
      %swap3A_97 = arith.constant 80 : index
      %swap3A_98 = tpu.vector_load %arg11[%swap3A_96, %swap3A_97] {strides = array<i32>} : memref<32x128xf32, #tpu.memory_space<vmem>>, vector<1x16xf32>,
      %swap3A_99 = vector.shape_cast %swap3A_98 : vector<1x16xf32> to vector<16xf32>
      %swap3A_100 = vector.shape_cast %broadcast_in_dim3A_3 : vector<16xf32> to vector<1x16xf32>
      tpu.vector_store %arg11[%swap3A_96, %swap3A_97], %swap3A_100 {strides = array<i32>} : memref<32x128xf32, #tpu.memory_space<vmem>>, vector<1x16xf32>,
      %swap3A_101 = arith.index_cast %add3A_71 : i32 to index
      %swap3A_102 = arith.constant 96 : index
      %swap3A_103 = tpu.vector_load %arg11[%swap3A_101, %swap3A_102] {strides = array<i32>} : memref<32x128xf32, #tpu.memory_space<vmem>>, vector<1x16xf32>,
      %swap3A_104 = vector.shape_cast %swap3A_103 : vector<1x16xf32> to vector<16xf32>
      %swap3A_105 = vector.shape_cast %broadcast_in_dim3A_3 : vector<16xf32> to vector<1x16xf32>
      tpu.vector_store %arg11[%swap3A_101, %swap3A_102], %swap3A_105 {strides = array<i32>} : memref<32x128xf32, #tpu.memory_space<vmem>>, vector<1x16xf32>,
      %swap3A_106 = arith.index_cast %add3A_71 : i32 to index
      %swap3A_107 = arith.constant 112 : index
      %swap3A_108 = tpu.vector_load %arg11[%swap3A_106, %swap3A_107] {strides = array<i32>} : memref<32x128xf32, #tpu.memory_space<vmem>>, vector<1x16xf32>,
      %swap3A_109 = vector.shape_cast %swap3A_108 : vector<1x16xf32> to vector<16xf32>
      %swap3A_110 = vector.shape_cast %broadcast_in_dim3A_3 : vector<16xf32> to vector<1x16xf32>
      tpu.vector_store %arg11[%swap3A_106, %swap3A_107], %swap3A_110 {strides = array<i32>} : memref<32x128xf32, #tpu.memory_space<vmem>>, vector<1x16xf32>,
    }
    %scan3A_7 = arith.constant 32 : i32
    %mul3A_8 = arith.constant 640 : i32
    %mul3A_9 = arith.muli %arg1, %mul3A_8 : i32
    %scan3A_10 = arith.constant 0 : i32
    %scan3A_11 = arith.constant 20 : i32
    %scan3A_12 = arith.addi %scan3A_10, %scan3A_11 : i32
    %scan3A_13 = arith.constant 1 : i32
    scf.for %scan3A_67 = %scan3A_10 to %scan3A_12 step %scan3A_13  : i32 {
      %mul3A_68 = arith.constant 1 : i32
      %mul3A_69 = arith.muli %scan3A_67, %mul3A_68 : i32
      %add3A_70 = arith.constant 0 : i32
      %add3A_71 = arith.addi %add3A_70, %mul3A_69 : i32
      %mul3A_72 = arith.constant 32 : i32
      %mul3A_73 = arith.muli %add3A_71, %mul3A_72 : i32
      %add3A_74 = arith.addi %mul3A_9, %mul3A_73 : i32
      "tpu.region"() ({
        %run_scoped3A = tpu.sem_alloc : memref<!tpu.dma_semaphore, #tpu.memory_space<semaphore_mem>>
        %dma_start3A_75 = arith.constant 0 : i32
        %dma_start3A_76 = tpu.memref_slice %arg12[%add3A_74, %dma_start3A_75] : memref<10240x128xf32, #tpu.memory_space<vmem_shared>> -> memref<32x128xf32, #tpu.memory_space<vmem_shared>>
        %dma_start3A_77 = arith.constant 0 : i32
        %dma_start3A_78 = tpu.memref_slice %arg12[%add3A_74, %dma_start3A_77] : memref<10240x128xf32, #tpu.memory_space<vmem_shared>> -> memref<32x128xf32, #tpu.memory_space<vmem_shared>>
        tpu.enqueue_dma source(%arg11 : memref<32x128xf32, #tpu.memory_space<vmem>>) target(%dma_start3A_78 : memref<32x128xf32, #tpu.memory_space<vmem_shared>>) target_semaphore(%run_scoped3A : memref<!tpu.dma_semaphore, #tpu.memory_space<semaphore_mem>>)
        %dma_wait3A_79 = arith.constant 0 : i32
        %dma_wait3A_80 = tpu.memref_slice %arg12[%add3A_74, %dma_wait3A_79] : memref<10240x128xf32, #tpu.memory_space<vmem_shared>> -> memref<32x128xf32, #tpu.memory_space<vmem_shared>>
        %dma_wait3A_81 = arith.constant 0 : i32
        %dma_wait3A_82 = tpu.memref_slice %arg12[%add3A_74, %dma_wait3A_81] : memref<10240x128xf32, #tpu.memory_space<vmem_shared>> -> memref<32x128xf32, #tpu.memory_space<vmem_shared>>
        tpu.wait_dma2 semaphore(%run_scoped3A : memref<!tpu.dma_semaphore, #tpu.memory_space<semaphore_mem>>) src(%arg11 : memref<32x128xf32, #tpu.memory_space<vmem>>) dst(%dma_wait3A_82 : memref<32x128xf32, #tpu.memory_space<vmem_shared>>)
        tpu.yield
      }) : () -> ()
    }
    %scan3A_14 = arith.constant 20 : i32
    %barrier3A = arith.constant 0 : index
    tpu.barrier barrier_id(%barrier3A)
    %add3A_15 = arith.constant 0 : i32
    %add3A_16 = arith.addi %mul3A_2, %add3A_15 : i32
    "tpu.region"() ({
      %run_scoped3A = tpu.sem_alloc : memref<!tpu.dma_semaphore, #tpu.memory_space<semaphore_mem>>
      %dma_start3A_67 = arith.constant 0 : i32
      %dma_start3A_68 = tpu.memref_slice %arg3[%add3A_16, %dma_start3A_67] : memref<2560x128xi32, #tpu.memory_space<hbm>> -> memref<40x128xi32, #tpu.memory_space<hbm>>
      %dma_start3A_69 = arith.constant 0 : i32
      %dma_start3A_70 = tpu.memref_slice %arg3[%add3A_16, %dma_start3A_69] : memref<2560x128xi32, #tpu.memory_space<hbm>> -> memref<40x128xi32, #tpu.memory_space<hbm>>
      tpu.enqueue_dma source(%dma_start3A_70 : memref<40x128xi32, #tpu.memory_space<hbm>>) target(%arg7 : memref<40x128xi32, #tpu.memory_space<vmem>>) target_semaphore(%run_scoped3A : memref<!tpu.dma_semaphore, #tpu.memory_space<semaphore_mem>>)
      %dma_wait3A_71 = arith.constant 0 : i32
      %dma_wait3A_72 = tpu.memref_slice %arg3[%add3A_16, %dma_wait3A_71] : memref<2560x128xi32, #tpu.memory_space<hbm>> -> memref<40x128xi32, #tpu.memory_space<hbm>>
      %dma_wait3A_73 = arith.constant 0 : i32
      %dma_wait3A_74 = tpu.memref_slice %arg3[%add3A_16, %dma_wait3A_73] : memref<2560x128xi32, #tpu.memory_space<hbm>> -> memref<40x128xi32, #tpu.memory_space<hbm>>
      tpu.wait_dma2 semaphore(%run_scoped3A : memref<!tpu.dma_semaphore, #tpu.memory_space<semaphore_mem>>) src(%dma_wait3A_74 : memref<40x128xi32, #tpu.memory_space<hbm>>) dst(%arg7 : memref<40x128xi32, #tpu.memory_space<vmem>>)
      tpu.yield
    }) : () -> ()
    %add3A_17 = arith.constant 0 : i32
    %add3A_18 = arith.addi %mul3A_2, %add3A_17 : i32
    "tpu.region"() ({
      %run_scoped3A = tpu.sem_alloc : memref<!tpu.dma_semaphore, #tpu.memory_space<semaphore_mem>>
      %dma_start3A_67 = arith.constant 0 : i32
      %dma_start3A_68 = tpu.memref_slice %arg4[%add3A_18, %dma_start3A_67] : memref<2560x128xi32, #tpu.memory_space<hbm>> -> memref<40x128xi32, #tpu.memory_space<hbm>>
      %dma_start3A_69 = arith.constant 0 : i32
      %dma_start3A_70 = tpu.memref_slice %arg4[%add3A_18, %dma_start3A_69] : memref<2560x128xi32, #tpu.memory_space<hbm>> -> memref<40x128xi32, #tpu.memory_space<hbm>>
      tpu.enqueue_dma source(%dma_start3A_70 : memref<40x128xi32, #tpu.memory_space<hbm>>) target(%arg8 : memref<40x128xi32, #tpu.memory_space<vmem>>) target_semaphore(%run_scoped3A : memref<!tpu.dma_semaphore, #tpu.memory_space<semaphore_mem>>)
      %dma_wait3A_71 = arith.constant 0 : i32
      %dma_wait3A_72 = tpu.memref_slice %arg4[%add3A_18, %dma_wait3A_71] : memref<2560x128xi32, #tpu.memory_space<hbm>> -> memref<40x128xi32, #tpu.memory_space<hbm>>
      %dma_wait3A_73 = arith.constant 0 : i32
      %dma_wait3A_74 = tpu.memref_slice %arg4[%add3A_18, %dma_wait3A_73] : memref<2560x128xi32, #tpu.memory_space<hbm>> -> memref<40x128xi32, #tpu.memory_space<hbm>>
      tpu.wait_dma2 semaphore(%run_scoped3A : memref<!tpu.dma_semaphore, #tpu.memory_space<semaphore_mem>>) src(%dma_wait3A_74 : memref<40x128xi32, #tpu.memory_space<hbm>>) dst(%arg8 : memref<40x128xi32, #tpu.memory_space<vmem>>)
      tpu.yield
    }) : () -> ()
    %dma_start3A = arith.constant 0 : i32
    %dma_start3A_19 = arith.constant 0 : i32
    %dma_start3A_20 = tpu.memref_slice %arg7[%dma_start3A, %dma_start3A_19] : memref<40x128xi32, #tpu.memory_space<vmem>> -> memref<1x128xi32, #tpu.memory_space<vmem>>
    %dma_start3A_21 = tpu.memref_squeeze %dma_start3A_20 : memref<1x128xi32, #tpu.memory_space<vmem>> -> memref<128xi32, #tpu.memory_space<vmem>>
    %dma_start3A_22 = arith.constant 0 : i32
    %dma_start3A_23 = arith.constant 0 : i32
    %dma_start3A_24 = tpu.memref_slice %arg2[%dma_start3A_22, %dma_start3A_23] : memref<10240x128xf32, #tpu.memory_space<hbm>> -> memref<10240x128xf32, #tpu.memory_space<hbm>>
    tpu.enqueue_indirect_dma source(%dma_start3A_24 : memref<10240x128xf32, #tpu.memory_space<hbm>>) target(%arg9 : memref<128x128xf32, #tpu.memory_space<vmem>>) offsets(%dma_start3A_21 : memref<128xi32, #tpu.memory_space<vmem>>) semaphore(%arg13 : memref<!tpu.dma_semaphore, #tpu.memory_space<semaphore_mem>>)
    %scan3A_25 = arith.constant 0 : i32
    %scan3A_26 = arith.constant 40 : i32
    %scan3A_27 = arith.addi %scan3A_25, %scan3A_26 : i32
    %scan3A_28 = arith.constant 1 : i32
    scf.for %scan3A_67 = %scan3A_25 to %scan3A_27 step %scan3A_28  : i32 {
      %mul3A_68 = arith.constant 1 : i32
      %mul3A_69 = arith.muli %scan3A_67, %mul3A_68 : i32
      %add3A_70 = arith.constant 0 : i32
      %add3A_71 = arith.addi %add3A_70, %mul3A_69 : i32
      %jit3A = arith.constant 2 : i32
      %eq3A_72 = arith.constant 0 : i32
      %eq3A_73 = arith.cmpi eq, %jit3A, %eq3A_72 : i32
      %jit3A_74 = arith.constant 1 : i32
      %select_n3A = arith.select %eq3A_73, %jit3A_74, %jit3A : i32
      %rem3A = arith.remsi %add3A_71, %select_n3A : i32
      %ne3A = arith.constant 0 : i32
      %ne3A_75 = arith.cmpi ne, %rem3A, %ne3A : i32
      %lt3A = arith.constant 0 : i32
      %lt3A_76 = arith.cmpi slt, %rem3A, %lt3A : i32
      %lt3A_77 = arith.constant 0 : i32
      %lt3A_78 = arith.cmpi slt, %select_n3A, %lt3A_77 : i32
      %ne3A_79 = arith.xori %lt3A_76, %lt3A_78 : i1
      %and3A = arith.andi %ne3A_79, %ne3A_75 : i1
      %add3A_80 = arith.addi %rem3A, %select_n3A : i32
      %select_n3A_81 = arith.select %and3A, %add3A_80, %rem3A : i32
      %eq3A_82 = arith.constant 0 : i32
      %eq3A_83 = arith.cmpi eq, %select_n3A_81, %eq3A_82 : i32
      %convert_element_type3A_84 = arith.extui %eq3A_83 : i1 to i32
      %cond3A_85 = arith.constant 0 : i32
      %cond3A_86 = arith.cmpi ne, %convert_element_type3A_84, %cond3A_85 : i32
      scf.if %cond3A_86 {
        %dma_wait3A_108 = arith.constant 0 : i32
        %dma_wait3A_109 = tpu.memref_slice %arg7[%add3A_71, %dma_wait3A_108] : memref<40x128xi32, #tpu.memory_space<vmem>> -> memref<1x128xi32, #tpu.memory_space<vmem>>
        %dma_wait3A_110 = tpu.memref_squeeze %dma_wait3A_109 : memref<1x128xi32, #tpu.memory_space<vmem>> -> memref<128xi32, #tpu.memory_space<vmem>>
        %dma_wait3A_111 = arith.constant 0 : i32
        %dma_wait3A_112 = arith.constant 0 : i32
        %dma_wait3A_113 = tpu.memref_slice %arg2[%dma_wait3A_111, %dma_wait3A_112] : memref<10240x128xf32, #tpu.memory_space<hbm>> -> memref<10240x128xf32, #tpu.memory_space<hbm>>
        tpu.wait_indirect_dma semaphore(%arg13 : memref<!tpu.dma_semaphore, #tpu.memory_space<semaphore_mem>>) src(%dma_wait3A_113 : memref<10240x128xf32, #tpu.memory_space<hbm>>) dst(%arg9 : memref<128x128xf32, #tpu.memory_space<vmem>>)
        %dma_start3A_114 = arith.constant 0 : i32
        %dma_start3A_115 = tpu.memref_slice %arg8[%add3A_71, %dma_start3A_114] : memref<40x128xi32, #tpu.memory_space<vmem>> -> memref<1x128xi32, #tpu.memory_space<vmem>>
        %dma_start3A_116 = tpu.memref_squeeze %dma_start3A_115 : memref<1x128xi32, #tpu.memory_space<vmem>> -> memref<128xi32, #tpu.memory_space<vmem>>
        %dma_start3A_117 = arith.constant 0 : i32
        %dma_start3A_118 = arith.constant 0 : i32
        %dma_start3A_119 = tpu.memref_slice %arg12[%dma_start3A_117, %dma_start3A_118] : memref<10240x128xf32, #tpu.memory_space<vmem_shared>> -> memref<10240x128xf32, #tpu.memory_space<vmem_shared>>
        tpu.enqueue_indirect_dma source(%arg9 : memref<128x128xf32, #tpu.memory_space<vmem>>) target(%dma_start3A_119 : memref<10240x128xf32, #tpu.memory_space<vmem_shared>>) offsets(%dma_start3A_116 : memref<128xi32, #tpu.memory_space<vmem>>) semaphore(%arg14 : memref<!tpu.dma_semaphore, #tpu.memory_space<semaphore_mem>>) {add = true}
        %ge3A = arith.constant 1 : i32
        %ge3A_120 = arith.cmpi sge, %add3A_71, %ge3A : i32
        %convert_element_type3A_121 = arith.extui %ge3A_120 : i1 to i32
        %cond3A_122 = arith.constant 0 : i32
        %cond3A_123 = arith.cmpi ne, %convert_element_type3A_121, %cond3A_122 : i32
        scf.if %cond3A_123 {
          %dma_wait3A_131 = arith.constant 0 : i32
          %dma_wait3A_132 = tpu.memref_slice %arg8[%add3A_71, %dma_wait3A_131] : memref<40x128xi32, #tpu.memory_space<vmem>> -> memref<1x128xi32, #tpu.memory_space<vmem>>
          %dma_wait3A_133 = tpu.memref_squeeze %dma_wait3A_132 : memref<1x128xi32, #tpu.memory_space<vmem>> -> memref<128xi32, #tpu.memory_space<vmem>>
          %dma_wait3A_134 = arith.constant 0 : i32
          %dma_wait3A_135 = arith.constant 0 : i32
          %dma_wait3A_136 = tpu.memref_slice %arg12[%dma_wait3A_134, %dma_wait3A_135] : memref<10240x128xf32, #tpu.memory_space<vmem_shared>> -> memref<10240x128xf32, #tpu.memory_space<vmem_shared>>
          tpu.wait_indirect_dma semaphore(%arg14 : memref<!tpu.dma_semaphore, #tpu.memory_space<semaphore_mem>>) src(%arg10 : memref<128x128xf32, #tpu.memory_space<vmem>>) dst(%dma_wait3A_136 : memref<10240x128xf32, #tpu.memory_space<vmem_shared>>)
        } else {
        }
        %add3A_124 = arith.constant 1 : i32
        %add3A_125 = arith.addi %add3A_71, %add3A_124 : i32
        %lt3A_126 = arith.constant 40 : i32
        %lt3A_127 = arith.cmpi slt, %add3A_125, %lt3A_126 : i32
        %convert_element_type3A_128 = arith.extui %lt3A_127 : i1 to i32
        %cond3A_129 = arith.constant 0 : i32
        %cond3A_130 = arith.cmpi ne, %convert_element_type3A_128, %cond3A_129 : i32
        scf.if %cond3A_130 {
          %add3A_131 = arith.constant 1 : i32
          %add3A_132 = arith.addi %add3A_71, %add3A_131 : i32
          %dma_start3A_133 = arith.constant 0 : i32
          %dma_start3A_134 = tpu.memref_slice %arg7[%add3A_132, %dma_start3A_133] : memref<40x128xi32, #tpu.memory_space<vmem>> -> memref<1x128xi32, #tpu.memory_space<vmem>>
          %dma_start3A_135 = tpu.memref_squeeze %dma_start3A_134 : memref<1x128xi32, #tpu.memory_space<vmem>> -> memref<128xi32, #tpu.memory_space<vmem>>
          %dma_start3A_136 = arith.constant 0 : i32
          %dma_start3A_137 = arith.constant 0 : i32
          %dma_start3A_138 = tpu.memref_slice %arg2[%dma_start3A_136, %dma_start3A_137] : memref<10240x128xf32, #tpu.memory_space<hbm>> -> memref<10240x128xf32, #tpu.memory_space<hbm>>
          tpu.enqueue_indirect_dma source(%dma_start3A_138 : memref<10240x128xf32, #tpu.memory_space<hbm>>) target(%arg10 : memref<128x128xf32, #tpu.memory_space<vmem>>) offsets(%dma_start3A_135 : memref<128xi32, #tpu.memory_space<vmem>>) semaphore(%arg13 : memref<!tpu.dma_semaphore, #tpu.memory_space<semaphore_mem>>)
        } else {
        }
      } else {
      }
      %jit3A_87 = arith.constant 2 : i32
      %eq3A_88 = arith.constant 0 : i32
      %eq3A_89 = arith.cmpi eq, %jit3A_87, %eq3A_88 : i32
      %jit3A_90 = arith.constant 1 : i32
      %select_n3A_91 = arith.select %eq3A_89, %jit3A_90, %jit3A_87 : i32
      %rem3A_92 = arith.remsi %add3A_71, %select_n3A_91 : i32
      %ne3A_93 = arith.constant 0 : i32
      %ne3A_94 = arith.cmpi ne, %rem3A_92, %ne3A_93 : i32
      %lt3A_95 = arith.constant 0 : i32
      %lt3A_96 = arith.cmpi slt, %rem3A_92, %lt3A_95 : i32
      %lt3A_97 = arith.constant 0 : i32
      %lt3A_98 = arith.cmpi slt, %select_n3A_91, %lt3A_97 : i32
      %ne3A_99 = arith.xori %lt3A_96, %lt3A_98 : i1
      %and3A_100 = arith.andi %ne3A_99, %ne3A_94 : i1
      %add3A_101 = arith.addi %rem3A_92, %select_n3A_91 : i32
      %select_n3A_102 = arith.select %and3A_100, %add3A_101, %rem3A_92 : i32
      %eq3A_103 = arith.constant 1 : i32
      %eq3A_104 = arith.cmpi eq, %select_n3A_102, %eq3A_103 : i32
      %convert_element_type3A_105 = arith.extui %eq3A_104 : i1 to i32
      %cond3A_106 = arith.constant 0 : i32
      %cond3A_107 = arith.cmpi ne, %convert_element_type3A_105, %cond3A_106 : i32
      scf.if %cond3A_107 {
        %dma_wait3A_108 = arith.constant 0 : i32
        %dma_wait3A_109 = tpu.memref_slice %arg7[%add3A_71, %dma_wait3A_108] : memref<40x128xi32, #tpu.memory_space<vmem>> -> memref<1x128xi32, #tpu.memory_space<vmem>>
        %dma_wait3A_110 = tpu.memref_squeeze %dma_wait3A_109 : memref<1x128xi32, #tpu.memory_space<vmem>> -> memref<128xi32, #tpu.memory_space<vmem>>
        %dma_wait3A_111 = arith.constant 0 : i32
        %dma_wait3A_112 = arith.constant 0 : i32
        %dma_wait3A_113 = tpu.memref_slice %arg2[%dma_wait3A_111, %dma_wait3A_112] : memref<10240x128xf32, #tpu.memory_space<hbm>> -> memref<10240x128xf32, #tpu.memory_space<hbm>>
        tpu.wait_indirect_dma semaphore(%arg13 : memref<!tpu.dma_semaphore, #tpu.memory_space<semaphore_mem>>) src(%dma_wait3A_113 : memref<10240x128xf32, #tpu.memory_space<hbm>>) dst(%arg10 : memref<128x128xf32, #tpu.memory_space<vmem>>)
        %dma_start3A_114 = arith.constant 0 : i32
        %dma_start3A_115 = tpu.memref_slice %arg8[%add3A_71, %dma_start3A_114] : memref<40x128xi32, #tpu.memory_space<vmem>> -> memref<1x128xi32, #tpu.memory_space<vmem>>
        %dma_start3A_116 = tpu.memref_squeeze %dma_start3A_115 : memref<1x128xi32, #tpu.memory_space<vmem>> -> memref<128xi32, #tpu.memory_space<vmem>>
        %dma_start3A_117 = arith.constant 0 : i32
        %dma_start3A_118 = arith.constant 0 : i32
        %dma_start3A_119 = tpu.memref_slice %arg12[%dma_start3A_117, %dma_start3A_118] : memref<10240x128xf32, #tpu.memory_space<vmem_shared>> -> memref<10240x128xf32, #tpu.memory_space<vmem_shared>>
        tpu.enqueue_indirect_dma source(%arg10 : memref<128x128xf32, #tpu.memory_space<vmem>>) target(%dma_start3A_119 : memref<10240x128xf32, #tpu.memory_space<vmem_shared>>) offsets(%dma_start3A_116 : memref<128xi32, #tpu.memory_space<vmem>>) semaphore(%arg14 : memref<!tpu.dma_semaphore, #tpu.memory_space<semaphore_mem>>) {add = true}
        %ge3A = arith.constant 1 : i32
        %ge3A_120 = arith.cmpi sge, %add3A_71, %ge3A : i32
        %convert_element_type3A_121 = arith.extui %ge3A_120 : i1 to i32
        %cond3A_122 = arith.constant 0 : i32
        %cond3A_123 = arith.cmpi ne, %convert_element_type3A_121, %cond3A_122 : i32
        scf.if %cond3A_123 {
          %dma_wait3A_131 = arith.constant 0 : i32
          %dma_wait3A_132 = tpu.memref_slice %arg8[%add3A_71, %dma_wait3A_131] : memref<40x128xi32, #tpu.memory_space<vmem>> -> memref<1x128xi32, #tpu.memory_space<vmem>>
          %dma_wait3A_133 = tpu.memref_squeeze %dma_wait3A_132 : memref<1x128xi32, #tpu.memory_space<vmem>> -> memref<128xi32, #tpu.memory_space<vmem>>
          %dma_wait3A_134 = arith.constant 0 : i32
          %dma_wait3A_135 = arith.constant 0 : i32
          %dma_wait3A_136 = tpu.memref_slice %arg12[%dma_wait3A_134, %dma_wait3A_135] : memref<10240x128xf32, #tpu.memory_space<vmem_shared>> -> memref<10240x128xf32, #tpu.memory_space<vmem_shared>>
          tpu.wait_indirect_dma semaphore(%arg14 : memref<!tpu.dma_semaphore, #tpu.memory_space<semaphore_mem>>) src(%arg9 : memref<128x128xf32, #tpu.memory_space<vmem>>) dst(%dma_wait3A_136 : memref<10240x128xf32, #tpu.memory_space<vmem_shared>>)
        } else {
        }
        %add3A_124 = arith.constant 1 : i32
        %add3A_125 = arith.addi %add3A_71, %add3A_124 : i32
        %lt3A_126 = arith.constant 40 : i32
        %lt3A_127 = arith.cmpi slt, %add3A_125, %lt3A_126 : i32
        %convert_element_type3A_128 = arith.extui %lt3A_127 : i1 to i32
        %cond3A_129 = arith.constant 0 : i32
        %cond3A_130 = arith.cmpi ne, %convert_element_type3A_128, %cond3A_129 : i32
        scf.if %cond3A_130 {
          %add3A_131 = arith.constant 1 : i32
          %add3A_132 = arith.addi %add3A_71, %add3A_131 : i32
          %dma_start3A_133 = arith.constant 0 : i32
          %dma_start3A_134 = tpu.memref_slice %arg7[%add3A_132, %dma_start3A_133] : memref<40x128xi32, #tpu.memory_space<vmem>> -> memref<1x128xi32, #tpu.memory_space<vmem>>
          %dma_start3A_135 = tpu.memref_squeeze %dma_start3A_134 : memref<1x128xi32, #tpu.memory_space<vmem>> -> memref<128xi32, #tpu.memory_space<vmem>>
          %dma_start3A_136 = arith.constant 0 : i32
          %dma_start3A_137 = arith.constant 0 : i32
          %dma_start3A_138 = tpu.memref_slice %arg2[%dma_start3A_136, %dma_start3A_137] : memref<10240x128xf32, #tpu.memory_space<hbm>> -> memref<10240x128xf32, #tpu.memory_space<hbm>>
          tpu.enqueue_indirect_dma source(%dma_start3A_138 : memref<10240x128xf32, #tpu.memory_space<hbm>>) target(%arg9 : memref<128x128xf32, #tpu.memory_space<vmem>>) offsets(%dma_start3A_135 : memref<128xi32, #tpu.memory_space<vmem>>) semaphore(%arg13 : memref<!tpu.dma_semaphore, #tpu.memory_space<semaphore_mem>>)
        } else {
        }
      } else {
      }
    }
    %scan3A_29 = arith.constant 40 : i32
    %dma_wait3A = arith.constant 39 : i32
    %dma_wait3A_30 = arith.constant 0 : i32
    %dma_wait3A_31 = tpu.memref_slice %arg8[%dma_wait3A, %dma_wait3A_30] : memref<40x128xi32, #tpu.memory_space<vmem>> -> memref<1x128xi32, #tpu.memory_space<vmem>>
    %dma_wait3A_32 = tpu.memref_squeeze %dma_wait3A_31 : memref<1x128xi32, #tpu.memory_space<vmem>> -> memref<128xi32, #tpu.memory_space<vmem>>
    %dma_wait3A_33 = arith.constant 0 : i32
    %dma_wait3A_34 = arith.constant 0 : i32
    %dma_wait3A_35 = tpu.memref_slice %arg12[%dma_wait3A_33, %dma_wait3A_34] : memref<10240x128xf32, #tpu.memory_space<vmem_shared>> -> memref<10240x128xf32, #tpu.memory_space<vmem_shared>>
    tpu.wait_indirect_dma semaphore(%arg14 : memref<!tpu.dma_semaphore, #tpu.memory_space<semaphore_mem>>) src(%arg9 : memref<128x128xf32, #tpu.memory_space<vmem>>) dst(%dma_wait3A_35 : memref<10240x128xf32, #tpu.memory_space<vmem_shared>>)
    %add3A_36 = arith.constant 40 : i32
    %add3A_37 = arith.addi %mul3A_2, %add3A_36 : i32
    "tpu.region"() ({
      %run_scoped3A = tpu.sem_alloc : memref<!tpu.dma_semaphore, #tpu.memory_space<semaphore_mem>>
      %dma_start3A_67 = arith.constant 0 : i32
      %dma_start3A_68 = tpu.memref_slice %arg3[%add3A_37, %dma_start3A_67] : memref<2560x128xi32, #tpu.memory_space<hbm>> -> memref<40x128xi32, #tpu.memory_space<hbm>>
      %dma_start3A_69 = arith.constant 0 : i32
      %dma_start3A_70 = tpu.memref_slice %arg3[%add3A_37, %dma_start3A_69] : memref<2560x128xi32, #tpu.memory_space<hbm>> -> memref<40x128xi32, #tpu.memory_space<hbm>>
      tpu.enqueue_dma source(%dma_start3A_70 : memref<40x128xi32, #tpu.memory_space<hbm>>) target(%arg7 : memref<40x128xi32, #tpu.memory_space<vmem>>) target_semaphore(%run_scoped3A : memref<!tpu.dma_semaphore, #tpu.memory_space<semaphore_mem>>)
      %dma_wait3A_71 = arith.constant 0 : i32
      %dma_wait3A_72 = tpu.memref_slice %arg3[%add3A_37, %dma_wait3A_71] : memref<2560x128xi32, #tpu.memory_space<hbm>> -> memref<40x128xi32, #tpu.memory_space<hbm>>
      %dma_wait3A_73 = arith.constant 0 : i32
      %dma_wait3A_74 = tpu.memref_slice %arg3[%add3A_37, %dma_wait3A_73] : memref<2560x128xi32, #tpu.memory_space<hbm>> -> memref<40x128xi32, #tpu.memory_space<hbm>>
      tpu.wait_dma2 semaphore(%run_scoped3A : memref<!tpu.dma_semaphore, #tpu.memory_space<semaphore_mem>>) src(%dma_wait3A_74 : memref<40x128xi32, #tpu.memory_space<hbm>>) dst(%arg7 : memref<40x128xi32, #tpu.memory_space<vmem>>)
      tpu.yield
    }) : () -> ()
    %add3A_38 = arith.constant 40 : i32
    %add3A_39 = arith.addi %mul3A_2, %add3A_38 : i32
    "tpu.region"() ({
      %run_scoped3A = tpu.sem_alloc : memref<!tpu.dma_semaphore, #tpu.memory_space<semaphore_mem>>
      %dma_start3A_67 = arith.constant 0 : i32
      %dma_start3A_68 = tpu.memref_slice %arg4[%add3A_39, %dma_start3A_67] : memref<2560x128xi32, #tpu.memory_space<hbm>> -> memref<40x128xi32, #tpu.memory_space<hbm>>
      %dma_start3A_69 = arith.constant 0 : i32
      %dma_start3A_70 = tpu.memref_slice %arg4[%add3A_39, %dma_start3A_69] : memref<2560x128xi32, #tpu.memory_space<hbm>> -> memref<40x128xi32, #tpu.memory_space<hbm>>
      tpu.enqueue_dma source(%dma_start3A_70 : memref<40x128xi32, #tpu.memory_space<hbm>>) target(%arg8 : memref<40x128xi32, #tpu.memory_space<vmem>>) target_semaphore(%run_scoped3A : memref<!tpu.dma_semaphore, #tpu.memory_space<semaphore_mem>>)
      %dma_wait3A_71 = arith.constant 0 : i32
      %dma_wait3A_72 = tpu.memref_slice %arg4[%add3A_39, %dma_wait3A_71] : memref<2560x128xi32, #tpu.memory_space<hbm>> -> memref<40x128xi32, #tpu.memory_space<hbm>>
      %dma_wait3A_73 = arith.constant 0 : i32
      %dma_wait3A_74 = tpu.memref_slice %arg4[%add3A_39, %dma_wait3A_73] : memref<2560x128xi32, #tpu.memory_space<hbm>> -> memref<40x128xi32, #tpu.memory_space<hbm>>
      tpu.wait_dma2 semaphore(%run_scoped3A : memref<!tpu.dma_semaphore, #tpu.memory_space<semaphore_mem>>) src(%dma_wait3A_74 : memref<40x128xi32, #tpu.memory_space<hbm>>) dst(%arg8 : memref<40x128xi32, #tpu.memory_space<vmem>>)
      tpu.yield
    }) : () -> ()
    %dma_start3A_40 = arith.constant 0 : i32
    %dma_start3A_41 = arith.constant 0 : i32
    %dma_start3A_42 = tpu.memref_slice %arg7[%dma_start3A_40, %dma_start3A_41] : memref<40x128xi32, #tpu.memory_space<vmem>> -> memref<1x128xi32, #tpu.memory_space<vmem>>
    %dma_start3A_43 = tpu.memref_squeeze %dma_start3A_42 : memref<1x128xi32, #tpu.memory_space<vmem>> -> memref<128xi32, #tpu.memory_space<vmem>>
    %dma_start3A_44 = arith.constant 0 : i32
    %dma_start3A_45 = arith.constant 0 : i32
    %dma_start3A_46 = tpu.memref_slice %arg2[%dma_start3A_44, %dma_start3A_45] : memref<10240x128xf32, #tpu.memory_space<hbm>> -> memref<10240x128xf32, #tpu.memory_space<hbm>>
    tpu.enqueue_indirect_dma source(%dma_start3A_46 : memref<10240x128xf32, #tpu.memory_space<hbm>>) target(%arg9 : memref<128x128xf32, #tpu.memory_space<vmem>>) offsets(%dma_start3A_43 : memref<128xi32, #tpu.memory_space<vmem>>) semaphore(%arg13 : memref<!tpu.dma_semaphore, #tpu.memory_space<semaphore_mem>>)
    %scan3A_47 = arith.constant 0 : i32
    %scan3A_48 = arith.constant 40 : i32
    %scan3A_49 = arith.addi %scan3A_47, %scan3A_48 : i32
    %scan3A_50 = arith.constant 1 : i32
    scf.for %scan3A_67 = %scan3A_47 to %scan3A_49 step %scan3A_50  : i32 {
      %mul3A_68 = arith.constant 1 : i32
      %mul3A_69 = arith.muli %scan3A_67, %mul3A_68 : i32
      %add3A_70 = arith.constant 0 : i32
      %add3A_71 = arith.addi %add3A_70, %mul3A_69 : i32
      %jit3A = arith.constant 2 : i32
      %eq3A_72 = arith.constant 0 : i32
      %eq3A_73 = arith.cmpi eq, %jit3A, %eq3A_72 : i32
      %jit3A_74 = arith.constant 1 : i32
      %select_n3A = arith.select %eq3A_73, %jit3A_74, %jit3A : i32
      %rem3A = arith.remsi %add3A_71, %select_n3A : i32
      %ne3A = arith.constant 0 : i32
      %ne3A_75 = arith.cmpi ne, %rem3A, %ne3A : i32
      %lt3A = arith.constant 0 : i32
      %lt3A_76 = arith.cmpi slt, %rem3A, %lt3A : i32
      %lt3A_77 = arith.constant 0 : i32
      %lt3A_78 = arith.cmpi slt, %select_n3A, %lt3A_77 : i32
      %ne3A_79 = arith.xori %lt3A_76, %lt3A_78 : i1
      %and3A = arith.andi %ne3A_79, %ne3A_75 : i1
      %add3A_80 = arith.addi %rem3A, %select_n3A : i32
      %select_n3A_81 = arith.select %and3A, %add3A_80, %rem3A : i32
      %eq3A_82 = arith.constant 0 : i32
      %eq3A_83 = arith.cmpi eq, %select_n3A_81, %eq3A_82 : i32
      %convert_element_type3A_84 = arith.extui %eq3A_83 : i1 to i32
      %cond3A_85 = arith.constant 0 : i32
      %cond3A_86 = arith.cmpi ne, %convert_element_type3A_84, %cond3A_85 : i32
      scf.if %cond3A_86 {
        %dma_wait3A_108 = arith.constant 0 : i32
        %dma_wait3A_109 = tpu.memref_slice %arg7[%add3A_71, %dma_wait3A_108] : memref<40x128xi32, #tpu.memory_space<vmem>> -> memref<1x128xi32, #tpu.memory_space<vmem>>
        %dma_wait3A_110 = tpu.memref_squeeze %dma_wait3A_109 : memref<1x128xi32, #tpu.memory_space<vmem>> -> memref<128xi32, #tpu.memory_space<vmem>>
        %dma_wait3A_111 = arith.constant 0 : i32
        %dma_wait3A_112 = arith.constant 0 : i32
        %dma_wait3A_113 = tpu.memref_slice %arg2[%dma_wait3A_111, %dma_wait3A_112] : memref<10240x128xf32, #tpu.memory_space<hbm>> -> memref<10240x128xf32, #tpu.memory_space<hbm>>
        tpu.wait_indirect_dma semaphore(%arg13 : memref<!tpu.dma_semaphore, #tpu.memory_space<semaphore_mem>>) src(%dma_wait3A_113 : memref<10240x128xf32, #tpu.memory_space<hbm>>) dst(%arg9 : memref<128x128xf32, #tpu.memory_space<vmem>>)
        %dma_start3A_114 = arith.constant 0 : i32
        %dma_start3A_115 = tpu.memref_slice %arg8[%add3A_71, %dma_start3A_114] : memref<40x128xi32, #tpu.memory_space<vmem>> -> memref<1x128xi32, #tpu.memory_space<vmem>>
        %dma_start3A_116 = tpu.memref_squeeze %dma_start3A_115 : memref<1x128xi32, #tpu.memory_space<vmem>> -> memref<128xi32, #tpu.memory_space<vmem>>
        %dma_start3A_117 = arith.constant 0 : i32
        %dma_start3A_118 = arith.constant 0 : i32
        %dma_start3A_119 = tpu.memref_slice %arg12[%dma_start3A_117, %dma_start3A_118] : memref<10240x128xf32, #tpu.memory_space<vmem_shared>> -> memref<10240x128xf32, #tpu.memory_space<vmem_shared>>
        tpu.enqueue_indirect_dma source(%arg9 : memref<128x128xf32, #tpu.memory_space<vmem>>) target(%dma_start3A_119 : memref<10240x128xf32, #tpu.memory_space<vmem_shared>>) offsets(%dma_start3A_116 : memref<128xi32, #tpu.memory_space<vmem>>) semaphore(%arg14 : memref<!tpu.dma_semaphore, #tpu.memory_space<semaphore_mem>>) {add = true}
        %ge3A = arith.constant 1 : i32
        %ge3A_120 = arith.cmpi sge, %add3A_71, %ge3A : i32
        %convert_element_type3A_121 = arith.extui %ge3A_120 : i1 to i32
        %cond3A_122 = arith.constant 0 : i32
        %cond3A_123 = arith.cmpi ne, %convert_element_type3A_121, %cond3A_122 : i32
        scf.if %cond3A_123 {
          %dma_wait3A_131 = arith.constant 0 : i32
          %dma_wait3A_132 = tpu.memref_slice %arg8[%add3A_71, %dma_wait3A_131] : memref<40x128xi32, #tpu.memory_space<vmem>> -> memref<1x128xi32, #tpu.memory_space<vmem>>
          %dma_wait3A_133 = tpu.memref_squeeze %dma_wait3A_132 : memref<1x128xi32, #tpu.memory_space<vmem>> -> memref<128xi32, #tpu.memory_space<vmem>>
          %dma_wait3A_134 = arith.constant 0 : i32
          %dma_wait3A_135 = arith.constant 0 : i32
          %dma_wait3A_136 = tpu.memref_slice %arg12[%dma_wait3A_134, %dma_wait3A_135] : memref<10240x128xf32, #tpu.memory_space<vmem_shared>> -> memref<10240x128xf32, #tpu.memory_space<vmem_shared>>
          tpu.wait_indirect_dma semaphore(%arg14 : memref<!tpu.dma_semaphore, #tpu.memory_space<semaphore_mem>>) src(%arg10 : memref<128x128xf32, #tpu.memory_space<vmem>>) dst(%dma_wait3A_136 : memref<10240x128xf32, #tpu.memory_space<vmem_shared>>)
        } else {
        }
        %add3A_124 = arith.constant 1 : i32
        %add3A_125 = arith.addi %add3A_71, %add3A_124 : i32
        %lt3A_126 = arith.constant 40 : i32
        %lt3A_127 = arith.cmpi slt, %add3A_125, %lt3A_126 : i32
        %convert_element_type3A_128 = arith.extui %lt3A_127 : i1 to i32
        %cond3A_129 = arith.constant 0 : i32
        %cond3A_130 = arith.cmpi ne, %convert_element_type3A_128, %cond3A_129 : i32
        scf.if %cond3A_130 {
          %add3A_131 = arith.constant 1 : i32
          %add3A_132 = arith.addi %add3A_71, %add3A_131 : i32
          %dma_start3A_133 = arith.constant 0 : i32
          %dma_start3A_134 = tpu.memref_slice %arg7[%add3A_132, %dma_start3A_133] : memref<40x128xi32, #tpu.memory_space<vmem>> -> memref<1x128xi32, #tpu.memory_space<vmem>>
          %dma_start3A_135 = tpu.memref_squeeze %dma_start3A_134 : memref<1x128xi32, #tpu.memory_space<vmem>> -> memref<128xi32, #tpu.memory_space<vmem>>
          %dma_start3A_136 = arith.constant 0 : i32
          %dma_start3A_137 = arith.constant 0 : i32
          %dma_start3A_138 = tpu.memref_slice %arg2[%dma_start3A_136, %dma_start3A_137] : memref<10240x128xf32, #tpu.memory_space<hbm>> -> memref<10240x128xf32, #tpu.memory_space<hbm>>
          tpu.enqueue_indirect_dma source(%dma_start3A_138 : memref<10240x128xf32, #tpu.memory_space<hbm>>) target(%arg10 : memref<128x128xf32, #tpu.memory_space<vmem>>) offsets(%dma_start3A_135 : memref<128xi32, #tpu.memory_space<vmem>>) semaphore(%arg13 : memref<!tpu.dma_semaphore, #tpu.memory_space<semaphore_mem>>)
        } else {
        }
      } else {
      }
      %jit3A_87 = arith.constant 2 : i32
      %eq3A_88 = arith.constant 0 : i32
      %eq3A_89 = arith.cmpi eq, %jit3A_87, %eq3A_88 : i32
      %jit3A_90 = arith.constant 1 : i32
      %select_n3A_91 = arith.select %eq3A_89, %jit3A_90, %jit3A_87 : i32
      %rem3A_92 = arith.remsi %add3A_71, %select_n3A_91 : i32
      %ne3A_93 = arith.constant 0 : i32
      %ne3A_94 = arith.cmpi ne, %rem3A_92, %ne3A_93 : i32
      %lt3A_95 = arith.constant 0 : i32
      %lt3A_96 = arith.cmpi slt, %rem3A_92, %lt3A_95 : i32
      %lt3A_97 = arith.constant 0 : i32
      %lt3A_98 = arith.cmpi slt, %select_n3A_91, %lt3A_97 : i32
      %ne3A_99 = arith.xori %lt3A_96, %lt3A_98 : i1
      %and3A_100 = arith.andi %ne3A_99, %ne3A_94 : i1
      %add3A_101 = arith.addi %rem3A_92, %select_n3A_91 : i32
      %select_n3A_102 = arith.select %and3A_100, %add3A_101, %rem3A_92 : i32
      %eq3A_103 = arith.constant 1 : i32
      %eq3A_104 = arith.cmpi eq, %select_n3A_102, %eq3A_103 : i32
      %convert_element_type3A_105 = arith.extui %eq3A_104 : i1 to i32
      %cond3A_106 = arith.constant 0 : i32
      %cond3A_107 = arith.cmpi ne, %convert_element_type3A_105, %cond3A_106 : i32
      scf.if %cond3A_107 {
        %dma_wait3A_108 = arith.constant 0 : i32
        %dma_wait3A_109 = tpu.memref_slice %arg7[%add3A_71, %dma_wait3A_108] : memref<40x128xi32, #tpu.memory_space<vmem>> -> memref<1x128xi32, #tpu.memory_space<vmem>>
        %dma_wait3A_110 = tpu.memref_squeeze %dma_wait3A_109 : memref<1x128xi32, #tpu.memory_space<vmem>> -> memref<128xi32, #tpu.memory_space<vmem>>
        %dma_wait3A_111 = arith.constant 0 : i32
        %dma_wait3A_112 = arith.constant 0 : i32
        %dma_wait3A_113 = tpu.memref_slice %arg2[%dma_wait3A_111, %dma_wait3A_112] : memref<10240x128xf32, #tpu.memory_space<hbm>> -> memref<10240x128xf32, #tpu.memory_space<hbm>>
        tpu.wait_indirect_dma semaphore(%arg13 : memref<!tpu.dma_semaphore, #tpu.memory_space<semaphore_mem>>) src(%dma_wait3A_113 : memref<10240x128xf32, #tpu.memory_space<hbm>>) dst(%arg10 : memref<128x128xf32, #tpu.memory_space<vmem>>)
        %dma_start3A_114 = arith.constant 0 : i32
        %dma_start3A_115 = tpu.memref_slice %arg8[%add3A_71, %dma_start3A_114] : memref<40x128xi32, #tpu.memory_space<vmem>> -> memref<1x128xi32, #tpu.memory_space<vmem>>
        %dma_start3A_116 = tpu.memref_squeeze %dma_start3A_115 : memref<1x128xi32, #tpu.memory_space<vmem>> -> memref<128xi32, #tpu.memory_space<vmem>>
        %dma_start3A_117 = arith.constant 0 : i32
        %dma_start3A_118 = arith.constant 0 : i32
        %dma_start3A_119 = tpu.memref_slice %arg12[%dma_start3A_117, %dma_start3A_118] : memref<10240x128xf32, #tpu.memory_space<vmem_shared>> -> memref<10240x128xf32, #tpu.memory_space<vmem_shared>>
        tpu.enqueue_indirect_dma source(%arg10 : memref<128x128xf32, #tpu.memory_space<vmem>>) target(%dma_start3A_119 : memref<10240x128xf32, #tpu.memory_space<vmem_shared>>) offsets(%dma_start3A_116 : memref<128xi32, #tpu.memory_space<vmem>>) semaphore(%arg14 : memref<!tpu.dma_semaphore, #tpu.memory_space<semaphore_mem>>) {add = true}
        %ge3A = arith.constant 1 : i32
        %ge3A_120 = arith.cmpi sge, %add3A_71, %ge3A : i32
        %convert_element_type3A_121 = arith.extui %ge3A_120 : i1 to i32
        %cond3A_122 = arith.constant 0 : i32
        %cond3A_123 = arith.cmpi ne, %convert_element_type3A_121, %cond3A_122 : i32
        scf.if %cond3A_123 {
          %dma_wait3A_131 = arith.constant 0 : i32
          %dma_wait3A_132 = tpu.memref_slice %arg8[%add3A_71, %dma_wait3A_131] : memref<40x128xi32, #tpu.memory_space<vmem>> -> memref<1x128xi32, #tpu.memory_space<vmem>>
          %dma_wait3A_133 = tpu.memref_squeeze %dma_wait3A_132 : memref<1x128xi32, #tpu.memory_space<vmem>> -> memref<128xi32, #tpu.memory_space<vmem>>
          %dma_wait3A_134 = arith.constant 0 : i32
          %dma_wait3A_135 = arith.constant 0 : i32
          %dma_wait3A_136 = tpu.memref_slice %arg12[%dma_wait3A_134, %dma_wait3A_135] : memref<10240x128xf32, #tpu.memory_space<vmem_shared>> -> memref<10240x128xf32, #tpu.memory_space<vmem_shared>>
          tpu.wait_indirect_dma semaphore(%arg14 : memref<!tpu.dma_semaphore, #tpu.memory_space<semaphore_mem>>) src(%arg9 : memref<128x128xf32, #tpu.memory_space<vmem>>) dst(%dma_wait3A_136 : memref<10240x128xf32, #tpu.memory_space<vmem_shared>>)
        } else {
        }
        %add3A_124 = arith.constant 1 : i32
        %add3A_125 = arith.addi %add3A_71, %add3A_124 : i32
        %lt3A_126 = arith.constant 40 : i32
        %lt3A_127 = arith.cmpi slt, %add3A_125, %lt3A_126 : i32
        %convert_element_type3A_128 = arith.extui %lt3A_127 : i1 to i32
        %cond3A_129 = arith.constant 0 : i32
        %cond3A_130 = arith.cmpi ne, %convert_element_type3A_128, %cond3A_129 : i32
        scf.if %cond3A_130 {
          %add3A_131 = arith.constant 1 : i32
          %add3A_132 = arith.addi %add3A_71, %add3A_131 : i32
          %dma_start3A_133 = arith.constant 0 : i32
          %dma_start3A_134 = tpu.memref_slice %arg7[%add3A_132, %dma_start3A_133] : memref<40x128xi32, #tpu.memory_space<vmem>> -> memref<1x128xi32, #tpu.memory_space<vmem>>
          %dma_start3A_135 = tpu.memref_squeeze %dma_start3A_134 : memref<1x128xi32, #tpu.memory_space<vmem>> -> memref<128xi32, #tpu.memory_space<vmem>>
          %dma_start3A_136 = arith.constant 0 : i32
          %dma_start3A_137 = arith.constant 0 : i32
          %dma_start3A_138 = tpu.memref_slice %arg2[%dma_start3A_136, %dma_start3A_137] : memref<10240x128xf32, #tpu.memory_space<hbm>> -> memref<10240x128xf32, #tpu.memory_space<hbm>>
          tpu.enqueue_indirect_dma source(%dma_start3A_138 : memref<10240x128xf32, #tpu.memory_space<hbm>>) target(%arg9 : memref<128x128xf32, #tpu.memory_space<vmem>>) offsets(%dma_start3A_135 : memref<128xi32, #tpu.memory_space<vmem>>) semaphore(%arg13 : memref<!tpu.dma_semaphore, #tpu.memory_space<semaphore_mem>>)
        } else {
        }
      } else {
      }
    }
    %scan3A_51 = arith.constant 40 : i32
    %dma_wait3A_52 = arith.constant 39 : i32
    %dma_wait3A_53 = arith.constant 0 : i32
    %dma_wait3A_54 = tpu.memref_slice %arg8[%dma_wait3A_52, %dma_wait3A_53] : memref<40x128xi32, #tpu.memory_space<vmem>> -> memref<1x128xi32, #tpu.memory_space<vmem>>
    %dma_wait3A_55 = tpu.memref_squeeze %dma_wait3A_54 : memref<1x128xi32, #tpu.memory_space<vmem>> -> memref<128xi32, #tpu.memory_space<vmem>>
    %dma_wait3A_56 = arith.constant 0 : i32
    %dma_wait3A_57 = arith.constant 0 : i32
    %dma_wait3A_58 = tpu.memref_slice %arg12[%dma_wait3A_56, %dma_wait3A_57] : memref<10240x128xf32, #tpu.memory_space<vmem_shared>> -> memref<10240x128xf32, #tpu.memory_space<vmem_shared>>
    tpu.wait_indirect_dma semaphore(%arg14 : memref<!tpu.dma_semaphore, #tpu.memory_space<semaphore_mem>>) src(%arg9 : memref<128x128xf32, #tpu.memory_space<vmem>>) dst(%dma_wait3A_58 : memref<10240x128xf32, #tpu.memory_space<vmem_shared>>)
    %barrier3A_59 = arith.constant 0 : index
    tpu.barrier barrier_id(%barrier3A_59)
    %eq3A = arith.constant 0 : i32
    %eq3A_60 = arith.cmpi eq, %arg0, %eq3A : i32
    %convert_element_type3A = arith.extui %eq3A_60 : i1 to i32
    %cond3A = arith.constant 0 : i32
    %cond3A_61 = arith.cmpi ne, %convert_element_type3A, %cond3A : i32
    scf.if %cond3A_61 {
      "tpu.region"() ({
        %run_scoped3A = tpu.sem_alloc : memref<!tpu.dma_semaphore, #tpu.memory_space<semaphore_mem>>
        %dma_start3A_67 = arith.constant 0 : i32
        %dma_start3A_68 = tpu.memref_slice %arg5[%mul3A_9, %dma_start3A_67] : memref<10240x128xf32, #tpu.memory_space<hbm>> -> memref<640x128xf32, #tpu.memory_space<hbm>>
        %dma_start3A_69 = arith.constant 0 : i32
        %dma_start3A_70 = tpu.memref_slice %arg12[%mul3A_9, %dma_start3A_69] : memref<10240x128xf32, #tpu.memory_space<vmem_shared>> -> memref<640x128xf32, #tpu.memory_space<vmem_shared>>
        tpu.enqueue_dma source(%dma_start3A_70 : memref<640x128xf32, #tpu.memory_space<vmem_shared>>) target(%dma_start3A_68 : memref<640x128xf32, #tpu.memory_space<hbm>>) target_semaphore(%run_scoped3A : memref<!tpu.dma_semaphore, #tpu.memory_space<semaphore_mem>>)
        %dma_wait3A_71 = arith.constant 0 : i32
        %dma_wait3A_72 = tpu.memref_slice %arg5[%mul3A_9, %dma_wait3A_71] : memref<10240x128xf32, #tpu.memory_space<hbm>> -> memref<640x128xf32, #tpu.memory_space<hbm>>
        %dma_wait3A_73 = arith.constant 0 : i32
        %dma_wait3A_74 = tpu.memref_slice %arg12[%mul3A_9, %dma_wait3A_73] : memref<10240x128xf32, #tpu.memory_space<vmem_shared>> -> memref<640x128xf32, #tpu.memory_space<vmem_shared>>
        tpu.wait_dma2 semaphore(%run_scoped3A : memref<!tpu.dma_semaphore, #tpu.memory_space<semaphore_mem>>) src(%dma_wait3A_74 : memref<640x128xf32, #tpu.memory_space<vmem_shared>>) dst(%dma_wait3A_72 : memref<640x128xf32, #tpu.memory_space<hbm>>)
        tpu.yield
      }) : () -> ()
    } else {
    }
    %eq3A_62 = arith.constant 1 : i32
    %eq3A_63 = arith.cmpi eq, %arg0, %eq3A_62 : i32
    %convert_element_type3A_64 = arith.extui %eq3A_63 : i1 to i32
    %cond3A_65 = arith.constant 0 : i32
    %cond3A_66 = arith.cmpi ne, %convert_element_type3A_64, %cond3A_65 : i32
    scf.if %cond3A_66 {
      "tpu.region"() ({
        %run_scoped3A = tpu.sem_alloc : memref<!tpu.dma_semaphore, #tpu.memory_space<semaphore_mem>>
        %dma_start3A_67 = arith.constant 0 : i32
        %dma_start3A_68 = tpu.memref_slice %arg6[%mul3A_9, %dma_start3A_67] : memref<10240x128xf32, #tpu.memory_space<hbm>> -> memref<640x128xf32, #tpu.memory_space<hbm>>
        %dma_start3A_69 = arith.constant 0 : i32
        %dma_start3A_70 = tpu.memref_slice %arg12[%mul3A_9, %dma_start3A_69] : memref<10240x128xf32, #tpu.memory_space<vmem_shared>> -> memref<640x128xf32, #tpu.memory_space<vmem_shared>>
        tpu.enqueue_dma source(%dma_start3A_70 : memref<640x128xf32, #tpu.memory_space<vmem_shared>>) target(%dma_start3A_68 : memref<640x128xf32, #tpu.memory_space<hbm>>) target_semaphore(%run_scoped3A : memref<!tpu.dma_semaphore, #tpu.memory_space<semaphore_mem>>)
        %dma_wait3A_71 = arith.constant 0 : i32
        %dma_wait3A_72 = tpu.memref_slice %arg6[%mul3A_9, %dma_wait3A_71] : memref<10240x128xf32, #tpu.memory_space<hbm>> -> memref<640x128xf32, #tpu.memory_space<hbm>>
        %dma_wait3A_73 = arith.constant 0 : i32
        %dma_wait3A_74 = tpu.memref_slice %arg12[%mul3A_9, %dma_wait3A_73] : memref<10240x128xf32, #tpu.memory_space<vmem_shared>> -> memref<640x128xf32, #tpu.memory_space<vmem_shared>>
        tpu.wait_dma2 semaphore(%run_scoped3A : memref<!tpu.dma_semaphore, #tpu.memory_space<semaphore_mem>>) src(%dma_wait3A_74 : memref<640x128xf32, #tpu.memory_space<vmem_shared>>) dst(%dma_wait3A_72 : memref<640x128xf32, #tpu.memory_space<hbm>>)
        tpu.yield
      }) : () -> ()
    } else {
    }
    return
  }
}

#map = affine_map<(d0, d1) -> (0, 0)>
#map1 = affine_map<(d0, d1) -> (0, 0, 0)>
module attributes {stable_mosaic.version = 14 : i64} {
  func.func @_deg_kernel(%arg0: i32, %arg1: i32, %arg2: memref<2560x128xi32, #tpu.memory_space<hbm>>, %arg3: memref<1x80xi32, #tpu.memory_space<hbm>>, %arg4: memref<2x80x128xf32, #tpu.memory_space<hbm>>, %arg5: memref<80x128xi32, #tpu.memory_space<vmem>>, %arg6: memref<80x128xf32, #tpu.memory_space<vmem>>, %arg7: memref<1x80xi32, #tpu.memory_space<vmem>>, %arg8: memref<80x128xf32, #tpu.memory_space<vmem_shared>>) attributes {dimension_semantics = [#tpu.dimension_semantics<core_parallel>, #tpu.dimension_semantics<subcore_parallel>], iteration_bounds = array<i64: 2, 16>, scalar_prefetch = 0 : i64, scratch_operands = 4 : i64, tpu.core_type = #tpu.core_type<sc_vector_subcore>, window_params = [{transform_indices = #map}, {transform_indices = #map}, {transform_indices = #map1}]} {
    %mul3A = arith.constant 2 : i32
    %mul3A_0 = arith.muli %arg1, %mul3A : i32
    %add3A = arith.addi %mul3A_0, %arg0 : i32
    %broadcast_in_dim3A = arith.constant 0.000000e+00 : f32
    %broadcast_in_dim3A_1 = vector.broadcast %broadcast_in_dim3A : f32 to vector<16xf32>
    %broadcast_in_dim3A_2 = arith.constant 1.000000e+00 : f32
    %broadcast_in_dim3A_3 = vector.broadcast %broadcast_in_dim3A_2 : f32 to vector<16xf32>
    %scan3A = arith.constant 0 : i32
    %scan3A_4 = arith.constant 80 : i32
    %scan3A_5 = arith.addi %scan3A, %scan3A_4 : i32
    %scan3A_6 = arith.constant 1 : i32
    scf.for %scan3A_22 = %scan3A to %scan3A_5 step %scan3A_6  : i32 {
      %mul3A_23 = arith.constant 1 : i32
      %mul3A_24 = arith.muli %scan3A_22, %mul3A_23 : i32
      %add3A_25 = arith.constant 0 : i32
      %add3A_26 = arith.addi %add3A_25, %mul3A_24 : i32
      %swap3A = arith.index_cast %add3A_26 : i32 to index
      %swap3A_27 = arith.constant 0 : index
      %swap3A_28 = tpu.vector_load %arg6[%swap3A, %swap3A_27] {strides = array<i32>} : memref<80x128xf32, #tpu.memory_space<vmem>>, vector<16xf32>,
      tpu.vector_store %arg6[%swap3A, %swap3A_27], %broadcast_in_dim3A_1 {strides = array<i32>} : memref<80x128xf32, #tpu.memory_space<vmem>>, vector<16xf32>,
      %swap3A_29 = arith.index_cast %add3A_26 : i32 to index
      %swap3A_30 = arith.constant 16 : index
      %swap3A_31 = tpu.vector_load %arg6[%swap3A_29, %swap3A_30] {strides = array<i32>} : memref<80x128xf32, #tpu.memory_space<vmem>>, vector<16xf32>,
      tpu.vector_store %arg6[%swap3A_29, %swap3A_30], %broadcast_in_dim3A_1 {strides = array<i32>} : memref<80x128xf32, #tpu.memory_space<vmem>>, vector<16xf32>,
      %swap3A_32 = arith.index_cast %add3A_26 : i32 to index
      %swap3A_33 = arith.constant 32 : index
      %swap3A_34 = tpu.vector_load %arg6[%swap3A_32, %swap3A_33] {strides = array<i32>} : memref<80x128xf32, #tpu.memory_space<vmem>>, vector<16xf32>,
      tpu.vector_store %arg6[%swap3A_32, %swap3A_33], %broadcast_in_dim3A_1 {strides = array<i32>} : memref<80x128xf32, #tpu.memory_space<vmem>>, vector<16xf32>,
      %swap3A_35 = arith.index_cast %add3A_26 : i32 to index
      %swap3A_36 = arith.constant 48 : index
      %swap3A_37 = tpu.vector_load %arg6[%swap3A_35, %swap3A_36] {strides = array<i32>} : memref<80x128xf32, #tpu.memory_space<vmem>>, vector<16xf32>,
      tpu.vector_store %arg6[%swap3A_35, %swap3A_36], %broadcast_in_dim3A_1 {strides = array<i32>} : memref<80x128xf32, #tpu.memory_space<vmem>>, vector<16xf32>,
      %swap3A_38 = arith.index_cast %add3A_26 : i32 to index
      %swap3A_39 = arith.constant 64 : index
      %swap3A_40 = tpu.vector_load %arg6[%swap3A_38, %swap3A_39] {strides = array<i32>} : memref<80x128xf32, #tpu.memory_space<vmem>>, vector<16xf32>,
      tpu.vector_store %arg6[%swap3A_38, %swap3A_39], %broadcast_in_dim3A_1 {strides = array<i32>} : memref<80x128xf32, #tpu.memory_space<vmem>>, vector<16xf32>,
      %swap3A_41 = arith.index_cast %add3A_26 : i32 to index
      %swap3A_42 = arith.constant 80 : index
      %swap3A_43 = tpu.vector_load %arg6[%swap3A_41, %swap3A_42] {strides = array<i32>} : memref<80x128xf32, #tpu.memory_space<vmem>>, vector<16xf32>,
      tpu.vector_store %arg6[%swap3A_41, %swap3A_42], %broadcast_in_dim3A_1 {strides = array<i32>} : memref<80x128xf32, #tpu.memory_space<vmem>>, vector<16xf32>,
      %swap3A_44 = arith.index_cast %add3A_26 : i32 to index
      %swap3A_45 = arith.constant 96 : index
      %swap3A_46 = tpu.vector_load %arg6[%swap3A_44, %swap3A_45] {strides = array<i32>} : memref<80x128xf32, #tpu.memory_space<vmem>>, vector<16xf32>,
      tpu.vector_store %arg6[%swap3A_44, %swap3A_45], %broadcast_in_dim3A_1 {strides = array<i32>} : memref<80x128xf32, #tpu.memory_space<vmem>>, vector<16xf32>,
      %swap3A_47 = arith.index_cast %add3A_26 : i32 to index
      %swap3A_48 = arith.constant 112 : index
      %swap3A_49 = tpu.vector_load %arg6[%swap3A_47, %swap3A_48] {strides = array<i32>} : memref<80x128xf32, #tpu.memory_space<vmem>>, vector<16xf32>,
      tpu.vector_store %arg6[%swap3A_47, %swap3A_48], %broadcast_in_dim3A_1 {strides = array<i32>} : memref<80x128xf32, #tpu.memory_space<vmem>>, vector<16xf32>,
    }
    %scan3A_7 = arith.constant 80 : i32
    %eq3A = arith.constant 0 : i32
    %eq3A_8 = arith.cmpi eq, %arg1, %eq3A : i32
    %convert_element_type3A = arith.extui %eq3A_8 : i1 to i32
    %cond3A = arith.constant 0 : i32
    %cond3A_9 = arith.cmpi ne, %convert_element_type3A, %cond3A : i32
    scf.if %cond3A_9 {
      "tpu.region"() ({
        %run_scoped3A_22 = tpu.sem_alloc : memref<!tpu.dma_semaphore, #tpu.memory_space<semaphore_mem>>
        tpu.enqueue_dma source(%arg6 : memref<80x128xf32, #tpu.memory_space<vmem>>) target(%arg8 : memref<80x128xf32, #tpu.memory_space<vmem_shared>>) target_semaphore(%run_scoped3A_22 : memref<!tpu.dma_semaphore, #tpu.memory_space<semaphore_mem>>)
        tpu.wait_dma2 semaphore(%run_scoped3A_22 : memref<!tpu.dma_semaphore, #tpu.memory_space<semaphore_mem>>) src(%arg6 : memref<80x128xf32, #tpu.memory_space<vmem>>) dst(%arg8 : memref<80x128xf32, #tpu.memory_space<vmem_shared>>)
        tpu.yield
      }) : () -> ()
    } else {
    }
    "tpu.region"() ({
      %run_scoped3A_22 = tpu.sem_alloc : memref<!tpu.dma_semaphore, #tpu.memory_space<semaphore_mem>>
      tpu.enqueue_dma source(%arg3 : memref<1x80xi32, #tpu.memory_space<hbm>>) target(%arg7 : memref<1x80xi32, #tpu.memory_space<vmem>>) target_semaphore(%run_scoped3A_22 : memref<!tpu.dma_semaphore, #tpu.memory_space<semaphore_mem>>)
      tpu.wait_dma2 semaphore(%run_scoped3A_22 : memref<!tpu.dma_semaphore, #tpu.memory_space<semaphore_mem>>) src(%arg3 : memref<1x80xi32, #tpu.memory_space<hbm>>) dst(%arg7 : memref<1x80xi32, #tpu.memory_space<vmem>>)
      tpu.yield
    }) : () -> ()
    %mul3A_10 = arith.constant 80 : i32
    %mul3A_11 = arith.muli %add3A, %mul3A_10 : i32
    "tpu.region"() ({
      %run_scoped3A_22 = tpu.sem_alloc : memref<!tpu.dma_semaphore, #tpu.memory_space<semaphore_mem>>
      %dma_start3A = arith.constant 0 : i32
      %dma_start3A_23 = tpu.memref_slice %arg2[%mul3A_11, %dma_start3A] : memref<2560x128xi32, #tpu.memory_space<hbm>> -> memref<80x128xi32, #tpu.memory_space<hbm>>
      %dma_start3A_24 = arith.constant 0 : i32
      %dma_start3A_25 = tpu.memref_slice %arg2[%mul3A_11, %dma_start3A_24] : memref<2560x128xi32, #tpu.memory_space<hbm>> -> memref<80x128xi32, #tpu.memory_space<hbm>>
      tpu.enqueue_dma source(%dma_start3A_25 : memref<80x128xi32, #tpu.memory_space<hbm>>) target(%arg5 : memref<80x128xi32, #tpu.memory_space<vmem>>) target_semaphore(%run_scoped3A_22 : memref<!tpu.dma_semaphore, #tpu.memory_space<semaphore_mem>>)
      %dma_wait3A = arith.constant 0 : i32
      %dma_wait3A_26 = tpu.memref_slice %arg2[%mul3A_11, %dma_wait3A] : memref<2560x128xi32, #tpu.memory_space<hbm>> -> memref<80x128xi32, #tpu.memory_space<hbm>>
      %dma_wait3A_27 = arith.constant 0 : i32
      %dma_wait3A_28 = tpu.memref_slice %arg2[%mul3A_11, %dma_wait3A_27] : memref<2560x128xi32, #tpu.memory_space<hbm>> -> memref<80x128xi32, #tpu.memory_space<hbm>>
      tpu.wait_dma2 semaphore(%run_scoped3A_22 : memref<!tpu.dma_semaphore, #tpu.memory_space<semaphore_mem>>) src(%dma_wait3A_28 : memref<80x128xi32, #tpu.memory_space<hbm>>) dst(%arg5 : memref<80x128xi32, #tpu.memory_space<vmem>>)
      tpu.yield
    }) : () -> ()
    %scan3A_12 = arith.constant 0 : i32
    %scan3A_13 = arith.constant 80 : i32
    %scan3A_14 = arith.addi %scan3A_12, %scan3A_13 : i32
    %scan3A_15 = arith.constant 1 : i32
    scf.for %scan3A_22 = %scan3A_12 to %scan3A_14 step %scan3A_15  : i32 {
      %mul3A_23 = arith.constant 1 : i32
      %mul3A_24 = arith.muli %scan3A_22, %mul3A_23 : i32
      %add3A_25 = arith.constant 0 : i32
      %add3A_26 = arith.addi %add3A_25, %mul3A_24 : i32
      %get3A = arith.index_cast %add3A_26 : i32 to index
      %get3A_27 = arith.constant 0 : index
      %get3A_28 = tpu.vector_load %arg5[%get3A, %get3A_27] {strides = array<i32>} : memref<80x128xi32, #tpu.memory_space<vmem>>, vector<16xi32>,
      %shift_right_logical3A = arith.constant 7 : i32
      %shift_right_logical3A_29 = vector.broadcast %shift_right_logical3A : i32 to vector<16xi32>
      %shift_right_logical3A_30 = arith.shrui %get3A_28, %shift_right_logical3A_29 : vector<16xi32>
      %and3A = arith.constant 127 : i32
      %and3A_31 = vector.broadcast %and3A : i32 to vector<16xi32>
      %and3A_32 = arith.andi %get3A_28, %and3A_31 : vector<16xi32>
      tpu.vector_store_idx %arg6[%shift_right_logical3A_30, %and3A_32], %broadcast_in_dim3A_3 {add = true} : memref<80x128xf32, #tpu.memory_space<vmem>>[vector<16xi32>, vector<16xi32>], vector<16xf32>,
      %get3A_33 = arith.index_cast %add3A_26 : i32 to index
      %get3A_34 = arith.constant 16 : index
      %get3A_35 = tpu.vector_load %arg5[%get3A_33, %get3A_34] {strides = array<i32>} : memref<80x128xi32, #tpu.memory_space<vmem>>, vector<16xi32>,
      %shift_right_logical3A_36 = arith.constant 7 : i32
      %shift_right_logical3A_37 = vector.broadcast %shift_right_logical3A_36 : i32 to vector<16xi32>
      %shift_right_logical3A_38 = arith.shrui %get3A_35, %shift_right_logical3A_37 : vector<16xi32>
      %and3A_39 = arith.constant 127 : i32
      %and3A_40 = vector.broadcast %and3A_39 : i32 to vector<16xi32>
      %and3A_41 = arith.andi %get3A_35, %and3A_40 : vector<16xi32>
      tpu.vector_store_idx %arg6[%shift_right_logical3A_38, %and3A_41], %broadcast_in_dim3A_3 {add = true} : memref<80x128xf32, #tpu.memory_space<vmem>>[vector<16xi32>, vector<16xi32>], vector<16xf32>,
      %get3A_42 = arith.index_cast %add3A_26 : i32 to index
      %get3A_43 = arith.constant 32 : index
      %get3A_44 = tpu.vector_load %arg5[%get3A_42, %get3A_43] {strides = array<i32>} : memref<80x128xi32, #tpu.memory_space<vmem>>, vector<16xi32>,
      %shift_right_logical3A_45 = arith.constant 7 : i32
      %shift_right_logical3A_46 = vector.broadcast %shift_right_logical3A_45 : i32 to vector<16xi32>
      %shift_right_logical3A_47 = arith.shrui %get3A_44, %shift_right_logical3A_46 : vector<16xi32>
      %and3A_48 = arith.constant 127 : i32
      %and3A_49 = vector.broadcast %and3A_48 : i32 to vector<16xi32>
      %and3A_50 = arith.andi %get3A_44, %and3A_49 : vector<16xi32>
      tpu.vector_store_idx %arg6[%shift_right_logical3A_47, %and3A_50], %broadcast_in_dim3A_3 {add = true} : memref<80x128xf32, #tpu.memory_space<vmem>>[vector<16xi32>, vector<16xi32>], vector<16xf32>,
      %get3A_51 = arith.index_cast %add3A_26 : i32 to index
      %get3A_52 = arith.constant 48 : index
      %get3A_53 = tpu.vector_load %arg5[%get3A_51, %get3A_52] {strides = array<i32>} : memref<80x128xi32, #tpu.memory_space<vmem>>, vector<16xi32>,
      %shift_right_logical3A_54 = arith.constant 7 : i32
      %shift_right_logical3A_55 = vector.broadcast %shift_right_logical3A_54 : i32 to vector<16xi32>
      %shift_right_logical3A_56 = arith.shrui %get3A_53, %shift_right_logical3A_55 : vector<16xi32>
      %and3A_57 = arith.constant 127 : i32
      %and3A_58 = vector.broadcast %and3A_57 : i32 to vector<16xi32>
      %and3A_59 = arith.andi %get3A_53, %and3A_58 : vector<16xi32>
      tpu.vector_store_idx %arg6[%shift_right_logical3A_56, %and3A_59], %broadcast_in_dim3A_3 {add = true} : memref<80x128xf32, #tpu.memory_space<vmem>>[vector<16xi32>, vector<16xi32>], vector<16xf32>,
      %get3A_60 = arith.index_cast %add3A_26 : i32 to index
      %get3A_61 = arith.constant 64 : index
      %get3A_62 = tpu.vector_load %arg5[%get3A_60, %get3A_61] {strides = array<i32>} : memref<80x128xi32, #tpu.memory_space<vmem>>, vector<16xi32>,
      %shift_right_logical3A_63 = arith.constant 7 : i32
      %shift_right_logical3A_64 = vector.broadcast %shift_right_logical3A_63 : i32 to vector<16xi32>
      %shift_right_logical3A_65 = arith.shrui %get3A_62, %shift_right_logical3A_64 : vector<16xi32>
      %and3A_66 = arith.constant 127 : i32
      %and3A_67 = vector.broadcast %and3A_66 : i32 to vector<16xi32>
      %and3A_68 = arith.andi %get3A_62, %and3A_67 : vector<16xi32>
      tpu.vector_store_idx %arg6[%shift_right_logical3A_65, %and3A_68], %broadcast_in_dim3A_3 {add = true} : memref<80x128xf32, #tpu.memory_space<vmem>>[vector<16xi32>, vector<16xi32>], vector<16xf32>,
      %get3A_69 = arith.index_cast %add3A_26 : i32 to index
      %get3A_70 = arith.constant 80 : index
      %get3A_71 = tpu.vector_load %arg5[%get3A_69, %get3A_70] {strides = array<i32>} : memref<80x128xi32, #tpu.memory_space<vmem>>, vector<16xi32>,
      %shift_right_logical3A_72 = arith.constant 7 : i32
      %shift_right_logical3A_73 = vector.broadcast %shift_right_logical3A_72 : i32 to vector<16xi32>
      %shift_right_logical3A_74 = arith.shrui %get3A_71, %shift_right_logical3A_73 : vector<16xi32>
      %and3A_75 = arith.constant 127 : i32
      %and3A_76 = vector.broadcast %and3A_75 : i32 to vector<16xi32>
      %and3A_77 = arith.andi %get3A_71, %and3A_76 : vector<16xi32>
      tpu.vector_store_idx %arg6[%shift_right_logical3A_74, %and3A_77], %broadcast_in_dim3A_3 {add = true} : memref<80x128xf32, #tpu.memory_space<vmem>>[vector<16xi32>, vector<16xi32>], vector<16xf32>,
      %get3A_78 = arith.index_cast %add3A_26 : i32 to index
      %get3A_79 = arith.constant 96 : index
      %get3A_80 = tpu.vector_load %arg5[%get3A_78, %get3A_79] {strides = array<i32>} : memref<80x128xi32, #tpu.memory_space<vmem>>, vector<16xi32>,
      %shift_right_logical3A_81 = arith.constant 7 : i32
      %shift_right_logical3A_82 = vector.broadcast %shift_right_logical3A_81 : i32 to vector<16xi32>
      %shift_right_logical3A_83 = arith.shrui %get3A_80, %shift_right_logical3A_82 : vector<16xi32>
      %and3A_84 = arith.constant 127 : i32
      %and3A_85 = vector.broadcast %and3A_84 : i32 to vector<16xi32>
      %and3A_86 = arith.andi %get3A_80, %and3A_85 : vector<16xi32>
      tpu.vector_store_idx %arg6[%shift_right_logical3A_83, %and3A_86], %broadcast_in_dim3A_3 {add = true} : memref<80x128xf32, #tpu.memory_space<vmem>>[vector<16xi32>, vector<16xi32>], vector<16xf32>,
      %get3A_87 = arith.index_cast %add3A_26 : i32 to index
      %get3A_88 = arith.constant 112 : index
      %get3A_89 = tpu.vector_load %arg5[%get3A_87, %get3A_88] {strides = array<i32>} : memref<80x128xi32, #tpu.memory_space<vmem>>, vector<16xi32>,
      %shift_right_logical3A_90 = arith.constant 7 : i32
      %shift_right_logical3A_91 = vector.broadcast %shift_right_logical3A_90 : i32 to vector<16xi32>
      %shift_right_logical3A_92 = arith.shrui %get3A_89, %shift_right_logical3A_91 : vector<16xi32>
      %and3A_93 = arith.constant 127 : i32
      %and3A_94 = vector.broadcast %and3A_93 : i32 to vector<16xi32>
      %and3A_95 = arith.andi %get3A_89, %and3A_94 : vector<16xi32>
      tpu.vector_store_idx %arg6[%shift_right_logical3A_92, %and3A_95], %broadcast_in_dim3A_3 {add = true} : memref<80x128xf32, #tpu.memory_space<vmem>>[vector<16xi32>, vector<16xi32>], vector<16xf32>,
    }
    %scan3A_16 = arith.constant 80 : i32
    %barrier3A = arith.constant 0 : index
    tpu.barrier barrier_id(%barrier3A)
    %run_scoped3A = arith.constant 0 : i32
    "tpu.region"() ({
      %run_scoped3A_22 = tpu.sem_alloc : memref<!tpu.dma_semaphore, #tpu.memory_space<semaphore_mem>>
      %dma_start3A = arith.constant 0 : i32
      %dma_start3A_23 = tpu.memref_slice %arg7[%run_scoped3A, %dma_start3A] : memref<1x80xi32, #tpu.memory_space<vmem>> -> memref<1x80xi32, #tpu.memory_space<vmem>>
      %dma_start3A_24 = tpu.memref_squeeze %dma_start3A_23 : memref<1x80xi32, #tpu.memory_space<vmem>> -> memref<80xi32, #tpu.memory_space<vmem>>
      %dma_start3A_25 = arith.constant 0 : i32
      %dma_start3A_26 = arith.constant 0 : i32
      %dma_start3A_27 = tpu.memref_slice %arg8[%dma_start3A_25, %dma_start3A_26] : memref<80x128xf32, #tpu.memory_space<vmem_shared>> -> memref<80x128xf32, #tpu.memory_space<vmem_shared>>
      tpu.enqueue_indirect_dma source(%arg6 : memref<80x128xf32, #tpu.memory_space<vmem>>) target(%dma_start3A_27 : memref<80x128xf32, #tpu.memory_space<vmem_shared>>) offsets(%dma_start3A_24 : memref<80xi32, #tpu.memory_space<vmem>>) semaphore(%run_scoped3A_22 : memref<!tpu.dma_semaphore, #tpu.memory_space<semaphore_mem>>) {add = true}
      %dma_wait3A = arith.constant 0 : i32
      %dma_wait3A_28 = tpu.memref_slice %arg7[%run_scoped3A, %dma_wait3A] : memref<1x80xi32, #tpu.memory_space<vmem>> -> memref<1x80xi32, #tpu.memory_space<vmem>>
      %dma_wait3A_29 = tpu.memref_squeeze %dma_wait3A_28 : memref<1x80xi32, #tpu.memory_space<vmem>> -> memref<80xi32, #tpu.memory_space<vmem>>
      %dma_wait3A_30 = arith.constant 0 : i32
      %dma_wait3A_31 = arith.constant 0 : i32
      %dma_wait3A_32 = tpu.memref_slice %arg8[%dma_wait3A_30, %dma_wait3A_31] : memref<80x128xf32, #tpu.memory_space<vmem_shared>> -> memref<80x128xf32, #tpu.memory_space<vmem_shared>>
      tpu.wait_indirect_dma semaphore(%run_scoped3A_22 : memref<!tpu.dma_semaphore, #tpu.memory_space<semaphore_mem>>) src(%arg6 : memref<80x128xf32, #tpu.memory_space<vmem>>) dst(%dma_wait3A_32 : memref<80x128xf32, #tpu.memory_space<vmem_shared>>)
      tpu.yield
    }) : () -> ()
    %barrier3A_17 = arith.constant 0 : index
    tpu.barrier barrier_id(%barrier3A_17)
    %lt3A = arith.constant 10 : i32
    %lt3A_18 = arith.cmpi slt, %arg1, %lt3A : i32
    %convert_element_type3A_19 = arith.extui %lt3A_18 : i1 to i32
    %cond3A_20 = arith.constant 0 : i32
    %cond3A_21 = arith.cmpi ne, %convert_element_type3A_19, %cond3A_20 : i32
    scf.if %cond3A_21 {
      %mul3A_22 = arith.constant 8 : i32
      %mul3A_23 = arith.muli %arg1, %mul3A_22 : i32
      %mul3A_24 = arith.constant 8 : i32
      %mul3A_25 = arith.muli %arg1, %mul3A_24 : i32
      "tpu.region"() ({
        %run_scoped3A_26 = tpu.sem_alloc : memref<!tpu.dma_semaphore, #tpu.memory_space<semaphore_mem>>
        %dma_start3A = arith.constant 0 : i32
        %dma_start3A_27 = tpu.memref_slice %arg4[%arg0, %mul3A_25, %dma_start3A] : memref<2x80x128xf32, #tpu.memory_space<hbm>> -> memref<1x8x128xf32, #tpu.memory_space<hbm>>
        %dma_start3A_28 = tpu.memref_squeeze %dma_start3A_27 : memref<1x8x128xf32, #tpu.memory_space<hbm>> -> memref<8x128xf32, #tpu.memory_space<hbm>>
        %dma_start3A_29 = arith.constant 0 : i32
        %dma_start3A_30 = tpu.memref_slice %arg8[%mul3A_23, %dma_start3A_29] : memref<80x128xf32, #tpu.memory_space<vmem_shared>> -> memref<8x128xf32, #tpu.memory_space<vmem_shared>>
        tpu.enqueue_dma source(%dma_start3A_30 : memref<8x128xf32, #tpu.memory_space<vmem_shared>>) target(%dma_start3A_28 : memref<8x128xf32, #tpu.memory_space<hbm>>) target_semaphore(%run_scoped3A_26 : memref<!tpu.dma_semaphore, #tpu.memory_space<semaphore_mem>>)
        %dma_wait3A = arith.constant 0 : i32
        %dma_wait3A_31 = tpu.memref_slice %arg4[%arg0, %mul3A_25, %dma_wait3A] : memref<2x80x128xf32, #tpu.memory_space<hbm>> -> memref<1x8x128xf32, #tpu.memory_space<hbm>>
        %dma_wait3A_32 = tpu.memref_squeeze %dma_wait3A_31 : memref<1x8x128xf32, #tpu.memory_space<hbm>> -> memref<8x128xf32, #tpu.memory_space<hbm>>
        %dma_wait3A_33 = arith.constant 0 : i32
        %dma_wait3A_34 = tpu.memref_slice %arg8[%mul3A_23, %dma_wait3A_33] : memref<80x128xf32, #tpu.memory_space<vmem_shared>> -> memref<8x128xf32, #tpu.memory_space<vmem_shared>>
        tpu.wait_dma2 semaphore(%run_scoped3A_26 : memref<!tpu.dma_semaphore, #tpu.memory_space<semaphore_mem>>) src(%dma_wait3A_34 : memref<8x128xf32, #tpu.memory_space<vmem_shared>>) dst(%dma_wait3A_32 : memref<8x128xf32, #tpu.memory_space<hbm>>)
        tpu.yield
      }) : () -> ()
    } else {
    }
    return
  }
}

module attributes {stable_mosaic.version = 14 : i64} {
  func.func @body(%arg0: i32, %arg1: memref<1024x128xf32, #tpu.memory_space<vmem>>, %arg2: memref<128x128xbf16, #tpu.memory_space<vmem>>, %arg3: memref<1024x1xf32, #tpu.memory_space<vmem>>, %arg4: memref<1024x128xf32, #tpu.memory_space<vmem>>) attributes {dimension_semantics = [#tpu.dimension_semantics<arbitrary>], iteration_bounds = array<i64: 10>, scalar_prefetch = 0 : i64, scratch_operands = 0 : i64, tpu.core_type = #tpu.core_type<tc>, window_params = [{transform_indices = @transform_0, window_bounds = array<i64: 1024, 128>}, {pipeline_mode = #tpu.pipeline_mode<synchronous>, transform_indices = @transform_1, window_bounds = array<i64: 128, 128>}, {transform_indices = @transform_2, window_bounds = array<i64: 1024, 1>}, {transform_indices = @transform_3, window_bounds = array<i64: 1024, 128>}]} {
    %get3A = arith.constant 0 : index
    %get3A_0 = arith.constant 0 : index
    %get3A_1 = vector.load %arg1[%get3A, %get3A_0] : memref<1024x128xf32, #tpu.memory_space<vmem>>, vector<1024x128xf32>
    %convert_element_type3A = arith.truncf %get3A_1 : vector<1024x128xf32> to vector<1024x128xbf16>
    %get3A_2 = arith.constant 0 : index
    %get3A_3 = arith.constant 0 : index
    %get3A_4 = vector.load %arg2[%get3A_2, %get3A_3] : memref<128x128xbf16, #tpu.memory_space<vmem>>, vector<128x128xbf16>
    %dot_general3A = arith.constant dense<0.000000e+00> : vector<1024x128xf32>
    %dot_general3A_5 = tpu.matmul %convert_element_type3A, %get3A_4, %dot_general3A {dimension_numbers = #tpu.dot_dimension_numbers<[1], [0], [0], [1], [0, 0, 1, 1], [], []>, transpose_lhs_hint = false} : vector<1024x128xbf16>, vector<128x128xbf16>, vector<1024x128xf32> -> vector<1024x128xf32>
    %mul3A = arith.constant 1024 : i32
    %mul3A_6 = arith.muli %arg0, %mul3A : i32
    %iota3A = tpu.iota {dimensions = array<i32: 0>} : vector<1024x1xi32>
    %add3A = vector.broadcast %mul3A_6 : i32 to vector<1024x1xi32>
    %add3A_7 = arith.addi %add3A, %iota3A : vector<1024x1xi32>
    %lt3A = arith.constant 10000 : i32
    %lt3A_8 = vector.broadcast %lt3A : i32 to vector<1024x1xi32>
    %lt3A_9 = arith.cmpi slt, %add3A_7, %lt3A_8 : vector<1024x1xi32>
    %get3A_10 = arith.constant 0 : index
    %get3A_11 = arith.constant 0 : index
    %get3A_12 = vector.load %arg3[%get3A_10, %get3A_11] : memref<1024x1xf32, #tpu.memory_space<vmem>>, vector<1024x1xf32>
    %mul3A_13 = vector.broadcast %get3A_12 : vector<1024x1xf32> to vector<1024x128xf32>
    %mul3A_14 = arith.mulf %mul3A_13, %dot_general3A_5 : vector<1024x128xf32>
    %jit3A = arith.constant 0.000000e+00 : f32
    %broadcast_in_dim3A = vector.shape_cast %lt3A_9 : vector<1024x1xi1> to vector<1024x1xi1>
    %broadcast_in_dim3A_15 = vector.broadcast %broadcast_in_dim3A : vector<1024x1xi1> to vector<1024x128xi1>
    %broadcast_in_dim3A_16 = vector.broadcast %jit3A : f32 to vector<1024x128xf32>
    %select_n3A = arith.select %broadcast_in_dim3A_15, %mul3A_14, %broadcast_in_dim3A_16 : vector<1024x128xi1>, vector<1024x128xf32>
    %swap3A = arith.constant 0 : index
    %swap3A_17 = arith.constant 0 : index
    %swap3A_18 = vector.load %arg4[%swap3A, %swap3A_17] : memref<1024x128xf32, #tpu.memory_space<vmem>>, vector<1024x128xf32>
    tpu.vector_store %arg4[%swap3A, %swap3A_17], %select_n3A {strides = array<i32>} : memref<1024x128xf32, #tpu.memory_space<vmem>>, vector<1024x128xf32>,
    return
  }
  func.func @transform_0(%arg0: i32) -> (i32, i32) {
    %c0_i32 = arith.constant 0 : i32
    %c0_i32_0 = arith.constant 0 : i32
    return %arg0, %c0_i32 : i32, i32
  }
  func.func @transform_1(%arg0: i32) -> (i32, i32) {
    %c0_i32 = arith.constant 0 : i32
    %c0_i32_0 = arith.constant 0 : i32
    %c0_i32_1 = arith.constant 0 : i32
    return %c0_i32, %c0_i32_0 : i32, i32
  }
  func.func @transform_2(%arg0: i32) -> (i32, i32) {
    %c0_i32 = arith.constant 0 : i32
    %c0_i32_0 = arith.constant 0 : i32
    return %arg0, %c0_i32 : i32, i32
  }
  func.func @transform_3(%arg0: i32) -> (i32, i32) {
    %c0_i32 = arith.constant 0 : i32
    %c0_i32_0 = arith.constant 0 : i32
    return %arg0, %c0_i32 : i32, i32
  }
}

module attributes {stable_mosaic.version = 14 : i64} {
  func.func @body(%arg0: i32, %arg1: memref<1024x128xf32, #tpu.memory_space<vmem>>, %arg2: memref<1024x128xf32, #tpu.memory_space<vmem>>, %arg3: memref<1024x128xf32, #tpu.memory_space<vmem>>, %arg4: memref<1024x1xf32, #tpu.memory_space<vmem>>, %arg5: memref<1x128xf32, #tpu.memory_space<vmem>>, %arg6: memref<1x128xf32, #tpu.memory_space<vmem>>, %arg7: memref<128x128xbf16, #tpu.memory_space<vmem>>, %arg8: memref<1024x128xf32, #tpu.memory_space<vmem>>) attributes {dimension_semantics = [#tpu.dimension_semantics<arbitrary>], iteration_bounds = array<i64: 10>, scalar_prefetch = 0 : i64, scratch_operands = 0 : i64, tpu.core_type = #tpu.core_type<tc>, window_params = [{transform_indices = @transform_0, window_bounds = array<i64: 1024, 128>}, {transform_indices = @transform_1, window_bounds = array<i64: 1024, 128>}, {transform_indices = @transform_2, window_bounds = array<i64: 1024, 128>}, {transform_indices = @transform_3, window_bounds = array<i64: 1024, 1>}, {pipeline_mode = #tpu.pipeline_mode<synchronous>, transform_indices = @transform_4, window_bounds = array<i64: 1, 128>}, {pipeline_mode = #tpu.pipeline_mode<synchronous>, transform_indices = @transform_5, window_bounds = array<i64: 1, 128>}, {pipeline_mode = #tpu.pipeline_mode<synchronous>, transform_indices = @transform_6, window_bounds = array<i64: 128, 128>}, {transform_indices = @transform_7, window_bounds = array<i64: 1024, 128>}]} {
    %get3A = arith.constant 0 : index
    %get3A_0 = arith.constant 0 : index
    %get3A_1 = vector.load %arg4[%get3A, %get3A_0] : memref<1024x1xf32, #tpu.memory_space<vmem>>, vector<1024x1xf32>
    %get3A_2 = arith.constant 0 : index
    %get3A_3 = arith.constant 0 : index
    %get3A_4 = vector.load %arg1[%get3A_2, %get3A_3] : memref<1024x128xf32, #tpu.memory_space<vmem>>, vector<1024x128xf32>
    %get3A_5 = arith.constant 0 : index
    %get3A_6 = arith.constant 0 : index
    %get3A_7 = vector.load %arg2[%get3A_5, %get3A_6] : memref<1024x128xf32, #tpu.memory_space<vmem>>, vector<1024x128xf32>
    %add3A = arith.addf %get3A_4, %get3A_7 : vector<1024x128xf32>
    %get3A_8 = arith.constant 0 : index
    %get3A_9 = arith.constant 0 : index
    %get3A_10 = vector.load %arg3[%get3A_8, %get3A_9] : memref<1024x128xf32, #tpu.memory_space<vmem>>, vector<1024x128xf32>
    %add3A_11 = arith.addf %add3A, %get3A_10 : vector<1024x128xf32>
    %mul3A = vector.broadcast %get3A_1 : vector<1024x1xf32> to vector<1024x128xf32>
    %mul3A_12 = arith.mulf %mul3A, %add3A_11 : vector<1024x128xf32>
    %get3A_13 = arith.constant 0 : index
    %get3A_14 = arith.constant 0 : index
    %get3A_15 = vector.load %arg5[%get3A_13, %get3A_14] : memref<1x128xf32, #tpu.memory_space<vmem>>, vector<1x128xf32>
    %mul3A_16 = vector.broadcast %get3A_15 : vector<1x128xf32> to vector<1024x128xf32>
    %mul3A_17 = arith.mulf %mul3A_12, %mul3A_16 : vector<1024x128xf32>
    %get3A_18 = arith.constant 0 : index
    %get3A_19 = arith.constant 0 : index
    %get3A_20 = vector.load %arg6[%get3A_18, %get3A_19] : memref<1x128xf32, #tpu.memory_space<vmem>>, vector<1x128xf32>
    %add3A_21 = vector.broadcast %get3A_20 : vector<1x128xf32> to vector<1024x128xf32>
    %add3A_22 = arith.addf %mul3A_17, %add3A_21 : vector<1024x128xf32>
    %max3A = arith.constant 0.000000e+00 : f32
    %max3A_23 = vector.broadcast %max3A : f32 to vector<1024x128xf32>
    %max3A_24 = arith.maximumf %add3A_22, %max3A_23 : vector<1024x128xf32>
    %convert_element_type3A = arith.truncf %max3A_24 : vector<1024x128xf32> to vector<1024x128xbf16>
    %get3A_25 = arith.constant 0 : index
    %get3A_26 = arith.constant 0 : index
    %get3A_27 = vector.load %arg7[%get3A_25, %get3A_26] : memref<128x128xbf16, #tpu.memory_space<vmem>>, vector<128x128xbf16>
    %dot_general3A = arith.constant dense<0.000000e+00> : vector<1024x128xf32>
    %dot_general3A_28 = tpu.matmul %convert_element_type3A, %get3A_27, %dot_general3A {dimension_numbers = #tpu.dot_dimension_numbers<[1], [0], [0], [1], [0, 0, 1, 1], [], []>, transpose_lhs_hint = false} : vector<1024x128xbf16>, vector<128x128xbf16>, vector<1024x128xf32> -> vector<1024x128xf32>
    %mul3A_29 = arith.constant 1024 : i32
    %mul3A_30 = arith.muli %arg0, %mul3A_29 : i32
    %iota3A = tpu.iota {dimensions = array<i32: 0>} : vector<1024x1xi32>
    %add3A_31 = vector.broadcast %mul3A_30 : i32 to vector<1024x1xi32>
    %add3A_32 = arith.addi %add3A_31, %iota3A : vector<1024x1xi32>
    %lt3A = arith.constant 10000 : i32
    %lt3A_33 = vector.broadcast %lt3A : i32 to vector<1024x1xi32>
    %lt3A_34 = arith.cmpi slt, %add3A_32, %lt3A_33 : vector<1024x1xi32>
    %get3A_35 = arith.constant 0 : index
    %get3A_36 = arith.constant 0 : index
    %get3A_37 = vector.load %arg4[%get3A_35, %get3A_36] : memref<1024x1xf32, #tpu.memory_space<vmem>>, vector<1024x1xf32>
    %mul3A_38 = vector.broadcast %get3A_37 : vector<1024x1xf32> to vector<1024x128xf32>
    %mul3A_39 = arith.mulf %mul3A_38, %dot_general3A_28 : vector<1024x128xf32>
    %jit3A = arith.constant 0.000000e+00 : f32
    %broadcast_in_dim3A = vector.shape_cast %lt3A_34 : vector<1024x1xi1> to vector<1024x1xi1>
    %broadcast_in_dim3A_40 = vector.broadcast %broadcast_in_dim3A : vector<1024x1xi1> to vector<1024x128xi1>
    %broadcast_in_dim3A_41 = vector.broadcast %jit3A : f32 to vector<1024x128xf32>
    %select_n3A = arith.select %broadcast_in_dim3A_40, %mul3A_39, %broadcast_in_dim3A_41 : vector<1024x128xi1>, vector<1024x128xf32>
    %swap3A = arith.constant 0 : index
    %swap3A_42 = arith.constant 0 : index
    %swap3A_43 = vector.load %arg8[%swap3A, %swap3A_42] : memref<1024x128xf32, #tpu.memory_space<vmem>>, vector<1024x128xf32>
    tpu.vector_store %arg8[%swap3A, %swap3A_42], %select_n3A {strides = array<i32>} : memref<1024x128xf32, #tpu.memory_space<vmem>>, vector<1024x128xf32>,
    return
  }
  func.func @transform_0(%arg0: i32) -> (i32, i32) {
    %c0_i32 = arith.constant 0 : i32
    %c0_i32_0 = arith.constant 0 : i32
    return %arg0, %c0_i32 : i32, i32
  }
  func.func @transform_1(%arg0: i32) -> (i32, i32) {
    %c0_i32 = arith.constant 0 : i32
    %c0_i32_0 = arith.constant 0 : i32
    return %arg0, %c0_i32 : i32, i32
  }
  func.func @transform_2(%arg0: i32) -> (i32, i32) {
    %c0_i32 = arith.constant 0 : i32
    %c0_i32_0 = arith.constant 0 : i32
    return %arg0, %c0_i32 : i32, i32
  }
  func.func @transform_3(%arg0: i32) -> (i32, i32) {
    %c0_i32 = arith.constant 0 : i32
    %c0_i32_0 = arith.constant 0 : i32
    return %arg0, %c0_i32 : i32, i32
  }
  func.func @transform_4(%arg0: i32) -> (i32, i32) {
    %c0_i32 = arith.constant 0 : i32
    %c0_i32_0 = arith.constant 0 : i32
    %c0_i32_1 = arith.constant 0 : i32
    return %c0_i32, %c0_i32_0 : i32, i32
  }
  func.func @transform_5(%arg0: i32) -> (i32, i32) {
    %c0_i32 = arith.constant 0 : i32
    %c0_i32_0 = arith.constant 0 : i32
    %c0_i32_1 = arith.constant 0 : i32
    return %c0_i32, %c0_i32_0 : i32, i32
  }
  func.func @transform_6(%arg0: i32) -> (i32, i32) {
    %c0_i32 = arith.constant 0 : i32
    %c0_i32_0 = arith.constant 0 : i32
    %c0_i32_1 = arith.constant 0 : i32
    return %c0_i32, %c0_i32_0 : i32, i32
  }
  func.func @transform_7(%arg0: i32) -> (i32, i32) {
    %c0_i32 = arith.constant 0 : i32
    %c0_i32_0 = arith.constant 0 : i32
    return %arg0, %c0_i32 : i32, i32
  }
}

module attributes {stable_mosaic.version = 14 : i64} {
  func.func @body(%arg0: i32, %arg1: memref<1000x128xf32, #tpu.memory_space<vmem>>, %arg2: memref<1000x128xf32, #tpu.memory_space<vmem>>, %arg3: memref<1000x128xf32, #tpu.memory_space<vmem>>, %arg4: memref<1000x1xf32, #tpu.memory_space<vmem>>, %arg5: memref<1x128xf32, #tpu.memory_space<vmem>>, %arg6: memref<1x128xf32, #tpu.memory_space<vmem>>, %arg7: memref<128x128xbf16, #tpu.memory_space<vmem>>, %arg8: memref<2x256x128xbf16, #tpu.memory_space<vmem>>, %arg9: memref<3x128x128xbf16, #tpu.memory_space<vmem>>, %arg10: memref<4x128x128xbf16, #tpu.memory_space<vmem>>, %arg11: memref<12x128xf32, #tpu.memory_space<vmem>>, %arg12: memref<4x128xf32, #tpu.memory_space<vmem>>, %arg13: memref<1000x40xf32, #tpu.memory_space<vmem>>, %arg14: memref<1000x40xf32, #tpu.memory_space<vmem>>, %arg15: memref<1000x40xf32, #tpu.memory_space<vmem>>, %arg16: memref<1000x40xf32, #tpu.memory_space<vmem>>) attributes {dimension_semantics = [#tpu.dimension_semantics<arbitrary>], iteration_bounds = array<i64: 10>, scalar_prefetch = 0 : i64, scratch_operands = 0 : i64, tpu.core_type = #tpu.core_type<tc>, window_params = [{transform_indices = @transform_0, window_bounds = array<i64: 1000, 128>}, {transform_indices = @transform_1, window_bounds = array<i64: 1000, 128>}, {transform_indices = @transform_2, window_bounds = array<i64: 1000, 128>}, {transform_indices = @transform_3, window_bounds = array<i64: 1000, 1>}, {pipeline_mode = #tpu.pipeline_mode<synchronous>, transform_indices = @transform_4, window_bounds = array<i64: 1, 128>}, {pipeline_mode = #tpu.pipeline_mode<synchronous>, transform_indices = @transform_5, window_bounds = array<i64: 1, 128>}, {pipeline_mode = #tpu.pipeline_mode<synchronous>, transform_indices = @transform_6, window_bounds = array<i64: 128, 128>}, {pipeline_mode = #tpu.pipeline_mode<synchronous>, transform_indices = @transform_7, window_bounds = array<i64: 2, 256, 128>}, {pipeline_mode = #tpu.pipeline_mode<synchronous>, transform_indices = @transform_8, window_bounds = array<i64: 3, 128, 128>}, {pipeline_mode = #tpu.pipeline_mode<synchronous>, transform_indices = @transform_9, window_bounds = array<i64: 4, 128, 128>}, {pipeline_mode = #tpu.pipeline_mode<synchronous>, transform_indices = @transform_10, window_bounds = array<i64: 12, 128>}, {pipeline_mode = #tpu.pipeline_mode<synchronous>, transform_indices = @transform_11, window_bounds = array<i64: 4, 128>}, {transform_indices = @transform_12, window_bounds = array<i64: 1000, 40>}, {transform_indices = @transform_13, window_bounds = array<i64: 1000, 40>}, {transform_indices = @transform_14, window_bounds = array<i64: 1000, 40>}, {transform_indices = @transform_15, window_bounds = array<i64: 1000, 40>}]} {
    %get3A = arith.constant 0 : index
    %get3A_0 = arith.constant 0 : index
    %get3A_1 = vector.load %arg4[%get3A, %get3A_0] : memref<1000x1xf32, #tpu.memory_space<vmem>>, vector<1000x1xf32>
    %get3A_2 = arith.constant 0 : index
    %get3A_3 = arith.constant 0 : index
    %get3A_4 = vector.load %arg1[%get3A_2, %get3A_3] : memref<1000x128xf32, #tpu.memory_space<vmem>>, vector<1000x128xf32>
    %get3A_5 = arith.constant 0 : index
    %get3A_6 = arith.constant 0 : index
    %get3A_7 = vector.load %arg2[%get3A_5, %get3A_6] : memref<1000x128xf32, #tpu.memory_space<vmem>>, vector<1000x128xf32>
    %add3A = arith.addf %get3A_4, %get3A_7 : vector<1000x128xf32>
    %get3A_8 = arith.constant 0 : index
    %get3A_9 = arith.constant 0 : index
    %get3A_10 = vector.load %arg3[%get3A_8, %get3A_9] : memref<1000x128xf32, #tpu.memory_space<vmem>>, vector<1000x128xf32>
    %add3A_11 = arith.addf %add3A, %get3A_10 : vector<1000x128xf32>
    %mul3A = vector.broadcast %get3A_1 : vector<1000x1xf32> to vector<1000x128xf32>
    %mul3A_12 = arith.mulf %mul3A, %add3A_11 : vector<1000x128xf32>
    %get3A_13 = arith.constant 0 : index
    %get3A_14 = arith.constant 0 : index
    %get3A_15 = vector.load %arg5[%get3A_13, %get3A_14] : memref<1x128xf32, #tpu.memory_space<vmem>>, vector<1x128xf32>
    %mul3A_16 = vector.broadcast %get3A_15 : vector<1x128xf32> to vector<1000x128xf32>
    %mul3A_17 = arith.mulf %mul3A_12, %mul3A_16 : vector<1000x128xf32>
    %get3A_18 = arith.constant 0 : index
    %get3A_19 = arith.constant 0 : index
    %get3A_20 = vector.load %arg6[%get3A_18, %get3A_19] : memref<1x128xf32, #tpu.memory_space<vmem>>, vector<1x128xf32>
    %add3A_21 = vector.broadcast %get3A_20 : vector<1x128xf32> to vector<1000x128xf32>
    %add3A_22 = arith.addf %mul3A_17, %add3A_21 : vector<1000x128xf32>
    %max3A = arith.constant 0.000000e+00 : f32
    %max3A_23 = vector.broadcast %max3A : f32 to vector<1000x128xf32>
    %max3A_24 = arith.maximumf %add3A_22, %max3A_23 : vector<1000x128xf32>
    %get3A_25 = arith.constant 0 : index
    %get3A_26 = arith.constant 0 : index
    %get3A_27 = vector.load %arg7[%get3A_25, %get3A_26] : memref<128x128xbf16, #tpu.memory_space<vmem>>, vector<128x128xbf16>
    %convert_element_type3A = arith.truncf %max3A_24 : vector<1000x128xf32> to vector<1000x128xbf16>
    %dot_general3A = arith.constant dense<0.000000e+00> : vector<1000x128xf32>
    %dot_general3A_28 = tpu.matmul %convert_element_type3A, %get3A_27, %dot_general3A {dimension_numbers = #tpu.dot_dimension_numbers<[1], [0], [0], [1], [0, 0, 1, 1], [], []>, transpose_lhs_hint = false} : vector<1000x128xbf16>, vector<128x128xbf16>, vector<1000x128xf32> -> vector<1000x128xf32>
    %get3A_29 = arith.constant 0 : index
    %get3A_30 = arith.constant 0 : index
    %get3A_31 = vector.load %arg11[%get3A_29, %get3A_30] : memref<12x128xf32, #tpu.memory_space<vmem>>, vector<1x128xf32>
    %get3A_32 = vector.shape_cast %get3A_31 : vector<1x128xf32> to vector<128xf32>
    %broadcast_in_dim3A = vector.shape_cast %get3A_32 : vector<128xf32> to vector<1x128xf32>
    %mul3A_33 = vector.broadcast %broadcast_in_dim3A : vector<1x128xf32> to vector<1000x128xf32>
    %mul3A_34 = arith.mulf %dot_general3A_28, %mul3A_33 : vector<1000x128xf32>
    %get3A_35 = arith.constant 3 : index
    %get3A_36 = arith.constant 0 : index
    %get3A_37 = vector.load %arg11[%get3A_35, %get3A_36] : memref<12x128xf32, #tpu.memory_space<vmem>>, vector<1x128xf32>
    %get3A_38 = vector.shape_cast %get3A_37 : vector<1x128xf32> to vector<128xf32>
    %broadcast_in_dim3A_39 = vector.shape_cast %get3A_38 : vector<128xf32> to vector<1x128xf32>
    %add3A_40 = vector.broadcast %broadcast_in_dim3A_39 : vector<1x128xf32> to vector<1000x128xf32>
    %add3A_41 = arith.addf %mul3A_34, %add3A_40 : vector<1000x128xf32>
    %max3A_42 = arith.constant 0.000000e+00 : f32
    %max3A_43 = vector.broadcast %max3A_42 : f32 to vector<1000x128xf32>
    %max3A_44 = arith.maximumf %add3A_41, %max3A_43 : vector<1000x128xf32>
    %get3A_45 = arith.constant 0 : index
    %get3A_46 = arith.constant 0 : index
    %get3A_47 = arith.constant 0 : index
    %get3A_48 = vector.load %arg8[%get3A_45, %get3A_46, %get3A_47] : memref<2x256x128xbf16, #tpu.memory_space<vmem>>, vector<1x256x128xbf16>
    %get3A_49 = vector.shape_cast %get3A_48 : vector<1x256x128xbf16> to vector<256x128xbf16>
    %slice3A = vector.extract_strided_slice %get3A_49 {offsets = [0, 0], sizes = [128, 128], strides = [1, 1]} : vector<256x128xbf16> to vector<128x128xbf16>
    %convert_element_type3A_50 = arith.truncf %max3A_44 : vector<1000x128xf32> to vector<1000x128xbf16>
    %dot_general3A_51 = arith.constant dense<0.000000e+00> : vector<1000x128xf32>
    %dot_general3A_52 = tpu.matmul %convert_element_type3A_50, %slice3A, %dot_general3A_51 {dimension_numbers = #tpu.dot_dimension_numbers<[1], [0], [0], [1], [0, 0, 1, 1], [], []>, transpose_lhs_hint = false} : vector<1000x128xbf16>, vector<128x128xbf16>, vector<1000x128xf32> -> vector<1000x128xf32>
    %slice3A_53 = vector.extract_strided_slice %get3A_49 {offsets = [128, 0], sizes = [128, 128], strides = [1, 1]} : vector<256x128xbf16> to vector<128x128xbf16>
    %convert_element_type3A_54 = arith.truncf %max3A_24 : vector<1000x128xf32> to vector<1000x128xbf16>
    %dot_general3A_55 = arith.constant dense<0.000000e+00> : vector<1000x128xf32>
    %dot_general3A_56 = tpu.matmul %convert_element_type3A_54, %slice3A_53, %dot_general3A_55 {dimension_numbers = #tpu.dot_dimension_numbers<[1], [0], [0], [1], [0, 0, 1, 1], [], []>, transpose_lhs_hint = false} : vector<1000x128xbf16>, vector<128x128xbf16>, vector<1000x128xf32> -> vector<1000x128xf32>
    %add3A_57 = arith.addf %dot_general3A_52, %dot_general3A_56 : vector<1000x128xf32>
    %get3A_58 = arith.constant 1 : index
    %get3A_59 = arith.constant 0 : index
    %get3A_60 = vector.load %arg11[%get3A_58, %get3A_59] : memref<12x128xf32, #tpu.memory_space<vmem>>, vector<1x128xf32>
    %get3A_61 = vector.shape_cast %get3A_60 : vector<1x128xf32> to vector<128xf32>
    %broadcast_in_dim3A_62 = vector.shape_cast %get3A_61 : vector<128xf32> to vector<1x128xf32>
    %mul3A_63 = vector.broadcast %broadcast_in_dim3A_62 : vector<1x128xf32> to vector<1000x128xf32>
    %mul3A_64 = arith.mulf %add3A_57, %mul3A_63 : vector<1000x128xf32>
    %get3A_65 = arith.constant 4 : index
    %get3A_66 = arith.constant 0 : index
    %get3A_67 = vector.load %arg11[%get3A_65, %get3A_66] : memref<12x128xf32, #tpu.memory_space<vmem>>, vector<1x128xf32>
    %get3A_68 = vector.shape_cast %get3A_67 : vector<1x128xf32> to vector<128xf32>
    %broadcast_in_dim3A_69 = vector.shape_cast %get3A_68 : vector<128xf32> to vector<1x128xf32>
    %add3A_70 = vector.broadcast %broadcast_in_dim3A_69 : vector<1x128xf32> to vector<1000x128xf32>
    %add3A_71 = arith.addf %mul3A_64, %add3A_70 : vector<1000x128xf32>
    %max3A_72 = arith.constant 0.000000e+00 : f32
    %max3A_73 = vector.broadcast %max3A_72 : f32 to vector<1000x128xf32>
    %max3A_74 = arith.maximumf %add3A_71, %max3A_73 : vector<1000x128xf32>
    %get3A_75 = arith.constant 1 : index
    %get3A_76 = arith.constant 0 : index
    %get3A_77 = arith.constant 0 : index
    %get3A_78 = vector.load %arg8[%get3A_75, %get3A_76, %get3A_77] : memref<2x256x128xbf16, #tpu.memory_space<vmem>>, vector<1x256x128xbf16>
    %get3A_79 = vector.shape_cast %get3A_78 : vector<1x256x128xbf16> to vector<256x128xbf16>
    %slice3A_80 = vector.extract_strided_slice %get3A_79 {offsets = [0, 0], sizes = [128, 128], strides = [1, 1]} : vector<256x128xbf16> to vector<128x128xbf16>
    %convert_element_type3A_81 = arith.truncf %max3A_74 : vector<1000x128xf32> to vector<1000x128xbf16>
    %dot_general3A_82 = arith.constant dense<0.000000e+00> : vector<1000x128xf32>
    %dot_general3A_83 = tpu.matmul %convert_element_type3A_81, %slice3A_80, %dot_general3A_82 {dimension_numbers = #tpu.dot_dimension_numbers<[1], [0], [0], [1], [0, 0, 1, 1], [], []>, transpose_lhs_hint = false} : vector<1000x128xbf16>, vector<128x128xbf16>, vector<1000x128xf32> -> vector<1000x128xf32>
    %slice3A_84 = vector.extract_strided_slice %get3A_79 {offsets = [128, 0], sizes = [128, 128], strides = [1, 1]} : vector<256x128xbf16> to vector<128x128xbf16>
    %convert_element_type3A_85 = arith.truncf %max3A_24 : vector<1000x128xf32> to vector<1000x128xbf16>
    %dot_general3A_86 = arith.constant dense<0.000000e+00> : vector<1000x128xf32>
    %dot_general3A_87 = tpu.matmul %convert_element_type3A_85, %slice3A_84, %dot_general3A_86 {dimension_numbers = #tpu.dot_dimension_numbers<[1], [0], [0], [1], [0, 0, 1, 1], [], []>, transpose_lhs_hint = false} : vector<1000x128xbf16>, vector<128x128xbf16>, vector<1000x128xf32> -> vector<1000x128xf32>
    %add3A_88 = arith.addf %dot_general3A_83, %dot_general3A_87 : vector<1000x128xf32>
    %get3A_89 = arith.constant 2 : index
    %get3A_90 = arith.constant 0 : index
    %get3A_91 = vector.load %arg11[%get3A_89, %get3A_90] : memref<12x128xf32, #tpu.memory_space<vmem>>, vector<1x128xf32>
    %get3A_92 = vector.shape_cast %get3A_91 : vector<1x128xf32> to vector<128xf32>
    %broadcast_in_dim3A_93 = vector.shape_cast %get3A_92 : vector<128xf32> to vector<1x128xf32>
    %mul3A_94 = vector.broadcast %broadcast_in_dim3A_93 : vector<1x128xf32> to vector<1000x128xf32>
    %mul3A_95 = arith.mulf %add3A_88, %mul3A_94 : vector<1000x128xf32>
    %get3A_96 = arith.constant 5 : index
    %get3A_97 = arith.constant 0 : index
    %get3A_98 = vector.load %arg11[%get3A_96, %get3A_97] : memref<12x128xf32, #tpu.memory_space<vmem>>, vector<1x128xf32>
    %get3A_99 = vector.shape_cast %get3A_98 : vector<1x128xf32> to vector<128xf32>
    %broadcast_in_dim3A_100 = vector.shape_cast %get3A_99 : vector<128xf32> to vector<1x128xf32>
    %add3A_101 = vector.broadcast %broadcast_in_dim3A_100 : vector<1x128xf32> to vector<1000x128xf32>
    %add3A_102 = arith.addf %mul3A_95, %add3A_101 : vector<1000x128xf32>
    %max3A_103 = arith.constant 0.000000e+00 : f32
    %max3A_104 = vector.broadcast %max3A_103 : f32 to vector<1000x128xf32>
    %max3A_105 = arith.maximumf %add3A_102, %max3A_104 : vector<1000x128xf32>
    %get3A_106 = arith.constant 0 : index
    %get3A_107 = arith.constant 0 : index
    %get3A_108 = arith.constant 0 : index
    %get3A_109 = vector.load %arg10[%get3A_106, %get3A_107, %get3A_108] : memref<4x128x128xbf16, #tpu.memory_space<vmem>>, vector<1x128x128xbf16>
    %get3A_110 = vector.shape_cast %get3A_109 : vector<1x128x128xbf16> to vector<128x128xbf16>
    %convert_element_type3A_111 = arith.truncf %max3A_105 : vector<1000x128xf32> to vector<1000x128xbf16>
    %dot_general3A_112 = arith.constant dense<0.000000e+00> : vector<1000x128xf32>
    %dot_general3A_113 = tpu.matmul %convert_element_type3A_111, %get3A_110, %dot_general3A_112 {dimension_numbers = #tpu.dot_dimension_numbers<[1], [0], [0], [1], [0, 0, 1, 1], [], []>, transpose_lhs_hint = false} : vector<1000x128xbf16>, vector<128x128xbf16>, vector<1000x128xf32> -> vector<1000x128xf32>
    %get3A_114 = arith.constant 0 : index
    %get3A_115 = arith.constant 0 : index
    %get3A_116 = vector.load %arg12[%get3A_114, %get3A_115] : memref<4x128xf32, #tpu.memory_space<vmem>>, vector<1x128xf32>
    %get3A_117 = vector.shape_cast %get3A_116 : vector<1x128xf32> to vector<128xf32>
    %broadcast_in_dim3A_118 = vector.shape_cast %get3A_117 : vector<128xf32> to vector<1x128xf32>
    %add3A_119 = vector.broadcast %broadcast_in_dim3A_118 : vector<1x128xf32> to vector<1000x128xf32>
    %add3A_120 = arith.addf %dot_general3A_113, %add3A_119 : vector<1000x128xf32>
    %reduce_max3A = arith.constant dense<0xFF800000> : vector<1000xf32>
    %reduce_max3A_121 = vector.multi_reduction <maximumf>, %add3A_120, %reduce_max3A [1] : vector<1000x128xf32> to vector<1000xf32>
    %broadcast_in_dim3A_122 = vector.shape_cast %reduce_max3A_121 : vector<1000xf32> to vector<1000x1xf32>
    %sub3A = vector.broadcast %broadcast_in_dim3A_122 : vector<1000x1xf32> to vector<1000x128xf32>
    %sub3A_123 = arith.subf %add3A_120, %sub3A : vector<1000x128xf32>
    %sub3A_124 = vector.broadcast %broadcast_in_dim3A_122 : vector<1000x1xf32> to vector<1000x128xf32>
    %sub3A_125 = arith.subf %add3A_120, %sub3A_124 : vector<1000x128xf32>
    %exp3A = math.exp %sub3A_125 : vector<1000x128xf32>
    %reduce_sum3A = arith.constant dense<0.000000e+00> : vector<1000xf32>
    %reduce_sum3A_126 = vector.multi_reduction <add>, %exp3A, %reduce_sum3A [1] : vector<1000x128xf32> to vector<1000xf32>
    %broadcast_in_dim3A_127 = vector.shape_cast %reduce_sum3A_126 : vector<1000xf32> to vector<1000x1xf32>
    %log3A = math.log %broadcast_in_dim3A_127 : vector<1000x1xf32>
    %sub3A_128 = vector.broadcast %log3A : vector<1000x1xf32> to vector<1000x128xf32>
    %sub3A_129 = arith.subf %sub3A_123, %sub3A_128 : vector<1000x128xf32>
    %slice3A_130 = vector.extract_strided_slice %sub3A_129 {offsets = [0, 0], sizes = [1000, 40], strides = [1, 1]} : vector<1000x128xf32> to vector<1000x40xf32>
    %swap3A = arith.constant 0 : index
    %swap3A_131 = arith.constant 0 : index
    %swap3A_132 = vector.load %arg13[%swap3A, %swap3A_131] : memref<1000x40xf32, #tpu.memory_space<vmem>>, vector<1000x40xf32>
    tpu.vector_store %arg13[%swap3A, %swap3A_131], %slice3A_130 {strides = array<i32>} : memref<1000x40xf32, #tpu.memory_space<vmem>>, vector<1000x40xf32>,
    %get3A_133 = arith.constant 0 : index
    %get3A_134 = arith.constant 0 : index
    %get3A_135 = arith.constant 0 : index
    %get3A_136 = vector.load %arg9[%get3A_133, %get3A_134, %get3A_135] : memref<3x128x128xbf16, #tpu.memory_space<vmem>>, vector<1x128x128xbf16>
    %get3A_137 = vector.shape_cast %get3A_136 : vector<1x128x128xbf16> to vector<128x128xbf16>
    %convert_element_type3A_138 = arith.truncf %max3A_44 : vector<1000x128xf32> to vector<1000x128xbf16>
    %dot_general3A_139 = arith.constant dense<0.000000e+00> : vector<1000x128xf32>
    %dot_general3A_140 = tpu.matmul %convert_element_type3A_138, %get3A_137, %dot_general3A_139 {dimension_numbers = #tpu.dot_dimension_numbers<[1], [0], [0], [1], [0, 0, 1, 1], [], []>, transpose_lhs_hint = false} : vector<1000x128xbf16>, vector<128x128xbf16>, vector<1000x128xf32> -> vector<1000x128xf32>
    %get3A_141 = arith.constant 6 : index
    %get3A_142 = arith.constant 0 : index
    %get3A_143 = vector.load %arg11[%get3A_141, %get3A_142] : memref<12x128xf32, #tpu.memory_space<vmem>>, vector<1x128xf32>
    %get3A_144 = vector.shape_cast %get3A_143 : vector<1x128xf32> to vector<128xf32>
    %broadcast_in_dim3A_145 = vector.shape_cast %get3A_144 : vector<128xf32> to vector<1x128xf32>
    %mul3A_146 = vector.broadcast %broadcast_in_dim3A_145 : vector<1x128xf32> to vector<1000x128xf32>
    %mul3A_147 = arith.mulf %dot_general3A_140, %mul3A_146 : vector<1000x128xf32>
    %get3A_148 = arith.constant 9 : index
    %get3A_149 = arith.constant 0 : index
    %get3A_150 = vector.load %arg11[%get3A_148, %get3A_149] : memref<12x128xf32, #tpu.memory_space<vmem>>, vector<1x128xf32>
    %get3A_151 = vector.shape_cast %get3A_150 : vector<1x128xf32> to vector<128xf32>
    %broadcast_in_dim3A_152 = vector.shape_cast %get3A_151 : vector<128xf32> to vector<1x128xf32>
    %add3A_153 = vector.broadcast %broadcast_in_dim3A_152 : vector<1x128xf32> to vector<1000x128xf32>
    %add3A_154 = arith.addf %mul3A_147, %add3A_153 : vector<1000x128xf32>
    %max3A_155 = arith.constant 0.000000e+00 : f32
    %max3A_156 = vector.broadcast %max3A_155 : f32 to vector<1000x128xf32>
    %max3A_157 = arith.maximumf %add3A_154, %max3A_156 : vector<1000x128xf32>
    %get3A_158 = arith.constant 1 : index
    %get3A_159 = arith.constant 0 : index
    %get3A_160 = arith.constant 0 : index
    %get3A_161 = vector.load %arg10[%get3A_158, %get3A_159, %get3A_160] : memref<4x128x128xbf16, #tpu.memory_space<vmem>>, vector<1x128x128xbf16>
    %get3A_162 = vector.shape_cast %get3A_161 : vector<1x128x128xbf16> to vector<128x128xbf16>
    %convert_element_type3A_163 = arith.truncf %max3A_157 : vector<1000x128xf32> to vector<1000x128xbf16>
    %dot_general3A_164 = arith.constant dense<0.000000e+00> : vector<1000x128xf32>
    %dot_general3A_165 = tpu.matmul %convert_element_type3A_163, %get3A_162, %dot_general3A_164 {dimension_numbers = #tpu.dot_dimension_numbers<[1], [0], [0], [1], [0, 0, 1, 1], [], []>, transpose_lhs_hint = false} : vector<1000x128xbf16>, vector<128x128xbf16>, vector<1000x128xf32> -> vector<1000x128xf32>
    %get3A_166 = arith.constant 1 : index
    %get3A_167 = arith.constant 0 : index
    %get3A_168 = vector.load %arg12[%get3A_166, %get3A_167] : memref<4x128xf32, #tpu.memory_space<vmem>>, vector<1x128xf32>
    %get3A_169 = vector.shape_cast %get3A_168 : vector<1x128xf32> to vector<128xf32>
    %broadcast_in_dim3A_170 = vector.shape_cast %get3A_169 : vector<128xf32> to vector<1x128xf32>
    %add3A_171 = vector.broadcast %broadcast_in_dim3A_170 : vector<1x128xf32> to vector<1000x128xf32>
    %add3A_172 = arith.addf %dot_general3A_165, %add3A_171 : vector<1000x128xf32>
    %reduce_max3A_173 = arith.constant dense<0xFF800000> : vector<1000xf32>
    %reduce_max3A_174 = vector.multi_reduction <maximumf>, %add3A_172, %reduce_max3A_173 [1] : vector<1000x128xf32> to vector<1000xf32>
    %broadcast_in_dim3A_175 = vector.shape_cast %reduce_max3A_174 : vector<1000xf32> to vector<1000x1xf32>
    %sub3A_176 = vector.broadcast %broadcast_in_dim3A_175 : vector<1000x1xf32> to vector<1000x128xf32>
    %sub3A_177 = arith.subf %add3A_172, %sub3A_176 : vector<1000x128xf32>
    %sub3A_178 = vector.broadcast %broadcast_in_dim3A_175 : vector<1000x1xf32> to vector<1000x128xf32>
    %sub3A_179 = arith.subf %add3A_172, %sub3A_178 : vector<1000x128xf32>
    %exp3A_180 = math.exp %sub3A_179 : vector<1000x128xf32>
    %reduce_sum3A_181 = arith.constant dense<0.000000e+00> : vector<1000xf32>
    %reduce_sum3A_182 = vector.multi_reduction <add>, %exp3A_180, %reduce_sum3A_181 [1] : vector<1000x128xf32> to vector<1000xf32>
    %broadcast_in_dim3A_183 = vector.shape_cast %reduce_sum3A_182 : vector<1000xf32> to vector<1000x1xf32>
    %log3A_184 = math.log %broadcast_in_dim3A_183 : vector<1000x1xf32>
    %sub3A_185 = vector.broadcast %log3A_184 : vector<1000x1xf32> to vector<1000x128xf32>
    %sub3A_186 = arith.subf %sub3A_177, %sub3A_185 : vector<1000x128xf32>
    %slice3A_187 = vector.extract_strided_slice %sub3A_186 {offsets = [0, 0], sizes = [1000, 40], strides = [1, 1]} : vector<1000x128xf32> to vector<1000x40xf32>
    %swap3A_188 = arith.constant 0 : index
    %swap3A_189 = arith.constant 0 : index
    %swap3A_190 = vector.load %arg14[%swap3A_188, %swap3A_189] : memref<1000x40xf32, #tpu.memory_space<vmem>>, vector<1000x40xf32>
    tpu.vector_store %arg14[%swap3A_188, %swap3A_189], %slice3A_187 {strides = array<i32>} : memref<1000x40xf32, #tpu.memory_space<vmem>>, vector<1000x40xf32>,
    %get3A_191 = arith.constant 1 : index
    %get3A_192 = arith.constant 0 : index
    %get3A_193 = arith.constant 0 : index
    %get3A_194 = vector.load %arg9[%get3A_191, %get3A_192, %get3A_193] : memref<3x128x128xbf16, #tpu.memory_space<vmem>>, vector<1x128x128xbf16>
    %get3A_195 = vector.shape_cast %get3A_194 : vector<1x128x128xbf16> to vector<128x128xbf16>
    %convert_element_type3A_196 = arith.truncf %max3A_74 : vector<1000x128xf32> to vector<1000x128xbf16>
    %dot_general3A_197 = arith.constant dense<0.000000e+00> : vector<1000x128xf32>
    %dot_general3A_198 = tpu.matmul %convert_element_type3A_196, %get3A_195, %dot_general3A_197 {dimension_numbers = #tpu.dot_dimension_numbers<[1], [0], [0], [1], [0, 0, 1, 1], [], []>, transpose_lhs_hint = false} : vector<1000x128xbf16>, vector<128x128xbf16>, vector<1000x128xf32> -> vector<1000x128xf32>
    %get3A_199 = arith.constant 7 : index
    %get3A_200 = arith.constant 0 : index
    %get3A_201 = vector.load %arg11[%get3A_199, %get3A_200] : memref<12x128xf32, #tpu.memory_space<vmem>>, vector<1x128xf32>
    %get3A_202 = vector.shape_cast %get3A_201 : vector<1x128xf32> to vector<128xf32>
    %broadcast_in_dim3A_203 = vector.shape_cast %get3A_202 : vector<128xf32> to vector<1x128xf32>
    %mul3A_204 = vector.broadcast %broadcast_in_dim3A_203 : vector<1x128xf32> to vector<1000x128xf32>
    %mul3A_205 = arith.mulf %dot_general3A_198, %mul3A_204 : vector<1000x128xf32>
    %get3A_206 = arith.constant 10 : index
    %get3A_207 = arith.constant 0 : index
    %get3A_208 = vector.load %arg11[%get3A_206, %get3A_207] : memref<12x128xf32, #tpu.memory_space<vmem>>, vector<1x128xf32>
    %get3A_209 = vector.shape_cast %get3A_208 : vector<1x128xf32> to vector<128xf32>
    %broadcast_in_dim3A_210 = vector.shape_cast %get3A_209 : vector<128xf32> to vector<1x128xf32>
    %add3A_211 = vector.broadcast %broadcast_in_dim3A_210 : vector<1x128xf32> to vector<1000x128xf32>
    %add3A_212 = arith.addf %mul3A_205, %add3A_211 : vector<1000x128xf32>
    %max3A_213 = arith.constant 0.000000e+00 : f32
    %max3A_214 = vector.broadcast %max3A_213 : f32 to vector<1000x128xf32>
    %max3A_215 = arith.maximumf %add3A_212, %max3A_214 : vector<1000x128xf32>
    %get3A_216 = arith.constant 2 : index
    %get3A_217 = arith.constant 0 : index
    %get3A_218 = arith.constant 0 : index
    %get3A_219 = vector.load %arg10[%get3A_216, %get3A_217, %get3A_218] : memref<4x128x128xbf16, #tpu.memory_space<vmem>>, vector<1x128x128xbf16>
    %get3A_220 = vector.shape_cast %get3A_219 : vector<1x128x128xbf16> to vector<128x128xbf16>
    %convert_element_type3A_221 = arith.truncf %max3A_215 : vector<1000x128xf32> to vector<1000x128xbf16>
    %dot_general3A_222 = arith.constant dense<0.000000e+00> : vector<1000x128xf32>
    %dot_general3A_223 = tpu.matmul %convert_element_type3A_221, %get3A_220, %dot_general3A_222 {dimension_numbers = #tpu.dot_dimension_numbers<[1], [0], [0], [1], [0, 0, 1, 1], [], []>, transpose_lhs_hint = false} : vector<1000x128xbf16>, vector<128x128xbf16>, vector<1000x128xf32> -> vector<1000x128xf32>
    %get3A_224 = arith.constant 2 : index
    %get3A_225 = arith.constant 0 : index
    %get3A_226 = vector.load %arg12[%get3A_224, %get3A_225] : memref<4x128xf32, #tpu.memory_space<vmem>>, vector<1x128xf32>
    %get3A_227 = vector.shape_cast %get3A_226 : vector<1x128xf32> to vector<128xf32>
    %broadcast_in_dim3A_228 = vector.shape_cast %get3A_227 : vector<128xf32> to vector<1x128xf32>
    %add3A_229 = vector.broadcast %broadcast_in_dim3A_228 : vector<1x128xf32> to vector<1000x128xf32>
    %add3A_230 = arith.addf %dot_general3A_223, %add3A_229 : vector<1000x128xf32>
    %reduce_max3A_231 = arith.constant dense<0xFF800000> : vector<1000xf32>
    %reduce_max3A_232 = vector.multi_reduction <maximumf>, %add3A_230, %reduce_max3A_231 [1] : vector<1000x128xf32> to vector<1000xf32>
    %broadcast_in_dim3A_233 = vector.shape_cast %reduce_max3A_232 : vector<1000xf32> to vector<1000x1xf32>
    %sub3A_234 = vector.broadcast %broadcast_in_dim3A_233 : vector<1000x1xf32> to vector<1000x128xf32>
    %sub3A_235 = arith.subf %add3A_230, %sub3A_234 : vector<1000x128xf32>
    %sub3A_236 = vector.broadcast %broadcast_in_dim3A_233 : vector<1000x1xf32> to vector<1000x128xf32>
    %sub3A_237 = arith.subf %add3A_230, %sub3A_236 : vector<1000x128xf32>
    %exp3A_238 = math.exp %sub3A_237 : vector<1000x128xf32>
    %reduce_sum3A_239 = arith.constant dense<0.000000e+00> : vector<1000xf32>
    %reduce_sum3A_240 = vector.multi_reduction <add>, %exp3A_238, %reduce_sum3A_239 [1] : vector<1000x128xf32> to vector<1000xf32>
    %broadcast_in_dim3A_241 = vector.shape_cast %reduce_sum3A_240 : vector<1000xf32> to vector<1000x1xf32>
    %log3A_242 = math.log %broadcast_in_dim3A_241 : vector<1000x1xf32>
    %sub3A_243 = vector.broadcast %log3A_242 : vector<1000x1xf32> to vector<1000x128xf32>
    %sub3A_244 = arith.subf %sub3A_235, %sub3A_243 : vector<1000x128xf32>
    %slice3A_245 = vector.extract_strided_slice %sub3A_244 {offsets = [0, 0], sizes = [1000, 40], strides = [1, 1]} : vector<1000x128xf32> to vector<1000x40xf32>
    %swap3A_246 = arith.constant 0 : index
    %swap3A_247 = arith.constant 0 : index
    %swap3A_248 = vector.load %arg15[%swap3A_246, %swap3A_247] : memref<1000x40xf32, #tpu.memory_space<vmem>>, vector<1000x40xf32>
    tpu.vector_store %arg15[%swap3A_246, %swap3A_247], %slice3A_245 {strides = array<i32>} : memref<1000x40xf32, #tpu.memory_space<vmem>>, vector<1000x40xf32>,
    %get3A_249 = arith.constant 2 : index
    %get3A_250 = arith.constant 0 : index
    %get3A_251 = arith.constant 0 : index
    %get3A_252 = vector.load %arg9[%get3A_249, %get3A_250, %get3A_251] : memref<3x128x128xbf16, #tpu.memory_space<vmem>>, vector<1x128x128xbf16>
    %get3A_253 = vector.shape_cast %get3A_252 : vector<1x128x128xbf16> to vector<128x128xbf16>
    %convert_element_type3A_254 = arith.truncf %max3A_105 : vector<1000x128xf32> to vector<1000x128xbf16>
    %dot_general3A_255 = arith.constant dense<0.000000e+00> : vector<1000x128xf32>
    %dot_general3A_256 = tpu.matmul %convert_element_type3A_254, %get3A_253, %dot_general3A_255 {dimension_numbers = #tpu.dot_dimension_numbers<[1], [0], [0], [1], [0, 0, 1, 1], [], []>, transpose_lhs_hint = false} : vector<1000x128xbf16>, vector<128x128xbf16>, vector<1000x128xf32> -> vector<1000x128xf32>
    %get3A_257 = arith.constant 8 : index
    %get3A_258 = arith.constant 0 : index
    %get3A_259 = vector.load %arg11[%get3A_257, %get3A_258] : memref<12x128xf32, #tpu.memory_space<vmem>>, vector<1x128xf32>
    %get3A_260 = vector.shape_cast %get3A_259 : vector<1x128xf32> to vector<128xf32>
    %broadcast_in_dim3A_261 = vector.shape_cast %get3A_260 : vector<128xf32> to vector<1x128xf32>
    %mul3A_262 = vector.broadcast %broadcast_in_dim3A_261 : vector<1x128xf32> to vector<1000x128xf32>
    %mul3A_263 = arith.mulf %dot_general3A_256, %mul3A_262 : vector<1000x128xf32>
    %get3A_264 = arith.constant 11 : index
    %get3A_265 = arith.constant 0 : index
    %get3A_266 = vector.load %arg11[%get3A_264, %get3A_265] : memref<12x128xf32, #tpu.memory_space<vmem>>, vector<1x128xf32>
    %get3A_267 = vector.shape_cast %get3A_266 : vector<1x128xf32> to vector<128xf32>
    %broadcast_in_dim3A_268 = vector.shape_cast %get3A_267 : vector<128xf32> to vector<1x128xf32>
    %add3A_269 = vector.broadcast %broadcast_in_dim3A_268 : vector<1x128xf32> to vector<1000x128xf32>
    %add3A_270 = arith.addf %mul3A_263, %add3A_269 : vector<1000x128xf32>
    %max3A_271 = arith.constant 0.000000e+00 : f32
    %max3A_272 = vector.broadcast %max3A_271 : f32 to vector<1000x128xf32>
    %max3A_273 = arith.maximumf %add3A_270, %max3A_272 : vector<1000x128xf32>
    %get3A_274 = arith.constant 3 : index
    %get3A_275 = arith.constant 0 : index
    %get3A_276 = arith.constant 0 : index
    %get3A_277 = vector.load %arg10[%get3A_274, %get3A_275, %get3A_276] : memref<4x128x128xbf16, #tpu.memory_space<vmem>>, vector<1x128x128xbf16>
    %get3A_278 = vector.shape_cast %get3A_277 : vector<1x128x128xbf16> to vector<128x128xbf16>
    %convert_element_type3A_279 = arith.truncf %max3A_273 : vector<1000x128xf32> to vector<1000x128xbf16>
    %dot_general3A_280 = arith.constant dense<0.000000e+00> : vector<1000x128xf32>
    %dot_general3A_281 = tpu.matmul %convert_element_type3A_279, %get3A_278, %dot_general3A_280 {dimension_numbers = #tpu.dot_dimension_numbers<[1], [0], [0], [1], [0, 0, 1, 1], [], []>, transpose_lhs_hint = false} : vector<1000x128xbf16>, vector<128x128xbf16>, vector<1000x128xf32> -> vector<1000x128xf32>
    %get3A_282 = arith.constant 3 : index
    %get3A_283 = arith.constant 0 : index
    %get3A_284 = vector.load %arg12[%get3A_282, %get3A_283] : memref<4x128xf32, #tpu.memory_space<vmem>>, vector<1x128xf32>
    %get3A_285 = vector.shape_cast %get3A_284 : vector<1x128xf32> to vector<128xf32>
    %broadcast_in_dim3A_286 = vector.shape_cast %get3A_285 : vector<128xf32> to vector<1x128xf32>
    %add3A_287 = vector.broadcast %broadcast_in_dim3A_286 : vector<1x128xf32> to vector<1000x128xf32>
    %add3A_288 = arith.addf %dot_general3A_281, %add3A_287 : vector<1000x128xf32>
    %reduce_max3A_289 = arith.constant dense<0xFF800000> : vector<1000xf32>
    %reduce_max3A_290 = vector.multi_reduction <maximumf>, %add3A_288, %reduce_max3A_289 [1] : vector<1000x128xf32> to vector<1000xf32>
    %broadcast_in_dim3A_291 = vector.shape_cast %reduce_max3A_290 : vector<1000xf32> to vector<1000x1xf32>
    %sub3A_292 = vector.broadcast %broadcast_in_dim3A_291 : vector<1000x1xf32> to vector<1000x128xf32>
    %sub3A_293 = arith.subf %add3A_288, %sub3A_292 : vector<1000x128xf32>
    %sub3A_294 = vector.broadcast %broadcast_in_dim3A_291 : vector<1000x1xf32> to vector<1000x128xf32>
    %sub3A_295 = arith.subf %add3A_288, %sub3A_294 : vector<1000x128xf32>
    %exp3A_296 = math.exp %sub3A_295 : vector<1000x128xf32>
    %reduce_sum3A_297 = arith.constant dense<0.000000e+00> : vector<1000xf32>
    %reduce_sum3A_298 = vector.multi_reduction <add>, %exp3A_296, %reduce_sum3A_297 [1] : vector<1000x128xf32> to vector<1000xf32>
    %broadcast_in_dim3A_299 = vector.shape_cast %reduce_sum3A_298 : vector<1000xf32> to vector<1000x1xf32>
    %log3A_300 = math.log %broadcast_in_dim3A_299 : vector<1000x1xf32>
    %sub3A_301 = vector.broadcast %log3A_300 : vector<1000x1xf32> to vector<1000x128xf32>
    %sub3A_302 = arith.subf %sub3A_293, %sub3A_301 : vector<1000x128xf32>
    %slice3A_303 = vector.extract_strided_slice %sub3A_302 {offsets = [0, 0], sizes = [1000, 40], strides = [1, 1]} : vector<1000x128xf32> to vector<1000x40xf32>
    %swap3A_304 = arith.constant 0 : index
    %swap3A_305 = arith.constant 0 : index
    %swap3A_306 = vector.load %arg16[%swap3A_304, %swap3A_305] : memref<1000x40xf32, #tpu.memory_space<vmem>>, vector<1000x40xf32>
    tpu.vector_store %arg16[%swap3A_304, %swap3A_305], %slice3A_303 {strides = array<i32>} : memref<1000x40xf32, #tpu.memory_space<vmem>>, vector<1000x40xf32>,
    return
  }
  func.func @transform_0(%arg0: i32) -> (i32, i32) {
    %c0_i32 = arith.constant 0 : i32
    %c0_i32_0 = arith.constant 0 : i32
    return %arg0, %c0_i32 : i32, i32
  }
  func.func @transform_1(%arg0: i32) -> (i32, i32) {
    %c0_i32 = arith.constant 0 : i32
    %c0_i32_0 = arith.constant 0 : i32
    return %arg0, %c0_i32 : i32, i32
  }
  func.func @transform_2(%arg0: i32) -> (i32, i32) {
    %c0_i32 = arith.constant 0 : i32
    %c0_i32_0 = arith.constant 0 : i32
    return %arg0, %c0_i32 : i32, i32
  }
  func.func @transform_3(%arg0: i32) -> (i32, i32) {
    %c0_i32 = arith.constant 0 : i32
    %c0_i32_0 = arith.constant 0 : i32
    return %arg0, %c0_i32 : i32, i32
  }
  func.func @transform_4(%arg0: i32) -> (i32, i32) {
    %c0_i32 = arith.constant 0 : i32
    %c0_i32_0 = arith.constant 0 : i32
    %c0_i32_1 = arith.constant 0 : i32
    return %c0_i32, %c0_i32_0 : i32, i32
  }
  func.func @transform_5(%arg0: i32) -> (i32, i32) {
    %c0_i32 = arith.constant 0 : i32
    %c0_i32_0 = arith.constant 0 : i32
    %c0_i32_1 = arith.constant 0 : i32
    return %c0_i32, %c0_i32_0 : i32, i32
  }
  func.func @transform_6(%arg0: i32) -> (i32, i32) {
    %c0_i32 = arith.constant 0 : i32
    %c0_i32_0 = arith.constant 0 : i32
    %c0_i32_1 = arith.constant 0 : i32
    return %c0_i32, %c0_i32_0 : i32, i32
  }
  func.func @transform_7(%arg0: i32) -> (i32, i32, i32) {
    %c0_i32 = arith.constant 0 : i32
    %c0_i32_0 = arith.constant 0 : i32
    %c0_i32_1 = arith.constant 0 : i32
    %c0_i32_2 = arith.constant 0 : i32
    return %c0_i32, %c0_i32_0, %c0_i32_1 : i32, i32, i32
  }
  func.func @transform_8(%arg0: i32) -> (i32, i32, i32) {
    %c0_i32 = arith.constant 0 : i32
    %c0_i32_0 = arith.constant 0 : i32
    %c0_i32_1 = arith.constant 0 : i32
    %c0_i32_2 = arith.constant 0 : i32
    return %c0_i32, %c0_i32_0, %c0_i32_1 : i32, i32, i32
  }
  func.func @transform_9(%arg0: i32) -> (i32, i32, i32) {
    %c0_i32 = arith.constant 0 : i32
    %c0_i32_0 = arith.constant 0 : i32
    %c0_i32_1 = arith.constant 0 : i32
    %c0_i32_2 = arith.constant 0 : i32
    return %c0_i32, %c0_i32_0, %c0_i32_1 : i32, i32, i32
  }
  func.func @transform_10(%arg0: i32) -> (i32, i32) {
    %c0_i32 = arith.constant 0 : i32
    %c0_i32_0 = arith.constant 0 : i32
    %c0_i32_1 = arith.constant 0 : i32
    return %c0_i32, %c0_i32_0 : i32, i32
  }
  func.func @transform_11(%arg0: i32) -> (i32, i32) {
    %c0_i32 = arith.constant 0 : i32
    %c0_i32_0 = arith.constant 0 : i32
    %c0_i32_1 = arith.constant 0 : i32
    return %c0_i32, %c0_i32_0 : i32, i32
  }
  func.func @transform_12(%arg0: i32) -> (i32, i32) {
    %c0_i32 = arith.constant 0 : i32
    %c0_i32_0 = arith.constant 0 : i32
    return %arg0, %c0_i32 : i32, i32
  }
  func.func @transform_13(%arg0: i32) -> (i32, i32) {
    %c0_i32 = arith.constant 0 : i32
    %c0_i32_0 = arith.constant 0 : i32
    return %arg0, %c0_i32 : i32, i32
  }
  func.func @transform_14(%arg0: i32) -> (i32, i32) {
    %c0_i32 = arith.constant 0 : i32
    %c0_i32_0 = arith.constant 0 : i32
    return %arg0, %c0_i32 : i32, i32
  }
  func.func @transform_15(%arg0: i32) -> (i32, i32) {
    %c0_i32 = arith.constant 0 : i32
    %c0_i32_0 = arith.constant 0 : i32
    return %arg0, %c0_i32 : i32, i32
  }
}

</mosaic_0001>

<sc_bundles>
// kernel: kernel.10.cloned.1.call-start
scs
__scs_entry_jumppad:
0x0: {  	(pc) =	sbr.rel $0x88, $3  }
0x1: {  	(tag) =	ssettag $0x0;
	lr =	simm.s32 $0x1  }
0x2: {  	[smem:$0x3F73] =	sst lr;
	_ =	strace $0xD0000000  }
0x3: {  	_ = 	snop  }
0x4: {  	_ = 	snop  }
0x5: {  	_ = 	snop  }
0x6: {  	_ = 	snop  }
0x7: {  	_ = 	snop  }
__scs_overlays_trampoline_lowered:
0x8: {  	[smem:$0x3F82] =	sst s0  }
0x9: {  	[smem:$0x3F83] =	sst s1  }
0xa: {  	[smem:$0x3F84] =	sst s2  }
0xb: {  	[smem:$0x3F85] =	sst s3  }
0xc: {  	[smem:$0x3F86] =	sst s4  }
0xd: {  	[smem:$0x3F87] =	sst s5  }
0xe: {  	[smem:$0x3F88] =	sst s6  }
0xf: {  	[smem:$0x3F89] =	sst s7  }
0x10: {  	[smem:$0x3F8A] =	sst s8  }
0x11: {  	[smem:$0x3F8B] =	sst s9;
	s0 =	simm.s32 @!p0 $0x0  }
0x12: {  	s1 =	sld [smem:$0x3F71];
	s0 =	simm.s32 @p0 $0x1  }
0x13: {  	[smem:$0x3F8C] =	sst s0;
	s0 =	simm.s32 @!p1 $0x0  }
0x14: {  	s2 =	sld [smem:$0x3F70];
	s0 =	simm.s32 @p1 $0x1  }
0x15: {  	[smem:$0x3F8D] =	sst s0;
	s0 =	simm.s32 @!p2 $0x0  }
0x16: {  	s3 =	sld [smem:$0x3FDB];
	s0 =	simm.s32 @p2 $0x1  }
0x17: {  	s4 =	simm.s32 $0x1BF5;
	[smem:$0x3F8F] =	sst s0  }
0x18: {  	s0 =	sld [smem:$0x3F72];
	_ =	swait.ge [sflag:s4], $0x0  }
0x19: {  	s7 =	sld [smem:$0x3F73]  }
0x1a: {  	s8 =	sadd.s32 $0xFFFFE003, lr  }
0x1b: {  	s9 =	sadd.s32 $0xFFFFFEF7, lr;
	s5 =	simm.s32 $0xFFFFFFFF;
	p2 =	slt.u32 s8, $0xFFFFF086  }
0x1c: {  	p1 =	slt.u32 s9, $0xF7A;
	s5 =	simm.s32 @!p2 $0x0  }
0x1d: {  	s5 =	simm.s32 @p1 $0x1;
	p0 =	seq.s32 s7, s2  }
0x1e: {  	s7 =	smul.u32 @!p0 $0xF7A, s2;
	p2 =	seq.s32 @!p0 s5, $0x0  }
0x1f: {  	s9 =	smul.u32 $0xF7A, s1;
	s8 =	simm.s32 @!p0 $0x1BF5;
	p2 =	por !p2, p0  }
0x20: {  	[sflag:s8] =	ssyncset.s32 @!p0 $0xFFFFF086;
	s6 =	sadd.s32 @!p0 s3, s7;
	s7 =	simm.s32 @!p0 $0x108  }
0x21: {  	s3 =	sadd.s32 s3, s9;
	s6 =	sadd.s32 @!p0 $0x88, s6;
	s7 =	simm.s32 @p2 $0x1082  }
0x22: {  	[simem:s7], [sflag:s8] =	dma.local @!p0 [hbm:s6], $0xF7A  }
0x23: {  	s9 =	sor.u32 $0xD0000000, s2;
	s6 =	simm.s32 $0x108;
	_ =	swait.ge @!p0 [sflag:s8], $0x0  }
0x24: {  	s3 =	sadd.s32 $0x88, s3;
	s6 =	simm.s32 @!p1 $0x1082;
	[sflag:s4] =	ssyncset.s32 $0xFFFFF086  }
0x25: {  	[simem:s6], [sflag:s4] =	dma.local [hbm:s3], $0xF7A  }
0x26: {  	[smem:$0x3F73] =	sst s1;
	(tag) =	ssettag s2;
	_ =	strace s9  }
0x27: {  	s1 =	sld [smem:$0x3F83]  }
0x28: {  	s2 =	sld [smem:$0x3F84]  }
0x29: {  	s4 =	sld [smem:$0x3F86]  }
0x2a: {  	p0 =	seq.s32 s5, $0x0;
	s5 =	sld [smem:$0x3F87]  }
0x2b: {  	s6 =	sld [smem:$0x3F88]  }
0x2c: {  	s7 =	sld [smem:$0x3F89]  }
0x2d: {  	s3 =	simm.s32 $0x108;
	s8 =	sld [smem:$0x3F8A]  }
0x2e: {  	s3 =	simm.s32 @!p0 $0x1082;
	s9 =	sld [smem:$0x3F8B]  }
0x2f: {  	lr =	sadd.s32 s0, s3;
	s0 =	sld [smem:$0x3F82]  }
0x30: {  	s3 =	sld [smem:$0x3F85]  }
0x31: {  	[smem:$0x3F8E] =	sst s10  }
0x32: {  	s10 =	sld [smem:$0x3F8C];
	_ =	sdelay $0x3  }
0x33: {  	p0 =	seq.s32 s10, $0x1;
	s10 =	sld [smem:$0x3F8E];
	_ =	sdelay $0x3  }
0x34: {  	[smem:$0x3F8E] =	sst s10  }
0x35: {  	s10 =	sld [smem:$0x3F8D];
	_ =	sdelay $0x3  }
0x36: {  	p1 =	seq.s32 s10, $0x1;
	s10 =	sld [smem:$0x3F8E];
	_ =	sdelay $0x3  }
0x37: {  	[smem:$0x3F8E] =	sst s10  }
0x38: {  	s10 =	sld [smem:$0x3F8F]  }
0x39: {  	_ = 	snop;
	(pc) =	sbr.ind lr, $3  }
0x3a: {  	_ = 	snop  }
0x3b: {  	_ = 	snop  }
0x3c: {  	p2 =	seq.s32 s10, $0x1;
	s10 =	sld [smem:$0x3F8E]  }
0x3d: {  	_ =	shalt  }
0x3e: {  	_ =	shalt  }
0x3f: {  	_ =	shalt  }
0x40: {  	_ =	shalt  }
0x41: {  	_ =	shalt  }
0x42: {  	_ =	shalt  }
0x43: {  	_ =	shalt  }
0x44: {  	_ =	shalt  }
0x45: {  	_ =	shalt  }
0x46: {  	_ =	shalt  }
0x47: {  	_ =	shalt  }
0x48: {  	_ =	shalt  }
0x49: {  	_ =	shalt  }
0x4a: {  	_ =	shalt  }
0x4b: {  	_ =	shalt  }
0x4c: {  	_ =	shalt  }
0x4d: {  	_ =	shalt  }
0x4e: {  	_ =	shalt  }
0x4f: {  	_ =	shalt  }
0x50: {  	_ =	shalt  }
0x51: {  	_ =	shalt  }
0x52: {  	_ =	shalt  }
0x53: {  	_ =	shalt  }
0x54: {  	_ =	shalt  }
0x55: {  	_ =	shalt  }
0x56: {  	_ =	shalt  }
0x57: {  	_ =	shalt  }
0x58: {  	_ =	shalt  }
0x59: {  	_ =	shalt  }
0x5a: {  	_ =	shalt  }
0x5b: {  	_ =	shalt  }
0x5c: {  	_ =	shalt  }
0x5d: {  	_ =	shalt  }
0x5e: {  	_ =	shalt  }
0x5f: {  	_ =	shalt  }
0x60: {  	_ =	shalt  }
0x61: {  	_ =	shalt  }
0x62: {  	_ =	shalt  }
0x63: {  	_ =	shalt  }
0x64: {  	_ =	shalt  }
0x65: {  	_ =	shalt  }
0x66: {  	_ =	shalt  }
0x67: {  	_ =	shalt  }
0x68: {  	_ =	shalt  }
0x69: {  	_ =	shalt  }
0x6a: {  	_ =	shalt  }
0x6b: {  	_ =	shalt  }
0x6c: {  	_ =	shalt  }
0x6d: {  	_ =	shalt  }
0x6e: {  	_ =	shalt  }
0x6f: {  	_ =	shalt  }
0x70: {  	_ =	shalt  }
0x71: {  	_ =	shalt  }
0x72: {  	_ =	shalt  }
0x73: {  	_ =	shalt  }
0x74: {  	_ =	shalt  }
0x75: {  	_ =	shalt  }
0x76: {  	_ =	shalt  }
0x77: {  	_ =	shalt  }
0x78: {  	_ =	shalt  }
0x79: {  	_ =	shalt  }
0x7a: {  	_ =	shalt  }
0x7b: {  	_ =	shalt  }
0x7c: {  	_ =	shalt  }
0x7d: {  	_ =	shalt  }
0x7e: {  	_ =	shalt  }
0x7f: {  	_ =	shalt  }
0x80: {  	_ =	shalt  }
0x81: {  	_ =	shalt  }
0x82: {  	_ =	shalt  }
0x83: {  	_ =	shalt  }
0x84: {  	_ =	shalt  }
0x85: {  	_ =	shalt  }
0x86: {  	_ =	shalt  }
0x87: {  	_ =	shalt  }
.Lfunc_end0:
.L_simem_size_0:
called_computation_lowered:
.L_overlay_start_0:
0x88: {  	s2 =	sld [smem:$0x3FD9]  }
0x89: {  	s3 =	sld [smem:$0x3FFE];
	_ =	sdelay $0x1  }
0x8a: {  	s1 =	srdreg.scid  }
0x8b: {  	s0 =	sand.u32 $0x1, s1  }
0x8c: {  	s15 =	sshll.u32 s0, $0xA;
	s2 =	sadd.s32 s3, s2  }
0x8d: {  	s2 =	sadd.s32 s2, s15  }
0x8e: {  	[smem:$0x3F9A] =	sst s2  }
0x8f: {  	_ = 	snop  }
0x90: {  	s2 =	sld [smem:$0x3FD0];
	_ =	sdelay $0x2  }
0x91: {  	s16 =	simm.s32 $0xA;
	s4 =	simm.s32 $0x10  }
0x92: {  	[smem:s4], [sflag:s16] =	dma.local [hbm:s2], $0x1  }
0x93: {  	_ =	swait.eq [sflag:s16], $0x1  }
0x94: {  	s17 =	sld [smem:$0x10];
	[sflag:s16] =	ssyncset.done $0x0  }
0x95: {  	s18 =	sld [smem:$0x11];
	[sflag:s16] =	ssyncadd.s32 $0xFFFFFFFF  }
0x96: {  	s19 =	sld [smem:$0x12];
	(tm) =	ssettm $0x1  }
0x97: {  	s5 =	sld [smem:$0x3FFB];
	_ =	sdelay $0x3  }
0x98: {  	_ =	strace s5  }
0x99: {  	s5 =	sld [smem:$0x3FFC];
	_ =	sdelay $0x3  }
0x9a: {  	_ =	strace s5  }
0x9b: {  	s5 =	sld [smem:$0x3FFD];
	_ =	sdelay $0x3  }
0x9c: {  	_ =	strace s5  }
0x9d: {  	_ =	strace $0x8FFFFFFF  }
0x9e: {  	s20 =	sld [smem:$0x3FDB];
	_ =	sdelay $0x1  }
0x9f: {  	s6 =	simm.s32 $_scs_section_size  }
0xa0: {  	s7 =	simm.s32 $_size__tile_overlayer_lowered;
	s8 =	simm.s32 $_tile_overlayer_lowered  }
0xa1: {  	s23 =	simm.s32 $0x1BFF;
	s22 =	sshll.u32 s8, $0x1;
	s5 =	sadd.s32 s6, s20  }
0xa2: {  	s9 =	simm.s32 $0x0;
	s21 =	sshll.u32 s7, $0x1;
	s7 =	sadd.s32 s22, s5  }
0xa3: {  	[timem:s9], [sflag:s23] =	dma.local [hbm:s7], s21  }
0xa4: {  	_ =	swait.ge [sflag:s23], s21  }
0xa5: {  	s6 =	ssub.s32 $0x0, s21;
	[sflag:s23] =	ssyncset.done $0x0  }
0xa6: {  	[sflag:s23] =	ssyncadd.s32 s6;
	_ =	sdelay $0x1  }
0xa7: {  	s24 =	simm.s32 $0x1B8B  }
0xa8: {  	_ =	swait.ge [sflag:s24], $0x1  }
0xa9: {  	[sflag:s24] =	ssyncset.done $0x0  }
0xaa: {  	s25 =	simm.s32 $0x1B8E;
	[sflag:s24] =	ssyncadd.s32 $0xFFFFFFFF  }
0xab: {  	s26 =	simm.s32 $execute0_lowered;
	[smem:$0x3FD2] =	sst s25  }
0xac: {  	s6 =	sshll.u32 s26, $0x1;
	_ =	strace $0x80000046;
	[dreg:$0x1] =	wrdreg $0xFFFFFFFF  }
0xad: {  	s28 =	simm.s32 $_size_execute0_lowered;
	s5 =	sadd.s32 s5, s6;
	[dreg:$0x0] =	wrdreg $0x0  }
0xae: {  	s6 =	sshll.u32 s28, $0x1;
	[dreg:$0x2] =	wrdreg s5  }
0xaf: {  	[dreg:$0x3] =	wrdreg s6  }
0xb0: {  	[dreg:$0x4] =	wrdreg $0xC0  }
0xb1: {  	_ =	task [dreg:s9], $0x5FFFF  }
0xb2: {  	[dreg:$0x1] =	wrdreg $0xFFFFFFFF  }
0xb3: {  	[dreg:$0x0] =	wrdreg $0x60  }
0xb4: {  	[dreg:$0x2] =	wrdreg s19  }
0xb5: {  	[dreg:$0x3] =	wrdreg s17  }
0xb6: {  	[dreg:$0x4] =	wrdreg s18  }
0xb7: {  	[dreg:$0x5] =	wrdreg $0x50800  }
0xb8: {  	[dreg:$0x6] =	wrdreg $0x9  }
0xb9: {  	_ =	task.clear_ibuf [dreg:s9], $0x7FFFF;
	_ =	strace $0x90000046  }
0xba: {  	s29 =	simm.s32 $0x9;
	_ =	strace $0x80000048  }
0xbb: {  	_ =	swait.ge [sflag:s29], $0x1  }
0xbc: {  	[sflag:s29] =	ssyncadd.s32 $0xFFFFFFFF  }
0xbd: {  	_ =	strace $0x90000048  }
0xbe: {  	_ =	sfence  }
0xbf: {  	s30 =	sld [smem:$0x0];
	_ =	sdelay $0x2  }
0xc0: {  	s31 =	sshll.u32 s1, $0xD;
	s1 =	sshrl.u32 s1, $0x2  }
0xc1: {  	s3 =	sand.u32 $0x4000, s31;
	s1 =	sadd.s32 s1, s30  }
0xc2: {  	s0 =	sor.u32 s3, s0;
	s1 =	sshll.u32 s1, $0x11  }
0xc3: {  	s0 =	sor.u32 s1, s0  }
0xc4: {  	s0 =	sadd.s32 $0x8F2B, s0  }
0xc5: {  	[sflag:s0] =	ssyncadd.remote.s32 $0x1  }
0xc6: {  	_ =	sfence.sel $0xFFFF  }
0xc7: {  	[dreg:$0x0] =	wrdreg $0xFFFFFFFF;
	(pc) =	sbr.abs _section_cstart, $3  }
0xc8: {  	[dreg:$0x1] =	wrdreg $0xFFFFFFFF  }
0xc9: {  	_ =	task.clear_ibuf [dreg:s9], $0x2FFFF;
	_ =	strace $0x9FFFFFFF  }
0xca: {  	(tm) =	ssettm $0x7FFFFFFF  }
0xcb: {  	_ =	shalt  }
tec
execute0_lowered:
.L_overlay_start_1:
0x0: {  	(tag) =	ssettag $0x1  }
0x1: {  	s4 =	rddreg [dreg:$0x0]  }
0x2: {  	s1 =	rddreg [dreg:$0x1]  }
0x3: {  	s5 =	rddreg [dreg:$0x2]  }
0x4: {  	s2 =	rddreg [dreg:$0x3]  }
0x5: {  	s0 =	rddreg [dreg:$0x4]  }
0x6: {  	s6 =	srdreg.scid;
	s10 =	stileid.u32  }
0x7: {  	s3 =	simm.s32 $0x0;
	s6 =	sand.u32 $0x1, s6;
	s7 =	sshll.u32 s10, $0x1  }
0x8: {  	[smem:$0x7FF] =	sst s3;
	s9 =	sshll.u32 s10, $0xA;
	p0 =	sne.s32 s10, $0x0  }
0x9: {  	p1 =	sgt.u32 s10, $0x9;
	s7 =	sor.u32 s6, s7;
	s8 =	smul.u32 $0x2800, s6  }
0xa: {  	s6 =	ssub.s32 $0x2, s6;
	_ =	strace $0x80000047;
	s12 =	sadd.s32 s9, s2  }
0xb: {  	s7 =	smul.u32 $0x500, s7;
	s11 =	sshrl.u32 s6, $0x1;
	s12 =	sshrl.u32 @!p1 s12, $0x3  }
0xc: {  	s8 =	sadd.s32 s9, s8;
	s6 =	ssub.s32 s6, s11;
	s9 =	simm.s32 $0x2800  }
0xd: {  	s11 =	sshll.u32 @!p1 s10, $0x6;
	s10 =	simm.s32 $0x50;
	s4 =	sadd.s32 s4, s7  }
0xe: {  	s31 =	sshrl.u32 s8, $0x3;
	s6 =	smax.u32 s6, $0x1;
	s7 =	simm.s32 $0x5000  }
0xf: {  	v0 =	vimm.f32 $0.0e+00;
	v1 =	vimm.f32 $1.000000000e+00;
	s8 =	simm.s32 $0x1;
	s11 =	sor.u32 @!p1 $0x1C01, s11;
	s5 =	sadd.s32 s5, s31  }
.LBB2_1:
0x10: {  	s13 =	simm.s32 $0x0;
	s14 =	simm.s32 $0x200  }
.LBB2_2:
0x11: {  	p2 =	sne.s32 s14, $0x9E00;
	[tilespmem:s13+$0x2870] =	vst v0  }
0x12: {  	[tilespmem:s13+$0x2800] =	vst v0  }
0x13: {  	[tilespmem:s13+$0x2810] =	vst v0  }
.Ltmp0:
0x14: {  	[tilespmem:s13+$0x2820] =	vst v0;
	(pc) =	sbr.rel @p2 .LBB2_2-.Ltmp0, $4  }
0x15: {  	[tilespmem:s13+$0x2830] =	vst v0  }
0x16: {  	[tilespmem:s13+$0x2840] =	vst v0  }
0x17: {  	[tilespmem:s13+$0x2850] =	vst v0  }
0x18: {  	[tilespmem:s13+$0x2860] =	vst v0;
	s13 =	sshra.s32 s14, $0x2;
	s14 =	sadd.s32 $0x200, s14  }
0x19: {  	[tilespmem:s13+$0x2870] =	vst v0  }
0x1a: {  	[tilespmem:s13+$0x2800] =	vst v0  }
0x1b: {  	[tilespmem:s13+$0x2810] =	vst v0  }
0x1c: {  	[tilespmem:s13+$0x2820] =	vst v0  }
0x1d: {  	[tilespmem:s13+$0x2830] =	vst v0  }
0x1e: {  	[tilespmem:s13+$0x2840] =	vst v0  }
0x1f: {  	[tilespmem:s13+$0x2850] =	vst v0  }
0x20: {  	[tilespmem:s13+$0x2860] =	vst v0;
	s13 =	simm.s32 @!p0 $0x2800  }
0x21: {  	[spmem:s2] =	stream.linear.scatter @!p0 [tilespmem:s13], [sflag:$0x1], $0x2800, $0x38;
	[tilespmem:$0x5300] =	vst v63  }
0x22: {  	s13 =	simm.s32 @!p0 $0x1  }
0x23: {  	_ =	swait.ge @!p0 [sflag:s13], $0x2800  }
0x24: {  	[sflag:s13] =	ssyncset.done @!p0 $0x0  }
0x25: {  	[sflag:s13] =	ssyncadd.s32 @!p0 $0xFFFFD800;
	s13 =	simm.s32 $0x0  }
0x26: {  	[tilespmem:s7], [sflag:$0x1] =	stream.linear.gather [hbm4b:s1+s13], $0x80, $0x38;
	[tilespmem:$0x5300] =	vst v63  }
0x27: {  	_ =	swait.ge [sflag:s8], $0x80  }
0x28: {  	[sflag:s8] =	ssyncset.done $0x0  }
0x29: {  	[sflag:s8] =	ssyncadd.s32 $0xFFFFFF80  }
0x2a: {  	[tilespmem:s13], [sflag:$0x1] =	stream.linear.gather [hbm4b:s4+s13], $0x2800, $0x38;
	[tilespmem:$0x5300] =	vst v63  }
0x2b: {  	_ =	swait.ge [sflag:s8], $0x2800  }
0x2c: {  	[sflag:s8] =	ssyncset.done $0x0  }
0x2d: {  	[sflag:s8] =	ssyncadd.s32 $0xFFFFD800  }
.LBB2_4:
0x2e: {  	s14 =	sshra.s32 s13, $0x2  }
0x2f: {  	v2 =	vld [tilespmem:s14+$0x0];
	_ =	sdelay $0x7  }
0x30: {  	[tilespmem:v2+s9+$0x0] =	vst.idx.add.f32.msk $0xffff, v1  }
0x31: {  	v2 =	vld [tilespmem:s14+$0x10];
	_ =	sdelay $0x7  }
0x32: {  	[tilespmem:v2+s9+$0x0] =	vst.idx.add.f32.msk $0xffff, v1  }
0x33: {  	v2 =	vld [tilespmem:s14+$0x20];
	_ =	sdelay $0x7  }
0x34: {  	[tilespmem:v2+s9+$0x0] =	vst.idx.add.f32.msk $0xffff, v1  }
0x35: {  	v2 =	vld [tilespmem:s14+$0x30];
	_ =	sdelay $0x7  }
0x36: {  	[tilespmem:v2+s9+$0x0] =	vst.idx.add.f32.msk $0xffff, v1  }
0x37: {  	v2 =	vld [tilespmem:s14+$0x40];
	_ =	sdelay $0x7  }
0x38: {  	[tilespmem:v2+s9+$0x0] =	vst.idx.add.f32.msk $0xffff, v1  }
0x39: {  	v2 =	vld [tilespmem:s14+$0x50];
	_ =	sdelay $0x7  }
0x3a: {  	[tilespmem:v2+s9+$0x0] =	vst.idx.add.f32.msk $0xffff, v1  }
0x3b: {  	v2 =	vld [tilespmem:s14+$0x60];
	_ =	sdelay $0x7  }
0x3c: {  	[tilespmem:v2+s9+$0x0] =	vst.idx.add.f32.msk $0xffff, v1  }
0x3d: {  	v2 =	vld [tilespmem:s14+$0x70];
	_ =	sdelay $0x2  }
0x3e: {  	p2 =	sne.s32 s13, $0x9E00  }
.Ltmp1:
0x3f: {  	_ = 	snop;
	(pc) =	sbr.rel @p2 .LBB2_4-.Ltmp1, $2  }
0x40: {  	_ =	sdelay $0x2  }
0x41: {  	s13 =	sadd.s32 $0x200, s13;
	[tilespmem:v2+s9+$0x0] =	vst.idx.add.f32.msk $0xffff, v1  }
0x42: {  	[bflag:$0x0] =	sbarrier.arrive $0xFFFF  }
0x43: {  	[spmem:s2] =	stream.indirect.scatter.add.f32 [tilespmem:s9], [sflag:$0x1], $0x80, s7, s10, $0xb8;
	[tilespmem:$0x5300] =	vst v63  }
0x44: {  	_ =	swait.ge [sflag:s8], $0x2800  }
0x45: {  	s3 =	sadd.s32 $0x1, s3;
	[sflag:s8] =	ssyncset.done $0x0  }
0x46: {  	p2 =	sne.s32 s3, s6;
	[sflag:s8] =	ssyncadd.s32 $0xFFFFD800  }
.Ltmp2:
0x47: {  	s13 =	simm.s32 @!p1 $0x1;
	[bflag:$0x0] =	sbarrier.arrive $0xFFFF;
	(pc) =	sbr.rel @p2 .LBB2_1-.Ltmp2, $4  }
0x48: {  	[hbm:s5], [sflag:s11] =	dma.local @!p1 [spmem:s12], $0x80  }
0x49: {  	_ =	swait.ge @!p1 [sflag:s13], $0x80  }
0x4a: {  	[sflag:s13] =	ssyncset.done @!p1 $0x0  }
0x4b: {  	[sflag:s13] =	ssyncadd.s32 @!p1 $0xFFFFFF80  }
0x4c: {  	_ =	sfence.sel $0x180000  }
0x4d: {  	[bflag:$0x0] =	sbarrier.arrive $0xFFFF  }
0x4e: {  	_ =	strace $0x90000047  }
0x4f: {  	s0 =	sadd.s32 @!p0 $0x100000, s0;
	[bflag:$0x2] =	sbarrier.arrive $0xFFFF  }
0x50: {  	[sflag:s0] =	ssyncadd.tile.s32 @!p0 $0x1;
	_ =	shalt  }
.Lfunc_end2:
_tile_overlayer_lowered:
.L_overlay_start_2:
0x51: {  	(tag) =	ssettag $0x2  }
0x52: {  	s0 =	rddreg [dreg:$0x0];
	s2 =	stileid.u32  }
0x53: {  	s1 =	rddreg [dreg:$0x1];
	p0 =	sne.s32 s2, $0x0  }
0x54: {  	s3 =	rddreg [dreg:$0x2];
	[bflag:$0x3] =	sbarrier.arrive $0xFFFF;
	s2 =	simm.s32 @!p0 $0x1C01  }
0x55: {  	[timem:s3], [sflag:s2] =	dma.local @!p0 [hbm:s0], s1  }
0x56: {  	s0 =	simm.s32 @!p0 $0x1  }
0x57: {  	_ =	swait.ge @!p0 [sflag:s0], s1  }
0x58: {  	s1 =	ssub.s32 @!p0 $0x0, s1;
	[sflag:s0] =	ssyncset.done @!p0 $0x0  }
0x59: {  	[sflag:s0] =	ssyncadd.s32 @!p0 s1  }
0x5a: {  	[bflag:$0x3] =	sbarrier.arrive $0xFFFF  }
0x5b: {  	_ =	shalt  }

// kernel: kernel.13.cloned.1.call-start
scs
__scs_entry_jumppad:
0x0: {  	(pc) =	sbr.rel $0x88, $3  }
0x1: {  	(tag) =	ssettag $0x0;
	lr =	simm.s32 $0x1  }
0x2: {  	[smem:$0x3F73] =	sst lr;
	_ =	strace $0xD0000000  }
0x3: {  	_ = 	snop  }
0x4: {  	_ = 	snop  }
0x5: {  	_ = 	snop  }
0x6: {  	_ = 	snop  }
0x7: {  	_ = 	snop  }
__scs_overlays_trampoline_lowered:
0x8: {  	[smem:$0x3F82] =	sst s0  }
0x9: {  	[smem:$0x3F83] =	sst s1  }
0xa: {  	[smem:$0x3F84] =	sst s2  }
0xb: {  	[smem:$0x3F85] =	sst s3  }
0xc: {  	[smem:$0x3F86] =	sst s4  }
0xd: {  	[smem:$0x3F87] =	sst s5  }
0xe: {  	[smem:$0x3F88] =	sst s6  }
0xf: {  	[smem:$0x3F89] =	sst s7  }
0x10: {  	[smem:$0x3F8A] =	sst s8  }
0x11: {  	[smem:$0x3F8B] =	sst s9;
	s0 =	simm.s32 @!p0 $0x0  }
0x12: {  	s1 =	sld [smem:$0x3F71];
	s0 =	simm.s32 @p0 $0x1  }
0x13: {  	[smem:$0x3F8C] =	sst s0;
	s0 =	simm.s32 @!p1 $0x0  }
0x14: {  	s2 =	sld [smem:$0x3F70];
	s0 =	simm.s32 @p1 $0x1  }
0x15: {  	[smem:$0x3F8D] =	sst s0;
	s0 =	simm.s32 @!p2 $0x0  }
0x16: {  	s3 =	sld [smem:$0x3FDB];
	s0 =	simm.s32 @p2 $0x1  }
0x17: {  	s4 =	simm.s32 $0x1BF5;
	[smem:$0x3F8F] =	sst s0  }
0x18: {  	s0 =	sld [smem:$0x3F72];
	_ =	swait.ge [sflag:s4], $0x0  }
0x19: {  	s7 =	sld [smem:$0x3F73]  }
0x1a: {  	s8 =	sadd.s32 $0xFFFFE003, lr  }
0x1b: {  	s9 =	sadd.s32 $0xFFFFFEF7, lr;
	s5 =	simm.s32 $0xFFFFFFFF;
	p2 =	slt.u32 s8, $0xFFFFF086  }
0x1c: {  	p1 =	slt.u32 s9, $0xF7A;
	s5 =	simm.s32 @!p2 $0x0  }
0x1d: {  	s5 =	simm.s32 @p1 $0x1;
	p0 =	seq.s32 s7, s2  }
0x1e: {  	s7 =	smul.u32 @!p0 $0xF7A, s2;
	p2 =	seq.s32 @!p0 s5, $0x0  }
0x1f: {  	s9 =	smul.u32 $0xF7A, s1;
	s8 =	simm.s32 @!p0 $0x1BF5;
	p2 =	por !p2, p0  }
0x20: {  	[sflag:s8] =	ssyncset.s32 @!p0 $0xFFFFF086;
	s6 =	sadd.s32 @!p0 s3, s7;
	s7 =	simm.s32 @!p0 $0x108  }
0x21: {  	s3 =	sadd.s32 s3, s9;
	s6 =	sadd.s32 @!p0 $0x88, s6;
	s7 =	simm.s32 @p2 $0x1082  }
0x22: {  	[simem:s7], [sflag:s8] =	dma.local @!p0 [hbm:s6], $0xF7A  }
0x23: {  	s9 =	sor.u32 $0xD0000000, s2;
	s6 =	simm.s32 $0x108;
	_ =	swait.ge @!p0 [sflag:s8], $0x0  }
0x24: {  	s3 =	sadd.s32 $0x88, s3;
	s6 =	simm.s32 @!p1 $0x1082;
	[sflag:s4] =	ssyncset.s32 $0xFFFFF086  }
0x25: {  	[simem:s6], [sflag:s4] =	dma.local [hbm:s3], $0xF7A  }
0x26: {  	[smem:$0x3F73] =	sst s1;
	(tag) =	ssettag s2;
	_ =	strace s9  }
0x27: {  	s1 =	sld [smem:$0x3F83]  }
0x28: {  	s2 =	sld [smem:$0x3F84]  }
0x29: {  	s4 =	sld [smem:$0x3F86]  }
0x2a: {  	p0 =	seq.s32 s5, $0x0;
	s5 =	sld [smem:$0x3F87]  }
0x2b: {  	s6 =	sld [smem:$0x3F88]  }
0x2c: {  	s7 =	sld [smem:$0x3F89]  }
0x2d: {  	s3 =	simm.s32 $0x108;
	s8 =	sld [smem:$0x3F8A]  }
0x2e: {  	s3 =	simm.s32 @!p0 $0x1082;
	s9 =	sld [smem:$0x3F8B]  }
0x2f: {  	lr =	sadd.s32 s0, s3;
	s0 =	sld [smem:$0x3F82]  }
0x30: {  	s3 =	sld [smem:$0x3F85]  }
0x31: {  	[smem:$0x3F8E] =	sst s10  }
0x32: {  	s10 =	sld [smem:$0x3F8C];
	_ =	sdelay $0x3  }
0x33: {  	p0 =	seq.s32 s10, $0x1;
	s10 =	sld [smem:$0x3F8E];
	_ =	sdelay $0x3  }
0x34: {  	[smem:$0x3F8E] =	sst s10  }
0x35: {  	s10 =	sld [smem:$0x3F8D];
	_ =	sdelay $0x3  }
0x36: {  	p1 =	seq.s32 s10, $0x1;
	s10 =	sld [smem:$0x3F8E];
	_ =	sdelay $0x3  }
0x37: {  	[smem:$0x3F8E] =	sst s10  }
0x38: {  	s10 =	sld [smem:$0x3F8F]  }
0x39: {  	_ = 	snop;
	(pc) =	sbr.ind lr, $3  }
0x3a: {  	_ = 	snop  }
0x3b: {  	_ = 	snop  }
0x3c: {  	p2 =	seq.s32 s10, $0x1;
	s10 =	sld [smem:$0x3F8E]  }
0x3d: {  	_ =	shalt  }
0x3e: {  	_ =	shalt  }
0x3f: {  	_ =	shalt  }
0x40: {  	_ =	shalt  }
0x41: {  	_ =	shalt  }
0x42: {  	_ =	shalt  }
0x43: {  	_ =	shalt  }
0x44: {  	_ =	shalt  }
0x45: {  	_ =	shalt  }
0x46: {  	_ =	shalt  }
0x47: {  	_ =	shalt  }
0x48: {  	_ =	shalt  }
0x49: {  	_ =	shalt  }
0x4a: {  	_ =	shalt  }
0x4b: {  	_ =	shalt  }
0x4c: {  	_ =	shalt  }
0x4d: {  	_ =	shalt  }
0x4e: {  	_ =	shalt  }
0x4f: {  	_ =	shalt  }
0x50: {  	_ =	shalt  }
0x51: {  	_ =	shalt  }
0x52: {  	_ =	shalt  }
0x53: {  	_ =	shalt  }
0x54: {  	_ =	shalt  }
0x55: {  	_ =	shalt  }
0x56: {  	_ =	shalt  }
0x57: {  	_ =	shalt  }
0x58: {  	_ =	shalt  }
0x59: {  	_ =	shalt  }
0x5a: {  	_ =	shalt  }
0x5b: {  	_ =	shalt  }
0x5c: {  	_ =	shalt  }
0x5d: {  	_ =	shalt  }
0x5e: {  	_ =	shalt  }
0x5f: {  	_ =	shalt  }
0x60: {  	_ =	shalt  }
0x61: {  	_ =	shalt  }
0x62: {  	_ =	shalt  }
0x63: {  	_ =	shalt  }
0x64: {  	_ =	shalt  }
0x65: {  	_ =	shalt  }
0x66: {  	_ =	shalt  }
0x67: {  	_ =	shalt  }
0x68: {  	_ =	shalt  }
0x69: {  	_ =	shalt  }
0x6a: {  	_ =	shalt  }
0x6b: {  	_ =	shalt  }
0x6c: {  	_ =	shalt  }
0x6d: {  	_ =	shalt  }
0x6e: {  	_ =	shalt  }
0x6f: {  	_ =	shalt  }
0x70: {  	_ =	shalt  }
0x71: {  	_ =	shalt  }
0x72: {  	_ =	shalt  }
0x73: {  	_ =	shalt  }
0x74: {  	_ =	shalt  }
0x75: {  	_ =	shalt  }
0x76: {  	_ =	shalt  }
0x77: {  	_ =	shalt  }
0x78: {  	_ =	shalt  }
0x79: {  	_ =	shalt  }
0x7a: {  	_ =	shalt  }
0x7b: {  	_ =	shalt  }
0x7c: {  	_ =	shalt  }
0x7d: {  	_ =	shalt  }
0x7e: {  	_ =	shalt  }
0x7f: {  	_ =	shalt  }
0x80: {  	_ =	shalt  }
0x81: {  	_ =	shalt  }
0x82: {  	_ =	shalt  }
0x83: {  	_ =	shalt  }
0x84: {  	_ =	shalt  }
0x85: {  	_ =	shalt  }
0x86: {  	_ =	shalt  }
0x87: {  	_ =	shalt  }
.Lfunc_end0:
.L_simem_size_0:
called_computation.1_lowered:
.L_overlay_start_0:
0x88: {  	s2 =	sld [smem:$0x3FD9]  }
0x89: {  	s3 =	sld [smem:$0x3FFE];
	_ =	sdelay $0x1  }
0x8a: {  	s1 =	srdreg.scid  }
0x8b: {  	s0 =	sand.u32 $0x1, s1  }
0x8c: {  	s14 =	sshll.u32 s0, $0xA;
	s2 =	sadd.s32 s3, s2  }
0x8d: {  	s2 =	sadd.s32 s2, s14  }
0x8e: {  	[smem:$0x3F9A] =	sst s2  }
0x8f: {  	_ = 	snop  }
0x90: {  	s2 =	sld [smem:$0x3FD0];
	_ =	sdelay $0x2  }
0x91: {  	s15 =	simm.s32 $0xA;
	s4 =	simm.s32 $0x10  }
0x92: {  	[smem:s4], [sflag:s15] =	dma.local [hbm:s2], $0x1  }
0x93: {  	_ =	swait.eq [sflag:s15], $0x1  }
0x94: {  	[sflag:s15] =	ssyncset.done $0x0  }
0x95: {  	s16 =	sld [smem:$0x12];
	[sflag:s15] =	ssyncadd.s32 $0xFFFFFFFF  }
0x96: {  	s17 =	sld [smem:$0x13];
	(tm) =	ssettm $0x1  }
0x97: {  	s18 =	sld [smem:$0x3FFB];
	_ =	sdelay $0x3  }
0x98: {  	_ =	strace s18  }
0x99: {  	s4 =	sld [smem:$0x3FFC];
	_ =	sdelay $0x3  }
0x9a: {  	_ =	strace s4  }
0x9b: {  	s4 =	sld [smem:$0x3FFD];
	_ =	sdelay $0x3  }
0x9c: {  	_ =	strace s4  }
0x9d: {  	_ =	strace $0x8FFFFFFF  }
0x9e: {  	s19 =	sld [smem:$0x3FDB];
	_ =	sdelay $0x1  }
0x9f: {  	s5 =	simm.s32 $_scs_section_size  }
0xa0: {  	s6 =	simm.s32 $_size__tile_overlayer_lowered;
	s7 =	simm.s32 $_tile_overlayer_lowered  }
0xa1: {  	s22 =	simm.s32 $0x1BFF;
	s21 =	sshll.u32 s7, $0x1;
	s4 =	sadd.s32 s5, s19  }
0xa2: {  	s8 =	simm.s32 $0x0;
	s20 =	sshll.u32 s6, $0x1;
	s6 =	sadd.s32 s21, s4  }
0xa3: {  	[timem:s8], [sflag:s22] =	dma.local [hbm:s6], s20  }
0xa4: {  	_ =	swait.ge [sflag:s22], s20  }
0xa5: {  	s5 =	ssub.s32 $0x0, s20;
	[sflag:s22] =	ssyncset.done $0x0  }
0xa6: {  	[sflag:s22] =	ssyncadd.s32 s5;
	_ =	sdelay $0x1  }
0xa7: {  	s23 =	simm.s32 $0x1B8B  }
0xa8: {  	_ =	swait.ge [sflag:s23], $0x1  }
0xa9: {  	[sflag:s23] =	ssyncset.done $0x0  }
0xaa: {  	s25 =	simm.s32 $0x1B8E;
	s24 =	sld [smem:$0x3FFE];
	[sflag:s23] =	ssyncadd.s32 $0xFFFFFFFF  }
0xab: {  	s26 =	simm.s32 $execute0_lowered;
	[smem:$0x3FD2] =	sst s25  }
0xac: {  	s6 =	sshll.u32 s26, $0x1;
	_ =	strace $0x80000049;
	[dreg:$0x1] =	wrdreg $0xFFFFFFFF  }
0xad: {  	s28 =	simm.s32 $_size_execute0_lowered;
	s4 =	sadd.s32 s4, s6;
	[dreg:$0x0] =	wrdreg $0x0  }
0xae: {  	s6 =	sshll.u32 s28, $0x1;
	[dreg:$0x2] =	wrdreg s4  }
0xaf: {  	[dreg:$0x3] =	wrdreg s6  }
0xb0: {  	[dreg:$0x4] =	wrdreg $0xC0  }
0xb1: {  	_ =	task [dreg:s8], $0x5FFFF  }
0xb2: {  	[dreg:$0x1] =	wrdreg $0xFFFFFFFF  }
0xb3: {  	[dreg:$0x0] =	wrdreg $0x60  }
0xb4: {  	[dreg:$0x2] =	wrdreg s24  }
0xb5: {  	[dreg:$0x3] =	wrdreg s17  }
0xb6: {  	[dreg:$0x4] =	wrdreg s16  }
0xb7: {  	[dreg:$0x5] =	wrdreg $0xB8000  }
0xb8: {  	[dreg:$0x6] =	wrdreg $0x9  }
0xb9: {  	_ =	task.clear_ibuf [dreg:s8], $0x7FFFF;
	_ =	strace $0x90000049  }
0xba: {  	s29 =	simm.s32 $0x9;
	_ =	strace $0x8000004B  }
0xbb: {  	_ =	swait.ge [sflag:s29], $0x1  }
0xbc: {  	[sflag:s29] =	ssyncadd.s32 $0xFFFFFFFF  }
0xbd: {  	_ =	strace $0x9000004B  }
0xbe: {  	_ =	sfence  }
0xbf: {  	s30 =	sld [smem:$0x0];
	_ =	sdelay $0x2  }
0xc0: {  	s31 =	sshll.u32 s1, $0xD;
	s1 =	sshrl.u32 s1, $0x2  }
0xc1: {  	s3 =	sand.u32 $0x4000, s31;
	s1 =	sadd.s32 s1, s30  }
0xc2: {  	s0 =	sor.u32 s3, s0;
	s1 =	sshll.u32 s1, $0x11  }
0xc3: {  	s0 =	sor.u32 s1, s0  }
0xc4: {  	s0 =	sadd.s32 $0x8F2B, s0  }
0xc5: {  	[sflag:s0] =	ssyncadd.remote.s32 $0x1  }
0xc6: {  	_ =	sfence.sel $0xFFFF  }
0xc7: {  	[dreg:$0x0] =	wrdreg $0xFFFFFFFF;
	(pc) =	sbr.abs _section_cstart, $3  }
0xc8: {  	[dreg:$0x1] =	wrdreg $0xFFFFFFFF  }
0xc9: {  	_ =	task.clear_ibuf [dreg:s8], $0x2FFFF;
	_ =	strace $0x9FFFFFFF  }
0xca: {  	(tm) =	ssettm $0x7FFFFFFF  }
0xcb: {  	_ =	shalt  }
tec
execute0_lowered:
.L_overlay_start_1:
0x0: {  	(tag) =	ssettag $0x1  }
0x1: {  	s0 =	rddreg [dreg:$0x0]  }
0x2: {  	s1 =	rddreg [dreg:$0x1]  }
0x3: {  	s6 =	rddreg [dreg:$0x2]  }
0x4: {  	s3 =	srdreg.scid;
	s13 =	stileid.u32  }
0x5: {  	s2 =	rddreg [dreg:$0x3];
	s7 =	sand.u32 $0x1, s3;
	s8 =	smul.u32 $0x50000, s13  }
0x6: {  	s4 =	sshll.u32 s13, $0x1;
	s3 =	simm.s32 $0x0;
	s16 =	smul.u32 $0x2800, s13  }
0x7: {  	s5 =	sor.u32 s7, s4;
	[smem:$0x7FF] =	sst s3;
	s9 =	ssub.s32 $0x2, s7  }
0x8: {  	s4 =	sadd.s32 $0x32200, s0;
	p0 =	seq.s32 s7, $0x1;
	s7 =	simm.s32 $0x80  }
0x9: {  	s10 =	smul.u32 $0x2800, s5;
	_ =	strace $0x8000004A;
	s11 =	sshrl.u32 s9, $0x1  }
0xa: {  	s8 =	sshrl.u32 s8, $0x2;
	s12 =	smul.u32 $0x500, s5;
	s9 =	ssub.s32 s9, s11  }
0xb: {  	s5 =	sadd.s32 s8, s2;
	s8 =	simm.s32 $0x2800;
	s10 =	sshrl.u32 s10, $0x3  }
0xc: {  	s11 =	sadd.s32 s1, s12;
	s14 =	sadd.s32 s6, s12;
	s20 =	smax.u32 s9, $0x1  }
0xd: {  	s21 =	sadd.s32 $0x1000, s5;
	s22 =	sadd.s32 $0x2000, s5;
	[dreg:$0x5] =	wrdreg s11  }
0xe: {  	s23 =	sadd.s32 $0x3000, s5;
	s24 =	sadd.s32 $0x4000, s5;
	[dreg:$0x6] =	wrdreg s14  }
0xf: {  	s25 =	sadd.s32 $0x5000, s5;
	s17 =	sadd.s32 $0x7000, s5;
	[dreg:$0x9] =	wrdreg s20  }
0x10: {  	s18 =	sadd.s32 $0x8000, s5;
	s19 =	sadd.s32 $0x9000, s5;
	[dreg:$0xa] =	wrdreg s21  }
0x11: {  	s28 =	sadd.s32 $0x10000, s5;
	s29 =	sadd.s32 $0x11000, s5;
	[dreg:$0xb] =	wrdreg s22  }
0x12: {  	s30 =	sadd.s32 $0x12000, s5;
	s31 =	sadd.s32 $0x13000, s5;
	[dreg:$0xc] =	wrdreg s23  }
0x13: {  	s9 =	simm.s32 $0x1;
	s12 =	simm.s32 $0x0;
	[dreg:$0xd] =	wrdreg s24  }
0x14: {  	s26 =	sadd.s32 $0x280, s10;
	[dreg:$0xe] =	wrdreg s25;
	s20 =	sadd.s32 $0xA000, s5  }
0x15: {  	s21 =	sadd.s32 $0xB000, s5;
	s22 =	sadd.s32 $0xC000, s5;
	s23 =	sadd.s32 $0xD000, s5  }
0x16: {  	s25 =	sadd.s32 $0xE000, s5;
	s10 =	simm.s32 $0x6800;
	s1 =	sadd.s32 s1, s26  }
.Ltmp0:
0x17: {  	s15 =	sadd.s32 s6, s26;
	[dreg:$0x7] =	wrdreg s1;
	(pc) =	sbr.rel .LBB2_1-.Ltmp0, $4  }
0x18: {  	s26 =	sadd.s32 $0x6000, s5;
	s6 =	simm.s32 $0x82200;
	[dreg:$0x8] =	wrdreg s15  }
0x19: {  	s11 =	simm.s32 $0x2;
	[dreg:$0xf] =	wrdreg s26;
	s6 =	simm.s32 @!p0 $0x5A200  }
0x1a: {  	s26 =	sadd.s32 $0xF000, s5;
	s1 =	simm.s32 $0x3;
	s0 =	sadd.s32 s6, s0  }
0x1b: {  	v0 =	vimm.f32 $0.0e+00;
	s6 =	simm.s32 $0x1400;
	s24 =	sadd.s32 s0, s16;
	s0 =	simm.s32 $0xA800  }
.LBB2_13:
0x1c: {  	_ =	swait.ge [sflag:s11], $0x4000  }
0x1d: {  	s13 =	stileid.u32;
	[sflag:s11] =	ssyncset.done $0x0  }
0x1e: {  	s13 =	sshll.u32 s13, $0x6;
	[sflag:s11] =	ssyncadd.s32 $0xFFFFC000  }
0x1f: {  	s14 =	sshrl.u32 s5, $0x3;
	s13 =	sor.u32 $0x1C03, s13;
	[bflag:$0x0] =	sbarrier.arrive $0xFFFF  }
0x20: {  	[hbm:s24], [sflag:s13] =	dma.local [spmem:s14], $0x2800  }
0x21: {  	_ =	swait.ge [sflag:s1], $0x2800  }
0x22: {  	s12 =	sadd.s32 $0x1, s12;
	s16 =	rddreg [dreg:$0x9]  }
0x23: {  	p0 =	sne.s32 s12, s16  }
.Ltmp1:
0x24: {  	_ = 	snop;
	(pc) =	sbr.rel @!p0 .LBB2_14-.Ltmp1, $3  }
0x25: {  	_ =	sdelay $0x1  }
0x26: {  	[sflag:s1] =	ssyncset.done $0x0  }
0x27: {  	[sflag:s1] =	ssyncadd.s32 $0xFFFFD800  }
.LBB2_1:
0x28: {  	s13 =	simm.s32 $0x0;
	s14 =	simm.s32 $0x200  }
.LBB2_2:
0x29: {  	p0 =	sne.s32 s14, $0x3E00;
	[tilespmem:s13+$0xA870] =	vst v0  }
0x2a: {  	[tilespmem:s13+$0xA800] =	vst v0  }
0x2b: {  	[tilespmem:s13+$0xA810] =	vst v0  }
.Ltmp2:
0x2c: {  	[tilespmem:s13+$0xA820] =	vst v0;
	(pc) =	sbr.rel @p0 .LBB2_2-.Ltmp2, $4  }
0x2d: {  	[tilespmem:s13+$0xA830] =	vst v0  }
0x2e: {  	[tilespmem:s13+$0xA840] =	vst v0  }
0x2f: {  	[tilespmem:s13+$0xA850] =	vst v0  }
0x30: {  	[tilespmem:s13+$0xA860] =	vst v0;
	s13 =	sshra.s32 s14, $0x2;
	s14 =	sadd.s32 $0x200, s14  }
0x31: {  	[tilespmem:s13+$0xA870] =	vst v0  }
0x32: {  	[tilespmem:s13+$0xA800] =	vst v0  }
0x33: {  	[tilespmem:s13+$0xA810] =	vst v0  }
0x34: {  	[tilespmem:s13+$0xA820] =	vst v0  }
0x35: {  	[tilespmem:s13+$0xA830] =	vst v0  }
0x36: {  	[tilespmem:s13+$0xA840] =	vst v0  }
0x37: {  	[tilespmem:s13+$0xA850] =	vst v0  }
0x38: {  	[tilespmem:s13+$0xA860] =	vst v0  }
0x39: {  	[spmem:s5] =	stream.linear.scatter [tilespmem:s0], [sflag:$0x3], $0x1000, $0x38;
	[tilespmem:$0x1F800] =	vst v63  }
0x3a: {  	_ =	swait.ge [sflag:s1], $0x1000  }
0x3b: {  	[sflag:s1] =	ssyncset.done $0x0  }
0x3c: {  	s15 =	rddreg [dreg:$0xa];
	[sflag:s1] =	ssyncadd.s32 $0xFFFFF000  }
0x3d: {  	[spmem:s15] =	stream.linear.scatter [tilespmem:s0], [sflag:$0x3], $0x1000, $0x38;
	[tilespmem:$0x1F800] =	vst v63  }
0x3e: {  	_ =	swait.ge [sflag:s1], $0x1000  }
0x3f: {  	[sflag:s1] =	ssyncset.done $0x0  }
0x40: {  	s16 =	rddreg [dreg:$0xb];
	[sflag:s1] =	ssyncadd.s32 $0xFFFFF000  }
0x41: {  	[spmem:s16] =	stream.linear.scatter [tilespmem:s0], [sflag:$0x3], $0x1000, $0x38;
	[tilespmem:$0x1F800] =	vst v63  }
0x42: {  	_ =	swait.ge [sflag:s1], $0x1000  }
0x43: {  	[sflag:s1] =	ssyncset.done $0x0  }
0x44: {  	s14 =	rddreg [dreg:$0xc];
	[sflag:s1] =	ssyncadd.s32 $0xFFFFF000  }
0x45: {  	[spmem:s14] =	stream.linear.scatter [tilespmem:s0], [sflag:$0x3], $0x1000, $0x38;
	[tilespmem:$0x1F800] =	vst v63  }
0x46: {  	_ =	swait.ge [sflag:s1], $0x1000  }
0x47: {  	[sflag:s1] =	ssyncset.done $0x0  }
0x48: {  	s15 =	rddreg [dreg:$0xd];
	[sflag:s1] =	ssyncadd.s32 $0xFFFFF000  }
0x49: {  	[spmem:s15] =	stream.linear.scatter [tilespmem:s0], [sflag:$0x3], $0x1000, $0x38;
	[tilespmem:$0x1F800] =	vst v63  }
0x4a: {  	_ =	swait.ge [sflag:s1], $0x1000  }
0x4b: {  	[sflag:s1] =	ssyncset.done $0x0  }
0x4c: {  	s16 =	rddreg [dreg:$0xe];
	[sflag:s1] =	ssyncadd.s32 $0xFFFFF000  }
0x4d: {  	[spmem:s16] =	stream.linear.scatter [tilespmem:s0], [sflag:$0x3], $0x1000, $0x38;
	[tilespmem:$0x1F800] =	vst v63  }
0x4e: {  	_ =	swait.ge [sflag:s1], $0x1000  }
0x4f: {  	[sflag:s1] =	ssyncset.done $0x0  }
0x50: {  	s14 =	rddreg [dreg:$0xf];
	[sflag:s1] =	ssyncadd.s32 $0xFFFFF000  }
0x51: {  	[spmem:s14] =	stream.linear.scatter [tilespmem:s0], [sflag:$0x3], $0x1000, $0x38;
	[tilespmem:$0x1F800] =	vst v63  }
0x52: {  	_ =	swait.ge [sflag:s1], $0x1000  }
0x53: {  	[sflag:s1] =	ssyncset.done $0x0  }
0x54: {  	[sflag:s1] =	ssyncadd.s32 $0xFFFFF000  }
0x55: {  	[spmem:s17] =	stream.linear.scatter [tilespmem:s0], [sflag:$0x3], $0x1000, $0x38;
	[tilespmem:$0x1F800] =	vst v63  }
0x56: {  	_ =	swait.ge [sflag:s1], $0x1000  }
0x57: {  	[sflag:s1] =	ssyncset.done $0x0  }
0x58: {  	[sflag:s1] =	ssyncadd.s32 $0xFFFFF000  }
0x59: {  	[spmem:s18] =	stream.linear.scatter [tilespmem:s0], [sflag:$0x3], $0x1000, $0x38;
	[tilespmem:$0x1F800] =	vst v63  }
0x5a: {  	_ =	swait.ge [sflag:s1], $0x1000  }
0x5b: {  	[sflag:s1] =	ssyncset.done $0x0  }
0x5c: {  	[sflag:s1] =	ssyncadd.s32 $0xFFFFF000  }
0x5d: {  	[spmem:s19] =	stream.linear.scatter [tilespmem:s0], [sflag:$0x3], $0x1000, $0x38;
	[tilespmem:$0x1F800] =	vst v63  }
0x5e: {  	_ =	swait.ge [sflag:s1], $0x1000  }
0x5f: {  	[sflag:s1] =	ssyncset.done $0x0  }
0x60: {  	[sflag:s1] =	ssyncadd.s32 $0xFFFFF000  }
0x61: {  	[spmem:s20] =	stream.linear.scatter [tilespmem:s0], [sflag:$0x3], $0x1000, $0x38;
	[tilespmem:$0x1F800] =	vst v63  }
0x62: {  	_ =	swait.ge [sflag:s1], $0x1000  }
0x63: {  	[sflag:s1] =	ssyncset.done $0x0  }
0x64: {  	[sflag:s1] =	ssyncadd.s32 $0xFFFFF000  }
0x65: {  	[spmem:s21] =	stream.linear.scatter [tilespmem:s0], [sflag:$0x3], $0x1000, $0x38;
	[tilespmem:$0x1F800] =	vst v63  }
0x66: {  	_ =	swait.ge [sflag:s1], $0x1000  }
0x67: {  	[sflag:s1] =	ssyncset.done $0x0  }
0x68: {  	[sflag:s1] =	ssyncadd.s32 $0xFFFFF000  }
0x69: {  	[spmem:s22] =	stream.linear.scatter [tilespmem:s0], [sflag:$0x3], $0x1000, $0x38;
	[tilespmem:$0x1F800] =	vst v63  }
0x6a: {  	_ =	swait.ge [sflag:s1], $0x1000  }
0x6b: {  	[sflag:s1] =	ssyncset.done $0x0  }
0x6c: {  	[sflag:s1] =	ssyncadd.s32 $0xFFFFF000  }
0x6d: {  	[spmem:s23] =	stream.linear.scatter [tilespmem:s0], [sflag:$0x3], $0x1000, $0x38;
	[tilespmem:$0x1F800] =	vst v63  }
0x6e: {  	_ =	swait.ge [sflag:s1], $0x1000  }
0x6f: {  	[sflag:s1] =	ssyncset.done $0x0  }
0x70: {  	[sflag:s1] =	ssyncadd.s32 $0xFFFFF000  }
0x71: {  	[spmem:s25] =	stream.linear.scatter [tilespmem:s0], [sflag:$0x3], $0x1000, $0x38;
	[tilespmem:$0x1F800] =	vst v63  }
0x72: {  	_ =	swait.ge [sflag:s1], $0x1000  }
0x73: {  	[sflag:s1] =	ssyncset.done $0x0  }
0x74: {  	[sflag:s1] =	ssyncadd.s32 $0xFFFFF000  }
0x75: {  	[spmem:s26] =	stream.linear.scatter [tilespmem:s0], [sflag:$0x3], $0x1000, $0x38;
	[tilespmem:$0x1F800] =	vst v63  }
0x76: {  	_ =	swait.ge [sflag:s1], $0x1000  }
0x77: {  	[sflag:s1] =	ssyncset.done $0x0  }
0x78: {  	[sflag:s1] =	ssyncadd.s32 $0xFFFFF000  }
0x79: {  	[spmem:s28] =	stream.linear.scatter [tilespmem:s0], [sflag:$0x3], $0x1000, $0x38;
	[tilespmem:$0x1F800] =	vst v63  }
0x7a: {  	_ =	swait.ge [sflag:s1], $0x1000  }
0x7b: {  	[sflag:s1] =	ssyncset.done $0x0  }
0x7c: {  	[sflag:s1] =	ssyncadd.s32 $0xFFFFF000  }
0x7d: {  	[spmem:s29] =	stream.linear.scatter [tilespmem:s0], [sflag:$0x3], $0x1000, $0x38;
	[tilespmem:$0x1F800] =	vst v63  }
0x7e: {  	_ =	swait.ge [sflag:s1], $0x1000  }
0x7f: {  	[sflag:s1] =	ssyncset.done $0x0  }
0x80: {  	[sflag:s1] =	ssyncadd.s32 $0xFFFFF000  }
0x81: {  	[spmem:s30] =	stream.linear.scatter [tilespmem:s0], [sflag:$0x3], $0x1000, $0x38;
	[tilespmem:$0x1F800] =	vst v63  }
0x82: {  	_ =	swait.ge [sflag:s1], $0x1000  }
0x83: {  	[sflag:s1] =	ssyncset.done $0x0  }
0x84: {  	[sflag:s1] =	ssyncadd.s32 $0xFFFFF000  }
0x85: {  	[spmem:s31] =	stream.linear.scatter [tilespmem:s0], [sflag:$0x3], $0x1000, $0x38;
	[tilespmem:$0x1F800] =	vst v63  }
0x86: {  	_ =	swait.ge [sflag:s1], $0x1000  }
0x87: {  	[sflag:s1] =	ssyncset.done $0x0  }
0x88: {  	[sflag:s1] =	ssyncadd.s32 $0xFFFFF000  }
0x89: {  	[bflag:$0x0] =	sbarrier.arrive $0xFFFF  }
0x8a: {  	s15 =	rddreg [dreg:$0x5]  }
0x8b: {  	[tilespmem:s3], [sflag:$0x3] =	stream.linear.gather [hbm4b:s15+s3], $0x1400, $0x38;
	[tilespmem:$0x1F800] =	vst v63  }
0x8c: {  	_ =	swait.ge [sflag:s1], $0x1400  }
0x8d: {  	[sflag:s1] =	ssyncset.done $0x0  }
0x8e: {  	s16 =	rddreg [dreg:$0x6];
	[sflag:s1] =	ssyncadd.s32 $0xFFFFEC00  }
0x8f: {  	[tilespmem:s6], [sflag:$0x3] =	stream.linear.gather [hbm4b:s16+s3], $0x1400, $0x38;
	[tilespmem:$0x1F800] =	vst v63  }
0x90: {  	_ =	swait.ge [sflag:s1], $0x1400  }
0x91: {  	[sflag:s1] =	ssyncset.done $0x0  }
0x92: {  	[sflag:s1] =	ssyncadd.s32 $0xFFFFEC00  }
0x93: {  	[tilespmem:s8], [sflag:$0x1] =	stream.indirect.gather [hbm4b:s4+s7], $0x80, s3, s7, $0xb8;
	[tilespmem:$0x1F800] =	vst v63  }
0x94: {  	_ =	swait.ge [sflag:s9], $0x4000  }
.Ltmp3:
0x95: {  	[sflag:s9] =	ssyncset.done $0x0;
	(pc) =	sbr.rel .LBB2_4-.Ltmp3, $4  }
0x96: {  	[sflag:s9] =	ssyncadd.s32 $0xFFFFC000  }
0x97: {  	[spmem:s2] =	stream.indirect.scatter.add.f32 [tilespmem:s8], [sflag:$0x2], $0x80, s6, s7, $0xb8;
	[tilespmem:$0x1F800] =	vst v63  }
0x98: {  	s13 =	simm.s32 $0x100;
	s14 =	simm.s32 $0x1480;
	s15 =	simm.s32 $0xFFFFFFD9  }
0x99: {  	[tilespmem:s10], [sflag:$0x1] =	stream.indirect.gather [hbm4b:s4+s7], $0x80, s7, s7, $0xb8;
	[tilespmem:$0x1F800] =	vst v63  }
.LBB2_6:
0x9a: {  	_ =	swait.ge [sflag:s9], $0x4000  }
0x9b: {  	[sflag:s9] =	ssyncset.done $0x0  }
0x9c: {  	[sflag:s9] =	ssyncadd.s32 $0xFFFFC000  }
0x9d: {  	[spmem:s2] =	stream.indirect.scatter.add.f32 [tilespmem:s8], [sflag:$0x2], $0x80, s14, s7, $0xb8;
	[tilespmem:$0x1F800] =	vst v63  }
0x9e: {  	_ =	swait.ge [sflag:s11], $0x4000  }
0x9f: {  	[sflag:s11] =	ssyncset.done $0x0  }
0xa0: {  	s16 =	simm.s32 $0x6800;
	[sflag:s11] =	ssyncadd.s32 $0xFFFFC000  }
.LBB2_7:
0xa1: {  	s15 =	sadd.s32 $0x1, s15  }
0xa2: {  	p0 =	seq.s32 s15, $0x0  }
.Ltmp4:
0xa3: {  	_ = 	snop;
	(pc) =	sbr.rel @p0 .LBB2_8-.Ltmp4, $3  }
0xa4: {  	_ =	sdelay $0x1  }
0xa5: {  	[tilespmem:s16], [sflag:$0x1] =	stream.indirect.gather [hbm4b:s4+s7], $0x80, s13, s7, $0xb8;
	[tilespmem:$0x1F800] =	vst v63  }
0xa6: {  	s13 =	sadd.s32 $0x80, s13;
	s14 =	sadd.s32 $0x80, s14  }
.LBB2_4:
0xa7: {  	s16 =	sand.u32 $0x1, s15  }
0xa8: {  	p0 =	seq.s32 s16, $0x0  }
.Ltmp5:
0xa9: {  	_ = 	snop;
	(pc) =	sbr.rel @p0 .LBB2_6-.Ltmp5, $1  }
0xaa: {  	_ =	sdelay $0x3  }
0xab: {  	_ =	swait.ge [sflag:s9], $0x4000  }
0xac: {  	p0 =	seq.s32 s15, $0xFFFFFFFF;
	[sflag:s9] =	ssyncset.done $0x0  }
.Ltmp6:
0xad: {  	[sflag:s9] =	ssyncadd.s32 $0xFFFFC000;
	(pc) =	sbr.rel @!p0 .LBB2_7-.Ltmp6, $4  }
0xae: {  	[spmem:s2] =	stream.indirect.scatter.add.f32 [tilespmem:s10], [sflag:$0x2], $0x80, s14, s7, $0xb8;
	[tilespmem:$0x1F800] =	vst v63  }
0xaf: {  	_ =	swait.ge [sflag:s11], $0x4000  }
0xb0: {  	[sflag:s11] =	ssyncset.done $0x0  }
0xb1: {  	s16 =	simm.s32 $0x2800;
	[sflag:s11] =	ssyncadd.s32 $0xFFFFC000  }
.LBB2_8:
0xb2: {  	_ =	swait.ge [sflag:s11], $0x4000  }
0xb3: {  	[sflag:s11] =	ssyncset.done $0x0  }
0xb4: {  	s13 =	rddreg [dreg:$0x7];
	[sflag:s11] =	ssyncadd.s32 $0xFFFFC000  }
0xb5: {  	[tilespmem:s3], [sflag:$0x3] =	stream.linear.gather [hbm4b:s13+s3], $0x1400, $0x38;
	[tilespmem:$0x1F800] =	vst v63  }
0xb6: {  	_ =	swait.ge [sflag:s1], $0x1400  }
0xb7: {  	[sflag:s1] =	ssyncset.done $0x0  }
0xb8: {  	s16 =	rddreg [dreg:$0x8];
	[sflag:s1] =	ssyncadd.s32 $0xFFFFEC00  }
0xb9: {  	[tilespmem:s6], [sflag:$0x3] =	stream.linear.gather [hbm4b:s16+s3], $0x1400, $0x38;
	[tilespmem:$0x1F800] =	vst v63  }
0xba: {  	_ =	swait.ge [sflag:s1], $0x1400  }
0xbb: {  	[sflag:s1] =	ssyncset.done $0x0  }
0xbc: {  	[sflag:s1] =	ssyncadd.s32 $0xFFFFEC00  }
0xbd: {  	[tilespmem:s8], [sflag:$0x1] =	stream.indirect.gather [hbm4b:s4+s7], $0x80, s3, s7, $0xb8;
	[tilespmem:$0x1F800] =	vst v63  }
0xbe: {  	_ =	swait.ge [sflag:s9], $0x4000  }
.Ltmp7:
0xbf: {  	[sflag:s9] =	ssyncset.done $0x0;
	(pc) =	sbr.rel .LBB2_9-.Ltmp7, $4  }
0xc0: {  	[sflag:s9] =	ssyncadd.s32 $0xFFFFC000  }
0xc1: {  	[spmem:s2] =	stream.indirect.scatter.add.f32 [tilespmem:s8], [sflag:$0x2], $0x80, s6, s7, $0xb8;
	[tilespmem:$0x1F800] =	vst v63  }
0xc2: {  	s14 =	simm.s32 $0x1480;
	s15 =	simm.s32 $0xFFFFFFD9;
	s13 =	simm.s32 $0x100  }
0xc3: {  	[tilespmem:s10], [sflag:$0x1] =	stream.indirect.gather [hbm4b:s4+s7], $0x80, s7, s7, $0xb8;
	[tilespmem:$0x1F800] =	vst v63  }
.LBB2_11:
0xc4: {  	_ =	swait.ge [sflag:s9], $0x4000  }
0xc5: {  	[sflag:s9] =	ssyncset.done $0x0  }
0xc6: {  	[sflag:s9] =	ssyncadd.s32 $0xFFFFC000  }
0xc7: {  	[spmem:s2] =	stream.indirect.scatter.add.f32 [tilespmem:s8], [sflag:$0x2], $0x80, s14, s7, $0xb8;
	[tilespmem:$0x1F800] =	vst v63  }
0xc8: {  	_ =	swait.ge [sflag:s11], $0x4000  }
0xc9: {  	[sflag:s11] =	ssyncset.done $0x0  }
0xca: {  	s16 =	simm.s32 $0x6800;
	[sflag:s11] =	ssyncadd.s32 $0xFFFFC000  }
.LBB2_12:
0xcb: {  	s15 =	sadd.s32 $0x1, s15  }
0xcc: {  	p0 =	seq.s32 s15, $0x0  }
.Ltmp8:
0xcd: {  	_ = 	snop;
	(pc) =	sbr.rel @p0 .LBB2_13-.Ltmp8, $3  }
0xce: {  	_ =	sdelay $0x1  }
0xcf: {  	[tilespmem:s16], [sflag:$0x1] =	stream.indirect.gather [hbm4b:s4+s7], $0x80, s13, s7, $0xb8;
	[tilespmem:$0x1F800] =	vst v63  }
0xd0: {  	s13 =	sadd.s32 $0x80, s13;
	s14 =	sadd.s32 $0x80, s14  }
.LBB2_9:
0xd1: {  	s16 =	sand.u32 $0x1, s15  }
0xd2: {  	p0 =	seq.s32 s16, $0x0  }
.Ltmp9:
0xd3: {  	_ = 	snop;
	(pc) =	sbr.rel @p0 .LBB2_11-.Ltmp9, $1  }
0xd4: {  	_ =	sdelay $0x3  }
0xd5: {  	_ =	swait.ge [sflag:s9], $0x4000  }
0xd6: {  	[sflag:s9] =	ssyncset.done $0x0  }
0xd7: {  	p0 =	seq.s32 s15, $0xFFFFFFFF;
	[sflag:s9] =	ssyncadd.s32 $0xFFFFC000  }
0xd8: {  	[spmem:s2] =	stream.indirect.scatter.add.f32 [tilespmem:s10], [sflag:$0x2], $0x80, s14, s7, $0xb8;
	[tilespmem:$0x1F800] =	vst v63  }
.Ltmp10:
0xd9: {  	_ = 	snop;
	(pc) =	sbr.rel @!p0 .LBB2_12-.Ltmp10, $4  }
.Ltmp11:
0xda: {  	_ = 	snop;
	(pc) =	sbr.rel @p0 .LBB2_13-.Ltmp11, $4  }
0xdb: {  	_ =	swait.ge [sflag:s11], $0x4000  }
0xdc: {  	[sflag:s11] =	ssyncset.done $0x0  }
0xdd: {  	s16 =	simm.s32 $0x2800;
	[sflag:s11] =	ssyncadd.s32 $0xFFFFC000  }
0xde: {  	_ = 	snop  }
.LBB2_14:
0xdf: {  	_ =	sfence.sel $0x180000  }
0xe0: {  	[bflag:$0x0] =	sbarrier.arrive $0xFFFF  }
0xe1: {  	_ =	strace $0x9000004A  }
0xe2: {  	s0 =	stileid.u32;
	[bflag:$0x2] =	sbarrier.arrive $0xFFFF  }
0xe3: {  	p0 =	sne.s32 s0, $0x0;
	s0 =	rddreg [dreg:$0x4]  }
0xe4: {  	s0 =	sadd.s32 @!p0 $0x100000, s0  }
0xe5: {  	[sflag:s0] =	ssyncadd.tile.s32 @!p0 $0x1;
	_ =	shalt  }
.Lfunc_end2:
_tile_overlayer_lowered:
.L_overlay_start_2:
0xe6: {  	(tag) =	ssettag $0x2  }
0xe7: {  	s0 =	rddreg [dreg:$0x0];
	s2 =	stileid.u32  }
0xe8: {  	s1 =	rddreg [dreg:$0x1];
	p0 =	sne.s32 s2, $0x0  }
0xe9: {  	s3 =	rddreg [dreg:$0x2];
	[bflag:$0x3] =	sbarrier.arrive $0xFFFF;
	s2 =	simm.s32 @!p0 $0x1C03  }
0xea: {  	[timem:s3], [sflag:s2] =	dma.local @!p0 [hbm:s0], s1  }
0xeb: {  	s0 =	simm.s32 @!p0 $0x3  }
0xec: {  	_ =	swait.ge @!p0 [sflag:s0], s1  }
0xed: {  	s1 =	ssub.s32 @!p0 $0x0, s1;
	[sflag:s0] =	ssyncset.done @!p0 $0x0  }
0xee: {  	[sflag:s0] =	ssyncadd.s32 @!p0 s1  }
0xef: {  	[bflag:$0x3] =	sbarrier.arrive $0xFFFF  }
0xf0: {  	_ =	shalt  }

// kernel: kernel.16.cloned.1.call-start
scs
__scs_entry_jumppad:
0x0: {  	(pc) =	sbr.rel $0x88, $3  }
0x1: {  	(tag) =	ssettag $0x0;
	lr =	simm.s32 $0x1  }
0x2: {  	[smem:$0x3F73] =	sst lr;
	_ =	strace $0xD0000000  }
0x3: {  	_ = 	snop  }
0x4: {  	_ = 	snop  }
0x5: {  	_ = 	snop  }
0x6: {  	_ = 	snop  }
0x7: {  	_ = 	snop  }
__scs_overlays_trampoline_lowered:
0x8: {  	[smem:$0x3F82] =	sst s0  }
0x9: {  	[smem:$0x3F83] =	sst s1  }
0xa: {  	[smem:$0x3F84] =	sst s2  }
0xb: {  	[smem:$0x3F85] =	sst s3  }
0xc: {  	[smem:$0x3F86] =	sst s4  }
0xd: {  	[smem:$0x3F87] =	sst s5  }
0xe: {  	[smem:$0x3F88] =	sst s6  }
0xf: {  	[smem:$0x3F89] =	sst s7  }
0x10: {  	[smem:$0x3F8A] =	sst s8  }
0x11: {  	[smem:$0x3F8B] =	sst s9;
	s0 =	simm.s32 @!p0 $0x0  }
0x12: {  	s1 =	sld [smem:$0x3F71];
	s0 =	simm.s32 @p0 $0x1  }
0x13: {  	[smem:$0x3F8C] =	sst s0;
	s0 =	simm.s32 @!p1 $0x0  }
0x14: {  	s2 =	sld [smem:$0x3F70];
	s0 =	simm.s32 @p1 $0x1  }
0x15: {  	[smem:$0x3F8D] =	sst s0;
	s0 =	simm.s32 @!p2 $0x0  }
0x16: {  	s3 =	sld [smem:$0x3FDB];
	s0 =	simm.s32 @p2 $0x1  }
0x17: {  	s4 =	simm.s32 $0x1BF5;
	[smem:$0x3F8F] =	sst s0  }
0x18: {  	s0 =	sld [smem:$0x3F72];
	_ =	swait.ge [sflag:s4], $0x0  }
0x19: {  	s7 =	sld [smem:$0x3F73]  }
0x1a: {  	s8 =	sadd.s32 $0xFFFFE003, lr  }
0x1b: {  	s9 =	sadd.s32 $0xFFFFFEF7, lr;
	s5 =	simm.s32 $0xFFFFFFFF;
	p2 =	slt.u32 s8, $0xFFFFF086  }
0x1c: {  	p1 =	slt.u32 s9, $0xF7A;
	s5 =	simm.s32 @!p2 $0x0  }
0x1d: {  	s5 =	simm.s32 @p1 $0x1;
	p0 =	seq.s32 s7, s2  }
0x1e: {  	s7 =	smul.u32 @!p0 $0xF7A, s2;
	p2 =	seq.s32 @!p0 s5, $0x0  }
0x1f: {  	s9 =	smul.u32 $0xF7A, s1;
	s8 =	simm.s32 @!p0 $0x1BF5;
	p2 =	por !p2, p0  }
0x20: {  	[sflag:s8] =	ssyncset.s32 @!p0 $0xFFFFF086;
	s6 =	sadd.s32 @!p0 s3, s7;
	s7 =	simm.s32 @!p0 $0x108  }
0x21: {  	s3 =	sadd.s32 s3, s9;
	s6 =	sadd.s32 @!p0 $0x88, s6;
	s7 =	simm.s32 @p2 $0x1082  }
0x22: {  	[simem:s7], [sflag:s8] =	dma.local @!p0 [hbm:s6], $0xF7A  }
0x23: {  	s9 =	sor.u32 $0xD0000000, s2;
	s6 =	simm.s32 $0x108;
	_ =	swait.ge @!p0 [sflag:s8], $0x0  }
0x24: {  	s3 =	sadd.s32 $0x88, s3;
	s6 =	simm.s32 @!p1 $0x1082;
	[sflag:s4] =	ssyncset.s32 $0xFFFFF086  }
0x25: {  	[simem:s6], [sflag:s4] =	dma.local [hbm:s3], $0xF7A  }
0x26: {  	[smem:$0x3F73] =	sst s1;
	(tag) =	ssettag s2;
	_ =	strace s9  }
0x27: {  	s1 =	sld [smem:$0x3F83]  }
0x28: {  	s2 =	sld [smem:$0x3F84]  }
0x29: {  	s4 =	sld [smem:$0x3F86]  }
0x2a: {  	p0 =	seq.s32 s5, $0x0;
	s5 =	sld [smem:$0x3F87]  }
0x2b: {  	s6 =	sld [smem:$0x3F88]  }
0x2c: {  	s7 =	sld [smem:$0x3F89]  }
0x2d: {  	s3 =	simm.s32 $0x108;
	s8 =	sld [smem:$0x3F8A]  }
0x2e: {  	s3 =	simm.s32 @!p0 $0x1082;
	s9 =	sld [smem:$0x3F8B]  }
0x2f: {  	lr =	sadd.s32 s0, s3;
	s0 =	sld [smem:$0x3F82]  }
0x30: {  	s3 =	sld [smem:$0x3F85]  }
0x31: {  	[smem:$0x3F8E] =	sst s10  }
0x32: {  	s10 =	sld [smem:$0x3F8C];
	_ =	sdelay $0x3  }
0x33: {  	p0 =	seq.s32 s10, $0x1;
	s10 =	sld [smem:$0x3F8E];
	_ =	sdelay $0x3  }
0x34: {  	[smem:$0x3F8E] =	sst s10  }
0x35: {  	s10 =	sld [smem:$0x3F8D];
	_ =	sdelay $0x3  }
0x36: {  	p1 =	seq.s32 s10, $0x1;
	s10 =	sld [smem:$0x3F8E];
	_ =	sdelay $0x3  }
0x37: {  	[smem:$0x3F8E] =	sst s10  }
0x38: {  	s10 =	sld [smem:$0x3F8F]  }
0x39: {  	_ = 	snop;
	(pc) =	sbr.ind lr, $3  }
0x3a: {  	_ = 	snop  }
0x3b: {  	_ = 	snop  }
0x3c: {  	p2 =	seq.s32 s10, $0x1;
	s10 =	sld [smem:$0x3F8E]  }
0x3d: {  	_ =	shalt  }
0x3e: {  	_ =	shalt  }
0x3f: {  	_ =	shalt  }
0x40: {  	_ =	shalt  }
0x41: {  	_ =	shalt  }
0x42: {  	_ =	shalt  }
0x43: {  	_ =	shalt  }
0x44: {  	_ =	shalt  }
0x45: {  	_ =	shalt  }
0x46: {  	_ =	shalt  }
0x47: {  	_ =	shalt  }
0x48: {  	_ =	shalt  }
0x49: {  	_ =	shalt  }
0x4a: {  	_ =	shalt  }
0x4b: {  	_ =	shalt  }
0x4c: {  	_ =	shalt  }
0x4d: {  	_ =	shalt  }
0x4e: {  	_ =	shalt  }
0x4f: {  	_ =	shalt  }
0x50: {  	_ =	shalt  }
0x51: {  	_ =	shalt  }
0x52: {  	_ =	shalt  }
0x53: {  	_ =	shalt  }
0x54: {  	_ =	shalt  }
0x55: {  	_ =	shalt  }
0x56: {  	_ =	shalt  }
0x57: {  	_ =	shalt  }
0x58: {  	_ =	shalt  }
0x59: {  	_ =	shalt  }
0x5a: {  	_ =	shalt  }
0x5b: {  	_ =	shalt  }
0x5c: {  	_ =	shalt  }
0x5d: {  	_ =	shalt  }
0x5e: {  	_ =	shalt  }
0x5f: {  	_ =	shalt  }
0x60: {  	_ =	shalt  }
0x61: {  	_ =	shalt  }
0x62: {  	_ =	shalt  }
0x63: {  	_ =	shalt  }
0x64: {  	_ =	shalt  }
0x65: {  	_ =	shalt  }
0x66: {  	_ =	shalt  }
0x67: {  	_ =	shalt  }
0x68: {  	_ =	shalt  }
0x69: {  	_ =	shalt  }
0x6a: {  	_ =	shalt  }
0x6b: {  	_ =	shalt  }
0x6c: {  	_ =	shalt  }
0x6d: {  	_ =	shalt  }
0x6e: {  	_ =	shalt  }
0x6f: {  	_ =	shalt  }
0x70: {  	_ =	shalt  }
0x71: {  	_ =	shalt  }
0x72: {  	_ =	shalt  }
0x73: {  	_ =	shalt  }
0x74: {  	_ =	shalt  }
0x75: {  	_ =	shalt  }
0x76: {  	_ =	shalt  }
0x77: {  	_ =	shalt  }
0x78: {  	_ =	shalt  }
0x79: {  	_ =	shalt  }
0x7a: {  	_ =	shalt  }
0x7b: {  	_ =	shalt  }
0x7c: {  	_ =	shalt  }
0x7d: {  	_ =	shalt  }
0x7e: {  	_ =	shalt  }
0x7f: {  	_ =	shalt  }
0x80: {  	_ =	shalt  }
0x81: {  	_ =	shalt  }
0x82: {  	_ =	shalt  }
0x83: {  	_ =	shalt  }
0x84: {  	_ =	shalt  }
0x85: {  	_ =	shalt  }
0x86: {  	_ =	shalt  }
0x87: {  	_ =	shalt  }
.Lfunc_end0:
.L_simem_size_0:
called_computation.2_lowered:
.L_overlay_start_0:
0x88: {  	s2 =	sld [smem:$0x3FD9]  }
0x89: {  	s3 =	sld [smem:$0x3FFE];
	_ =	sdelay $0x1  }
0x8a: {  	s1 =	srdreg.scid  }
0x8b: {  	s0 =	sand.u32 $0x1, s1  }
0x8c: {  	s14 =	sshll.u32 s0, $0xA;
	s2 =	sadd.s32 s3, s2  }
0x8d: {  	s2 =	sadd.s32 s2, s14  }
0x8e: {  	[smem:$0x3F9A] =	sst s2  }
0x8f: {  	_ = 	snop  }
0x90: {  	s2 =	sld [smem:$0x3FD0];
	_ =	sdelay $0x2  }
0x91: {  	s15 =	simm.s32 $0xA;
	s4 =	simm.s32 $0x10  }
0x92: {  	[smem:s4], [sflag:s15] =	dma.local [hbm:s2], $0x1  }
0x93: {  	_ =	swait.eq [sflag:s15], $0x1  }
0x94: {  	[sflag:s15] =	ssyncset.done $0x0  }
0x95: {  	s16 =	sld [smem:$0x12];
	[sflag:s15] =	ssyncadd.s32 $0xFFFFFFFF  }
0x96: {  	s17 =	sld [smem:$0x13];
	(tm) =	ssettm $0x1  }
0x97: {  	s18 =	sld [smem:$0x3FFB];
	_ =	sdelay $0x3  }
0x98: {  	_ =	strace s18  }
0x99: {  	s4 =	sld [smem:$0x3FFC];
	_ =	sdelay $0x3  }
0x9a: {  	_ =	strace s4  }
0x9b: {  	s4 =	sld [smem:$0x3FFD];
	_ =	sdelay $0x3  }
0x9c: {  	_ =	strace s4  }
0x9d: {  	_ =	strace $0x8FFFFFFF  }
0x9e: {  	s19 =	sld [smem:$0x3FDB];
	_ =	sdelay $0x1  }
0x9f: {  	s5 =	simm.s32 $_scs_section_size  }
0xa0: {  	s6 =	simm.s32 $_size__tile_overlayer_lowered;
	s7 =	simm.s32 $_tile_overlayer_lowered  }
0xa1: {  	s22 =	simm.s32 $0x1BFF;
	s21 =	sshll.u32 s7, $0x1;
	s4 =	sadd.s32 s5, s19  }
0xa2: {  	s8 =	simm.s32 $0x0;
	s20 =	sshll.u32 s6, $0x1;
	s6 =	sadd.s32 s21, s4  }
0xa3: {  	[timem:s8], [sflag:s22] =	dma.local [hbm:s6], s20  }
0xa4: {  	_ =	swait.ge [sflag:s22], s20  }
0xa5: {  	s5 =	ssub.s32 $0x0, s20;
	[sflag:s22] =	ssyncset.done $0x0  }
0xa6: {  	[sflag:s22] =	ssyncadd.s32 s5;
	_ =	sdelay $0x1  }
0xa7: {  	s23 =	simm.s32 $0x1B8B  }
0xa8: {  	_ =	swait.ge [sflag:s23], $0x1  }
0xa9: {  	[sflag:s23] =	ssyncset.done $0x0  }
0xaa: {  	s25 =	simm.s32 $0x1B8E;
	s24 =	sld [smem:$0x3FFE];
	[sflag:s23] =	ssyncadd.s32 $0xFFFFFFFF  }
0xab: {  	s26 =	simm.s32 $execute0_lowered;
	[smem:$0x3FD2] =	sst s25  }
0xac: {  	s6 =	sshll.u32 s26, $0x1;
	_ =	strace $0x8000004C;
	[dreg:$0x1] =	wrdreg $0xFFFFFFFF  }
0xad: {  	s28 =	simm.s32 $_size_execute0_lowered;
	s4 =	sadd.s32 s4, s6;
	[dreg:$0x0] =	wrdreg $0x0  }
0xae: {  	s6 =	sshll.u32 s28, $0x1;
	[dreg:$0x2] =	wrdreg s4  }
0xaf: {  	[dreg:$0x3] =	wrdreg s6  }
0xb0: {  	[dreg:$0x4] =	wrdreg $0xC0  }
0xb1: {  	_ =	task [dreg:s8], $0x5FFFF  }
0xb2: {  	[dreg:$0x1] =	wrdreg $0xFFFFFFFF  }
0xb3: {  	[dreg:$0x0] =	wrdreg $0x60  }
0xb4: {  	[dreg:$0x2] =	wrdreg s24  }
0xb5: {  	[dreg:$0x3] =	wrdreg s17  }
0xb6: {  	[dreg:$0x4] =	wrdreg s16  }
0xb7: {  	[dreg:$0x5] =	wrdreg $0xB8000  }
0xb8: {  	[dreg:$0x6] =	wrdreg $0x9  }
0xb9: {  	_ =	task.clear_ibuf [dreg:s8], $0x7FFFF;
	_ =	strace $0x9000004C  }
0xba: {  	s29 =	simm.s32 $0x9;
	_ =	strace $0x8000004E  }
0xbb: {  	_ =	swait.ge [sflag:s29], $0x1  }
0xbc: {  	[sflag:s29] =	ssyncadd.s32 $0xFFFFFFFF  }
0xbd: {  	_ =	strace $0x9000004E  }
0xbe: {  	_ =	sfence  }
0xbf: {  	s30 =	sld [smem:$0x0];
	_ =	sdelay $0x2  }
0xc0: {  	s31 =	sshll.u32 s1, $0xD;
	s1 =	sshrl.u32 s1, $0x2  }
0xc1: {  	s3 =	sand.u32 $0x4000, s31;
	s1 =	sadd.s32 s1, s30  }
0xc2: {  	s0 =	sor.u32 s3, s0;
	s1 =	sshll.u32 s1, $0x11  }
0xc3: {  	s0 =	sor.u32 s1, s0  }
0xc4: {  	s0 =	sadd.s32 $0x8F2B, s0  }
0xc5: {  	[sflag:s0] =	ssyncadd.remote.s32 $0x1  }
0xc6: {  	_ =	sfence.sel $0xFFFF  }
0xc7: {  	[dreg:$0x0] =	wrdreg $0xFFFFFFFF;
	(pc) =	sbr.abs _section_cstart, $3  }
0xc8: {  	[dreg:$0x1] =	wrdreg $0xFFFFFFFF  }
0xc9: {  	_ =	task.clear_ibuf [dreg:s8], $0x2FFFF;
	_ =	strace $0x9FFFFFFF  }
0xca: {  	(tm) =	ssettm $0x7FFFFFFF  }
0xcb: {  	_ =	shalt  }
tec
execute0_lowered:
.L_overlay_start_1:
0x0: {  	(tag) =	ssettag $0x1  }
0x1: {  	s0 =	rddreg [dreg:$0x0]  }
0x2: {  	s1 =	rddreg [dreg:$0x1]  }
0x3: {  	s6 =	rddreg [dreg:$0x2]  }
0x4: {  	s3 =	srdreg.scid;
	s13 =	stileid.u32  }
0x5: {  	s2 =	rddreg [dreg:$0x3];
	s7 =	sand.u32 $0x1, s3;
	s8 =	smul.u32 $0x50000, s13  }
0x6: {  	s4 =	sshll.u32 s13, $0x1;
	s3 =	simm.s32 $0x0;
	s16 =	smul.u32 $0x2800, s13  }
0x7: {  	s5 =	sor.u32 s7, s4;
	[smem:$0x7FF] =	sst s3;
	s9 =	ssub.s32 $0x2, s7  }
0x8: {  	s4 =	sadd.s32 $0x32200, s0;
	p0 =	seq.s32 s7, $0x1;
	s7 =	simm.s32 $0x80  }
0x9: {  	s10 =	smul.u32 $0x2800, s5;
	_ =	strace $0x8000004D;
	s11 =	sshrl.u32 s9, $0x1  }
0xa: {  	s8 =	sshrl.u32 s8, $0x2;
	s12 =	smul.u32 $0x500, s5;
	s9 =	ssub.s32 s9, s11  }
0xb: {  	s5 =	sadd.s32 s8, s2;
	s8 =	simm.s32 $0x2800;
	s10 =	sshrl.u32 s10, $0x3  }
0xc: {  	s11 =	sadd.s32 s1, s12;
	s14 =	sadd.s32 s6, s12;
	s20 =	smax.u32 s9, $0x1  }
0xd: {  	s21 =	sadd.s32 $0x1000, s5;
	s22 =	sadd.s32 $0x2000, s5;
	[dreg:$0x5] =	wrdreg s11  }
0xe: {  	s23 =	sadd.s32 $0x3000, s5;
	s24 =	sadd.s32 $0x4000, s5;
	[dreg:$0x6] =	wrdreg s14  }
0xf: {  	s25 =	sadd.s32 $0x5000, s5;
	s17 =	sadd.s32 $0x7000, s5;
	[dreg:$0x9] =	wrdreg s20  }
0x10: {  	s18 =	sadd.s32 $0x8000, s5;
	s19 =	sadd.s32 $0x9000, s5;
	[dreg:$0xa] =	wrdreg s21  }
0x11: {  	s28 =	sadd.s32 $0x10000, s5;
	s29 =	sadd.s32 $0x11000, s5;
	[dreg:$0xb] =	wrdreg s22  }
0x12: {  	s30 =	sadd.s32 $0x12000, s5;
	s31 =	sadd.s32 $0x13000, s5;
	[dreg:$0xc] =	wrdreg s23  }
0x13: {  	s9 =	simm.s32 $0x1;
	s12 =	simm.s32 $0x0;
	[dreg:$0xd] =	wrdreg s24  }
0x14: {  	s26 =	sadd.s32 $0x280, s10;
	[dreg:$0xe] =	wrdreg s25;
	s20 =	sadd.s32 $0xA000, s5  }
0x15: {  	s21 =	sadd.s32 $0xB000, s5;
	s22 =	sadd.s32 $0xC000, s5;
	s23 =	sadd.s32 $0xD000, s5  }
0x16: {  	s25 =	sadd.s32 $0xE000, s5;
	s10 =	simm.s32 $0x6800;
	s1 =	sadd.s32 s1, s26  }
.Ltmp0:
0x17: {  	s15 =	sadd.s32 s6, s26;
	[dreg:$0x7] =	wrdreg s1;
	(pc) =	sbr.rel .LBB2_1-.Ltmp0, $4  }
0x18: {  	s26 =	sadd.s32 $0x6000, s5;
	s6 =	simm.s32 $0x82200;
	[dreg:$0x8] =	wrdreg s15  }
0x19: {  	s11 =	simm.s32 $0x2;
	[dreg:$0xf] =	wrdreg s26;
	s6 =	simm.s32 @!p0 $0x5A200  }
0x1a: {  	s26 =	sadd.s32 $0xF000, s5;
	s1 =	simm.s32 $0x3;
	s0 =	sadd.s32 s6, s0  }
0x1b: {  	v0 =	vimm.f32 $0.0e+00;
	s6 =	simm.s32 $0x1400;
	s24 =	sadd.s32 s0, s16;
	s0 =	simm.s32 $0xA800  }
.LBB2_13:
0x1c: {  	_ =	swait.ge [sflag:s11], $0x4000  }
0x1d: {  	s13 =	stileid.u32;
	[sflag:s11] =	ssyncset.done $0x0  }
0x1e: {  	s13 =	sshll.u32 s13, $0x6;
	[sflag:s11] =	ssyncadd.s32 $0xFFFFC000  }
0x1f: {  	s14 =	sshrl.u32 s5, $0x3;
	s13 =	sor.u32 $0x1C03, s13;
	[bflag:$0x0] =	sbarrier.arrive $0xFFFF  }
0x20: {  	[hbm:s24], [sflag:s13] =	dma.local [spmem:s14], $0x2800  }
0x21: {  	_ =	swait.ge [sflag:s1], $0x2800  }
0x22: {  	s12 =	sadd.s32 $0x1, s12;
	s16 =	rddreg [dreg:$0x9]  }
0x23: {  	p0 =	sne.s32 s12, s16  }
.Ltmp1:
0x24: {  	_ = 	snop;
	(pc) =	sbr.rel @!p0 .LBB2_14-.Ltmp1, $3  }
0x25: {  	_ =	sdelay $0x1  }
0x26: {  	[sflag:s1] =	ssyncset.done $0x0  }
0x27: {  	[sflag:s1] =	ssyncadd.s32 $0xFFFFD800  }
.LBB2_1:
0x28: {  	s13 =	simm.s32 $0x0;
	s14 =	simm.s32 $0x200  }
.LBB2_2:
0x29: {  	p0 =	sne.s32 s14, $0x3E00;
	[tilespmem:s13+$0xA870] =	vst v0  }
0x2a: {  	[tilespmem:s13+$0xA800] =	vst v0  }
0x2b: {  	[tilespmem:s13+$0xA810] =	vst v0  }
.Ltmp2:
0x2c: {  	[tilespmem:s13+$0xA820] =	vst v0;
	(pc) =	sbr.rel @p0 .LBB2_2-.Ltmp2, $4  }
0x2d: {  	[tilespmem:s13+$0xA830] =	vst v0  }
0x2e: {  	[tilespmem:s13+$0xA840] =	vst v0  }
0x2f: {  	[tilespmem:s13+$0xA850] =	vst v0  }
0x30: {  	[tilespmem:s13+$0xA860] =	vst v0;
	s13 =	sshra.s32 s14, $0x2;
	s14 =	sadd.s32 $0x200, s14  }
0x31: {  	[tilespmem:s13+$0xA870] =	vst v0  }
0x32: {  	[tilespmem:s13+$0xA800] =	vst v0  }
0x33: {  	[tilespmem:s13+$0xA810] =	vst v0  }
0x34: {  	[tilespmem:s13+$0xA820] =	vst v0  }
0x35: {  	[tilespmem:s13+$0xA830] =	vst v0  }
0x36: {  	[tilespmem:s13+$0xA840] =	vst v0  }
0x37: {  	[tilespmem:s13+$0xA850] =	vst v0  }
0x38: {  	[tilespmem:s13+$0xA860] =	vst v0  }
0x39: {  	[spmem:s5] =	stream.linear.scatter [tilespmem:s0], [sflag:$0x3], $0x1000, $0x38;
	[tilespmem:$0x1F800] =	vst v63  }
0x3a: {  	_ =	swait.ge [sflag:s1], $0x1000  }
0x3b: {  	[sflag:s1] =	ssyncset.done $0x0  }
0x3c: {  	s15 =	rddreg [dreg:$0xa];
	[sflag:s1] =	ssyncadd.s32 $0xFFFFF000  }
0x3d: {  	[spmem:s15] =	stream.linear.scatter [tilespmem:s0], [sflag:$0x3], $0x1000, $0x38;
	[tilespmem:$0x1F800] =	vst v63  }
0x3e: {  	_ =	swait.ge [sflag:s1], $0x1000  }
0x3f: {  	[sflag:s1] =	ssyncset.done $0x0  }
0x40: {  	s16 =	rddreg [dreg:$0xb];
	[sflag:s1] =	ssyncadd.s32 $0xFFFFF000  }
0x41: {  	[spmem:s16] =	stream.linear.scatter [tilespmem:s0], [sflag:$0x3], $0x1000, $0x38;
	[tilespmem:$0x1F800] =	vst v63  }
0x42: {  	_ =	swait.ge [sflag:s1], $0x1000  }
0x43: {  	[sflag:s1] =	ssyncset.done $0x0  }
0x44: {  	s14 =	rddreg [dreg:$0xc];
	[sflag:s1] =	ssyncadd.s32 $0xFFFFF000  }
0x45: {  	[spmem:s14] =	stream.linear.scatter [tilespmem:s0], [sflag:$0x3], $0x1000, $0x38;
	[tilespmem:$0x1F800] =	vst v63  }
0x46: {  	_ =	swait.ge [sflag:s1], $0x1000  }
0x47: {  	[sflag:s1] =	ssyncset.done $0x0  }
0x48: {  	s15 =	rddreg [dreg:$0xd];
	[sflag:s1] =	ssyncadd.s32 $0xFFFFF000  }
0x49: {  	[spmem:s15] =	stream.linear.scatter [tilespmem:s0], [sflag:$0x3], $0x1000, $0x38;
	[tilespmem:$0x1F800] =	vst v63  }
0x4a: {  	_ =	swait.ge [sflag:s1], $0x1000  }
0x4b: {  	[sflag:s1] =	ssyncset.done $0x0  }
0x4c: {  	s16 =	rddreg [dreg:$0xe];
	[sflag:s1] =	ssyncadd.s32 $0xFFFFF000  }
0x4d: {  	[spmem:s16] =	stream.linear.scatter [tilespmem:s0], [sflag:$0x3], $0x1000, $0x38;
	[tilespmem:$0x1F800] =	vst v63  }
0x4e: {  	_ =	swait.ge [sflag:s1], $0x1000  }
0x4f: {  	[sflag:s1] =	ssyncset.done $0x0  }
0x50: {  	s14 =	rddreg [dreg:$0xf];
	[sflag:s1] =	ssyncadd.s32 $0xFFFFF000  }
0x51: {  	[spmem:s14] =	stream.linear.scatter [tilespmem:s0], [sflag:$0x3], $0x1000, $0x38;
	[tilespmem:$0x1F800] =	vst v63  }
0x52: {  	_ =	swait.ge [sflag:s1], $0x1000  }
0x53: {  	[sflag:s1] =	ssyncset.done $0x0  }
0x54: {  	[sflag:s1] =	ssyncadd.s32 $0xFFFFF000  }
0x55: {  	[spmem:s17] =	stream.linear.scatter [tilespmem:s0], [sflag:$0x3], $0x1000, $0x38;
	[tilespmem:$0x1F800] =	vst v63  }
0x56: {  	_ =	swait.ge [sflag:s1], $0x1000  }
0x57: {  	[sflag:s1] =	ssyncset.done $0x0  }
0x58: {  	[sflag:s1] =	ssyncadd.s32 $0xFFFFF000  }
0x59: {  	[spmem:s18] =	stream.linear.scatter [tilespmem:s0], [sflag:$0x3], $0x1000, $0x38;
	[tilespmem:$0x1F800] =	vst v63  }
0x5a: {  	_ =	swait.ge [sflag:s1], $0x1000  }
0x5b: {  	[sflag:s1] =	ssyncset.done $0x0  }
0x5c: {  	[sflag:s1] =	ssyncadd.s32 $0xFFFFF000  }
0x5d: {  	[spmem:s19] =	stream.linear.scatter [tilespmem:s0], [sflag:$0x3], $0x1000, $0x38;
	[tilespmem:$0x1F800] =	vst v63  }
0x5e: {  	_ =	swait.ge [sflag:s1], $0x1000  }
0x5f: {  	[sflag:s1] =	ssyncset.done $0x0  }
0x60: {  	[sflag:s1] =	ssyncadd.s32 $0xFFFFF000  }
0x61: {  	[spmem:s20] =	stream.linear.scatter [tilespmem:s0], [sflag:$0x3], $0x1000, $0x38;
	[tilespmem:$0x1F800] =	vst v63  }
0x62: {  	_ =	swait.ge [sflag:s1], $0x1000  }
0x63: {  	[sflag:s1] =	ssyncset.done $0x0  }
0x64: {  	[sflag:s1] =	ssyncadd.s32 $0xFFFFF000  }
0x65: {  	[spmem:s21] =	stream.linear.scatter [tilespmem:s0], [sflag:$0x3], $0x1000, $0x38;
	[tilespmem:$0x1F800] =	vst v63  }
0x66: {  	_ =	swait.ge [sflag:s1], $0x1000  }
0x67: {  	[sflag:s1] =	ssyncset.done $0x0  }
0x68: {  	[sflag:s1] =	ssyncadd.s32 $0xFFFFF000  }
0x69: {  	[spmem:s22] =	stream.linear.scatter [tilespmem:s0], [sflag:$0x3], $0x1000, $0x38;
	[tilespmem:$0x1F800] =	vst v63  }
0x6a: {  	_ =	swait.ge [sflag:s1], $0x1000  }
0x6b: {  	[sflag:s1] =	ssyncset.done $0x0  }
0x6c: {  	[sflag:s1] =	ssyncadd.s32 $0xFFFFF000  }
0x6d: {  	[spmem:s23] =	stream.linear.scatter [tilespmem:s0], [sflag:$0x3], $0x1000, $0x38;
	[tilespmem:$0x1F800] =	vst v63  }
0x6e: {  	_ =	swait.ge [sflag:s1], $0x1000  }
0x6f: {  	[sflag:s1] =	ssyncset.done $0x0  }
0x70: {  	[sflag:s1] =	ssyncadd.s32 $0xFFFFF000  }
0x71: {  	[spmem:s25] =	stream.linear.scatter [tilespmem:s0], [sflag:$0x3], $0x1000, $0x38;
	[tilespmem:$0x1F800] =	vst v63  }
0x72: {  	_ =	swait.ge [sflag:s1], $0x1000  }
0x73: {  	[sflag:s1] =	ssyncset.done $0x0  }
0x74: {  	[sflag:s1] =	ssyncadd.s32 $0xFFFFF000  }
0x75: {  	[spmem:s26] =	stream.linear.scatter [tilespmem:s0], [sflag:$0x3], $0x1000, $0x38;
	[tilespmem:$0x1F800] =	vst v63  }
0x76: {  	_ =	swait.ge [sflag:s1], $0x1000  }
0x77: {  	[sflag:s1] =	ssyncset.done $0x0  }
0x78: {  	[sflag:s1] =	ssyncadd.s32 $0xFFFFF000  }
0x79: {  	[spmem:s28] =	stream.linear.scatter [tilespmem:s0], [sflag:$0x3], $0x1000, $0x38;
	[tilespmem:$0x1F800] =	vst v63  }
0x7a: {  	_ =	swait.ge [sflag:s1], $0x1000  }
0x7b: {  	[sflag:s1] =	ssyncset.done $0x0  }
0x7c: {  	[sflag:s1] =	ssyncadd.s32 $0xFFFFF000  }
0x7d: {  	[spmem:s29] =	stream.linear.scatter [tilespmem:s0], [sflag:$0x3], $0x1000, $0x38;
	[tilespmem:$0x1F800] =	vst v63  }
0x7e: {  	_ =	swait.ge [sflag:s1], $0x1000  }
0x7f: {  	[sflag:s1] =	ssyncset.done $0x0  }
0x80: {  	[sflag:s1] =	ssyncadd.s32 $0xFFFFF000  }
0x81: {  	[spmem:s30] =	stream.linear.scatter [tilespmem:s0], [sflag:$0x3], $0x1000, $0x38;
	[tilespmem:$0x1F800] =	vst v63  }
0x82: {  	_ =	swait.ge [sflag:s1], $0x1000  }
0x83: {  	[sflag:s1] =	ssyncset.done $0x0  }
0x84: {  	[sflag:s1] =	ssyncadd.s32 $0xFFFFF000  }
0x85: {  	[spmem:s31] =	stream.linear.scatter [tilespmem:s0], [sflag:$0x3], $0x1000, $0x38;
	[tilespmem:$0x1F800] =	vst v63  }
0x86: {  	_ =	swait.ge [sflag:s1], $0x1000  }
0x87: {  	[sflag:s1] =	ssyncset.done $0x0  }
0x88: {  	[sflag:s1] =	ssyncadd.s32 $0xFFFFF000  }
0x89: {  	[bflag:$0x0] =	sbarrier.arrive $0xFFFF  }
0x8a: {  	s15 =	rddreg [dreg:$0x5]  }
0x8b: {  	[tilespmem:s3], [sflag:$0x3] =	stream.linear.gather [hbm4b:s15+s3], $0x1400, $0x38;
	[tilespmem:$0x1F800] =	vst v63  }
0x8c: {  	_ =	swait.ge [sflag:s1], $0x1400  }
0x8d: {  	[sflag:s1] =	ssyncset.done $0x0  }
0x8e: {  	s16 =	rddreg [dreg:$0x6];
	[sflag:s1] =	ssyncadd.s32 $0xFFFFEC00  }
0x8f: {  	[tilespmem:s6], [sflag:$0x3] =	stream.linear.gather [hbm4b:s16+s3], $0x1400, $0x38;
	[tilespmem:$0x1F800] =	vst v63  }
0x90: {  	_ =	swait.ge [sflag:s1], $0x1400  }
0x91: {  	[sflag:s1] =	ssyncset.done $0x0  }
0x92: {  	[sflag:s1] =	ssyncadd.s32 $0xFFFFEC00  }
0x93: {  	[tilespmem:s8], [sflag:$0x1] =	stream.indirect.gather [hbm4b:s4+s7], $0x80, s3, s7, $0xb8;
	[tilespmem:$0x1F800] =	vst v63  }
0x94: {  	_ =	swait.ge [sflag:s9], $0x4000  }
.Ltmp3:
0x95: {  	[sflag:s9] =	ssyncset.done $0x0;
	(pc) =	sbr.rel .LBB2_4-.Ltmp3, $4  }
0x96: {  	[sflag:s9] =	ssyncadd.s32 $0xFFFFC000  }
0x97: {  	[spmem:s2] =	stream.indirect.scatter.add.f32 [tilespmem:s8], [sflag:$0x2], $0x80, s6, s7, $0xb8;
	[tilespmem:$0x1F800] =	vst v63  }
0x98: {  	s13 =	simm.s32 $0x100;
	s14 =	simm.s32 $0x1480;
	s15 =	simm.s32 $0xFFFFFFD9  }
0x99: {  	[tilespmem:s10], [sflag:$0x1] =	stream.indirect.gather [hbm4b:s4+s7], $0x80, s7, s7, $0xb8;
	[tilespmem:$0x1F800] =	vst v63  }
.LBB2_6:
0x9a: {  	_ =	swait.ge [sflag:s9], $0x4000  }
0x9b: {  	[sflag:s9] =	ssyncset.done $0x0  }
0x9c: {  	[sflag:s9] =	ssyncadd.s32 $0xFFFFC000  }
0x9d: {  	[spmem:s2] =	stream.indirect.scatter.add.f32 [tilespmem:s8], [sflag:$0x2], $0x80, s14, s7, $0xb8;
	[tilespmem:$0x1F800] =	vst v63  }
0x9e: {  	_ =	swait.ge [sflag:s11], $0x4000  }
0x9f: {  	[sflag:s11] =	ssyncset.done $0x0  }
0xa0: {  	s16 =	simm.s32 $0x6800;
	[sflag:s11] =	ssyncadd.s32 $0xFFFFC000  }
.LBB2_7:
0xa1: {  	s15 =	sadd.s32 $0x1, s15  }
0xa2: {  	p0 =	seq.s32 s15, $0x0  }
.Ltmp4:
0xa3: {  	_ = 	snop;
	(pc) =	sbr.rel @p0 .LBB2_8-.Ltmp4, $3  }
0xa4: {  	_ =	sdelay $0x1  }
0xa5: {  	[tilespmem:s16], [sflag:$0x1] =	stream.indirect.gather [hbm4b:s4+s7], $0x80, s13, s7, $0xb8;
	[tilespmem:$0x1F800] =	vst v63  }
0xa6: {  	s13 =	sadd.s32 $0x80, s13;
	s14 =	sadd.s32 $0x80, s14  }
.LBB2_4:
0xa7: {  	s16 =	sand.u32 $0x1, s15  }
0xa8: {  	p0 =	seq.s32 s16, $0x0  }
.Ltmp5:
0xa9: {  	_ = 	snop;
	(pc) =	sbr.rel @p0 .LBB2_6-.Ltmp5, $1  }
0xaa: {  	_ =	sdelay $0x3  }
0xab: {  	_ =	swait.ge [sflag:s9], $0x4000  }
0xac: {  	p0 =	seq.s32 s15, $0xFFFFFFFF;
	[sflag:s9] =	ssyncset.done $0x0  }
.Ltmp6:
0xad: {  	[sflag:s9] =	ssyncadd.s32 $0xFFFFC000;
	(pc) =	sbr.rel @!p0 .LBB2_7-.Ltmp6, $4  }
0xae: {  	[spmem:s2] =	stream.indirect.scatter.add.f32 [tilespmem:s10], [sflag:$0x2], $0x80, s14, s7, $0xb8;
	[tilespmem:$0x1F800] =	vst v63  }
0xaf: {  	_ =	swait.ge [sflag:s11], $0x4000  }
0xb0: {  	[sflag:s11] =	ssyncset.done $0x0  }
0xb1: {  	s16 =	simm.s32 $0x2800;
	[sflag:s11] =	ssyncadd.s32 $0xFFFFC000  }
.LBB2_8:
0xb2: {  	_ =	swait.ge [sflag:s11], $0x4000  }
0xb3: {  	[sflag:s11] =	ssyncset.done $0x0  }
0xb4: {  	s13 =	rddreg [dreg:$0x7];
	[sflag:s11] =	ssyncadd.s32 $0xFFFFC000  }
0xb5: {  	[tilespmem:s3], [sflag:$0x3] =	stream.linear.gather [hbm4b:s13+s3], $0x1400, $0x38;
	[tilespmem:$0x1F800] =	vst v63  }
0xb6: {  	_ =	swait.ge [sflag:s1], $0x1400  }
0xb7: {  	[sflag:s1] =	ssyncset.done $0x0  }
0xb8: {  	s16 =	rddreg [dreg:$0x8];
	[sflag:s1] =	ssyncadd.s32 $0xFFFFEC00  }
0xb9: {  	[tilespmem:s6], [sflag:$0x3] =	stream.linear.gather [hbm4b:s16+s3], $0x1400, $0x38;
	[tilespmem:$0x1F800] =	vst v63  }
0xba: {  	_ =	swait.ge [sflag:s1], $0x1400  }
0xbb: {  	[sflag:s1] =	ssyncset.done $0x0  }
0xbc: {  	[sflag:s1] =	ssyncadd.s32 $0xFFFFEC00  }
0xbd: {  	[tilespmem:s8], [sflag:$0x1] =	stream.indirect.gather [hbm4b:s4+s7], $0x80, s3, s7, $0xb8;
	[tilespmem:$0x1F800] =	vst v63  }
0xbe: {  	_ =	swait.ge [sflag:s9], $0x4000  }
.Ltmp7:
0xbf: {  	[sflag:s9] =	ssyncset.done $0x0;
	(pc) =	sbr.rel .LBB2_9-.Ltmp7, $4  }
0xc0: {  	[sflag:s9] =	ssyncadd.s32 $0xFFFFC000  }
0xc1: {  	[spmem:s2] =	stream.indirect.scatter.add.f32 [tilespmem:s8], [sflag:$0x2], $0x80, s6, s7, $0xb8;
	[tilespmem:$0x1F800] =	vst v63  }
0xc2: {  	s14 =	simm.s32 $0x1480;
	s15 =	simm.s32 $0xFFFFFFD9;
	s13 =	simm.s32 $0x100  }
0xc3: {  	[tilespmem:s10], [sflag:$0x1] =	stream.indirect.gather [hbm4b:s4+s7], $0x80, s7, s7, $0xb8;
	[tilespmem:$0x1F800] =	vst v63  }
.LBB2_11:
0xc4: {  	_ =	swait.ge [sflag:s9], $0x4000  }
0xc5: {  	[sflag:s9] =	ssyncset.done $0x0  }
0xc6: {  	[sflag:s9] =	ssyncadd.s32 $0xFFFFC000  }
0xc7: {  	[spmem:s2] =	stream.indirect.scatter.add.f32 [tilespmem:s8], [sflag:$0x2], $0x80, s14, s7, $0xb8;
	[tilespmem:$0x1F800] =	vst v63  }
0xc8: {  	_ =	swait.ge [sflag:s11], $0x4000  }
0xc9: {  	[sflag:s11] =	ssyncset.done $0x0  }
0xca: {  	s16 =	simm.s32 $0x6800;
	[sflag:s11] =	ssyncadd.s32 $0xFFFFC000  }
.LBB2_12:
0xcb: {  	s15 =	sadd.s32 $0x1, s15  }
0xcc: {  	p0 =	seq.s32 s15, $0x0  }
.Ltmp8:
0xcd: {  	_ = 	snop;
	(pc) =	sbr.rel @p0 .LBB2_13-.Ltmp8, $3  }
0xce: {  	_ =	sdelay $0x1  }
0xcf: {  	[tilespmem:s16], [sflag:$0x1] =	stream.indirect.gather [hbm4b:s4+s7], $0x80, s13, s7, $0xb8;
	[tilespmem:$0x1F800] =	vst v63  }
0xd0: {  	s13 =	sadd.s32 $0x80, s13;
	s14 =	sadd.s32 $0x80, s14  }
.LBB2_9:
0xd1: {  	s16 =	sand.u32 $0x1, s15  }
0xd2: {  	p0 =	seq.s32 s16, $0x0  }
.Ltmp9:
0xd3: {  	_ = 	snop;
	(pc) =	sbr.rel @p0 .LBB2_11-.Ltmp9, $1  }
0xd4: {  	_ =	sdelay $0x3  }
0xd5: {  	_ =	swait.ge [sflag:s9], $0x4000  }
0xd6: {  	[sflag:s9] =	ssyncset.done $0x0  }
0xd7: {  	p0 =	seq.s32 s15, $0xFFFFFFFF;
	[sflag:s9] =	ssyncadd.s32 $0xFFFFC000  }
0xd8: {  	[spmem:s2] =	stream.indirect.scatter.add.f32 [tilespmem:s10], [sflag:$0x2], $0x80, s14, s7, $0xb8;
	[tilespmem:$0x1F800] =	vst v63  }
.Ltmp10:
0xd9: {  	_ = 	snop;
	(pc) =	sbr.rel @!p0 .LBB2_12-.Ltmp10, $4  }
.Ltmp11:
0xda: {  	_ = 	snop;
	(pc) =	sbr.rel @p0 .LBB2_13-.Ltmp11, $4  }
0xdb: {  	_ =	swait.ge [sflag:s11], $0x4000  }
0xdc: {  	[sflag:s11] =	ssyncset.done $0x0  }
0xdd: {  	s16 =	simm.s32 $0x2800;
	[sflag:s11] =	ssyncadd.s32 $0xFFFFC000  }
0xde: {  	_ = 	snop  }
.LBB2_14:
0xdf: {  	_ =	sfence.sel $0x180000  }
0xe0: {  	[bflag:$0x0] =	sbarrier.arrive $0xFFFF  }
0xe1: {  	_ =	strace $0x9000004D  }
0xe2: {  	s0 =	stileid.u32;
	[bflag:$0x2] =	sbarrier.arrive $0xFFFF  }
0xe3: {  	p0 =	sne.s32 s0, $0x0;
	s0 =	rddreg [dreg:$0x4]  }
0xe4: {  	s0 =	sadd.s32 @!p0 $0x100000, s0  }
0xe5: {  	[sflag:s0] =	ssyncadd.tile.s32 @!p0 $0x1;
	_ =	shalt  }
.Lfunc_end2:
_tile_overlayer_lowered:
.L_overlay_start_2:
0xe6: {  	(tag) =	ssettag $0x2  }
0xe7: {  	s0 =	rddreg [dreg:$0x0];
	s2 =	stileid.u32  }
0xe8: {  	s1 =	rddreg [dreg:$0x1];
	p0 =	sne.s32 s2, $0x0  }
0xe9: {  	s3 =	rddreg [dreg:$0x2];
	[bflag:$0x3] =	sbarrier.arrive $0xFFFF;
	s2 =	simm.s32 @!p0 $0x1C03  }
0xea: {  	[timem:s3], [sflag:s2] =	dma.local @!p0 [hbm:s0], s1  }
0xeb: {  	s0 =	simm.s32 @!p0 $0x3  }
0xec: {  	_ =	swait.ge @!p0 [sflag:s0], s1  }
0xed: {  	s1 =	ssub.s32 @!p0 $0x0, s1;
	[sflag:s0] =	ssyncset.done @!p0 $0x0  }
0xee: {  	[sflag:s0] =	ssyncadd.s32 @!p0 s1  }
0xef: {  	[bflag:$0x3] =	sbarrier.arrive $0xFFFF  }
0xf0: {  	_ =	shalt  }

// kernel: kernel.19.cloned.1.call-start
scs
__scs_entry_jumppad:
0x0: {  	(pc) =	sbr.rel $0x88, $3  }
0x1: {  	(tag) =	ssettag $0x0;
	lr =	simm.s32 $0x1  }
0x2: {  	[smem:$0x3F73] =	sst lr;
	_ =	strace $0xD0000000  }
0x3: {  	_ = 	snop  }
0x4: {  	_ = 	snop  }
0x5: {  	_ = 	snop  }
0x6: {  	_ = 	snop  }
0x7: {  	_ = 	snop  }
__scs_overlays_trampoline_lowered:
0x8: {  	[smem:$0x3F82] =	sst s0  }
0x9: {  	[smem:$0x3F83] =	sst s1  }
0xa: {  	[smem:$0x3F84] =	sst s2  }
0xb: {  	[smem:$0x3F85] =	sst s3  }
0xc: {  	[smem:$0x3F86] =	sst s4  }
0xd: {  	[smem:$0x3F87] =	sst s5  }
0xe: {  	[smem:$0x3F88] =	sst s6  }
0xf: {  	[smem:$0x3F89] =	sst s7  }
0x10: {  	[smem:$0x3F8A] =	sst s8  }
0x11: {  	[smem:$0x3F8B] =	sst s9;
	s0 =	simm.s32 @!p0 $0x0  }
0x12: {  	s1 =	sld [smem:$0x3F71];
	s0 =	simm.s32 @p0 $0x1  }
0x13: {  	[smem:$0x3F8C] =	sst s0;
	s0 =	simm.s32 @!p1 $0x0  }
0x14: {  	s2 =	sld [smem:$0x3F70];
	s0 =	simm.s32 @p1 $0x1  }
0x15: {  	[smem:$0x3F8D] =	sst s0;
	s0 =	simm.s32 @!p2 $0x0  }
0x16: {  	s3 =	sld [smem:$0x3FDB];
	s0 =	simm.s32 @p2 $0x1  }
0x17: {  	s4 =	simm.s32 $0x1BF5;
	[smem:$0x3F8F] =	sst s0  }
0x18: {  	s0 =	sld [smem:$0x3F72];
	_ =	swait.ge [sflag:s4], $0x0  }
0x19: {  	s7 =	sld [smem:$0x3F73]  }
0x1a: {  	s8 =	sadd.s32 $0xFFFFE003, lr  }
0x1b: {  	s9 =	sadd.s32 $0xFFFFFEF7, lr;
	s5 =	simm.s32 $0xFFFFFFFF;
	p2 =	slt.u32 s8, $0xFFFFF086  }
0x1c: {  	p1 =	slt.u32 s9, $0xF7A;
	s5 =	simm.s32 @!p2 $0x0  }
0x1d: {  	s5 =	simm.s32 @p1 $0x1;
	p0 =	seq.s32 s7, s2  }
0x1e: {  	s7 =	smul.u32 @!p0 $0xF7A, s2;
	p2 =	seq.s32 @!p0 s5, $0x0  }
0x1f: {  	s9 =	smul.u32 $0xF7A, s1;
	s8 =	simm.s32 @!p0 $0x1BF5;
	p2 =	por !p2, p0  }
0x20: {  	[sflag:s8] =	ssyncset.s32 @!p0 $0xFFFFF086;
	s6 =	sadd.s32 @!p0 s3, s7;
	s7 =	simm.s32 @!p0 $0x108  }
0x21: {  	s3 =	sadd.s32 s3, s9;
	s6 =	sadd.s32 @!p0 $0x88, s6;
	s7 =	simm.s32 @p2 $0x1082  }
0x22: {  	[simem:s7], [sflag:s8] =	dma.local @!p0 [hbm:s6], $0xF7A  }
0x23: {  	s9 =	sor.u32 $0xD0000000, s2;
	s6 =	simm.s32 $0x108;
	_ =	swait.ge @!p0 [sflag:s8], $0x0  }
0x24: {  	s3 =	sadd.s32 $0x88, s3;
	s6 =	simm.s32 @!p1 $0x1082;
	[sflag:s4] =	ssyncset.s32 $0xFFFFF086  }
0x25: {  	[simem:s6], [sflag:s4] =	dma.local [hbm:s3], $0xF7A  }
0x26: {  	[smem:$0x3F73] =	sst s1;
	(tag) =	ssettag s2;
	_ =	strace s9  }
0x27: {  	s1 =	sld [smem:$0x3F83]  }
0x28: {  	s2 =	sld [smem:$0x3F84]  }
0x29: {  	s4 =	sld [smem:$0x3F86]  }
0x2a: {  	p0 =	seq.s32 s5, $0x0;
	s5 =	sld [smem:$0x3F87]  }
0x2b: {  	s6 =	sld [smem:$0x3F88]  }
0x2c: {  	s7 =	sld [smem:$0x3F89]  }
0x2d: {  	s3 =	simm.s32 $0x108;
	s8 =	sld [smem:$0x3F8A]  }
0x2e: {  	s3 =	simm.s32 @!p0 $0x1082;
	s9 =	sld [smem:$0x3F8B]  }
0x2f: {  	lr =	sadd.s32 s0, s3;
	s0 =	sld [smem:$0x3F82]  }
0x30: {  	s3 =	sld [smem:$0x3F85]  }
0x31: {  	[smem:$0x3F8E] =	sst s10  }
0x32: {  	s10 =	sld [smem:$0x3F8C];
	_ =	sdelay $0x3  }
0x33: {  	p0 =	seq.s32 s10, $0x1;
	s10 =	sld [smem:$0x3F8E];
	_ =	sdelay $0x3  }
0x34: {  	[smem:$0x3F8E] =	sst s10  }
0x35: {  	s10 =	sld [smem:$0x3F8D];
	_ =	sdelay $0x3  }
0x36: {  	p1 =	seq.s32 s10, $0x1;
	s10 =	sld [smem:$0x3F8E];
	_ =	sdelay $0x3  }
0x37: {  	[smem:$0x3F8E] =	sst s10  }
0x38: {  	s10 =	sld [smem:$0x3F8F]  }
0x39: {  	_ = 	snop;
	(pc) =	sbr.ind lr, $3  }
0x3a: {  	_ = 	snop  }
0x3b: {  	_ = 	snop  }
0x3c: {  	p2 =	seq.s32 s10, $0x1;
	s10 =	sld [smem:$0x3F8E]  }
0x3d: {  	_ =	shalt  }
0x3e: {  	_ =	shalt  }
0x3f: {  	_ =	shalt  }
0x40: {  	_ =	shalt  }
0x41: {  	_ =	shalt  }
0x42: {  	_ =	shalt  }
0x43: {  	_ =	shalt  }
0x44: {  	_ =	shalt  }
0x45: {  	_ =	shalt  }
0x46: {  	_ =	shalt  }
0x47: {  	_ =	shalt  }
0x48: {  	_ =	shalt  }
0x49: {  	_ =	shalt  }
0x4a: {  	_ =	shalt  }
0x4b: {  	_ =	shalt  }
0x4c: {  	_ =	shalt  }
0x4d: {  	_ =	shalt  }
0x4e: {  	_ =	shalt  }
0x4f: {  	_ =	shalt  }
0x50: {  	_ =	shalt  }
0x51: {  	_ =	shalt  }
0x52: {  	_ =	shalt  }
0x53: {  	_ =	shalt  }
0x54: {  	_ =	shalt  }
0x55: {  	_ =	shalt  }
0x56: {  	_ =	shalt  }
0x57: {  	_ =	shalt  }
0x58: {  	_ =	shalt  }
0x59: {  	_ =	shalt  }
0x5a: {  	_ =	shalt  }
0x5b: {  	_ =	shalt  }
0x5c: {  	_ =	shalt  }
0x5d: {  	_ =	shalt  }
0x5e: {  	_ =	shalt  }
0x5f: {  	_ =	shalt  }
0x60: {  	_ =	shalt  }
0x61: {  	_ =	shalt  }
0x62: {  	_ =	shalt  }
0x63: {  	_ =	shalt  }
0x64: {  	_ =	shalt  }
0x65: {  	_ =	shalt  }
0x66: {  	_ =	shalt  }
0x67: {  	_ =	shalt  }
0x68: {  	_ =	shalt  }
0x69: {  	_ =	shalt  }
0x6a: {  	_ =	shalt  }
0x6b: {  	_ =	shalt  }
0x6c: {  	_ =	shalt  }
0x6d: {  	_ =	shalt  }
0x6e: {  	_ =	shalt  }
0x6f: {  	_ =	shalt  }
0x70: {  	_ =	shalt  }
0x71: {  	_ =	shalt  }
0x72: {  	_ =	shalt  }
0x73: {  	_ =	shalt  }
0x74: {  	_ =	shalt  }
0x75: {  	_ =	shalt  }
0x76: {  	_ =	shalt  }
0x77: {  	_ =	shalt  }
0x78: {  	_ =	shalt  }
0x79: {  	_ =	shalt  }
0x7a: {  	_ =	shalt  }
0x7b: {  	_ =	shalt  }
0x7c: {  	_ =	shalt  }
0x7d: {  	_ =	shalt  }
0x7e: {  	_ =	shalt  }
0x7f: {  	_ =	shalt  }
0x80: {  	_ =	shalt  }
0x81: {  	_ =	shalt  }
0x82: {  	_ =	shalt  }
0x83: {  	_ =	shalt  }
0x84: {  	_ =	shalt  }
0x85: {  	_ =	shalt  }
0x86: {  	_ =	shalt  }
0x87: {  	_ =	shalt  }
.Lfunc_end0:
.L_simem_size_0:
called_computation.3_lowered:
.L_overlay_start_0:
0x88: {  	s2 =	sld [smem:$0x3FD9]  }
0x89: {  	s3 =	sld [smem:$0x3FFE];
	_ =	sdelay $0x1  }
0x8a: {  	s1 =	srdreg.scid  }
0x8b: {  	s0 =	sand.u32 $0x1, s1  }
0x8c: {  	s14 =	sshll.u32 s0, $0xA;
	s2 =	sadd.s32 s3, s2  }
0x8d: {  	s2 =	sadd.s32 s2, s14  }
0x8e: {  	[smem:$0x3F9A] =	sst s2  }
0x8f: {  	_ = 	snop  }
0x90: {  	s2 =	sld [smem:$0x3FD0];
	_ =	sdelay $0x2  }
0x91: {  	s15 =	simm.s32 $0xA;
	s4 =	simm.s32 $0x10  }
0x92: {  	[smem:s4], [sflag:s15] =	dma.local [hbm:s2], $0x1  }
0x93: {  	_ =	swait.eq [sflag:s15], $0x1  }
0x94: {  	[sflag:s15] =	ssyncset.done $0x0  }
0x95: {  	s16 =	sld [smem:$0x12];
	[sflag:s15] =	ssyncadd.s32 $0xFFFFFFFF  }
0x96: {  	s17 =	sld [smem:$0x13];
	(tm) =	ssettm $0x1  }
0x97: {  	s18 =	sld [smem:$0x3FFB];
	_ =	sdelay $0x3  }
0x98: {  	_ =	strace s18  }
0x99: {  	s4 =	sld [smem:$0x3FFC];
	_ =	sdelay $0x3  }
0x9a: {  	_ =	strace s4  }
0x9b: {  	s4 =	sld [smem:$0x3FFD];
	_ =	sdelay $0x3  }
0x9c: {  	_ =	strace s4  }
0x9d: {  	_ =	strace $0x8FFFFFFF  }
0x9e: {  	s19 =	sld [smem:$0x3FDB];
	_ =	sdelay $0x1  }
0x9f: {  	s5 =	simm.s32 $_scs_section_size  }
0xa0: {  	s6 =	simm.s32 $_size__tile_overlayer_lowered;
	s7 =	simm.s32 $_tile_overlayer_lowered  }
0xa1: {  	s22 =	simm.s32 $0x1BFF;
	s21 =	sshll.u32 s7, $0x1;
	s4 =	sadd.s32 s5, s19  }
0xa2: {  	s8 =	simm.s32 $0x0;
	s20 =	sshll.u32 s6, $0x1;
	s6 =	sadd.s32 s21, s4  }
0xa3: {  	[timem:s8], [sflag:s22] =	dma.local [hbm:s6], s20  }
0xa4: {  	_ =	swait.ge [sflag:s22], s20  }
0xa5: {  	s5 =	ssub.s32 $0x0, s20;
	[sflag:s22] =	ssyncset.done $0x0  }
0xa6: {  	[sflag:s22] =	ssyncadd.s32 s5;
	_ =	sdelay $0x1  }
0xa7: {  	s23 =	simm.s32 $0x1B8B  }
0xa8: {  	_ =	swait.ge [sflag:s23], $0x1  }
0xa9: {  	[sflag:s23] =	ssyncset.done $0x0  }
0xaa: {  	s25 =	simm.s32 $0x1B8E;
	s24 =	sld [smem:$0x3FFE];
	[sflag:s23] =	ssyncadd.s32 $0xFFFFFFFF  }
0xab: {  	s26 =	simm.s32 $execute0_lowered;
	[smem:$0x3FD2] =	sst s25  }
0xac: {  	s6 =	sshll.u32 s26, $0x1;
	_ =	strace $0x8000004F;
	[dreg:$0x1] =	wrdreg $0xFFFFFFFF  }
0xad: {  	s28 =	simm.s32 $_size_execute0_lowered;
	s4 =	sadd.s32 s4, s6;
	[dreg:$0x0] =	wrdreg $0x0  }
0xae: {  	s6 =	sshll.u32 s28, $0x1;
	[dreg:$0x2] =	wrdreg s4  }
0xaf: {  	[dreg:$0x3] =	wrdreg s6  }
0xb0: {  	[dreg:$0x4] =	wrdreg $0xC0  }
0xb1: {  	_ =	task [dreg:s8], $0x5FFFF  }
0xb2: {  	[dreg:$0x1] =	wrdreg $0xFFFFFFFF  }
0xb3: {  	[dreg:$0x0] =	wrdreg $0x60  }
0xb4: {  	[dreg:$0x2] =	wrdreg s24  }
0xb5: {  	[dreg:$0x3] =	wrdreg s17  }
0xb6: {  	[dreg:$0x4] =	wrdreg s16  }
0xb7: {  	[dreg:$0x5] =	wrdreg $0xB8000  }
0xb8: {  	[dreg:$0x6] =	wrdreg $0x9  }
0xb9: {  	_ =	task.clear_ibuf [dreg:s8], $0x7FFFF;
	_ =	strace $0x9000004F  }
0xba: {  	s29 =	simm.s32 $0x9;
	_ =	strace $0x80000051  }
0xbb: {  	_ =	swait.ge [sflag:s29], $0x1  }
0xbc: {  	[sflag:s29] =	ssyncadd.s32 $0xFFFFFFFF  }
0xbd: {  	_ =	strace $0x90000051  }
0xbe: {  	_ =	sfence  }
0xbf: {  	s30 =	sld [smem:$0x0];
	_ =	sdelay $0x2  }
0xc0: {  	s31 =	sshll.u32 s1, $0xD;
	s1 =	sshrl.u32 s1, $0x2  }
0xc1: {  	s3 =	sand.u32 $0x4000, s31;
	s1 =	sadd.s32 s1, s30  }
0xc2: {  	s0 =	sor.u32 s3, s0;
	s1 =	sshll.u32 s1, $0x11  }
0xc3: {  	s0 =	sor.u32 s1, s0  }
0xc4: {  	s0 =	sadd.s32 $0x8F2B, s0  }
0xc5: {  	[sflag:s0] =	ssyncadd.remote.s32 $0x1  }
0xc6: {  	_ =	sfence.sel $0xFFFF  }
0xc7: {  	[dreg:$0x0] =	wrdreg $0xFFFFFFFF;
	(pc) =	sbr.abs _section_cstart, $3  }
0xc8: {  	[dreg:$0x1] =	wrdreg $0xFFFFFFFF  }
0xc9: {  	_ =	task.clear_ibuf [dreg:s8], $0x2FFFF;
	_ =	strace $0x9FFFFFFF  }
0xca: {  	(tm) =	ssettm $0x7FFFFFFF  }
0xcb: {  	_ =	shalt  }
tec
execute0_lowered:
.L_overlay_start_1:
0x0: {  	(tag) =	ssettag $0x1  }
0x1: {  	s0 =	rddreg [dreg:$0x0]  }
0x2: {  	s1 =	rddreg [dreg:$0x1]  }
0x3: {  	s6 =	rddreg [dreg:$0x2]  }
0x4: {  	s3 =	srdreg.scid;
	s13 =	stileid.u32  }
0x5: {  	s2 =	rddreg [dreg:$0x3];
	s7 =	sand.u32 $0x1, s3;
	s8 =	smul.u32 $0x50000, s13  }
0x6: {  	s4 =	sshll.u32 s13, $0x1;
	s3 =	simm.s32 $0x0;
	s16 =	smul.u32 $0x2800, s13  }
0x7: {  	s5 =	sor.u32 s7, s4;
	[smem:$0x7FF] =	sst s3;
	s9 =	ssub.s32 $0x2, s7  }
0x8: {  	s4 =	sadd.s32 $0x32200, s0;
	p0 =	seq.s32 s7, $0x1;
	s7 =	simm.s32 $0x80  }
0x9: {  	s10 =	smul.u32 $0x2800, s5;
	_ =	strace $0x80000050;
	s11 =	sshrl.u32 s9, $0x1  }
0xa: {  	s8 =	sshrl.u32 s8, $0x2;
	s12 =	smul.u32 $0x500, s5;
	s9 =	ssub.s32 s9, s11  }
0xb: {  	s5 =	sadd.s32 s8, s2;
	s8 =	simm.s32 $0x2800;
	s10 =	sshrl.u32 s10, $0x3  }
0xc: {  	s11 =	sadd.s32 s1, s12;
	s14 =	sadd.s32 s6, s12;
	s20 =	smax.u32 s9, $0x1  }
0xd: {  	s21 =	sadd.s32 $0x1000, s5;
	s22 =	sadd.s32 $0x2000, s5;
	[dreg:$0x5] =	wrdreg s11  }
0xe: {  	s23 =	sadd.s32 $0x3000, s5;
	s24 =	sadd.s32 $0x4000, s5;
	[dreg:$0x6] =	wrdreg s14  }
0xf: {  	s25 =	sadd.s32 $0x5000, s5;
	s17 =	sadd.s32 $0x7000, s5;
	[dreg:$0x9] =	wrdreg s20  }
0x10: {  	s18 =	sadd.s32 $0x8000, s5;
	s19 =	sadd.s32 $0x9000, s5;
	[dreg:$0xa] =	wrdreg s21  }
0x11: {  	s28 =	sadd.s32 $0x10000, s5;
	s29 =	sadd.s32 $0x11000, s5;
	[dreg:$0xb] =	wrdreg s22  }
0x12: {  	s30 =	sadd.s32 $0x12000, s5;
	s31 =	sadd.s32 $0x13000, s5;
	[dreg:$0xc] =	wrdreg s23  }
0x13: {  	s9 =	simm.s32 $0x1;
	s12 =	simm.s32 $0x0;
	[dreg:$0xd] =	wrdreg s24  }
0x14: {  	s26 =	sadd.s32 $0x280, s10;
	[dreg:$0xe] =	wrdreg s25;
	s20 =	sadd.s32 $0xA000, s5  }
0x15: {  	s21 =	sadd.s32 $0xB000, s5;
	s22 =	sadd.s32 $0xC000, s5;
	s23 =	sadd.s32 $0xD000, s5  }
0x16: {  	s25 =	sadd.s32 $0xE000, s5;
	s10 =	simm.s32 $0x6800;
	s1 =	sadd.s32 s1, s26  }
.Ltmp0:
0x17: {  	s15 =	sadd.s32 s6, s26;
	[dreg:$0x7] =	wrdreg s1;
	(pc) =	sbr.rel .LBB2_1-.Ltmp0, $4  }
0x18: {  	s26 =	sadd.s32 $0x6000, s5;
	s6 =	simm.s32 $0x82200;
	[dreg:$0x8] =	wrdreg s15  }
0x19: {  	s11 =	simm.s32 $0x2;
	[dreg:$0xf] =	wrdreg s26;
	s6 =	simm.s32 @!p0 $0x5A200  }
0x1a: {  	s26 =	sadd.s32 $0xF000, s5;
	s1 =	simm.s32 $0x3;
	s0 =	sadd.s32 s6, s0  }
0x1b: {  	v0 =	vimm.f32 $0.0e+00;
	s6 =	simm.s32 $0x1400;
	s24 =	sadd.s32 s0, s16;
	s0 =	simm.s32 $0xA800  }
.LBB2_13:
0x1c: {  	_ =	swait.ge [sflag:s11], $0x4000  }
0x1d: {  	s13 =	stileid.u32;
	[sflag:s11] =	ssyncset.done $0x0  }
0x1e: {  	s13 =	sshll.u32 s13, $0x6;
	[sflag:s11] =	ssyncadd.s32 $0xFFFFC000  }
0x1f: {  	s14 =	sshrl.u32 s5, $0x3;
	s13 =	sor.u32 $0x1C03, s13;
	[bflag:$0x0] =	sbarrier.arrive $0xFFFF  }
0x20: {  	[hbm:s24], [sflag:s13] =	dma.local [spmem:s14], $0x2800  }
0x21: {  	_ =	swait.ge [sflag:s1], $0x2800  }
0x22: {  	s12 =	sadd.s32 $0x1, s12;
	s16 =	rddreg [dreg:$0x9]  }
0x23: {  	p0 =	sne.s32 s12, s16  }
.Ltmp1:
0x24: {  	_ = 	snop;
	(pc) =	sbr.rel @!p0 .LBB2_14-.Ltmp1, $3  }
0x25: {  	_ =	sdelay $0x1  }
0x26: {  	[sflag:s1] =	ssyncset.done $0x0  }
0x27: {  	[sflag:s1] =	ssyncadd.s32 $0xFFFFD800  }
.LBB2_1:
0x28: {  	s13 =	simm.s32 $0x0;
	s14 =	simm.s32 $0x200  }
.LBB2_2:
0x29: {  	p0 =	sne.s32 s14, $0x3E00;
	[tilespmem:s13+$0xA870] =	vst v0  }
0x2a: {  	[tilespmem:s13+$0xA800] =	vst v0  }
0x2b: {  	[tilespmem:s13+$0xA810] =	vst v0  }
.Ltmp2:
0x2c: {  	[tilespmem:s13+$0xA820] =	vst v0;
	(pc) =	sbr.rel @p0 .LBB2_2-.Ltmp2, $4  }
0x2d: {  	[tilespmem:s13+$0xA830] =	vst v0  }
0x2e: {  	[tilespmem:s13+$0xA840] =	vst v0  }
0x2f: {  	[tilespmem:s13+$0xA850] =	vst v0  }
0x30: {  	[tilespmem:s13+$0xA860] =	vst v0;
	s13 =	sshra.s32 s14, $0x2;
	s14 =	sadd.s32 $0x200, s14  }
0x31: {  	[tilespmem:s13+$0xA870] =	vst v0  }
0x32: {  	[tilespmem:s13+$0xA800] =	vst v0  }
0x33: {  	[tilespmem:s13+$0xA810] =	vst v0  }
0x34: {  	[tilespmem:s13+$0xA820] =	vst v0  }
0x35: {  	[tilespmem:s13+$0xA830] =	vst v0  }
0x36: {  	[tilespmem:s13+$0xA840] =	vst v0  }
0x37: {  	[tilespmem:s13+$0xA850] =	vst v0  }
0x38: {  	[tilespmem:s13+$0xA860] =	vst v0  }
0x39: {  	[spmem:s5] =	stream.linear.scatter [tilespmem:s0], [sflag:$0x3], $0x1000, $0x38;
	[tilespmem:$0x1F800] =	vst v63  }
0x3a: {  	_ =	swait.ge [sflag:s1], $0x1000  }
0x3b: {  	[sflag:s1] =	ssyncset.done $0x0  }
0x3c: {  	s15 =	rddreg [dreg:$0xa];
	[sflag:s1] =	ssyncadd.s32 $0xFFFFF000  }
0x3d: {  	[spmem:s15] =	stream.linear.scatter [tilespmem:s0], [sflag:$0x3], $0x1000, $0x38;
	[tilespmem:$0x1F800] =	vst v63  }
0x3e: {  	_ =	swait.ge [sflag:s1], $0x1000  }
0x3f: {  	[sflag:s1] =	ssyncset.done $0x0  }
0x40: {  	s16 =	rddreg [dreg:$0xb];
	[sflag:s1] =	ssyncadd.s32 $0xFFFFF000  }
0x41: {  	[spmem:s16] =	stream.linear.scatter [tilespmem:s0], [sflag:$0x3], $0x1000, $0x38;
	[tilespmem:$0x1F800] =	vst v63  }
0x42: {  	_ =	swait.ge [sflag:s1], $0x1000  }
0x43: {  	[sflag:s1] =	ssyncset.done $0x0  }
0x44: {  	s14 =	rddreg [dreg:$0xc];
	[sflag:s1] =	ssyncadd.s32 $0xFFFFF000  }
0x45: {  	[spmem:s14] =	stream.linear.scatter [tilespmem:s0], [sflag:$0x3], $0x1000, $0x38;
	[tilespmem:$0x1F800] =	vst v63  }
0x46: {  	_ =	swait.ge [sflag:s1], $0x1000  }
0x47: {  	[sflag:s1] =	ssyncset.done $0x0  }
0x48: {  	s15 =	rddreg [dreg:$0xd];
	[sflag:s1] =	ssyncadd.s32 $0xFFFFF000  }
0x49: {  	[spmem:s15] =	stream.linear.scatter [tilespmem:s0], [sflag:$0x3], $0x1000, $0x38;
	[tilespmem:$0x1F800] =	vst v63  }
0x4a: {  	_ =	swait.ge [sflag:s1], $0x1000  }
0x4b: {  	[sflag:s1] =	ssyncset.done $0x0  }
0x4c: {  	s16 =	rddreg [dreg:$0xe];
	[sflag:s1] =	ssyncadd.s32 $0xFFFFF000  }
0x4d: {  	[spmem:s16] =	stream.linear.scatter [tilespmem:s0], [sflag:$0x3], $0x1000, $0x38;
	[tilespmem:$0x1F800] =	vst v63  }
0x4e: {  	_ =	swait.ge [sflag:s1], $0x1000  }
0x4f: {  	[sflag:s1] =	ssyncset.done $0x0  }
0x50: {  	s14 =	rddreg [dreg:$0xf];
	[sflag:s1] =	ssyncadd.s32 $0xFFFFF000  }
0x51: {  	[spmem:s14] =	stream.linear.scatter [tilespmem:s0], [sflag:$0x3], $0x1000, $0x38;
	[tilespmem:$0x1F800] =	vst v63  }
0x52: {  	_ =	swait.ge [sflag:s1], $0x1000  }
0x53: {  	[sflag:s1] =	ssyncset.done $0x0  }
0x54: {  	[sflag:s1] =	ssyncadd.s32 $0xFFFFF000  }
0x55: {  	[spmem:s17] =	stream.linear.scatter [tilespmem:s0], [sflag:$0x3], $0x1000, $0x38;
	[tilespmem:$0x1F800] =	vst v63  }
0x56: {  	_ =	swait.ge [sflag:s1], $0x1000  }
0x57: {  	[sflag:s1] =	ssyncset.done $0x0  }
0x58: {  	[sflag:s1] =	ssyncadd.s32 $0xFFFFF000  }
0x59: {  	[spmem:s18] =	stream.linear.scatter [tilespmem:s0], [sflag:$0x3], $0x1000, $0x38;
	[tilespmem:$0x1F800] =	vst v63  }
0x5a: {  	_ =	swait.ge [sflag:s1], $0x1000  }
0x5b: {  	[sflag:s1] =	ssyncset.done $0x0  }
0x5c: {  	[sflag:s1] =	ssyncadd.s32 $0xFFFFF000  }
0x5d: {  	[spmem:s19] =	stream.linear.scatter [tilespmem:s0], [sflag:$0x3], $0x1000, $0x38;
	[tilespmem:$0x1F800] =	vst v63  }
0x5e: {  	_ =	swait.ge [sflag:s1], $0x1000  }
0x5f: {  	[sflag:s1] =	ssyncset.done $0x0  }
0x60: {  	[sflag:s1] =	ssyncadd.s32 $0xFFFFF000  }
0x61: {  	[spmem:s20] =	stream.linear.scatter [tilespmem:s0], [sflag:$0x3], $0x1000, $0x38;
	[tilespmem:$0x1F800] =	vst v63  }
0x62: {  	_ =	swait.ge [sflag:s1], $0x1000  }
0x63: {  	[sflag:s1] =	ssyncset.done $0x0  }
0x64: {  	[sflag:s1] =	ssyncadd.s32 $0xFFFFF000  }
0x65: {  	[spmem:s21] =	stream.linear.scatter [tilespmem:s0], [sflag:$0x3], $0x1000, $0x38;
	[tilespmem:$0x1F800] =	vst v63  }
0x66: {  	_ =	swait.ge [sflag:s1], $0x1000  }
0x67: {  	[sflag:s1] =	ssyncset.done $0x0  }
0x68: {  	[sflag:s1] =	ssyncadd.s32 $0xFFFFF000  }
0x69: {  	[spmem:s22] =	stream.linear.scatter [tilespmem:s0], [sflag:$0x3], $0x1000, $0x38;
	[tilespmem:$0x1F800] =	vst v63  }
0x6a: {  	_ =	swait.ge [sflag:s1], $0x1000  }
0x6b: {  	[sflag:s1] =	ssyncset.done $0x0  }
0x6c: {  	[sflag:s1] =	ssyncadd.s32 $0xFFFFF000  }
0x6d: {  	[spmem:s23] =	stream.linear.scatter [tilespmem:s0], [sflag:$0x3], $0x1000, $0x38;
	[tilespmem:$0x1F800] =	vst v63  }
0x6e: {  	_ =	swait.ge [sflag:s1], $0x1000  }
0x6f: {  	[sflag:s1] =	ssyncset.done $0x0  }
0x70: {  	[sflag:s1] =	ssyncadd.s32 $0xFFFFF000  }
0x71: {  	[spmem:s25] =	stream.linear.scatter [tilespmem:s0], [sflag:$0x3], $0x1000, $0x38;
	[tilespmem:$0x1F800] =	vst v63  }
0x72: {  	_ =	swait.ge [sflag:s1], $0x1000  }
0x73: {  	[sflag:s1] =	ssyncset.done $0x0  }
0x74: {  	[sflag:s1] =	ssyncadd.s32 $0xFFFFF000  }
0x75: {  	[spmem:s26] =	stream.linear.scatter [tilespmem:s0], [sflag:$0x3], $0x1000, $0x38;
	[tilespmem:$0x1F800] =	vst v63  }
0x76: {  	_ =	swait.ge [sflag:s1], $0x1000  }
0x77: {  	[sflag:s1] =	ssyncset.done $0x0  }
0x78: {  	[sflag:s1] =	ssyncadd.s32 $0xFFFFF000  }
0x79: {  	[spmem:s28] =	stream.linear.scatter [tilespmem:s0], [sflag:$0x3], $0x1000, $0x38;
	[tilespmem:$0x1F800] =	vst v63  }
0x7a: {  	_ =	swait.ge [sflag:s1], $0x1000  }
0x7b: {  	[sflag:s1] =	ssyncset.done $0x0  }
0x7c: {  	[sflag:s1] =	ssyncadd.s32 $0xFFFFF000  }
0x7d: {  	[spmem:s29] =	stream.linear.scatter [tilespmem:s0], [sflag:$0x3], $0x1000, $0x38;
	[tilespmem:$0x1F800] =	vst v63  }
0x7e: {  	_ =	swait.ge [sflag:s1], $0x1000  }
0x7f: {  	[sflag:s1] =	ssyncset.done $0x0  }
0x80: {  	[sflag:s1] =	ssyncadd.s32 $0xFFFFF000  }
0x81: {  	[spmem:s30] =	stream.linear.scatter [tilespmem:s0], [sflag:$0x3], $0x1000, $0x38;
	[tilespmem:$0x1F800] =	vst v63  }
0x82: {  	_ =	swait.ge [sflag:s1], $0x1000  }
0x83: {  	[sflag:s1] =	ssyncset.done $0x0  }
0x84: {  	[sflag:s1] =	ssyncadd.s32 $0xFFFFF000  }
0x85: {  	[spmem:s31] =	stream.linear.scatter [tilespmem:s0], [sflag:$0x3], $0x1000, $0x38;
	[tilespmem:$0x1F800] =	vst v63  }
0x86: {  	_ =	swait.ge [sflag:s1], $0x1000  }
0x87: {  	[sflag:s1] =	ssyncset.done $0x0  }
0x88: {  	[sflag:s1] =	ssyncadd.s32 $0xFFFFF000  }
0x89: {  	[bflag:$0x0] =	sbarrier.arrive $0xFFFF  }
0x8a: {  	s15 =	rddreg [dreg:$0x5]  }
0x8b: {  	[tilespmem:s3], [sflag:$0x3] =	stream.linear.gather [hbm4b:s15+s3], $0x1400, $0x38;
	[tilespmem:$0x1F800] =	vst v63  }
0x8c: {  	_ =	swait.ge [sflag:s1], $0x1400  }
0x8d: {  	[sflag:s1] =	ssyncset.done $0x0  }
0x8e: {  	s16 =	rddreg [dreg:$0x6];
	[sflag:s1] =	ssyncadd.s32 $0xFFFFEC00  }
0x8f: {  	[tilespmem:s6], [sflag:$0x3] =	stream.linear.gather [hbm4b:s16+s3], $0x1400, $0x38;
	[tilespmem:$0x1F800] =	vst v63  }
0x90: {  	_ =	swait.ge [sflag:s1], $0x1400  }
0x91: {  	[sflag:s1] =	ssyncset.done $0x0  }
0x92: {  	[sflag:s1] =	ssyncadd.s32 $0xFFFFEC00  }
0x93: {  	[tilespmem:s8], [sflag:$0x1] =	stream.indirect.gather [hbm4b:s4+s7], $0x80, s3, s7, $0xb8;
	[tilespmem:$0x1F800] =	vst v63  }
0x94: {  	_ =	swait.ge [sflag:s9], $0x4000  }
.Ltmp3:
0x95: {  	[sflag:s9] =	ssyncset.done $0x0;
	(pc) =	sbr.rel .LBB2_4-.Ltmp3, $4  }
0x96: {  	[sflag:s9] =	ssyncadd.s32 $0xFFFFC000  }
0x97: {  	[spmem:s2] =	stream.indirect.scatter.add.f32 [tilespmem:s8], [sflag:$0x2], $0x80, s6, s7, $0xb8;
	[tilespmem:$0x1F800] =	vst v63  }
0x98: {  	s13 =	simm.s32 $0x100;
	s14 =	simm.s32 $0x1480;
	s15 =	simm.s32 $0xFFFFFFD9  }
0x99: {  	[tilespmem:s10], [sflag:$0x1] =	stream.indirect.gather [hbm4b:s4+s7], $0x80, s7, s7, $0xb8;
	[tilespmem:$0x1F800] =	vst v63  }
.LBB2_6:
0x9a: {  	_ =	swait.ge [sflag:s9], $0x4000  }
0x9b: {  	[sflag:s9] =	ssyncset.done $0x0  }
0x9c: {  	[sflag:s9] =	ssyncadd.s32 $0xFFFFC000  }
0x9d: {  	[spmem:s2] =	stream.indirect.scatter.add.f32 [tilespmem:s8], [sflag:$0x2], $0x80, s14, s7, $0xb8;
	[tilespmem:$0x1F800] =	vst v63  }
0x9e: {  	_ =	swait.ge [sflag:s11], $0x4000  }
0x9f: {  	[sflag:s11] =	ssyncset.done $0x0  }
0xa0: {  	s16 =	simm.s32 $0x6800;
	[sflag:s11] =	ssyncadd.s32 $0xFFFFC000  }
.LBB2_7:
0xa1: {  	s15 =	sadd.s32 $0x1, s15  }
0xa2: {  	p0 =	seq.s32 s15, $0x0  }
.Ltmp4:
0xa3: {  	_ = 	snop;
	(pc) =	sbr.rel @p0 .LBB2_8-.Ltmp4, $3  }
0xa4: {  	_ =	sdelay $0x1  }
0xa5: {  	[tilespmem:s16], [sflag:$0x1] =	stream.indirect.gather [hbm4b:s4+s7], $0x80, s13, s7, $0xb8;
	[tilespmem:$0x1F800] =	vst v63  }
0xa6: {  	s13 =	sadd.s32 $0x80, s13;
	s14 =	sadd.s32 $0x80, s14  }
.LBB2_4:
0xa7: {  	s16 =	sand.u32 $0x1, s15  }
0xa8: {  	p0 =	seq.s32 s16, $0x0  }
.Ltmp5:
0xa9: {  	_ = 	snop;
	(pc) =	sbr.rel @p0 .LBB2_6-.Ltmp5, $1  }
0xaa: {  	_ =	sdelay $0x3  }
0xab: {  	_ =	swait.ge [sflag:s9], $0x4000  }
0xac: {  	p0 =	seq.s32 s15, $0xFFFFFFFF;
	[sflag:s9] =	ssyncset.done $0x0  }
.Ltmp6:
0xad: {  	[sflag:s9] =	ssyncadd.s32 $0xFFFFC000;
	(pc) =	sbr.rel @!p0 .LBB2_7-.Ltmp6, $4  }
0xae: {  	[spmem:s2] =	stream.indirect.scatter.add.f32 [tilespmem:s10], [sflag:$0x2], $0x80, s14, s7, $0xb8;
	[tilespmem:$0x1F800] =	vst v63  }
0xaf: {  	_ =	swait.ge [sflag:s11], $0x4000  }
0xb0: {  	[sflag:s11] =	ssyncset.done $0x0  }
0xb1: {  	s16 =	simm.s32 $0x2800;
	[sflag:s11] =	ssyncadd.s32 $0xFFFFC000  }
.LBB2_8:
0xb2: {  	_ =	swait.ge [sflag:s11], $0x4000  }
0xb3: {  	[sflag:s11] =	ssyncset.done $0x0  }
0xb4: {  	s13 =	rddreg [dreg:$0x7];
	[sflag:s11] =	ssyncadd.s32 $0xFFFFC000  }
0xb5: {  	[tilespmem:s3], [sflag:$0x3] =	stream.linear.gather [hbm4b:s13+s3], $0x1400, $0x38;
	[tilespmem:$0x1F800] =	vst v63  }
0xb6: {  	_ =	swait.ge [sflag:s1], $0x1400  }
0xb7: {  	[sflag:s1] =	ssyncset.done $0x0  }
0xb8: {  	s16 =	rddreg [dreg:$0x8];
	[sflag:s1] =	ssyncadd.s32 $0xFFFFEC00  }
0xb9: {  	[tilespmem:s6], [sflag:$0x3] =	stream.linear.gather [hbm4b:s16+s3], $0x1400, $0x38;
	[tilespmem:$0x1F800] =	vst v63  }
0xba: {  	_ =	swait.ge [sflag:s1], $0x1400  }
0xbb: {  	[sflag:s1] =	ssyncset.done $0x0  }
0xbc: {  	[sflag:s1] =	ssyncadd.s32 $0xFFFFEC00  }
0xbd: {  	[tilespmem:s8], [sflag:$0x1] =	stream.indirect.gather [hbm4b:s4+s7], $0x80, s3, s7, $0xb8;
	[tilespmem:$0x1F800] =	vst v63  }
0xbe: {  	_ =	swait.ge [sflag:s9], $0x4000  }
.Ltmp7:
0xbf: {  	[sflag:s9] =	ssyncset.done $0x0;
	(pc) =	sbr.rel .LBB2_9-.Ltmp7, $4  }
0xc0: {  	[sflag:s9] =	ssyncadd.s32 $0xFFFFC000  }
0xc1: {  	[spmem:s2] =	stream.indirect.scatter.add.f32 [tilespmem:s8], [sflag:$0x2], $0x80, s6, s7, $0xb8;
	[tilespmem:$0x1F800] =	vst v63  }
0xc2: {  	s14 =	simm.s32 $0x1480;
	s15 =	simm.s32 $0xFFFFFFD9;
	s13 =	simm.s32 $0x100  }
0xc3: {  	[tilespmem:s10], [sflag:$0x1] =	stream.indirect.gather [hbm4b:s4+s7], $0x80, s7, s7, $0xb8;
	[tilespmem:$0x1F800] =	vst v63  }
.LBB2_11:
0xc4: {  	_ =	swait.ge [sflag:s9], $0x4000  }
0xc5: {  	[sflag:s9] =	ssyncset.done $0x0  }
0xc6: {  	[sflag:s9] =	ssyncadd.s32 $0xFFFFC000  }
0xc7: {  	[spmem:s2] =	stream.indirect.scatter.add.f32 [tilespmem:s8], [sflag:$0x2], $0x80, s14, s7, $0xb8;
	[tilespmem:$0x1F800] =	vst v63  }
0xc8: {  	_ =	swait.ge [sflag:s11], $0x4000  }
0xc9: {  	[sflag:s11] =	ssyncset.done $0x0  }
0xca: {  	s16 =	simm.s32 $0x6800;
	[sflag:s11] =	ssyncadd.s32 $0xFFFFC000  }
.LBB2_12:
0xcb: {  	s15 =	sadd.s32 $0x1, s15  }
0xcc: {  	p0 =	seq.s32 s15, $0x0  }
.Ltmp8:
0xcd: {  	_ = 	snop;
	(pc) =	sbr.rel @p0 .LBB2_13-.Ltmp8, $3  }
0xce: {  	_ =	sdelay $0x1  }
0xcf: {  	[tilespmem:s16], [sflag:$0x1] =	stream.indirect.gather [hbm4b:s4+s7], $0x80, s13, s7, $0xb8;
	[tilespmem:$0x1F800] =	vst v63  }
0xd0: {  	s13 =	sadd.s32 $0x80, s13;
	s14 =	sadd.s32 $0x80, s14  }
.LBB2_9:
0xd1: {  	s16 =	sand.u32 $0x1, s15  }
0xd2: {  	p0 =	seq.s32 s16, $0x0  }
.Ltmp9:
0xd3: {  	_ = 	snop;
	(pc) =	sbr.rel @p0 .LBB2_11-.Ltmp9, $1  }
0xd4: {  	_ =	sdelay $0x3  }
0xd5: {  	_ =	swait.ge [sflag:s9], $0x4000  }
0xd6: {  	[sflag:s9] =	ssyncset.done $0x0  }
0xd7: {  	p0 =	seq.s32 s15, $0xFFFFFFFF;
	[sflag:s9] =	ssyncadd.s32 $0xFFFFC000  }
0xd8: {  	[spmem:s2] =	stream.indirect.scatter.add.f32 [tilespmem:s10], [sflag:$0x2], $0x80, s14, s7, $0xb8;
	[tilespmem:$0x1F800] =	vst v63  }
.Ltmp10:
0xd9: {  	_ = 	snop;
	(pc) =	sbr.rel @!p0 .LBB2_12-.Ltmp10, $4  }
.Ltmp11:
0xda: {  	_ = 	snop;
	(pc) =	sbr.rel @p0 .LBB2_13-.Ltmp11, $4  }
0xdb: {  	_ =	swait.ge [sflag:s11], $0x4000  }
0xdc: {  	[sflag:s11] =	ssyncset.done $0x0  }
0xdd: {  	s16 =	simm.s32 $0x2800;
	[sflag:s11] =	ssyncadd.s32 $0xFFFFC000  }
0xde: {  	_ = 	snop  }
.LBB2_14:
0xdf: {  	_ =	sfence.sel $0x180000  }
0xe0: {  	[bflag:$0x0] =	sbarrier.arrive $0xFFFF  }
0xe1: {  	_ =	strace $0x90000050  }
0xe2: {  	s0 =	stileid.u32;
	[bflag:$0x2] =	sbarrier.arrive $0xFFFF  }
0xe3: {  	p0 =	sne.s32 s0, $0x0;
	s0 =	rddreg [dreg:$0x4]  }
0xe4: {  	s0 =	sadd.s32 @!p0 $0x100000, s0  }
0xe5: {  	[sflag:s0] =	ssyncadd.tile.s32 @!p0 $0x1;
	_ =	shalt  }
.Lfunc_end2:
_tile_overlayer_lowered:
.L_overlay_start_2:
0xe6: {  	(tag) =	ssettag $0x2  }
0xe7: {  	s0 =	rddreg [dreg:$0x0];
	s2 =	stileid.u32  }
0xe8: {  	s1 =	rddreg [dreg:$0x1];
	p0 =	sne.s32 s2, $0x0  }
0xe9: {  	s3 =	rddreg [dreg:$0x2];
	[bflag:$0x3] =	sbarrier.arrive $0xFFFF;
	s2 =	simm.s32 @!p0 $0x1C03  }
0xea: {  	[timem:s3], [sflag:s2] =	dma.local @!p0 [hbm:s0], s1  }
0xeb: {  	s0 =	simm.s32 @!p0 $0x3  }
0xec: {  	_ =	swait.ge @!p0 [sflag:s0], s1  }
0xed: {  	s1 =	ssub.s32 @!p0 $0x0, s1;
	[sflag:s0] =	ssyncset.done @!p0 $0x0  }
0xee: {  	[sflag:s0] =	ssyncadd.s32 @!p0 s1  }
0xef: {  	[bflag:$0x3] =	sbarrier.arrive $0xFFFF  }
0xf0: {  	_ =	shalt  }

</sc_bundles>
